<compile_context>
chip_gen: v7x
topology: tpu7x:2x2x1
jax: 0.10.2.dev20260603
libtpu: 0.0.44.dev20260713+nightly
codegen_flags: <defaults>
</compile_context>

<pallas_src>
import functools

import jax
import jax.numpy as jnp
from jax import lax
from jax.experimental import pallas as pl
from jax.experimental.pallas import tpu as pltpu
from jax.experimental.pallas import tpu_sc as plsc

NUM_ROUTES = 8
HIDDEN = 768
FF = 1024
VOCAB = 1024
TB = 256
T = 2 * 2048
T_PAD = T + NUM_ROUTES * TB
NT = T_PAD // TB
NTW = ((NT + 15) // 16) * 16

NC, NS, L = 2, 16, 16
NW = NC * NS
CHUNK = T // NW
NV = CHUNK // L
NVTOT = T // L
S_LEN = 2048

_SC_MESH = plsc.VectorSubcoreMesh(core_axis_name="c", subcore_axis_name="s")



@functools.partial(
    pl.kernel,
    mesh=_SC_MESH,
    out_type=[
        jax.ShapeDtypeStruct((T_PAD, HIDDEN), jnp.float32),
        jax.ShapeDtypeStruct((T,), jnp.int32),
        jax.ShapeDtypeStruct((NTW,), jnp.int32),
        jax.ShapeDtypeStruct((16,), jnp.int32),
    ],
    scratch_types=[
        pltpu.VMEM((T,), jnp.int32),
        [pltpu.VMEM((CHUNK // 4, HIDDEN), jnp.float32) for _ in range(4)],
        pltpu.VMEM((CHUNK,), jnp.int32),
        [pltpu.VMEM((CHUNK // 4,), jnp.int32) for _ in range(4)],
        pltpu.VMEM((16,), jnp.int32),
        pltpu.VMEM((16,), jnp.int32),
        pltpu.VMEM((NTW,), jnp.int32),
        pltpu.VMEM((16,), jnp.int32),
        pltpu.SemaphoreType.DMA,
        pltpu.SemaphoreType.DMA,
    ],
    compiler_params=pltpu.CompilerParams(needs_layout_passes=False),
)
def _sc_route_scatter(rid_hbm, x_hbm, xs_hbm, inv_hbm, rt_hbm, nact_hbm,
                      ridv, xbufs, invv, invcs, basebuf, endbuf, rtbuf, nactbuf,
                      rsem, wsem):
    wid = lax.axis_index("s") * NC + lax.axis_index("c")
    base = wid * CHUNK
    QC = CHUNK // 4
    bb = base // S_LEN
    off = base % S_LEN
    xcps = [pltpu.async_copy(x_hbm.at[bb, pl.ds(off + q * QC, QC)], xbufs[q], rsem)
            for q in range(4)]
    for b in range(2):
        pltpu.sync_copy(rid_hbm.at[b], ridv.at[pl.ds(b * S_LEN, S_LEN)])
    lanes = lax.iota(jnp.int32, 16)
    myvec0 = wid * NV

    def count_body(i, carry):
        tot_v, pre_v = carry
        vec = ridv[pl.ds(i * L, L)]
        ipre = (i < myvec0).astype(jnp.int32)
        for e in range(NUM_ROUTES):
            cnt = plsc.all_reduce_population_count(vec == e)
            sel = jnp.where(lanes == e, cnt, 0)
            tot_v = tot_v + sel
            pre_v = pre_v + sel * ipre
        return tot_v, pre_v

    z = jnp.zeros((16,), jnp.int32)
    tot_v, pre_v = lax.fori_loop(0, NVTOT, count_body, (z, z))
    g_pad_v = ((tot_v + TB - 1) // TB) * TB
    cums = plsc.cumsum(g_pad_v)
    start_v = cums - g_pad_v
    basebuf[...] = start_v + pre_v
    endbuf[...] = cums // TB

    @pl.when(wid == 0)
    def _():
        endv = endbuf[...]
        ends = [endv[e] for e in range(NUM_ROUTES)]
        for k in range(NTW // 16):
            tvec = lax.iota(jnp.int32, 16) + k * 16
            r = jnp.zeros((16,), jnp.int32)
            for e in range(NUM_ROUTES):
                r = r + (tvec >= ends[e]).astype(jnp.int32)
            rtbuf[pl.ds(k * 16, 16)] = jnp.minimum(r, NUM_ROUTES - 1)
        nactbuf[...] = jnp.where(lanes == 0, ends[NUM_ROUTES - 1], 0)
        pltpu.sync_copy(rtbuf, rt_hbm)
        pltpu.sync_copy(nactbuf, nact_hbm)

    basev = basebuf[...]
    runs = [basev[e] for e in range(NUM_ROUTES)]
    for v in range(NV):
        vec = ridv[pl.ds((myvec0 + v) * L, L)]
        inv_vec = jnp.zeros((16,), jnp.int32)
        for e in range(NUM_ROUTES):
            m = vec == e
            csum = plsc.cumsum(jnp.where(m, jnp.int32(1), jnp.int32(0)))
            inv_vec = jnp.where(m, runs[e] + csum - 1, inv_vec)
            runs[e] = runs[e] + jnp.max(csum)
        invv[pl.ds(v * L, L)] = inv_vec
        invcs[v // 2][pl.ds((v % 2) * L, L)] = inv_vec
    pltpu.sync_copy(invv, inv_hbm.at[pl.ds(base, CHUNK)])
    scps = []
    for q in range(4):
        xcps[q].wait()
        scps.append(pltpu.async_copy(xbufs[q], xs_hbm.at[invcs[q]], wsem))
    for cp in scps:
        cp.wait()



@functools.partial(
    pl.kernel,
    mesh=_SC_MESH,
    out_type=jax.ShapeDtypeStruct((2, S_LEN), jnp.float32),
    scratch_types=[
        pltpu.VMEM((T_PAD,), jnp.float32),
        pltpu.VMEM((CHUNK,), jnp.int32),
        pltpu.VMEM((CHUNK,), jnp.float32),
    ],
    compiler_params=pltpu.CompilerParams(needs_layout_passes=False),
)
def _sc_gather_probs(inv_hbm, outflat_hbm, probs_hbm, obuf, invv, pbuf):
    wid = lax.axis_index("s") * NC + lax.axis_index("c")
    base = wid * CHUNK
    pltpu.sync_copy(inv_hbm.at[pl.ds(base, CHUNK)], invv)
    pltpu.sync_copy(outflat_hbm, obuf)
    for v in range(NV):
        idx = invv[pl.ds(v * L, L)]
        pbuf[pl.ds(v * L, L)] = plsc.load_gather(obuf, [idx])
    pltpu.sync_copy(pbuf, probs_hbm.at[base // S_LEN, pl.ds(base % S_LEN, CHUNK)])



def _tc_body(route_ref, nact_ref, x_ref, w1_ref, b1_ref, w2_ref, b2_ref, out_ref):
    i = pl.program_id(0)

    @pl.when(i < nact_ref[0])
    def _():
        r = route_ref[i]
        h = jnp.dot(x_ref[...], w1_ref[0], preferred_element_type=jnp.float32)
        h = jax.nn.gelu(h + b1_ref[pl.ds(r, 1), :])
        logits = jnp.dot(h, w2_ref[0], preferred_element_type=jnp.float32)
        logits = logits + b2_ref[pl.ds(r, 1), :]
        m = jnp.max(logits, axis=-1)
        s = jnp.sum(jnp.exp(logits - m[:, None]), axis=-1)
        out_ref[...] = 1.0 / s


def _grouped_heads(x_sorted, route_of_tile, nactive, W1, b1, W2, b2):
    grid_spec = pltpu.PrefetchScalarGridSpec(
        num_scalar_prefetch=2,
        grid=(NT,),
        in_specs=[
            pl.BlockSpec((TB, HIDDEN),
                         lambda i, rt, na: (jnp.minimum(i, na[0] - 1), 0)),
            pl.BlockSpec((1, HIDDEN, FF), lambda i, rt, na: (rt[i], 0, 0)),
            pl.BlockSpec((NUM_ROUTES, FF), lambda i, rt, na: (0, 0)),
            pl.BlockSpec((1, FF, VOCAB), lambda i, rt, na: (rt[i], 0, 0)),
            pl.BlockSpec((NUM_ROUTES, VOCAB), lambda i, rt, na: (0, 0)),
        ],
        out_specs=pl.BlockSpec((TB,), lambda i, rt, na: (i,)),
    )
    out_flat = pl.pallas_call(
        _tc_body,
        grid_spec=grid_spec,
        out_shape=jax.ShapeDtypeStruct((T_PAD,), jnp.float32),
    )(route_of_tile, nactive, x_sorted, W1, b1, W2, b2)
    return out_flat


def kernel(e_two, batch_route_ids, W1, b1, W2, b2):
    rid = batch_route_ids.astype(jnp.int32)

    x_sorted, inv_pos, route_of_tile, nactive = _sc_route_scatter(rid, e_two)

    out_flat = _grouped_heads(x_sorted, route_of_tile, nactive, W1, b1, W2, b2)

    return _sc_gather_probs(inv_pos, out_flat)

# --- scband reference (transcript-rebuilt; emitter-appended) ---
"""Pipeline reference for scband-category-router-6416681140465 (READ-ONLY COPY).

The authoritative reference and input builder live on the scoring server;
editing this copy changes nothing except your own understanding.
"""

import jax, jax.numpy as jnp
import numpy as np

NUM_ROUTES = 8
HIDDEN = 768
FF = 1024
VOCAB = 1024
B, S = 2, 2048


def setup_inputs(seed: int = 0) -> dict:
    key = jax.random.key(seed)
    ks = jax.random.split(key, 6)
    e_two = jax.random.normal(ks[0], (B, S, HIDDEN), dtype=jnp.float32)
    batch_route_ids = jax.random.randint(ks[1], (B, S), 0, NUM_ROUTES)
    # Per-route OutputTokenClassificationHead parameters: Linear(H->FF) + GELU + Linear(FF->V)
    W1 = jax.random.normal(ks[2], (NUM_ROUTES, HIDDEN, FF), dtype=jnp.float32) * (1.0 / np.sqrt(HIDDEN))
    b1 = jnp.zeros((NUM_ROUTES, FF), dtype=jnp.float32)
    W2 = jax.random.normal(ks[3], (NUM_ROUTES, FF, VOCAB), dtype=jnp.float32) * (1.0 / np.sqrt(FF))
    b2 = jnp.zeros((NUM_ROUTES, VOCAB), dtype=jnp.float32)
    return {"e_two": e_two, "batch_route_ids": batch_route_ids, "W1": W1, "b1": b1, "W2": W2, "b2": b2}


def reference(e_two, batch_route_ids, W1, b1, W2, b2):
    # Non-hub routing path: each token's embedding is sent through the
    # classification head selected by its route_id; the returned value per
    # token is the head's output probability (max softmax probability).
    Bb, Ss, H = e_two.shape
    x = e_two.reshape(-1, H)              # [T, H]
    rid = batch_route_ids.reshape(-1)     # [T]
    probs = jnp.zeros((x.shape[0],), dtype=jnp.float32)
    for e in range(NUM_ROUTES):
        h = jax.nn.gelu(x @ W1[e] + b1[e])          # [T, FF]
        logits = h @ W2[e] + b2[e]                  # [T, V]
        sm = jax.nn.softmax(logits, axis=-1)
        p = jnp.max(sm, axis=-1)                    # [T]
        probs = jnp.where(rid == e, p, probs)
    return probs.reshape(Bb, Ss)

if __name__ == "__main__":
    import jax
    _d = setup_inputs()
    print(jax.jit(kernel)(*tuple(_d.values())))

</pallas_src>

<mosaic_0001>
#map = affine_map<(d0, d1) -> (0)>
#map1 = affine_map<(d0, d1) -> (0, 0)>
module attributes {stable_mosaic.version = 14 : i64} {
  func.func @_sc_gather_probs(%arg0: i32, %arg1: i32, %arg2: memref<4096xi32, #tpu.memory_space<hbm>>, %arg3: memref<6144xf32, #tpu.memory_space<hbm>>, %arg4: memref<2x2048xf32, #tpu.memory_space<hbm>>, %arg5: memref<6144xf32, #tpu.memory_space<vmem>>, %arg6: memref<128xi32, #tpu.memory_space<vmem>>, %arg7: memref<128xf32, #tpu.memory_space<vmem>>) attributes {dimension_semantics = [#tpu.dimension_semantics<core_parallel>, #tpu.dimension_semantics<subcore_parallel>], iteration_bounds = array<i64: 2, 16>, scalar_prefetch = 0 : i64, scratch_operands = 3 : i64, tpu.core_type = #tpu.core_type<sc_vector_subcore>, window_params = [{transform_indices = #map}, {transform_indices = #map}, {transform_indices = #map1}]} {
    %mul3A = arith.constant 2 : i32
    %mul3A_0 = arith.muli %arg1, %mul3A : i32
    %add3A = arith.addi %mul3A_0, %arg0 : i32
    %mul3A_1 = arith.constant 128 : i32
    %mul3A_2 = arith.muli %add3A, %mul3A_1 : i32
    "tpu.region"() ({
      %run_scoped3A = tpu.sem_alloc : memref<!tpu.dma_semaphore, #tpu.memory_space<semaphore_mem>>
      %dma_start3A = tpu.memref_slice %arg2[%mul3A_2] : memref<4096xi32, #tpu.memory_space<hbm>> -> memref<128xi32, #tpu.memory_space<hbm>>
      %dma_start3A_70 = tpu.memref_slice %arg2[%mul3A_2] : memref<4096xi32, #tpu.memory_space<hbm>> -> memref<128xi32, #tpu.memory_space<hbm>>
      tpu.enqueue_dma source(%dma_start3A_70 : memref<128xi32, #tpu.memory_space<hbm>>) target(%arg6 : memref<128xi32, #tpu.memory_space<vmem>>) target_semaphore(%run_scoped3A : memref<!tpu.dma_semaphore, #tpu.memory_space<semaphore_mem>>)
      %dma_wait3A = tpu.memref_slice %arg2[%mul3A_2] : memref<4096xi32, #tpu.memory_space<hbm>> -> memref<128xi32, #tpu.memory_space<hbm>>
      %dma_wait3A_71 = tpu.memref_slice %arg2[%mul3A_2] : memref<4096xi32, #tpu.memory_space<hbm>> -> memref<128xi32, #tpu.memory_space<hbm>>
      tpu.wait_dma2 semaphore(%run_scoped3A : memref<!tpu.dma_semaphore, #tpu.memory_space<semaphore_mem>>) src(%dma_wait3A_71 : memref<128xi32, #tpu.memory_space<hbm>>) dst(%arg6 : memref<128xi32, #tpu.memory_space<vmem>>)
      tpu.yield
    }) : () -> ()
    "tpu.region"() ({
      %run_scoped3A = tpu.sem_alloc : memref<!tpu.dma_semaphore, #tpu.memory_space<semaphore_mem>>
      tpu.enqueue_dma source(%arg3 : memref<6144xf32, #tpu.memory_space<hbm>>) target(%arg5 : memref<6144xf32, #tpu.memory_space<vmem>>) target_semaphore(%run_scoped3A : memref<!tpu.dma_semaphore, #tpu.memory_space<semaphore_mem>>)
      tpu.wait_dma2 semaphore(%run_scoped3A : memref<!tpu.dma_semaphore, #tpu.memory_space<semaphore_mem>>) src(%arg3 : memref<6144xf32, #tpu.memory_space<hbm>>) dst(%arg5 : memref<6144xf32, #tpu.memory_space<vmem>>)
      tpu.yield
    }) : () -> ()
    %get3A = arith.constant 0 : index
    %get3A_3 = tpu.vector_load %arg6[%get3A] {strides = array<i32>} : memref<128xi32, #tpu.memory_space<vmem>>, vector<16xi32>,
    %gather3A = tpu.vector_load_idx %arg5[%get3A_3] : memref<6144xf32, #tpu.memory_space<vmem>>[vector<16xi32>], vector<16xf32>,
    %swap3A = arith.constant 0 : index
    %swap3A_4 = tpu.vector_load %arg7[%swap3A] {strides = array<i32>} : memref<128xf32, #tpu.memory_space<vmem>>, vector<16xf32>,
    tpu.vector_store %arg7[%swap3A], %gather3A {strides = array<i32>} : memref<128xf32, #tpu.memory_space<vmem>>, vector<16xf32>,
    %get3A_5 = arith.constant 16 : index
    %get3A_6 = tpu.vector_load %arg6[%get3A_5] {strides = array<i32>} : memref<128xi32, #tpu.memory_space<vmem>>, vector<16xi32>,
    %gather3A_7 = tpu.vector_load_idx %arg5[%get3A_6] : memref<6144xf32, #tpu.memory_space<vmem>>[vector<16xi32>], vector<16xf32>,
    %swap3A_8 = arith.constant 16 : index
    %swap3A_9 = tpu.vector_load %arg7[%swap3A_8] {strides = array<i32>} : memref<128xf32, #tpu.memory_space<vmem>>, vector<16xf32>,
    tpu.vector_store %arg7[%swap3A_8], %gather3A_7 {strides = array<i32>} : memref<128xf32, #tpu.memory_space<vmem>>, vector<16xf32>,
    %get3A_10 = arith.constant 32 : index
    %get3A_11 = tpu.vector_load %arg6[%get3A_10] {strides = array<i32>} : memref<128xi32, #tpu.memory_space<vmem>>, vector<16xi32>,
    %gather3A_12 = tpu.vector_load_idx %arg5[%get3A_11] : memref<6144xf32, #tpu.memory_space<vmem>>[vector<16xi32>], vector<16xf32>,
    %swap3A_13 = arith.constant 32 : index
    %swap3A_14 = tpu.vector_load %arg7[%swap3A_13] {strides = array<i32>} : memref<128xf32, #tpu.memory_space<vmem>>, vector<16xf32>,
    tpu.vector_store %arg7[%swap3A_13], %gather3A_12 {strides = array<i32>} : memref<128xf32, #tpu.memory_space<vmem>>, vector<16xf32>,
    %get3A_15 = arith.constant 48 : index
    %get3A_16 = tpu.vector_load %arg6[%get3A_15] {strides = array<i32>} : memref<128xi32, #tpu.memory_space<vmem>>, vector<16xi32>,
    %gather3A_17 = tpu.vector_load_idx %arg5[%get3A_16] : memref<6144xf32, #tpu.memory_space<vmem>>[vector<16xi32>], vector<16xf32>,
    %swap3A_18 = arith.constant 48 : index
    %swap3A_19 = tpu.vector_load %arg7[%swap3A_18] {strides = array<i32>} : memref<128xf32, #tpu.memory_space<vmem>>, vector<16xf32>,
    tpu.vector_store %arg7[%swap3A_18], %gather3A_17 {strides = array<i32>} : memref<128xf32, #tpu.memory_space<vmem>>, vector<16xf32>,
    %get3A_20 = arith.constant 64 : index
    %get3A_21 = tpu.vector_load %arg6[%get3A_20] {strides = array<i32>} : memref<128xi32, #tpu.memory_space<vmem>>, vector<16xi32>,
    %gather3A_22 = tpu.vector_load_idx %arg5[%get3A_21] : memref<6144xf32, #tpu.memory_space<vmem>>[vector<16xi32>], vector<16xf32>,
    %swap3A_23 = arith.constant 64 : index
    %swap3A_24 = tpu.vector_load %arg7[%swap3A_23] {strides = array<i32>} : memref<128xf32, #tpu.memory_space<vmem>>, vector<16xf32>,
    tpu.vector_store %arg7[%swap3A_23], %gather3A_22 {strides = array<i32>} : memref<128xf32, #tpu.memory_space<vmem>>, vector<16xf32>,
    %get3A_25 = arith.constant 80 : index
    %get3A_26 = tpu.vector_load %arg6[%get3A_25] {strides = array<i32>} : memref<128xi32, #tpu.memory_space<vmem>>, vector<16xi32>,
    %gather3A_27 = tpu.vector_load_idx %arg5[%get3A_26] : memref<6144xf32, #tpu.memory_space<vmem>>[vector<16xi32>], vector<16xf32>,
    %swap3A_28 = arith.constant 80 : index
    %swap3A_29 = tpu.vector_load %arg7[%swap3A_28] {strides = array<i32>} : memref<128xf32, #tpu.memory_space<vmem>>, vector<16xf32>,
    tpu.vector_store %arg7[%swap3A_28], %gather3A_27 {strides = array<i32>} : memref<128xf32, #tpu.memory_space<vmem>>, vector<16xf32>,
    %get3A_30 = arith.constant 96 : index
    %get3A_31 = tpu.vector_load %arg6[%get3A_30] {strides = array<i32>} : memref<128xi32, #tpu.memory_space<vmem>>, vector<16xi32>,
    %gather3A_32 = tpu.vector_load_idx %arg5[%get3A_31] : memref<6144xf32, #tpu.memory_space<vmem>>[vector<16xi32>], vector<16xf32>,
    %swap3A_33 = arith.constant 96 : index
    %swap3A_34 = tpu.vector_load %arg7[%swap3A_33] {strides = array<i32>} : memref<128xf32, #tpu.memory_space<vmem>>, vector<16xf32>,
    tpu.vector_store %arg7[%swap3A_33], %gather3A_32 {strides = array<i32>} : memref<128xf32, #tpu.memory_space<vmem>>, vector<16xf32>,
    %get3A_35 = arith.constant 112 : index
    %get3A_36 = tpu.vector_load %arg6[%get3A_35] {strides = array<i32>} : memref<128xi32, #tpu.memory_space<vmem>>, vector<16xi32>,
    %gather3A_37 = tpu.vector_load_idx %arg5[%get3A_36] : memref<6144xf32, #tpu.memory_space<vmem>>[vector<16xi32>], vector<16xf32>,
    %swap3A_38 = arith.constant 112 : index
    %swap3A_39 = tpu.vector_load %arg7[%swap3A_38] {strides = array<i32>} : memref<128xf32, #tpu.memory_space<vmem>>, vector<16xf32>,
    tpu.vector_store %arg7[%swap3A_38], %gather3A_37 {strides = array<i32>} : memref<128xf32, #tpu.memory_space<vmem>>, vector<16xf32>,
    %jit3A = arith.constant 2048 : i32
    %div3A = arith.divsi %mul3A_2, %jit3A : i32
    %sign3A = arith.constant 0 : i32
    %sign3A_40 = arith.cmpi sgt, %mul3A_2, %sign3A : i32
    %sign3A_41 = arith.extui %sign3A_40 : i1 to i32
    %sign3A_42 = arith.constant 0 : i32
    %sign3A_43 = arith.cmpi slt, %mul3A_2, %sign3A_42 : i32
    %sign3A_44 = arith.extui %sign3A_43 : i1 to i32
    %sign3A_45 = arith.subi %sign3A_41, %sign3A_44 : i32
    %sign3A_46 = arith.constant 0 : i32
    %sign3A_47 = arith.cmpi sgt, %jit3A, %sign3A_46 : i32
    %sign3A_48 = arith.extui %sign3A_47 : i1 to i32
    %sign3A_49 = arith.constant 0 : i32
    %sign3A_50 = arith.cmpi slt, %jit3A, %sign3A_49 : i32
    %sign3A_51 = arith.extui %sign3A_50 : i1 to i32
    %sign3A_52 = arith.subi %sign3A_48, %sign3A_51 : i32
    %ne3A = arith.cmpi ne, %sign3A_45, %sign3A_52 : i32
    %rem3A = arith.remsi %mul3A_2, %jit3A : i32
    %ne3A_53 = arith.constant 0 : i32
    %ne3A_54 = arith.cmpi ne, %rem3A, %ne3A_53 : i32
    %and3A = arith.andi %ne3A, %ne3A_54 : i1
    %sub3A = arith.constant 1 : i32
    %sub3A_55 = arith.subi %div3A, %sub3A : i32
    %select_n3A = arith.select %and3A, %sub3A_55, %div3A : i32
    %jit3A_56 = arith.constant 2048 : i32
    %eq3A = arith.constant 0 : i32
    %eq3A_57 = arith.cmpi eq, %jit3A_56, %eq3A : i32
    %jit3A_58 = arith.constant 1 : i32
    %select_n3A_59 = arith.select %eq3A_57, %jit3A_58, %jit3A_56 : i32
    %rem3A_60 = arith.remsi %mul3A_2, %select_n3A_59 : i32
    %ne3A_61 = arith.constant 0 : i32
    %ne3A_62 = arith.cmpi ne, %rem3A_60, %ne3A_61 : i32
    %lt3A = arith.constant 0 : i32
    %lt3A_63 = arith.cmpi slt, %rem3A_60, %lt3A : i32
    %lt3A_64 = arith.constant 0 : i32
    %lt3A_65 = arith.cmpi slt, %select_n3A_59, %lt3A_64 : i32
    %ne3A_66 = arith.xori %lt3A_63, %lt3A_65 : i1
    %and3A_67 = arith.andi %ne3A_66, %ne3A_62 : i1
    %add3A_68 = arith.addi %rem3A_60, %select_n3A_59 : i32
    %select_n3A_69 = arith.select %and3A_67, %add3A_68, %rem3A_60 : i32
    "tpu.region"() ({
      %run_scoped3A = tpu.sem_alloc : memref<!tpu.dma_semaphore, #tpu.memory_space<semaphore_mem>>
      %dma_start3A = tpu.memref_slice %arg4[%select_n3A, %select_n3A_69] : memref<2x2048xf32, #tpu.memory_space<hbm>> -> memref<1x128xf32, #tpu.memory_space<hbm>>
      %dma_start3A_70 = tpu.memref_squeeze %dma_start3A : memref<1x128xf32, #tpu.memory_space<hbm>> -> memref<128xf32, #tpu.memory_space<hbm>>
      %dma_start3A_71 = tpu.memref_slice %arg4[%select_n3A, %select_n3A_69] : memref<2x2048xf32, #tpu.memory_space<hbm>> -> memref<1x128xf32, #tpu.memory_space<hbm>>
      %dma_start3A_72 = tpu.memref_squeeze %dma_start3A_71 : memref<1x128xf32, #tpu.memory_space<hbm>> -> memref<128xf32, #tpu.memory_space<hbm>>
      tpu.enqueue_dma source(%arg7 : memref<128xf32, #tpu.memory_space<vmem>>) target(%dma_start3A_72 : memref<128xf32, #tpu.memory_space<hbm>>) target_semaphore(%run_scoped3A : memref<!tpu.dma_semaphore, #tpu.memory_space<semaphore_mem>>)
      %dma_wait3A = tpu.memref_slice %arg4[%select_n3A, %select_n3A_69] : memref<2x2048xf32, #tpu.memory_space<hbm>> -> memref<1x128xf32, #tpu.memory_space<hbm>>
      %dma_wait3A_73 = tpu.memref_squeeze %dma_wait3A : memref<1x128xf32, #tpu.memory_space<hbm>> -> memref<128xf32, #tpu.memory_space<hbm>>
      %dma_wait3A_74 = tpu.memref_slice %arg4[%select_n3A, %select_n3A_69] : memref<2x2048xf32, #tpu.memory_space<hbm>> -> memref<1x128xf32, #tpu.memory_space<hbm>>
      %dma_wait3A_75 = tpu.memref_squeeze %dma_wait3A_74 : memref<1x128xf32, #tpu.memory_space<hbm>> -> memref<128xf32, #tpu.memory_space<hbm>>
      tpu.wait_dma2 semaphore(%run_scoped3A : memref<!tpu.dma_semaphore, #tpu.memory_space<semaphore_mem>>) src(%arg7 : memref<128xf32, #tpu.memory_space<vmem>>) dst(%dma_wait3A_75 : memref<128xf32, #tpu.memory_space<hbm>>)
      tpu.yield
    }) : () -> ()
    return
  }
}

#map = affine_map<(d0, d1) -> (0, 0)>
#map1 = affine_map<(d0, d1) -> (0, 0, 0)>
#map2 = affine_map<(d0, d1) -> (0)>
module attributes {stable_mosaic.version = 14 : i64} {
  func.func @_sc_route_scatter(%arg0: i32, %arg1: i32, %arg2: memref<2x2048xi32, #tpu.memory_space<hbm>>, %arg3: memref<2x2048x768xf32, #tpu.memory_space<hbm>>, %arg4: memref<6144x768xf32, #tpu.memory_space<hbm>>, %arg5: memref<4096xi32, #tpu.memory_space<hbm>>, %arg6: memref<32xi32, #tpu.memory_space<hbm>>, %arg7: memref<16xi32, #tpu.memory_space<hbm>>, %arg8: memref<4096xi32, #tpu.memory_space<vmem>>, %arg9: memref<32x768xf32, #tpu.memory_space<vmem>>, %arg10: memref<32x768xf32, #tpu.memory_space<vmem>>, %arg11: memref<32x768xf32, #tpu.memory_space<vmem>>, %arg12: memref<32x768xf32, #tpu.memory_space<vmem>>, %arg13: memref<128xi32, #tpu.memory_space<vmem>>, %arg14: memref<32xi32, #tpu.memory_space<vmem>>, %arg15: memref<32xi32, #tpu.memory_space<vmem>>, %arg16: memref<32xi32, #tpu.memory_space<vmem>>, %arg17: memref<32xi32, #tpu.memory_space<vmem>>, %arg18: memref<16xi32, #tpu.memory_space<vmem>>, %arg19: memref<16xi32, #tpu.memory_space<vmem>>, %arg20: memref<32xi32, #tpu.memory_space<vmem>>, %arg21: memref<16xi32, #tpu.memory_space<vmem>>, %arg22: memref<!tpu.dma_semaphore, #tpu.memory_space<semaphore_mem>>, %arg23: memref<!tpu.dma_semaphore, #tpu.memory_space<semaphore_mem>>) attributes {dimension_semantics = [#tpu.dimension_semantics<core_parallel>, #tpu.dimension_semantics<subcore_parallel>], iteration_bounds = array<i64: 2, 16>, scalar_prefetch = 0 : i64, scratch_operands = 16 : i64, tpu.core_type = #tpu.core_type<sc_vector_subcore>, window_params = [{transform_indices = #map}, {transform_indices = #map1}, {transform_indices = #map}, {transform_indices = #map2}, {transform_indices = #map2}, {transform_indices = #map2}]} {
    %mul3A = arith.constant 2 : i32
    %mul3A_0 = arith.muli %arg1, %mul3A : i32
    %add3A = arith.addi %mul3A_0, %arg0 : i32
    %mul3A_1 = arith.constant 128 : i32
    %mul3A_2 = arith.muli %add3A, %mul3A_1 : i32
    %jit3A = arith.constant 2048 : i32
    %div3A = arith.divsi %mul3A_2, %jit3A : i32
    %sign3A = arith.constant 0 : i32
    %sign3A_3 = arith.cmpi sgt, %mul3A_2, %sign3A : i32
    %sign3A_4 = arith.extui %sign3A_3 : i1 to i32
    %sign3A_5 = arith.constant 0 : i32
    %sign3A_6 = arith.cmpi slt, %mul3A_2, %sign3A_5 : i32
    %sign3A_7 = arith.extui %sign3A_6 : i1 to i32
    %sign3A_8 = arith.subi %sign3A_4, %sign3A_7 : i32
    %sign3A_9 = arith.constant 0 : i32
    %sign3A_10 = arith.cmpi sgt, %jit3A, %sign3A_9 : i32
    %sign3A_11 = arith.extui %sign3A_10 : i1 to i32
    %sign3A_12 = arith.constant 0 : i32
    %sign3A_13 = arith.cmpi slt, %jit3A, %sign3A_12 : i32
    %sign3A_14 = arith.extui %sign3A_13 : i1 to i32
    %sign3A_15 = arith.subi %sign3A_11, %sign3A_14 : i32
    %ne3A = arith.cmpi ne, %sign3A_8, %sign3A_15 : i32
    %rem3A = arith.remsi %mul3A_2, %jit3A : i32
    %ne3A_16 = arith.constant 0 : i32
    %ne3A_17 = arith.cmpi ne, %rem3A, %ne3A_16 : i32
    %and3A = arith.andi %ne3A, %ne3A_17 : i1
    %sub3A = arith.constant 1 : i32
    %sub3A_18 = arith.subi %div3A, %sub3A : i32
    %select_n3A = arith.select %and3A, %sub3A_18, %div3A : i32
    %jit3A_19 = arith.constant 2048 : i32
    %eq3A = arith.constant 0 : i32
    %eq3A_20 = arith.cmpi eq, %jit3A_19, %eq3A : i32
    %jit3A_21 = arith.constant 1 : i32
    %select_n3A_22 = arith.select %eq3A_20, %jit3A_21, %jit3A_19 : i32
    %rem3A_23 = arith.remsi %mul3A_2, %select_n3A_22 : i32
    %ne3A_24 = arith.constant 0 : i32
    %ne3A_25 = arith.cmpi ne, %rem3A_23, %ne3A_24 : i32
    %lt3A = arith.constant 0 : i32
    %lt3A_26 = arith.cmpi slt, %rem3A_23, %lt3A : i32
    %lt3A_27 = arith.constant 0 : i32
    %lt3A_28 = arith.cmpi slt, %select_n3A_22, %lt3A_27 : i32
    %ne3A_29 = arith.xori %lt3A_26, %lt3A_28 : i1
    %and3A_30 = arith.andi %ne3A_29, %ne3A_25 : i1
    %add3A_31 = arith.addi %rem3A_23, %select_n3A_22 : i32
    %select_n3A_32 = arith.select %and3A_30, %add3A_31, %rem3A_23 : i32
    %add3A_33 = arith.constant 0 : i32
    %add3A_34 = arith.addi %select_n3A_32, %add3A_33 : i32
    %dma_start3A = arith.constant 0 : i32
    %dma_start3A_35 = tpu.memref_slice %arg3[%select_n3A, %add3A_34, %dma_start3A] : memref<2x2048x768xf32, #tpu.memory_space<hbm>> -> memref<1x32x768xf32, #tpu.memory_space<hbm>>
    %dma_start3A_36 = tpu.memref_squeeze %dma_start3A_35 : memref<1x32x768xf32, #tpu.memory_space<hbm>> -> memref<32x768xf32, #tpu.memory_space<hbm>>
    %dma_start3A_37 = arith.constant 0 : i32
    %dma_start3A_38 = tpu.memref_slice %arg3[%select_n3A, %add3A_34, %dma_start3A_37] : memref<2x2048x768xf32, #tpu.memory_space<hbm>> -> memref<1x32x768xf32, #tpu.memory_space<hbm>>
    %dma_start3A_39 = tpu.memref_squeeze %dma_start3A_38 : memref<1x32x768xf32, #tpu.memory_space<hbm>> -> memref<32x768xf32, #tpu.memory_space<hbm>>
    tpu.enqueue_dma source(%dma_start3A_39 : memref<32x768xf32, #tpu.memory_space<hbm>>) target(%arg9 : memref<32x768xf32, #tpu.memory_space<vmem>>) target_semaphore(%arg22 : memref<!tpu.dma_semaphore, #tpu.memory_space<semaphore_mem>>)
    %add3A_40 = arith.constant 32 : i32
    %add3A_41 = arith.addi %select_n3A_32, %add3A_40 : i32
    %dma_start3A_42 = arith.constant 0 : i32
    %dma_start3A_43 = tpu.memref_slice %arg3[%select_n3A, %add3A_41, %dma_start3A_42] : memref<2x2048x768xf32, #tpu.memory_space<hbm>> -> memref<1x32x768xf32, #tpu.memory_space<hbm>>
    %dma_start3A_44 = tpu.memref_squeeze %dma_start3A_43 : memref<1x32x768xf32, #tpu.memory_space<hbm>> -> memref<32x768xf32, #tpu.memory_space<hbm>>
    %dma_start3A_45 = arith.constant 0 : i32
    %dma_start3A_46 = tpu.memref_slice %arg3[%select_n3A, %add3A_41, %dma_start3A_45] : memref<2x2048x768xf32, #tpu.memory_space<hbm>> -> memref<1x32x768xf32, #tpu.memory_space<hbm>>
    %dma_start3A_47 = tpu.memref_squeeze %dma_start3A_46 : memref<1x32x768xf32, #tpu.memory_space<hbm>> -> memref<32x768xf32, #tpu.memory_space<hbm>>
    tpu.enqueue_dma source(%dma_start3A_47 : memref<32x768xf32, #tpu.memory_space<hbm>>) target(%arg10 : memref<32x768xf32, #tpu.memory_space<vmem>>) target_semaphore(%arg22 : memref<!tpu.dma_semaphore, #tpu.memory_space<semaphore_mem>>)
    %add3A_48 = arith.constant 64 : i32
    %add3A_49 = arith.addi %select_n3A_32, %add3A_48 : i32
    %dma_start3A_50 = arith.constant 0 : i32
    %dma_start3A_51 = tpu.memref_slice %arg3[%select_n3A, %add3A_49, %dma_start3A_50] : memref<2x2048x768xf32, #tpu.memory_space<hbm>> -> memref<1x32x768xf32, #tpu.memory_space<hbm>>
    %dma_start3A_52 = tpu.memref_squeeze %dma_start3A_51 : memref<1x32x768xf32, #tpu.memory_space<hbm>> -> memref<32x768xf32, #tpu.memory_space<hbm>>
    %dma_start3A_53 = arith.constant 0 : i32
    %dma_start3A_54 = tpu.memref_slice %arg3[%select_n3A, %add3A_49, %dma_start3A_53] : memref<2x2048x768xf32, #tpu.memory_space<hbm>> -> memref<1x32x768xf32, #tpu.memory_space<hbm>>
    %dma_start3A_55 = tpu.memref_squeeze %dma_start3A_54 : memref<1x32x768xf32, #tpu.memory_space<hbm>> -> memref<32x768xf32, #tpu.memory_space<hbm>>
    tpu.enqueue_dma source(%dma_start3A_55 : memref<32x768xf32, #tpu.memory_space<hbm>>) target(%arg11 : memref<32x768xf32, #tpu.memory_space<vmem>>) target_semaphore(%arg22 : memref<!tpu.dma_semaphore, #tpu.memory_space<semaphore_mem>>)
    %add3A_56 = arith.constant 96 : i32
    %add3A_57 = arith.addi %select_n3A_32, %add3A_56 : i32
    %dma_start3A_58 = arith.constant 0 : i32
    %dma_start3A_59 = tpu.memref_slice %arg3[%select_n3A, %add3A_57, %dma_start3A_58] : memref<2x2048x768xf32, #tpu.memory_space<hbm>> -> memref<1x32x768xf32, #tpu.memory_space<hbm>>
    %dma_start3A_60 = tpu.memref_squeeze %dma_start3A_59 : memref<1x32x768xf32, #tpu.memory_space<hbm>> -> memref<32x768xf32, #tpu.memory_space<hbm>>
    %dma_start3A_61 = arith.constant 0 : i32
    %dma_start3A_62 = tpu.memref_slice %arg3[%select_n3A, %add3A_57, %dma_start3A_61] : memref<2x2048x768xf32, #tpu.memory_space<hbm>> -> memref<1x32x768xf32, #tpu.memory_space<hbm>>
    %dma_start3A_63 = tpu.memref_squeeze %dma_start3A_62 : memref<1x32x768xf32, #tpu.memory_space<hbm>> -> memref<32x768xf32, #tpu.memory_space<hbm>>
    tpu.enqueue_dma source(%dma_start3A_63 : memref<32x768xf32, #tpu.memory_space<hbm>>) target(%arg12 : memref<32x768xf32, #tpu.memory_space<vmem>>) target_semaphore(%arg22 : memref<!tpu.dma_semaphore, #tpu.memory_space<semaphore_mem>>)
    %run_scoped3A = arith.constant 0 : i32
    "tpu.region"() ({
      %run_scoped3A_1975 = tpu.sem_alloc : memref<!tpu.dma_semaphore, #tpu.memory_space<semaphore_mem>>
      %dma_start3A_1976 = arith.constant 0 : i32
      %dma_start3A_1977 = tpu.memref_slice %arg8[%dma_start3A_1976] : memref<4096xi32, #tpu.memory_space<vmem>> -> memref<2048xi32, #tpu.memory_space<vmem>>
      %dma_start3A_1978 = arith.constant 0 : i32
      %dma_start3A_1979 = tpu.memref_slice %arg2[%run_scoped3A, %dma_start3A_1978] : memref<2x2048xi32, #tpu.memory_space<hbm>> -> memref<1x2048xi32, #tpu.memory_space<hbm>>
      %dma_start3A_1980 = tpu.memref_squeeze %dma_start3A_1979 : memref<1x2048xi32, #tpu.memory_space<hbm>> -> memref<2048xi32, #tpu.memory_space<hbm>>
      %dma_start3A_1981 = arith.constant 0 : i32
      %dma_start3A_1982 = tpu.memref_slice %arg8[%dma_start3A_1981] : memref<4096xi32, #tpu.memory_space<vmem>> -> memref<2048xi32, #tpu.memory_space<vmem>>
      %dma_start3A_1983 = arith.constant 0 : i32
      %dma_start3A_1984 = tpu.memref_slice %arg2[%run_scoped3A, %dma_start3A_1983] : memref<2x2048xi32, #tpu.memory_space<hbm>> -> memref<1x2048xi32, #tpu.memory_space<hbm>>
      %dma_start3A_1985 = tpu.memref_squeeze %dma_start3A_1984 : memref<1x2048xi32, #tpu.memory_space<hbm>> -> memref<2048xi32, #tpu.memory_space<hbm>>
      tpu.enqueue_dma source(%dma_start3A_1985 : memref<2048xi32, #tpu.memory_space<hbm>>) target(%dma_start3A_1982 : memref<2048xi32, #tpu.memory_space<vmem>>) target_semaphore(%run_scoped3A_1975 : memref<!tpu.dma_semaphore, #tpu.memory_space<semaphore_mem>>)
      %dma_wait3A_1986 = arith.constant 0 : i32
      %dma_wait3A_1987 = tpu.memref_slice %arg8[%dma_wait3A_1986] : memref<4096xi32, #tpu.memory_space<vmem>> -> memref<2048xi32, #tpu.memory_space<vmem>>
      %dma_wait3A_1988 = arith.constant 0 : i32
      %dma_wait3A_1989 = tpu.memref_slice %arg2[%run_scoped3A, %dma_wait3A_1988] : memref<2x2048xi32, #tpu.memory_space<hbm>> -> memref<1x2048xi32, #tpu.memory_space<hbm>>
      %dma_wait3A_1990 = tpu.memref_squeeze %dma_wait3A_1989 : memref<1x2048xi32, #tpu.memory_space<hbm>> -> memref<2048xi32, #tpu.memory_space<hbm>>
      %dma_wait3A_1991 = arith.constant 0 : i32
      %dma_wait3A_1992 = tpu.memref_slice %arg8[%dma_wait3A_1991] : memref<4096xi32, #tpu.memory_space<vmem>> -> memref<2048xi32, #tpu.memory_space<vmem>>
      %dma_wait3A_1993 = arith.constant 0 : i32
      %dma_wait3A_1994 = tpu.memref_slice %arg2[%run_scoped3A, %dma_wait3A_1993] : memref<2x2048xi32, #tpu.memory_space<hbm>> -> memref<1x2048xi32, #tpu.memory_space<hbm>>
      %dma_wait3A_1995 = tpu.memref_squeeze %dma_wait3A_1994 : memref<1x2048xi32, #tpu.memory_space<hbm>> -> memref<2048xi32, #tpu.memory_space<hbm>>
      tpu.wait_dma2 semaphore(%run_scoped3A_1975 : memref<!tpu.dma_semaphore, #tpu.memory_space<semaphore_mem>>) src(%dma_wait3A_1995 : memref<2048xi32, #tpu.memory_space<hbm>>) dst(%dma_wait3A_1992 : memref<2048xi32, #tpu.memory_space<vmem>>)
      tpu.yield
    }) : () -> ()
    %run_scoped3A_64 = arith.constant 1 : i32
    "tpu.region"() ({
      %run_scoped3A_1975 = tpu.sem_alloc : memref<!tpu.dma_semaphore, #tpu.memory_space<semaphore_mem>>
      %dma_start3A_1976 = arith.constant 2048 : i32
      %dma_start3A_1977 = tpu.memref_slice %arg8[%dma_start3A_1976] : memref<4096xi32, #tpu.memory_space<vmem>> -> memref<2048xi32, #tpu.memory_space<vmem>>
      %dma_start3A_1978 = arith.constant 0 : i32
      %dma_start3A_1979 = tpu.memref_slice %arg2[%run_scoped3A_64, %dma_start3A_1978] : memref<2x2048xi32, #tpu.memory_space<hbm>> -> memref<1x2048xi32, #tpu.memory_space<hbm>>
      %dma_start3A_1980 = tpu.memref_squeeze %dma_start3A_1979 : memref<1x2048xi32, #tpu.memory_space<hbm>> -> memref<2048xi32, #tpu.memory_space<hbm>>
      %dma_start3A_1981 = arith.constant 2048 : i32
      %dma_start3A_1982 = tpu.memref_slice %arg8[%dma_start3A_1981] : memref<4096xi32, #tpu.memory_space<vmem>> -> memref<2048xi32, #tpu.memory_space<vmem>>
      %dma_start3A_1983 = arith.constant 0 : i32
      %dma_start3A_1984 = tpu.memref_slice %arg2[%run_scoped3A_64, %dma_start3A_1983] : memref<2x2048xi32, #tpu.memory_space<hbm>> -> memref<1x2048xi32, #tpu.memory_space<hbm>>
      %dma_start3A_1985 = tpu.memref_squeeze %dma_start3A_1984 : memref<1x2048xi32, #tpu.memory_space<hbm>> -> memref<2048xi32, #tpu.memory_space<hbm>>
      tpu.enqueue_dma source(%dma_start3A_1985 : memref<2048xi32, #tpu.memory_space<hbm>>) target(%dma_start3A_1982 : memref<2048xi32, #tpu.memory_space<vmem>>) target_semaphore(%run_scoped3A_1975 : memref<!tpu.dma_semaphore, #tpu.memory_space<semaphore_mem>>)
      %dma_wait3A_1986 = arith.constant 2048 : i32
      %dma_wait3A_1987 = tpu.memref_slice %arg8[%dma_wait3A_1986] : memref<4096xi32, #tpu.memory_space<vmem>> -> memref<2048xi32, #tpu.memory_space<vmem>>
      %dma_wait3A_1988 = arith.constant 0 : i32
      %dma_wait3A_1989 = tpu.memref_slice %arg2[%run_scoped3A_64, %dma_wait3A_1988] : memref<2x2048xi32, #tpu.memory_space<hbm>> -> memref<1x2048xi32, #tpu.memory_space<hbm>>
      %dma_wait3A_1990 = tpu.memref_squeeze %dma_wait3A_1989 : memref<1x2048xi32, #tpu.memory_space<hbm>> -> memref<2048xi32, #tpu.memory_space<hbm>>
      %dma_wait3A_1991 = arith.constant 2048 : i32
      %dma_wait3A_1992 = tpu.memref_slice %arg8[%dma_wait3A_1991] : memref<4096xi32, #tpu.memory_space<vmem>> -> memref<2048xi32, #tpu.memory_space<vmem>>
      %dma_wait3A_1993 = arith.constant 0 : i32
      %dma_wait3A_1994 = tpu.memref_slice %arg2[%run_scoped3A_64, %dma_wait3A_1993] : memref<2x2048xi32, #tpu.memory_space<hbm>> -> memref<1x2048xi32, #tpu.memory_space<hbm>>
      %dma_wait3A_1995 = tpu.memref_squeeze %dma_wait3A_1994 : memref<1x2048xi32, #tpu.memory_space<hbm>> -> memref<2048xi32, #tpu.memory_space<hbm>>
      tpu.wait_dma2 semaphore(%run_scoped3A_1975 : memref<!tpu.dma_semaphore, #tpu.memory_space<semaphore_mem>>) src(%dma_wait3A_1995 : memref<2048xi32, #tpu.memory_space<hbm>>) dst(%dma_wait3A_1992 : memref<2048xi32, #tpu.memory_space<vmem>>)
      tpu.yield
    }) : () -> ()
    %iota3A = tpu.iota {dimensions = array<i32: 0>} : vector<16xi32>
    %mul3A_65 = arith.constant 8 : i32
    %mul3A_66 = arith.muli %add3A, %mul3A_65 : i32
    %broadcast_in_dim3A = arith.constant 0 : i32
    %broadcast_in_dim3A_67 = vector.broadcast %broadcast_in_dim3A : i32 to vector<16xi32>
    %scan3A = arith.constant 0 : i32
    %scan3A_68 = arith.constant 256 : i32
    %scan3A_69 = arith.addi %scan3A, %scan3A_68 : i32
    %scan3A_70 = arith.constant 1 : i32
    %scan3A_71:2 = scf.for %scan3A_1975 = %scan3A to %scan3A_69 step %scan3A_70 iter_args(%scan3A_1976 = %broadcast_in_dim3A_67, %scan3A_1977 = %broadcast_in_dim3A_67) -> (vector<16xi32>, vector<16xi32>)  : i32 {
      %mul3A_1978 = arith.constant 16 : i32
      %mul3A_1979 = arith.muli %scan3A_1975, %mul3A_1978 : i32
      %get3A_1980 = arith.index_cast %mul3A_1979 : i32 to index
      %get3A_1981 = tpu.vector_load %arg8[%get3A_1980] {strides = array<i32>} : memref<4096xi32, #tpu.memory_space<vmem>>, vector<16xi32>,
      %lt3A_1982 = arith.cmpi slt, %scan3A_1975, %mul3A_66 : i32
      %convert_element_type3A_1983 = arith.extui %lt3A_1982 : i1 to i32
      %eq3A_1984 = arith.constant 0 : i32
      %eq3A_1985 = vector.broadcast %eq3A_1984 : i32 to vector<16xi32>
      %eq3A_1986 = arith.cmpi eq, %get3A_1981, %eq3A_1985 : vector<16xi32>
      %all_reduce_population_count3A = tpu.all_reduce %eq3A_1986 {dim = 0 : i64, kind = #tpu.reduction_kind<sum>} : vector<16xi1> -> vector<16xi32>
      %eq3A_1987 = arith.constant 0 : i32
      %eq3A_1988 = vector.broadcast %eq3A_1987 : i32 to vector<16xi32>
      %eq3A_1989 = arith.cmpi eq, %iota3A, %eq3A_1988 : vector<16xi32>
      %jit3A_1990 = arith.constant 0 : i32
      %broadcast_in_dim3A_1991 = vector.broadcast %jit3A_1990 : i32 to vector<16xi32>
      %select_n3A_1992 = arith.select %eq3A_1989, %all_reduce_population_count3A, %broadcast_in_dim3A_1991 : vector<16xi1>, vector<16xi32>
      %add3A_1993 = arith.addi %scan3A_1976, %select_n3A_1992 : vector<16xi32>
      %mul3A_1994 = vector.broadcast %convert_element_type3A_1983 : i32 to vector<16xi32>
      %mul3A_1995 = arith.muli %select_n3A_1992, %mul3A_1994 : vector<16xi32>
      %add3A_1996 = arith.addi %scan3A_1977, %mul3A_1995 : vector<16xi32>
      %eq3A_1997 = arith.constant 1 : i32
      %eq3A_1998 = vector.broadcast %eq3A_1997 : i32 to vector<16xi32>
      %eq3A_1999 = arith.cmpi eq, %get3A_1981, %eq3A_1998 : vector<16xi32>
      %all_reduce_population_count3A_2000 = tpu.all_reduce %eq3A_1999 {dim = 0 : i64, kind = #tpu.reduction_kind<sum>} : vector<16xi1> -> vector<16xi32>
      %eq3A_2001 = arith.constant 1 : i32
      %eq3A_2002 = vector.broadcast %eq3A_2001 : i32 to vector<16xi32>
      %eq3A_2003 = arith.cmpi eq, %iota3A, %eq3A_2002 : vector<16xi32>
      %jit3A_2004 = arith.constant 0 : i32
      %broadcast_in_dim3A_2005 = vector.broadcast %jit3A_2004 : i32 to vector<16xi32>
      %select_n3A_2006 = arith.select %eq3A_2003, %all_reduce_population_count3A_2000, %broadcast_in_dim3A_2005 : vector<16xi1>, vector<16xi32>
      %add3A_2007 = arith.addi %add3A_1993, %select_n3A_2006 : vector<16xi32>
      %mul3A_2008 = vector.broadcast %convert_element_type3A_1983 : i32 to vector<16xi32>
      %mul3A_2009 = arith.muli %select_n3A_2006, %mul3A_2008 : vector<16xi32>
      %add3A_2010 = arith.addi %add3A_1996, %mul3A_2009 : vector<16xi32>
      %eq3A_2011 = arith.constant 2 : i32
      %eq3A_2012 = vector.broadcast %eq3A_2011 : i32 to vector<16xi32>
      %eq3A_2013 = arith.cmpi eq, %get3A_1981, %eq3A_2012 : vector<16xi32>
      %all_reduce_population_count3A_2014 = tpu.all_reduce %eq3A_2013 {dim = 0 : i64, kind = #tpu.reduction_kind<sum>} : vector<16xi1> -> vector<16xi32>
      %eq3A_2015 = arith.constant 2 : i32
      %eq3A_2016 = vector.broadcast %eq3A_2015 : i32 to vector<16xi32>
      %eq3A_2017 = arith.cmpi eq, %iota3A, %eq3A_2016 : vector<16xi32>
      %jit3A_2018 = arith.constant 0 : i32
      %broadcast_in_dim3A_2019 = vector.broadcast %jit3A_2018 : i32 to vector<16xi32>
      %select_n3A_2020 = arith.select %eq3A_2017, %all_reduce_population_count3A_2014, %broadcast_in_dim3A_2019 : vector<16xi1>, vector<16xi32>
      %add3A_2021 = arith.addi %add3A_2007, %select_n3A_2020 : vector<16xi32>
      %mul3A_2022 = vector.broadcast %convert_element_type3A_1983 : i32 to vector<16xi32>
      %mul3A_2023 = arith.muli %select_n3A_2020, %mul3A_2022 : vector<16xi32>
      %add3A_2024 = arith.addi %add3A_2010, %mul3A_2023 : vector<16xi32>
      %eq3A_2025 = arith.constant 3 : i32
      %eq3A_2026 = vector.broadcast %eq3A_2025 : i32 to vector<16xi32>
      %eq3A_2027 = arith.cmpi eq, %get3A_1981, %eq3A_2026 : vector<16xi32>
      %all_reduce_population_count3A_2028 = tpu.all_reduce %eq3A_2027 {dim = 0 : i64, kind = #tpu.reduction_kind<sum>} : vector<16xi1> -> vector<16xi32>
      %eq3A_2029 = arith.constant 3 : i32
      %eq3A_2030 = vector.broadcast %eq3A_2029 : i32 to vector<16xi32>
      %eq3A_2031 = arith.cmpi eq, %iota3A, %eq3A_2030 : vector<16xi32>
      %jit3A_2032 = arith.constant 0 : i32
      %broadcast_in_dim3A_2033 = vector.broadcast %jit3A_2032 : i32 to vector<16xi32>
      %select_n3A_2034 = arith.select %eq3A_2031, %all_reduce_population_count3A_2028, %broadcast_in_dim3A_2033 : vector<16xi1>, vector<16xi32>
      %add3A_2035 = arith.addi %add3A_2021, %select_n3A_2034 : vector<16xi32>
      %mul3A_2036 = vector.broadcast %convert_element_type3A_1983 : i32 to vector<16xi32>
      %mul3A_2037 = arith.muli %select_n3A_2034, %mul3A_2036 : vector<16xi32>
      %add3A_2038 = arith.addi %add3A_2024, %mul3A_2037 : vector<16xi32>
      %eq3A_2039 = arith.constant 4 : i32
      %eq3A_2040 = vector.broadcast %eq3A_2039 : i32 to vector<16xi32>
      %eq3A_2041 = arith.cmpi eq, %get3A_1981, %eq3A_2040 : vector<16xi32>
      %all_reduce_population_count3A_2042 = tpu.all_reduce %eq3A_2041 {dim = 0 : i64, kind = #tpu.reduction_kind<sum>} : vector<16xi1> -> vector<16xi32>
      %eq3A_2043 = arith.constant 4 : i32
      %eq3A_2044 = vector.broadcast %eq3A_2043 : i32 to vector<16xi32>
      %eq3A_2045 = arith.cmpi eq, %iota3A, %eq3A_2044 : vector<16xi32>
      %jit3A_2046 = arith.constant 0 : i32
      %broadcast_in_dim3A_2047 = vector.broadcast %jit3A_2046 : i32 to vector<16xi32>
      %select_n3A_2048 = arith.select %eq3A_2045, %all_reduce_population_count3A_2042, %broadcast_in_dim3A_2047 : vector<16xi1>, vector<16xi32>
      %add3A_2049 = arith.addi %add3A_2035, %select_n3A_2048 : vector<16xi32>
      %mul3A_2050 = vector.broadcast %convert_element_type3A_1983 : i32 to vector<16xi32>
      %mul3A_2051 = arith.muli %select_n3A_2048, %mul3A_2050 : vector<16xi32>
      %add3A_2052 = arith.addi %add3A_2038, %mul3A_2051 : vector<16xi32>
      %eq3A_2053 = arith.constant 5 : i32
      %eq3A_2054 = vector.broadcast %eq3A_2053 : i32 to vector<16xi32>
      %eq3A_2055 = arith.cmpi eq, %get3A_1981, %eq3A_2054 : vector<16xi32>
      %all_reduce_population_count3A_2056 = tpu.all_reduce %eq3A_2055 {dim = 0 : i64, kind = #tpu.reduction_kind<sum>} : vector<16xi1> -> vector<16xi32>
      %eq3A_2057 = arith.constant 5 : i32
      %eq3A_2058 = vector.broadcast %eq3A_2057 : i32 to vector<16xi32>
      %eq3A_2059 = arith.cmpi eq, %iota3A, %eq3A_2058 : vector<16xi32>
      %jit3A_2060 = arith.constant 0 : i32
      %broadcast_in_dim3A_2061 = vector.broadcast %jit3A_2060 : i32 to vector<16xi32>
      %select_n3A_2062 = arith.select %eq3A_2059, %all_reduce_population_count3A_2056, %broadcast_in_dim3A_2061 : vector<16xi1>, vector<16xi32>
      %add3A_2063 = arith.addi %add3A_2049, %select_n3A_2062 : vector<16xi32>
      %mul3A_2064 = vector.broadcast %convert_element_type3A_1983 : i32 to vector<16xi32>
      %mul3A_2065 = arith.muli %select_n3A_2062, %mul3A_2064 : vector<16xi32>
      %add3A_2066 = arith.addi %add3A_2052, %mul3A_2065 : vector<16xi32>
      %eq3A_2067 = arith.constant 6 : i32
      %eq3A_2068 = vector.broadcast %eq3A_2067 : i32 to vector<16xi32>
      %eq3A_2069 = arith.cmpi eq, %get3A_1981, %eq3A_2068 : vector<16xi32>
      %all_reduce_population_count3A_2070 = tpu.all_reduce %eq3A_2069 {dim = 0 : i64, kind = #tpu.reduction_kind<sum>} : vector<16xi1> -> vector<16xi32>
      %eq3A_2071 = arith.constant 6 : i32
      %eq3A_2072 = vector.broadcast %eq3A_2071 : i32 to vector<16xi32>
      %eq3A_2073 = arith.cmpi eq, %iota3A, %eq3A_2072 : vector<16xi32>
      %jit3A_2074 = arith.constant 0 : i32
      %broadcast_in_dim3A_2075 = vector.broadcast %jit3A_2074 : i32 to vector<16xi32>
      %select_n3A_2076 = arith.select %eq3A_2073, %all_reduce_population_count3A_2070, %broadcast_in_dim3A_2075 : vector<16xi1>, vector<16xi32>
      %add3A_2077 = arith.addi %add3A_2063, %select_n3A_2076 : vector<16xi32>
      %mul3A_2078 = vector.broadcast %convert_element_type3A_1983 : i32 to vector<16xi32>
      %mul3A_2079 = arith.muli %select_n3A_2076, %mul3A_2078 : vector<16xi32>
      %add3A_2080 = arith.addi %add3A_2066, %mul3A_2079 : vector<16xi32>
      %eq3A_2081 = arith.constant 7 : i32
      %eq3A_2082 = vector.broadcast %eq3A_2081 : i32 to vector<16xi32>
      %eq3A_2083 = arith.cmpi eq, %get3A_1981, %eq3A_2082 : vector<16xi32>
      %all_reduce_population_count3A_2084 = tpu.all_reduce %eq3A_2083 {dim = 0 : i64, kind = #tpu.reduction_kind<sum>} : vector<16xi1> -> vector<16xi32>
      %eq3A_2085 = arith.constant 7 : i32
      %eq3A_2086 = vector.broadcast %eq3A_2085 : i32 to vector<16xi32>
      %eq3A_2087 = arith.cmpi eq, %iota3A, %eq3A_2086 : vector<16xi32>
      %jit3A_2088 = arith.constant 0 : i32
      %broadcast_in_dim3A_2089 = vector.broadcast %jit3A_2088 : i32 to vector<16xi32>
      %select_n3A_2090 = arith.select %eq3A_2087, %all_reduce_population_count3A_2084, %broadcast_in_dim3A_2089 : vector<16xi1>, vector<16xi32>
      %add3A_2091 = arith.addi %add3A_2077, %select_n3A_2090 : vector<16xi32>
      %mul3A_2092 = vector.broadcast %convert_element_type3A_1983 : i32 to vector<16xi32>
      %mul3A_2093 = arith.muli %select_n3A_2090, %mul3A_2092 : vector<16xi32>
      %add3A_2094 = arith.addi %add3A_2080, %mul3A_2093 : vector<16xi32>
      scf.yield %add3A_2091, %add3A_2094 : vector<16xi32>, vector<16xi32>
    }
    %scan3A_72 = arith.constant 256 : i32
    %add3A_73 = arith.constant 256 : i32
    %add3A_74 = vector.broadcast %add3A_73 : i32 to vector<16xi32>
    %add3A_75 = arith.addi %scan3A_71#0, %add3A_74 : vector<16xi32>
    %sub3A_76 = arith.constant 1 : i32
    %sub3A_77 = vector.broadcast %sub3A_76 : i32 to vector<16xi32>
    %sub3A_78 = arith.subi %add3A_75, %sub3A_77 : vector<16xi32>
    %jit3A_79 = arith.constant 256 : i32
    %div3A_80 = vector.broadcast %jit3A_79 : i32 to vector<16xi32>
    %div3A_81 = arith.divsi %sub3A_78, %div3A_80 : vector<16xi32>
    %sign3A_82 = arith.constant 0 : i32
    %sign3A_83 = vector.broadcast %sign3A_82 : i32 to vector<16xi32>
    %sign3A_84 = arith.cmpi sgt, %sub3A_78, %sign3A_83 : vector<16xi32>
    %sign3A_85 = arith.extui %sign3A_84 : vector<16xi1> to vector<16xi32>
    %sign3A_86 = arith.constant 0 : i32
    %sign3A_87 = vector.broadcast %sign3A_86 : i32 to vector<16xi32>
    %sign3A_88 = arith.cmpi slt, %sub3A_78, %sign3A_87 : vector<16xi32>
    %sign3A_89 = arith.extui %sign3A_88 : vector<16xi1> to vector<16xi32>
    %sign3A_90 = arith.subi %sign3A_85, %sign3A_89 : vector<16xi32>
    %sign3A_91 = arith.constant 0 : i32
    %sign3A_92 = arith.cmpi sgt, %jit3A_79, %sign3A_91 : i32
    %sign3A_93 = arith.extui %sign3A_92 : i1 to i32
    %sign3A_94 = arith.constant 0 : i32
    %sign3A_95 = arith.cmpi slt, %jit3A_79, %sign3A_94 : i32
    %sign3A_96 = arith.extui %sign3A_95 : i1 to i32
    %sign3A_97 = arith.subi %sign3A_93, %sign3A_96 : i32
    %ne3A_98 = vector.broadcast %sign3A_97 : i32 to vector<16xi32>
    %ne3A_99 = arith.cmpi ne, %sign3A_90, %ne3A_98 : vector<16xi32>
    %rem3A_100 = vector.broadcast %jit3A_79 : i32 to vector<16xi32>
    %rem3A_101 = arith.remsi %sub3A_78, %rem3A_100 : vector<16xi32>
    %ne3A_102 = arith.constant 0 : i32
    %ne3A_103 = vector.broadcast %ne3A_102 : i32 to vector<16xi32>
    %ne3A_104 = arith.cmpi ne, %rem3A_101, %ne3A_103 : vector<16xi32>
    %and3A_105 = arith.andi %ne3A_99, %ne3A_104 : vector<16xi1>
    %sub3A_106 = arith.constant 1 : i32
    %sub3A_107 = vector.broadcast %sub3A_106 : i32 to vector<16xi32>
    %sub3A_108 = arith.subi %div3A_81, %sub3A_107 : vector<16xi32>
    %select_n3A_109 = arith.select %and3A_105, %sub3A_108, %div3A_81 : vector<16xi1>, vector<16xi32>
    %mul3A_110 = arith.constant 256 : i32
    %mul3A_111 = vector.broadcast %mul3A_110 : i32 to vector<16xi32>
    %mul3A_112 = arith.muli %select_n3A_109, %mul3A_111 : vector<16xi32>
    %broadcast_in_dim3A_113 = arith.constant true
    %broadcast_in_dim3A_114 = vector.broadcast %broadcast_in_dim3A_113 : i1 to vector<16xi1>
    %masked_cumsum3A = tpu.scan <sum>, %mul3A_112 masked %broadcast_in_dim3A_114 : vector<16xi32>, vector<16xi1> -> vector<16xi32>
    %sub3A_115 = arith.subi %masked_cumsum3A, %mul3A_112 : vector<16xi32>
    %add3A_116 = arith.addi %sub3A_115, %scan3A_71#1 : vector<16xi32>
    %swap3A = arith.constant 0 : index
    %swap3A_117 = tpu.vector_load %arg18[%swap3A] {strides = array<i32>} : memref<16xi32, #tpu.memory_space<vmem>>, vector<16xi32>,
    tpu.vector_store %arg18[%swap3A], %add3A_116 {strides = array<i32>} : memref<16xi32, #tpu.memory_space<vmem>>, vector<16xi32>,
    %jit3A_118 = arith.constant 256 : i32
    %div3A_119 = vector.broadcast %jit3A_118 : i32 to vector<16xi32>
    %div3A_120 = arith.divsi %masked_cumsum3A, %div3A_119 : vector<16xi32>
    %sign3A_121 = arith.constant 0 : i32
    %sign3A_122 = vector.broadcast %sign3A_121 : i32 to vector<16xi32>
    %sign3A_123 = arith.cmpi sgt, %masked_cumsum3A, %sign3A_122 : vector<16xi32>
    %sign3A_124 = arith.extui %sign3A_123 : vector<16xi1> to vector<16xi32>
    %sign3A_125 = arith.constant 0 : i32
    %sign3A_126 = vector.broadcast %sign3A_125 : i32 to vector<16xi32>
    %sign3A_127 = arith.cmpi slt, %masked_cumsum3A, %sign3A_126 : vector<16xi32>
    %sign3A_128 = arith.extui %sign3A_127 : vector<16xi1> to vector<16xi32>
    %sign3A_129 = arith.subi %sign3A_124, %sign3A_128 : vector<16xi32>
    %sign3A_130 = arith.constant 0 : i32
    %sign3A_131 = arith.cmpi sgt, %jit3A_118, %sign3A_130 : i32
    %sign3A_132 = arith.extui %sign3A_131 : i1 to i32
    %sign3A_133 = arith.constant 0 : i32
    %sign3A_134 = arith.cmpi slt, %jit3A_118, %sign3A_133 : i32
    %sign3A_135 = arith.extui %sign3A_134 : i1 to i32
    %sign3A_136 = arith.subi %sign3A_132, %sign3A_135 : i32
    %ne3A_137 = vector.broadcast %sign3A_136 : i32 to vector<16xi32>
    %ne3A_138 = arith.cmpi ne, %sign3A_129, %ne3A_137 : vector<16xi32>
    %rem3A_139 = vector.broadcast %jit3A_118 : i32 to vector<16xi32>
    %rem3A_140 = arith.remsi %masked_cumsum3A, %rem3A_139 : vector<16xi32>
    %ne3A_141 = arith.constant 0 : i32
    %ne3A_142 = vector.broadcast %ne3A_141 : i32 to vector<16xi32>
    %ne3A_143 = arith.cmpi ne, %rem3A_140, %ne3A_142 : vector<16xi32>
    %and3A_144 = arith.andi %ne3A_138, %ne3A_143 : vector<16xi1>
    %sub3A_145 = arith.constant 1 : i32
    %sub3A_146 = vector.broadcast %sub3A_145 : i32 to vector<16xi32>
    %sub3A_147 = arith.subi %div3A_120, %sub3A_146 : vector<16xi32>
    %select_n3A_148 = arith.select %and3A_144, %sub3A_147, %div3A_120 : vector<16xi1>, vector<16xi32>
    %swap3A_149 = arith.constant 0 : index
    %swap3A_150 = tpu.vector_load %arg19[%swap3A_149] {strides = array<i32>} : memref<16xi32, #tpu.memory_space<vmem>>, vector<16xi32>,
    tpu.vector_store %arg19[%swap3A_149], %select_n3A_148 {strides = array<i32>} : memref<16xi32, #tpu.memory_space<vmem>>, vector<16xi32>,
    %eq3A_151 = arith.constant 0 : i32
    %eq3A_152 = arith.cmpi eq, %add3A, %eq3A_151 : i32
    %convert_element_type3A = arith.extui %eq3A_152 : i1 to i32
    %cond3A = arith.constant 0 : i32
    %cond3A_153 = arith.cmpi ne, %convert_element_type3A, %cond3A : i32
    scf.if %cond3A_153 {
      %get3A_1975 = arith.constant 0 : index
      %get3A_1976 = tpu.vector_load %arg19[%get3A_1975] {strides = array<i32>} : memref<16xi32, #tpu.memory_space<vmem>>, vector<16xi32>,
      %slice3A_1977 = vector.extract_strided_slice %get3A_1976 {offsets = [0], sizes = [1], strides = [1]} : vector<16xi32> to vector<1xi32>
      %squeeze3A_1978 = vector.extract %slice3A_1977[0] : i32 from vector<1xi32>
      %slice3A_1979 = vector.extract_strided_slice %get3A_1976 {offsets = [1], sizes = [1], strides = [1]} : vector<16xi32> to vector<1xi32>
      %squeeze3A_1980 = vector.extract %slice3A_1979[0] : i32 from vector<1xi32>
      %slice3A_1981 = vector.extract_strided_slice %get3A_1976 {offsets = [2], sizes = [1], strides = [1]} : vector<16xi32> to vector<1xi32>
      %squeeze3A_1982 = vector.extract %slice3A_1981[0] : i32 from vector<1xi32>
      %slice3A_1983 = vector.extract_strided_slice %get3A_1976 {offsets = [3], sizes = [1], strides = [1]} : vector<16xi32> to vector<1xi32>
      %squeeze3A_1984 = vector.extract %slice3A_1983[0] : i32 from vector<1xi32>
      %slice3A_1985 = vector.extract_strided_slice %get3A_1976 {offsets = [4], sizes = [1], strides = [1]} : vector<16xi32> to vector<1xi32>
      %squeeze3A_1986 = vector.extract %slice3A_1985[0] : i32 from vector<1xi32>
      %slice3A_1987 = vector.extract_strided_slice %get3A_1976 {offsets = [5], sizes = [1], strides = [1]} : vector<16xi32> to vector<1xi32>
      %squeeze3A_1988 = vector.extract %slice3A_1987[0] : i32 from vector<1xi32>
      %slice3A_1989 = vector.extract_strided_slice %get3A_1976 {offsets = [6], sizes = [1], strides = [1]} : vector<16xi32> to vector<1xi32>
      %squeeze3A_1990 = vector.extract %slice3A_1989[0] : i32 from vector<1xi32>
      %slice3A_1991 = vector.extract_strided_slice %get3A_1976 {offsets = [7], sizes = [1], strides = [1]} : vector<16xi32> to vector<1xi32>
      %squeeze3A_1992 = vector.extract %slice3A_1991[0] : i32 from vector<1xi32>
      %iota3A_1993 = tpu.iota {dimensions = array<i32: 0>} : vector<16xi32>
      %add3A_1994 = arith.constant 0 : i32
      %add3A_1995 = vector.broadcast %add3A_1994 : i32 to vector<16xi32>
      %add3A_1996 = arith.addi %iota3A_1993, %add3A_1995 : vector<16xi32>
      %broadcast_in_dim3A_1997 = arith.constant 0 : i32
      %broadcast_in_dim3A_1998 = vector.broadcast %broadcast_in_dim3A_1997 : i32 to vector<16xi32>
      %ge3A = vector.broadcast %squeeze3A_1978 : i32 to vector<16xi32>
      %ge3A_1999 = arith.cmpi sge, %add3A_1996, %ge3A : vector<16xi32>
      %convert_element_type3A_2000 = arith.extui %ge3A_1999 : vector<16xi1> to vector<16xi32>
      %add3A_2001 = arith.addi %broadcast_in_dim3A_1998, %convert_element_type3A_2000 : vector<16xi32>
      %ge3A_2002 = vector.broadcast %squeeze3A_1980 : i32 to vector<16xi32>
      %ge3A_2003 = arith.cmpi sge, %add3A_1996, %ge3A_2002 : vector<16xi32>
      %convert_element_type3A_2004 = arith.extui %ge3A_2003 : vector<16xi1> to vector<16xi32>
      %add3A_2005 = arith.addi %add3A_2001, %convert_element_type3A_2004 : vector<16xi32>
      %ge3A_2006 = vector.broadcast %squeeze3A_1982 : i32 to vector<16xi32>
      %ge3A_2007 = arith.cmpi sge, %add3A_1996, %ge3A_2006 : vector<16xi32>
      %convert_element_type3A_2008 = arith.extui %ge3A_2007 : vector<16xi1> to vector<16xi32>
      %add3A_2009 = arith.addi %add3A_2005, %convert_element_type3A_2008 : vector<16xi32>
      %ge3A_2010 = vector.broadcast %squeeze3A_1984 : i32 to vector<16xi32>
      %ge3A_2011 = arith.cmpi sge, %add3A_1996, %ge3A_2010 : vector<16xi32>
      %convert_element_type3A_2012 = arith.extui %ge3A_2011 : vector<16xi1> to vector<16xi32>
      %add3A_2013 = arith.addi %add3A_2009, %convert_element_type3A_2012 : vector<16xi32>
      %ge3A_2014 = vector.broadcast %squeeze3A_1986 : i32 to vector<16xi32>
      %ge3A_2015 = arith.cmpi sge, %add3A_1996, %ge3A_2014 : vector<16xi32>
      %convert_element_type3A_2016 = arith.extui %ge3A_2015 : vector<16xi1> to vector<16xi32>
      %add3A_2017 = arith.addi %add3A_2013, %convert_element_type3A_2016 : vector<16xi32>
      %ge3A_2018 = vector.broadcast %squeeze3A_1988 : i32 to vector<16xi32>
      %ge3A_2019 = arith.cmpi sge, %add3A_1996, %ge3A_2018 : vector<16xi32>
      %convert_element_type3A_2020 = arith.extui %ge3A_2019 : vector<16xi1> to vector<16xi32>
      %add3A_2021 = arith.addi %add3A_2017, %convert_element_type3A_2020 : vector<16xi32>
      %ge3A_2022 = vector.broadcast %squeeze3A_1990 : i32 to vector<16xi32>
      %ge3A_2023 = arith.cmpi sge, %add3A_1996, %ge3A_2022 : vector<16xi32>
      %convert_element_type3A_2024 = arith.extui %ge3A_2023 : vector<16xi1> to vector<16xi32>
      %add3A_2025 = arith.addi %add3A_2021, %convert_element_type3A_2024 : vector<16xi32>
      %ge3A_2026 = vector.broadcast %squeeze3A_1992 : i32 to vector<16xi32>
      %ge3A_2027 = arith.cmpi sge, %add3A_1996, %ge3A_2026 : vector<16xi32>
      %convert_element_type3A_2028 = arith.extui %ge3A_2027 : vector<16xi1> to vector<16xi32>
      %add3A_2029 = arith.addi %add3A_2025, %convert_element_type3A_2028 : vector<16xi32>
      %min3A = arith.constant 7 : i32
      %min3A_2030 = vector.broadcast %min3A : i32 to vector<16xi32>
      %min3A_2031 = arith.minsi %add3A_2029, %min3A_2030 : vector<16xi32>
      %swap3A_2032 = arith.constant 0 : index
      %swap3A_2033 = tpu.vector_load %arg20[%swap3A_2032] {strides = array<i32>} : memref<32xi32, #tpu.memory_space<vmem>>, vector<16xi32>,
      tpu.vector_store %arg20[%swap3A_2032], %min3A_2031 {strides = array<i32>} : memref<32xi32, #tpu.memory_space<vmem>>, vector<16xi32>,
      %iota3A_2034 = tpu.iota {dimensions = array<i32: 0>} : vector<16xi32>
      %add3A_2035 = arith.constant 16 : i32
      %add3A_2036 = vector.broadcast %add3A_2035 : i32 to vector<16xi32>
      %add3A_2037 = arith.addi %iota3A_2034, %add3A_2036 : vector<16xi32>
      %broadcast_in_dim3A_2038 = arith.constant 0 : i32
      %broadcast_in_dim3A_2039 = vector.broadcast %broadcast_in_dim3A_2038 : i32 to vector<16xi32>
      %ge3A_2040 = vector.broadcast %squeeze3A_1978 : i32 to vector<16xi32>
      %ge3A_2041 = arith.cmpi sge, %add3A_2037, %ge3A_2040 : vector<16xi32>
      %convert_element_type3A_2042 = arith.extui %ge3A_2041 : vector<16xi1> to vector<16xi32>
      %add3A_2043 = arith.addi %broadcast_in_dim3A_2039, %convert_element_type3A_2042 : vector<16xi32>
      %ge3A_2044 = vector.broadcast %squeeze3A_1980 : i32 to vector<16xi32>
      %ge3A_2045 = arith.cmpi sge, %add3A_2037, %ge3A_2044 : vector<16xi32>
      %convert_element_type3A_2046 = arith.extui %ge3A_2045 : vector<16xi1> to vector<16xi32>
      %add3A_2047 = arith.addi %add3A_2043, %convert_element_type3A_2046 : vector<16xi32>
      %ge3A_2048 = vector.broadcast %squeeze3A_1982 : i32 to vector<16xi32>
      %ge3A_2049 = arith.cmpi sge, %add3A_2037, %ge3A_2048 : vector<16xi32>
      %convert_element_type3A_2050 = arith.extui %ge3A_2049 : vector<16xi1> to vector<16xi32>
      %add3A_2051 = arith.addi %add3A_2047, %convert_element_type3A_2050 : vector<16xi32>
      %ge3A_2052 = vector.broadcast %squeeze3A_1984 : i32 to vector<16xi32>
      %ge3A_2053 = arith.cmpi sge, %add3A_2037, %ge3A_2052 : vector<16xi32>
      %convert_element_type3A_2054 = arith.extui %ge3A_2053 : vector<16xi1> to vector<16xi32>
      %add3A_2055 = arith.addi %add3A_2051, %convert_element_type3A_2054 : vector<16xi32>
      %ge3A_2056 = vector.broadcast %squeeze3A_1986 : i32 to vector<16xi32>
      %ge3A_2057 = arith.cmpi sge, %add3A_2037, %ge3A_2056 : vector<16xi32>
      %convert_element_type3A_2058 = arith.extui %ge3A_2057 : vector<16xi1> to vector<16xi32>
      %add3A_2059 = arith.addi %add3A_2055, %convert_element_type3A_2058 : vector<16xi32>
      %ge3A_2060 = vector.broadcast %squeeze3A_1988 : i32 to vector<16xi32>
      %ge3A_2061 = arith.cmpi sge, %add3A_2037, %ge3A_2060 : vector<16xi32>
      %convert_element_type3A_2062 = arith.extui %ge3A_2061 : vector<16xi1> to vector<16xi32>
      %add3A_2063 = arith.addi %add3A_2059, %convert_element_type3A_2062 : vector<16xi32>
      %ge3A_2064 = vector.broadcast %squeeze3A_1990 : i32 to vector<16xi32>
      %ge3A_2065 = arith.cmpi sge, %add3A_2037, %ge3A_2064 : vector<16xi32>
      %convert_element_type3A_2066 = arith.extui %ge3A_2065 : vector<16xi1> to vector<16xi32>
      %add3A_2067 = arith.addi %add3A_2063, %convert_element_type3A_2066 : vector<16xi32>
      %ge3A_2068 = vector.broadcast %squeeze3A_1992 : i32 to vector<16xi32>
      %ge3A_2069 = arith.cmpi sge, %add3A_2037, %ge3A_2068 : vector<16xi32>
      %convert_element_type3A_2070 = arith.extui %ge3A_2069 : vector<16xi1> to vector<16xi32>
      %add3A_2071 = arith.addi %add3A_2067, %convert_element_type3A_2070 : vector<16xi32>
      %min3A_2072 = arith.constant 7 : i32
      %min3A_2073 = vector.broadcast %min3A_2072 : i32 to vector<16xi32>
      %min3A_2074 = arith.minsi %add3A_2071, %min3A_2073 : vector<16xi32>
      %swap3A_2075 = arith.constant 16 : index
      %swap3A_2076 = tpu.vector_load %arg20[%swap3A_2075] {strides = array<i32>} : memref<32xi32, #tpu.memory_space<vmem>>, vector<16xi32>,
      tpu.vector_store %arg20[%swap3A_2075], %min3A_2074 {strides = array<i32>} : memref<32xi32, #tpu.memory_space<vmem>>, vector<16xi32>,
      %eq3A_2077 = arith.constant 0 : i32
      %eq3A_2078 = vector.broadcast %eq3A_2077 : i32 to vector<16xi32>
      %eq3A_2079 = arith.cmpi eq, %iota3A, %eq3A_2078 : vector<16xi32>
      %jit3A_2080 = arith.constant 0 : i32
      %broadcast_in_dim3A_2081 = vector.broadcast %squeeze3A_1992 : i32 to vector<16xi32>
      %broadcast_in_dim3A_2082 = vector.broadcast %jit3A_2080 : i32 to vector<16xi32>
      %select_n3A_2083 = arith.select %eq3A_2079, %broadcast_in_dim3A_2081, %broadcast_in_dim3A_2082 : vector<16xi1>, vector<16xi32>
      %swap3A_2084 = arith.constant 0 : index
      %swap3A_2085 = tpu.vector_load %arg21[%swap3A_2084] {strides = array<i32>} : memref<16xi32, #tpu.memory_space<vmem>>, vector<16xi32>,
      tpu.vector_store %arg21[%swap3A_2084], %select_n3A_2083 {strides = array<i32>} : memref<16xi32, #tpu.memory_space<vmem>>, vector<16xi32>,
      "tpu.region"() ({
        %run_scoped3A_2086 = tpu.sem_alloc : memref<!tpu.dma_semaphore, #tpu.memory_space<semaphore_mem>>
        tpu.enqueue_dma source(%arg20 : memref<32xi32, #tpu.memory_space<vmem>>) target(%arg6 : memref<32xi32, #tpu.memory_space<hbm>>) target_semaphore(%run_scoped3A_2086 : memref<!tpu.dma_semaphore, #tpu.memory_space<semaphore_mem>>)
        tpu.wait_dma2 semaphore(%run_scoped3A_2086 : memref<!tpu.dma_semaphore, #tpu.memory_space<semaphore_mem>>) src(%arg20 : memref<32xi32, #tpu.memory_space<vmem>>) dst(%arg6 : memref<32xi32, #tpu.memory_space<hbm>>)
        tpu.yield
      }) : () -> ()
      "tpu.region"() ({
        %run_scoped3A_2086 = tpu.sem_alloc : memref<!tpu.dma_semaphore, #tpu.memory_space<semaphore_mem>>
        tpu.enqueue_dma source(%arg21 : memref<16xi32, #tpu.memory_space<vmem>>) target(%arg7 : memref<16xi32, #tpu.memory_space<hbm>>) target_semaphore(%run_scoped3A_2086 : memref<!tpu.dma_semaphore, #tpu.memory_space<semaphore_mem>>)
        tpu.wait_dma2 semaphore(%run_scoped3A_2086 : memref<!tpu.dma_semaphore, #tpu.memory_space<semaphore_mem>>) src(%arg21 : memref<16xi32, #tpu.memory_space<vmem>>) dst(%arg7 : memref<16xi32, #tpu.memory_space<hbm>>)
        tpu.yield
      }) : () -> ()
    } else {
    }
    %get3A = arith.constant 0 : index
    %get3A_154 = tpu.vector_load %arg18[%get3A] {strides = array<i32>} : memref<16xi32, #tpu.memory_space<vmem>>, vector<16xi32>,
    %slice3A = vector.extract_strided_slice %get3A_154 {offsets = [0], sizes = [1], strides = [1]} : vector<16xi32> to vector<1xi32>
    %squeeze3A = vector.extract %slice3A[0] : i32 from vector<1xi32>
    %slice3A_155 = vector.extract_strided_slice %get3A_154 {offsets = [1], sizes = [1], strides = [1]} : vector<16xi32> to vector<1xi32>
    %squeeze3A_156 = vector.extract %slice3A_155[0] : i32 from vector<1xi32>
    %slice3A_157 = vector.extract_strided_slice %get3A_154 {offsets = [2], sizes = [1], strides = [1]} : vector<16xi32> to vector<1xi32>
    %squeeze3A_158 = vector.extract %slice3A_157[0] : i32 from vector<1xi32>
    %slice3A_159 = vector.extract_strided_slice %get3A_154 {offsets = [3], sizes = [1], strides = [1]} : vector<16xi32> to vector<1xi32>
    %squeeze3A_160 = vector.extract %slice3A_159[0] : i32 from vector<1xi32>
    %slice3A_161 = vector.extract_strided_slice %get3A_154 {offsets = [4], sizes = [1], strides = [1]} : vector<16xi32> to vector<1xi32>
    %squeeze3A_162 = vector.extract %slice3A_161[0] : i32 from vector<1xi32>
    %slice3A_163 = vector.extract_strided_slice %get3A_154 {offsets = [5], sizes = [1], strides = [1]} : vector<16xi32> to vector<1xi32>
    %squeeze3A_164 = vector.extract %slice3A_163[0] : i32 from vector<1xi32>
    %slice3A_165 = vector.extract_strided_slice %get3A_154 {offsets = [6], sizes = [1], strides = [1]} : vector<16xi32> to vector<1xi32>
    %squeeze3A_166 = vector.extract %slice3A_165[0] : i32 from vector<1xi32>
    %slice3A_167 = vector.extract_strided_slice %get3A_154 {offsets = [7], sizes = [1], strides = [1]} : vector<16xi32> to vector<1xi32>
    %squeeze3A_168 = vector.extract %slice3A_167[0] : i32 from vector<1xi32>
    %add3A_169 = arith.constant 0 : i32
    %add3A_170 = arith.addi %mul3A_66, %add3A_169 : i32
    %mul3A_171 = arith.constant 16 : i32
    %mul3A_172 = arith.muli %add3A_170, %mul3A_171 : i32
    %get3A_173 = arith.index_cast %mul3A_172 : i32 to index
    %get3A_174 = tpu.vector_load %arg8[%get3A_173] {strides = array<i32>} : memref<4096xi32, #tpu.memory_space<vmem>>, vector<16xi32>,
    %broadcast_in_dim3A_175 = arith.constant 0 : i32
    %broadcast_in_dim3A_176 = vector.broadcast %broadcast_in_dim3A_175 : i32 to vector<16xi32>
    %eq3A_177 = arith.constant 0 : i32
    %eq3A_178 = vector.broadcast %eq3A_177 : i32 to vector<16xi32>
    %eq3A_179 = arith.cmpi eq, %get3A_174, %eq3A_178 : vector<16xi32>
    %jit3A_180 = arith.constant 1 : i32
    %jit3A_181 = arith.constant 0 : i32
    %broadcast_in_dim3A_182 = vector.broadcast %jit3A_180 : i32 to vector<16xi32>
    %broadcast_in_dim3A_183 = vector.broadcast %jit3A_181 : i32 to vector<16xi32>
    %select_n3A_184 = arith.select %eq3A_179, %broadcast_in_dim3A_182, %broadcast_in_dim3A_183 : vector<16xi1>, vector<16xi32>
    %broadcast_in_dim3A_185 = arith.constant true
    %broadcast_in_dim3A_186 = vector.broadcast %broadcast_in_dim3A_185 : i1 to vector<16xi1>
    %masked_cumsum3A_187 = tpu.scan <sum>, %select_n3A_184 masked %broadcast_in_dim3A_186 : vector<16xi32>, vector<16xi1> -> vector<16xi32>
    %add3A_188 = vector.broadcast %squeeze3A : i32 to vector<16xi32>
    %add3A_189 = arith.addi %add3A_188, %masked_cumsum3A_187 : vector<16xi32>
    %sub3A_190 = arith.constant 1 : i32
    %sub3A_191 = vector.broadcast %sub3A_190 : i32 to vector<16xi32>
    %sub3A_192 = arith.subi %add3A_189, %sub3A_191 : vector<16xi32>
    %select_n3A_193 = arith.select %eq3A_179, %sub3A_192, %broadcast_in_dim3A_176 : vector<16xi1>, vector<16xi32>
    %reduce_max3A = arith.constant true
    %reduce_max3A_194 = vector.broadcast %reduce_max3A : i1 to vector<16xi1>
    %reduce_max3A_195 = arith.constant -2147483648 : i32
    %reduce_max3A_196 = vector.broadcast %reduce_max3A_195 : i32 to vector<16xi32>
    %reduce_max3A_197 = arith.xori %masked_cumsum3A_187, %reduce_max3A_196 : vector<16xi32>
    %reduce_max3A_198 = tpu.scan <max>, %reduce_max3A_197 masked %reduce_max3A_194 : vector<16xi32>, vector<16xi1> -> vector<16xi32>
    %reduce_max3A_199 = arith.xori %reduce_max3A_198, %reduce_max3A_196 : vector<16xi32>
    %reduce_max3A_200 = vector.extract %reduce_max3A_199[15] : i32 from vector<16xi32>
    %add3A_201 = arith.addi %squeeze3A, %reduce_max3A_200 : i32
    %eq3A_202 = arith.constant 1 : i32
    %eq3A_203 = vector.broadcast %eq3A_202 : i32 to vector<16xi32>
    %eq3A_204 = arith.cmpi eq, %get3A_174, %eq3A_203 : vector<16xi32>
    %jit3A_205 = arith.constant 1 : i32
    %jit3A_206 = arith.constant 0 : i32
    %broadcast_in_dim3A_207 = vector.broadcast %jit3A_205 : i32 to vector<16xi32>
    %broadcast_in_dim3A_208 = vector.broadcast %jit3A_206 : i32 to vector<16xi32>
    %select_n3A_209 = arith.select %eq3A_204, %broadcast_in_dim3A_207, %broadcast_in_dim3A_208 : vector<16xi1>, vector<16xi32>
    %broadcast_in_dim3A_210 = arith.constant true
    %broadcast_in_dim3A_211 = vector.broadcast %broadcast_in_dim3A_210 : i1 to vector<16xi1>
    %masked_cumsum3A_212 = tpu.scan <sum>, %select_n3A_209 masked %broadcast_in_dim3A_211 : vector<16xi32>, vector<16xi1> -> vector<16xi32>
    %add3A_213 = vector.broadcast %squeeze3A_156 : i32 to vector<16xi32>
    %add3A_214 = arith.addi %add3A_213, %masked_cumsum3A_212 : vector<16xi32>
    %sub3A_215 = arith.constant 1 : i32
    %sub3A_216 = vector.broadcast %sub3A_215 : i32 to vector<16xi32>
    %sub3A_217 = arith.subi %add3A_214, %sub3A_216 : vector<16xi32>
    %select_n3A_218 = arith.select %eq3A_204, %sub3A_217, %select_n3A_193 : vector<16xi1>, vector<16xi32>
    %reduce_max3A_219 = arith.constant true
    %reduce_max3A_220 = vector.broadcast %reduce_max3A_219 : i1 to vector<16xi1>
    %reduce_max3A_221 = arith.constant -2147483648 : i32
    %reduce_max3A_222 = vector.broadcast %reduce_max3A_221 : i32 to vector<16xi32>
    %reduce_max3A_223 = arith.xori %masked_cumsum3A_212, %reduce_max3A_222 : vector<16xi32>
    %reduce_max3A_224 = tpu.scan <max>, %reduce_max3A_223 masked %reduce_max3A_220 : vector<16xi32>, vector<16xi1> -> vector<16xi32>
    %reduce_max3A_225 = arith.xori %reduce_max3A_224, %reduce_max3A_222 : vector<16xi32>
    %reduce_max3A_226 = vector.extract %reduce_max3A_225[15] : i32 from vector<16xi32>
    %add3A_227 = arith.addi %squeeze3A_156, %reduce_max3A_226 : i32
    %eq3A_228 = arith.constant 2 : i32
    %eq3A_229 = vector.broadcast %eq3A_228 : i32 to vector<16xi32>
    %eq3A_230 = arith.cmpi eq, %get3A_174, %eq3A_229 : vector<16xi32>
    %jit3A_231 = arith.constant 1 : i32
    %jit3A_232 = arith.constant 0 : i32
    %broadcast_in_dim3A_233 = vector.broadcast %jit3A_231 : i32 to vector<16xi32>
    %broadcast_in_dim3A_234 = vector.broadcast %jit3A_232 : i32 to vector<16xi32>
    %select_n3A_235 = arith.select %eq3A_230, %broadcast_in_dim3A_233, %broadcast_in_dim3A_234 : vector<16xi1>, vector<16xi32>
    %broadcast_in_dim3A_236 = arith.constant true
    %broadcast_in_dim3A_237 = vector.broadcast %broadcast_in_dim3A_236 : i1 to vector<16xi1>
    %masked_cumsum3A_238 = tpu.scan <sum>, %select_n3A_235 masked %broadcast_in_dim3A_237 : vector<16xi32>, vector<16xi1> -> vector<16xi32>
    %add3A_239 = vector.broadcast %squeeze3A_158 : i32 to vector<16xi32>
    %add3A_240 = arith.addi %add3A_239, %masked_cumsum3A_238 : vector<16xi32>
    %sub3A_241 = arith.constant 1 : i32
    %sub3A_242 = vector.broadcast %sub3A_241 : i32 to vector<16xi32>
    %sub3A_243 = arith.subi %add3A_240, %sub3A_242 : vector<16xi32>
    %select_n3A_244 = arith.select %eq3A_230, %sub3A_243, %select_n3A_218 : vector<16xi1>, vector<16xi32>
    %reduce_max3A_245 = arith.constant true
    %reduce_max3A_246 = vector.broadcast %reduce_max3A_245 : i1 to vector<16xi1>
    %reduce_max3A_247 = arith.constant -2147483648 : i32
    %reduce_max3A_248 = vector.broadcast %reduce_max3A_247 : i32 to vector<16xi32>
    %reduce_max3A_249 = arith.xori %masked_cumsum3A_238, %reduce_max3A_248 : vector<16xi32>
    %reduce_max3A_250 = tpu.scan <max>, %reduce_max3A_249 masked %reduce_max3A_246 : vector<16xi32>, vector<16xi1> -> vector<16xi32>
    %reduce_max3A_251 = arith.xori %reduce_max3A_250, %reduce_max3A_248 : vector<16xi32>
    %reduce_max3A_252 = vector.extract %reduce_max3A_251[15] : i32 from vector<16xi32>
    %add3A_253 = arith.addi %squeeze3A_158, %reduce_max3A_252 : i32
    %eq3A_254 = arith.constant 3 : i32
    %eq3A_255 = vector.broadcast %eq3A_254 : i32 to vector<16xi32>
    %eq3A_256 = arith.cmpi eq, %get3A_174, %eq3A_255 : vector<16xi32>
    %jit3A_257 = arith.constant 1 : i32
    %jit3A_258 = arith.constant 0 : i32
    %broadcast_in_dim3A_259 = vector.broadcast %jit3A_257 : i32 to vector<16xi32>
    %broadcast_in_dim3A_260 = vector.broadcast %jit3A_258 : i32 to vector<16xi32>
    %select_n3A_261 = arith.select %eq3A_256, %broadcast_in_dim3A_259, %broadcast_in_dim3A_260 : vector<16xi1>, vector<16xi32>
    %broadcast_in_dim3A_262 = arith.constant true
    %broadcast_in_dim3A_263 = vector.broadcast %broadcast_in_dim3A_262 : i1 to vector<16xi1>
    %masked_cumsum3A_264 = tpu.scan <sum>, %select_n3A_261 masked %broadcast_in_dim3A_263 : vector<16xi32>, vector<16xi1> -> vector<16xi32>
    %add3A_265 = vector.broadcast %squeeze3A_160 : i32 to vector<16xi32>
    %add3A_266 = arith.addi %add3A_265, %masked_cumsum3A_264 : vector<16xi32>
    %sub3A_267 = arith.constant 1 : i32
    %sub3A_268 = vector.broadcast %sub3A_267 : i32 to vector<16xi32>
    %sub3A_269 = arith.subi %add3A_266, %sub3A_268 : vector<16xi32>
    %select_n3A_270 = arith.select %eq3A_256, %sub3A_269, %select_n3A_244 : vector<16xi1>, vector<16xi32>
    %reduce_max3A_271 = arith.constant true
    %reduce_max3A_272 = vector.broadcast %reduce_max3A_271 : i1 to vector<16xi1>
    %reduce_max3A_273 = arith.constant -2147483648 : i32
    %reduce_max3A_274 = vector.broadcast %reduce_max3A_273 : i32 to vector<16xi32>
    %reduce_max3A_275 = arith.xori %masked_cumsum3A_264, %reduce_max3A_274 : vector<16xi32>
    %reduce_max3A_276 = tpu.scan <max>, %reduce_max3A_275 masked %reduce_max3A_272 : vector<16xi32>, vector<16xi1> -> vector<16xi32>
    %reduce_max3A_277 = arith.xori %reduce_max3A_276, %reduce_max3A_274 : vector<16xi32>
    %reduce_max3A_278 = vector.extract %reduce_max3A_277[15] : i32 from vector<16xi32>
    %add3A_279 = arith.addi %squeeze3A_160, %reduce_max3A_278 : i32
    %eq3A_280 = arith.constant 4 : i32
    %eq3A_281 = vector.broadcast %eq3A_280 : i32 to vector<16xi32>
    %eq3A_282 = arith.cmpi eq, %get3A_174, %eq3A_281 : vector<16xi32>
    %jit3A_283 = arith.constant 1 : i32
    %jit3A_284 = arith.constant 0 : i32
    %broadcast_in_dim3A_285 = vector.broadcast %jit3A_283 : i32 to vector<16xi32>
    %broadcast_in_dim3A_286 = vector.broadcast %jit3A_284 : i32 to vector<16xi32>
    %select_n3A_287 = arith.select %eq3A_282, %broadcast_in_dim3A_285, %broadcast_in_dim3A_286 : vector<16xi1>, vector<16xi32>
    %broadcast_in_dim3A_288 = arith.constant true
    %broadcast_in_dim3A_289 = vector.broadcast %broadcast_in_dim3A_288 : i1 to vector<16xi1>
    %masked_cumsum3A_290 = tpu.scan <sum>, %select_n3A_287 masked %broadcast_in_dim3A_289 : vector<16xi32>, vector<16xi1> -> vector<16xi32>
    %add3A_291 = vector.broadcast %squeeze3A_162 : i32 to vector<16xi32>
    %add3A_292 = arith.addi %add3A_291, %masked_cumsum3A_290 : vector<16xi32>
    %sub3A_293 = arith.constant 1 : i32
    %sub3A_294 = vector.broadcast %sub3A_293 : i32 to vector<16xi32>
    %sub3A_295 = arith.subi %add3A_292, %sub3A_294 : vector<16xi32>
    %select_n3A_296 = arith.select %eq3A_282, %sub3A_295, %select_n3A_270 : vector<16xi1>, vector<16xi32>
    %reduce_max3A_297 = arith.constant true
    %reduce_max3A_298 = vector.broadcast %reduce_max3A_297 : i1 to vector<16xi1>
    %reduce_max3A_299 = arith.constant -2147483648 : i32
    %reduce_max3A_300 = vector.broadcast %reduce_max3A_299 : i32 to vector<16xi32>
    %reduce_max3A_301 = arith.xori %masked_cumsum3A_290, %reduce_max3A_300 : vector<16xi32>
    %reduce_max3A_302 = tpu.scan <max>, %reduce_max3A_301 masked %reduce_max3A_298 : vector<16xi32>, vector<16xi1> -> vector<16xi32>
    %reduce_max3A_303 = arith.xori %reduce_max3A_302, %reduce_max3A_300 : vector<16xi32>
    %reduce_max3A_304 = vector.extract %reduce_max3A_303[15] : i32 from vector<16xi32>
    %add3A_305 = arith.addi %squeeze3A_162, %reduce_max3A_304 : i32
    %eq3A_306 = arith.constant 5 : i32
    %eq3A_307 = vector.broadcast %eq3A_306 : i32 to vector<16xi32>
    %eq3A_308 = arith.cmpi eq, %get3A_174, %eq3A_307 : vector<16xi32>
    %jit3A_309 = arith.constant 1 : i32
    %jit3A_310 = arith.constant 0 : i32
    %broadcast_in_dim3A_311 = vector.broadcast %jit3A_309 : i32 to vector<16xi32>
    %broadcast_in_dim3A_312 = vector.broadcast %jit3A_310 : i32 to vector<16xi32>
    %select_n3A_313 = arith.select %eq3A_308, %broadcast_in_dim3A_311, %broadcast_in_dim3A_312 : vector<16xi1>, vector<16xi32>
    %broadcast_in_dim3A_314 = arith.constant true
    %broadcast_in_dim3A_315 = vector.broadcast %broadcast_in_dim3A_314 : i1 to vector<16xi1>
    %masked_cumsum3A_316 = tpu.scan <sum>, %select_n3A_313 masked %broadcast_in_dim3A_315 : vector<16xi32>, vector<16xi1> -> vector<16xi32>
    %add3A_317 = vector.broadcast %squeeze3A_164 : i32 to vector<16xi32>
    %add3A_318 = arith.addi %add3A_317, %masked_cumsum3A_316 : vector<16xi32>
    %sub3A_319 = arith.constant 1 : i32
    %sub3A_320 = vector.broadcast %sub3A_319 : i32 to vector<16xi32>
    %sub3A_321 = arith.subi %add3A_318, %sub3A_320 : vector<16xi32>
    %select_n3A_322 = arith.select %eq3A_308, %sub3A_321, %select_n3A_296 : vector<16xi1>, vector<16xi32>
    %reduce_max3A_323 = arith.constant true
    %reduce_max3A_324 = vector.broadcast %reduce_max3A_323 : i1 to vector<16xi1>
    %reduce_max3A_325 = arith.constant -2147483648 : i32
    %reduce_max3A_326 = vector.broadcast %reduce_max3A_325 : i32 to vector<16xi32>
    %reduce_max3A_327 = arith.xori %masked_cumsum3A_316, %reduce_max3A_326 : vector<16xi32>
    %reduce_max3A_328 = tpu.scan <max>, %reduce_max3A_327 masked %reduce_max3A_324 : vector<16xi32>, vector<16xi1> -> vector<16xi32>
    %reduce_max3A_329 = arith.xori %reduce_max3A_328, %reduce_max3A_326 : vector<16xi32>
    %reduce_max3A_330 = vector.extract %reduce_max3A_329[15] : i32 from vector<16xi32>
    %add3A_331 = arith.addi %squeeze3A_164, %reduce_max3A_330 : i32
    %eq3A_332 = arith.constant 6 : i32
    %eq3A_333 = vector.broadcast %eq3A_332 : i32 to vector<16xi32>
    %eq3A_334 = arith.cmpi eq, %get3A_174, %eq3A_333 : vector<16xi32>
    %jit3A_335 = arith.constant 1 : i32
    %jit3A_336 = arith.constant 0 : i32
    %broadcast_in_dim3A_337 = vector.broadcast %jit3A_335 : i32 to vector<16xi32>
    %broadcast_in_dim3A_338 = vector.broadcast %jit3A_336 : i32 to vector<16xi32>
    %select_n3A_339 = arith.select %eq3A_334, %broadcast_in_dim3A_337, %broadcast_in_dim3A_338 : vector<16xi1>, vector<16xi32>
    %broadcast_in_dim3A_340 = arith.constant true
    %broadcast_in_dim3A_341 = vector.broadcast %broadcast_in_dim3A_340 : i1 to vector<16xi1>
    %masked_cumsum3A_342 = tpu.scan <sum>, %select_n3A_339 masked %broadcast_in_dim3A_341 : vector<16xi32>, vector<16xi1> -> vector<16xi32>
    %add3A_343 = vector.broadcast %squeeze3A_166 : i32 to vector<16xi32>
    %add3A_344 = arith.addi %add3A_343, %masked_cumsum3A_342 : vector<16xi32>
    %sub3A_345 = arith.constant 1 : i32
    %sub3A_346 = vector.broadcast %sub3A_345 : i32 to vector<16xi32>
    %sub3A_347 = arith.subi %add3A_344, %sub3A_346 : vector<16xi32>
    %select_n3A_348 = arith.select %eq3A_334, %sub3A_347, %select_n3A_322 : vector<16xi1>, vector<16xi32>
    %reduce_max3A_349 = arith.constant true
    %reduce_max3A_350 = vector.broadcast %reduce_max3A_349 : i1 to vector<16xi1>
    %reduce_max3A_351 = arith.constant -2147483648 : i32
    %reduce_max3A_352 = vector.broadcast %reduce_max3A_351 : i32 to vector<16xi32>
    %reduce_max3A_353 = arith.xori %masked_cumsum3A_342, %reduce_max3A_352 : vector<16xi32>
    %reduce_max3A_354 = tpu.scan <max>, %reduce_max3A_353 masked %reduce_max3A_350 : vector<16xi32>, vector<16xi1> -> vector<16xi32>
    %reduce_max3A_355 = arith.xori %reduce_max3A_354, %reduce_max3A_352 : vector<16xi32>
    %reduce_max3A_356 = vector.extract %reduce_max3A_355[15] : i32 from vector<16xi32>
    %add3A_357 = arith.addi %squeeze3A_166, %reduce_max3A_356 : i32
    %eq3A_358 = arith.constant 7 : i32
    %eq3A_359 = vector.broadcast %eq3A_358 : i32 to vector<16xi32>
    %eq3A_360 = arith.cmpi eq, %get3A_174, %eq3A_359 : vector<16xi32>
    %jit3A_361 = arith.constant 1 : i32
    %jit3A_362 = arith.constant 0 : i32
    %broadcast_in_dim3A_363 = vector.broadcast %jit3A_361 : i32 to vector<16xi32>
    %broadcast_in_dim3A_364 = vector.broadcast %jit3A_362 : i32 to vector<16xi32>
    %select_n3A_365 = arith.select %eq3A_360, %broadcast_in_dim3A_363, %broadcast_in_dim3A_364 : vector<16xi1>, vector<16xi32>
    %broadcast_in_dim3A_366 = arith.constant true
    %broadcast_in_dim3A_367 = vector.broadcast %broadcast_in_dim3A_366 : i1 to vector<16xi1>
    %masked_cumsum3A_368 = tpu.scan <sum>, %select_n3A_365 masked %broadcast_in_dim3A_367 : vector<16xi32>, vector<16xi1> -> vector<16xi32>
    %add3A_369 = vector.broadcast %squeeze3A_168 : i32 to vector<16xi32>
    %add3A_370 = arith.addi %add3A_369, %masked_cumsum3A_368 : vector<16xi32>
    %sub3A_371 = arith.constant 1 : i32
    %sub3A_372 = vector.broadcast %sub3A_371 : i32 to vector<16xi32>
    %sub3A_373 = arith.subi %add3A_370, %sub3A_372 : vector<16xi32>
    %select_n3A_374 = arith.select %eq3A_360, %sub3A_373, %select_n3A_348 : vector<16xi1>, vector<16xi32>
    %reduce_max3A_375 = arith.constant true
    %reduce_max3A_376 = vector.broadcast %reduce_max3A_375 : i1 to vector<16xi1>
    %reduce_max3A_377 = arith.constant -2147483648 : i32
    %reduce_max3A_378 = vector.broadcast %reduce_max3A_377 : i32 to vector<16xi32>
    %reduce_max3A_379 = arith.xori %masked_cumsum3A_368, %reduce_max3A_378 : vector<16xi32>
    %reduce_max3A_380 = tpu.scan <max>, %reduce_max3A_379 masked %reduce_max3A_376 : vector<16xi32>, vector<16xi1> -> vector<16xi32>
    %reduce_max3A_381 = arith.xori %reduce_max3A_380, %reduce_max3A_378 : vector<16xi32>
    %reduce_max3A_382 = vector.extract %reduce_max3A_381[15] : i32 from vector<16xi32>
    %add3A_383 = arith.addi %squeeze3A_168, %reduce_max3A_382 : i32
    %swap3A_384 = arith.constant 0 : index
    %swap3A_385 = tpu.vector_load %arg13[%swap3A_384] {strides = array<i32>} : memref<128xi32, #tpu.memory_space<vmem>>, vector<16xi32>,
    tpu.vector_store %arg13[%swap3A_384], %select_n3A_374 {strides = array<i32>} : memref<128xi32, #tpu.memory_space<vmem>>, vector<16xi32>,
    %swap3A_386 = arith.constant 0 : index
    %swap3A_387 = tpu.vector_load %arg14[%swap3A_386] {strides = array<i32>} : memref<32xi32, #tpu.memory_space<vmem>>, vector<16xi32>,
    tpu.vector_store %arg14[%swap3A_386], %select_n3A_374 {strides = array<i32>} : memref<32xi32, #tpu.memory_space<vmem>>, vector<16xi32>,
    %add3A_388 = arith.constant 1 : i32
    %add3A_389 = arith.addi %mul3A_66, %add3A_388 : i32
    %mul3A_390 = arith.constant 16 : i32
    %mul3A_391 = arith.muli %add3A_389, %mul3A_390 : i32
    %get3A_392 = arith.index_cast %mul3A_391 : i32 to index
    %get3A_393 = tpu.vector_load %arg8[%get3A_392] {strides = array<i32>} : memref<4096xi32, #tpu.memory_space<vmem>>, vector<16xi32>,
    %broadcast_in_dim3A_394 = arith.constant 0 : i32
    %broadcast_in_dim3A_395 = vector.broadcast %broadcast_in_dim3A_394 : i32 to vector<16xi32>
    %eq3A_396 = arith.constant 0 : i32
    %eq3A_397 = vector.broadcast %eq3A_396 : i32 to vector<16xi32>
    %eq3A_398 = arith.cmpi eq, %get3A_393, %eq3A_397 : vector<16xi32>
    %jit3A_399 = arith.constant 1 : i32
    %jit3A_400 = arith.constant 0 : i32
    %broadcast_in_dim3A_401 = vector.broadcast %jit3A_399 : i32 to vector<16xi32>
    %broadcast_in_dim3A_402 = vector.broadcast %jit3A_400 : i32 to vector<16xi32>
    %select_n3A_403 = arith.select %eq3A_398, %broadcast_in_dim3A_401, %broadcast_in_dim3A_402 : vector<16xi1>, vector<16xi32>
    %broadcast_in_dim3A_404 = arith.constant true
    %broadcast_in_dim3A_405 = vector.broadcast %broadcast_in_dim3A_404 : i1 to vector<16xi1>
    %masked_cumsum3A_406 = tpu.scan <sum>, %select_n3A_403 masked %broadcast_in_dim3A_405 : vector<16xi32>, vector<16xi1> -> vector<16xi32>
    %add3A_407 = vector.broadcast %add3A_201 : i32 to vector<16xi32>
    %add3A_408 = arith.addi %add3A_407, %masked_cumsum3A_406 : vector<16xi32>
    %sub3A_409 = arith.constant 1 : i32
    %sub3A_410 = vector.broadcast %sub3A_409 : i32 to vector<16xi32>
    %sub3A_411 = arith.subi %add3A_408, %sub3A_410 : vector<16xi32>
    %select_n3A_412 = arith.select %eq3A_398, %sub3A_411, %broadcast_in_dim3A_395 : vector<16xi1>, vector<16xi32>
    %reduce_max3A_413 = arith.constant true
    %reduce_max3A_414 = vector.broadcast %reduce_max3A_413 : i1 to vector<16xi1>
    %reduce_max3A_415 = arith.constant -2147483648 : i32
    %reduce_max3A_416 = vector.broadcast %reduce_max3A_415 : i32 to vector<16xi32>
    %reduce_max3A_417 = arith.xori %masked_cumsum3A_406, %reduce_max3A_416 : vector<16xi32>
    %reduce_max3A_418 = tpu.scan <max>, %reduce_max3A_417 masked %reduce_max3A_414 : vector<16xi32>, vector<16xi1> -> vector<16xi32>
    %reduce_max3A_419 = arith.xori %reduce_max3A_418, %reduce_max3A_416 : vector<16xi32>
    %reduce_max3A_420 = vector.extract %reduce_max3A_419[15] : i32 from vector<16xi32>
    %add3A_421 = arith.addi %add3A_201, %reduce_max3A_420 : i32
    %eq3A_422 = arith.constant 1 : i32
    %eq3A_423 = vector.broadcast %eq3A_422 : i32 to vector<16xi32>
    %eq3A_424 = arith.cmpi eq, %get3A_393, %eq3A_423 : vector<16xi32>
    %jit3A_425 = arith.constant 1 : i32
    %jit3A_426 = arith.constant 0 : i32
    %broadcast_in_dim3A_427 = vector.broadcast %jit3A_425 : i32 to vector<16xi32>
    %broadcast_in_dim3A_428 = vector.broadcast %jit3A_426 : i32 to vector<16xi32>
    %select_n3A_429 = arith.select %eq3A_424, %broadcast_in_dim3A_427, %broadcast_in_dim3A_428 : vector<16xi1>, vector<16xi32>
    %broadcast_in_dim3A_430 = arith.constant true
    %broadcast_in_dim3A_431 = vector.broadcast %broadcast_in_dim3A_430 : i1 to vector<16xi1>
    %masked_cumsum3A_432 = tpu.scan <sum>, %select_n3A_429 masked %broadcast_in_dim3A_431 : vector<16xi32>, vector<16xi1> -> vector<16xi32>
    %add3A_433 = vector.broadcast %add3A_227 : i32 to vector<16xi32>
    %add3A_434 = arith.addi %add3A_433, %masked_cumsum3A_432 : vector<16xi32>
    %sub3A_435 = arith.constant 1 : i32
    %sub3A_436 = vector.broadcast %sub3A_435 : i32 to vector<16xi32>
    %sub3A_437 = arith.subi %add3A_434, %sub3A_436 : vector<16xi32>
    %select_n3A_438 = arith.select %eq3A_424, %sub3A_437, %select_n3A_412 : vector<16xi1>, vector<16xi32>
    %reduce_max3A_439 = arith.constant true
    %reduce_max3A_440 = vector.broadcast %reduce_max3A_439 : i1 to vector<16xi1>
    %reduce_max3A_441 = arith.constant -2147483648 : i32
    %reduce_max3A_442 = vector.broadcast %reduce_max3A_441 : i32 to vector<16xi32>
    %reduce_max3A_443 = arith.xori %masked_cumsum3A_432, %reduce_max3A_442 : vector<16xi32>
    %reduce_max3A_444 = tpu.scan <max>, %reduce_max3A_443 masked %reduce_max3A_440 : vector<16xi32>, vector<16xi1> -> vector<16xi32>
    %reduce_max3A_445 = arith.xori %reduce_max3A_444, %reduce_max3A_442 : vector<16xi32>
    %reduce_max3A_446 = vector.extract %reduce_max3A_445[15] : i32 from vector<16xi32>
    %add3A_447 = arith.addi %add3A_227, %reduce_max3A_446 : i32
    %eq3A_448 = arith.constant 2 : i32
    %eq3A_449 = vector.broadcast %eq3A_448 : i32 to vector<16xi32>
    %eq3A_450 = arith.cmpi eq, %get3A_393, %eq3A_449 : vector<16xi32>
    %jit3A_451 = arith.constant 1 : i32
    %jit3A_452 = arith.constant 0 : i32
    %broadcast_in_dim3A_453 = vector.broadcast %jit3A_451 : i32 to vector<16xi32>
    %broadcast_in_dim3A_454 = vector.broadcast %jit3A_452 : i32 to vector<16xi32>
    %select_n3A_455 = arith.select %eq3A_450, %broadcast_in_dim3A_453, %broadcast_in_dim3A_454 : vector<16xi1>, vector<16xi32>
    %broadcast_in_dim3A_456 = arith.constant true
    %broadcast_in_dim3A_457 = vector.broadcast %broadcast_in_dim3A_456 : i1 to vector<16xi1>
    %masked_cumsum3A_458 = tpu.scan <sum>, %select_n3A_455 masked %broadcast_in_dim3A_457 : vector<16xi32>, vector<16xi1> -> vector<16xi32>
    %add3A_459 = vector.broadcast %add3A_253 : i32 to vector<16xi32>
    %add3A_460 = arith.addi %add3A_459, %masked_cumsum3A_458 : vector<16xi32>
    %sub3A_461 = arith.constant 1 : i32
    %sub3A_462 = vector.broadcast %sub3A_461 : i32 to vector<16xi32>
    %sub3A_463 = arith.subi %add3A_460, %sub3A_462 : vector<16xi32>
    %select_n3A_464 = arith.select %eq3A_450, %sub3A_463, %select_n3A_438 : vector<16xi1>, vector<16xi32>
    %reduce_max3A_465 = arith.constant true
    %reduce_max3A_466 = vector.broadcast %reduce_max3A_465 : i1 to vector<16xi1>
    %reduce_max3A_467 = arith.constant -2147483648 : i32
    %reduce_max3A_468 = vector.broadcast %reduce_max3A_467 : i32 to vector<16xi32>
    %reduce_max3A_469 = arith.xori %masked_cumsum3A_458, %reduce_max3A_468 : vector<16xi32>
    %reduce_max3A_470 = tpu.scan <max>, %reduce_max3A_469 masked %reduce_max3A_466 : vector<16xi32>, vector<16xi1> -> vector<16xi32>
    %reduce_max3A_471 = arith.xori %reduce_max3A_470, %reduce_max3A_468 : vector<16xi32>
    %reduce_max3A_472 = vector.extract %reduce_max3A_471[15] : i32 from vector<16xi32>
    %add3A_473 = arith.addi %add3A_253, %reduce_max3A_472 : i32
    %eq3A_474 = arith.constant 3 : i32
    %eq3A_475 = vector.broadcast %eq3A_474 : i32 to vector<16xi32>
    %eq3A_476 = arith.cmpi eq, %get3A_393, %eq3A_475 : vector<16xi32>
    %jit3A_477 = arith.constant 1 : i32
    %jit3A_478 = arith.constant 0 : i32
    %broadcast_in_dim3A_479 = vector.broadcast %jit3A_477 : i32 to vector<16xi32>
    %broadcast_in_dim3A_480 = vector.broadcast %jit3A_478 : i32 to vector<16xi32>
    %select_n3A_481 = arith.select %eq3A_476, %broadcast_in_dim3A_479, %broadcast_in_dim3A_480 : vector<16xi1>, vector<16xi32>
    %broadcast_in_dim3A_482 = arith.constant true
    %broadcast_in_dim3A_483 = vector.broadcast %broadcast_in_dim3A_482 : i1 to vector<16xi1>
    %masked_cumsum3A_484 = tpu.scan <sum>, %select_n3A_481 masked %broadcast_in_dim3A_483 : vector<16xi32>, vector<16xi1> -> vector<16xi32>
    %add3A_485 = vector.broadcast %add3A_279 : i32 to vector<16xi32>
    %add3A_486 = arith.addi %add3A_485, %masked_cumsum3A_484 : vector<16xi32>
    %sub3A_487 = arith.constant 1 : i32
    %sub3A_488 = vector.broadcast %sub3A_487 : i32 to vector<16xi32>
    %sub3A_489 = arith.subi %add3A_486, %sub3A_488 : vector<16xi32>
    %select_n3A_490 = arith.select %eq3A_476, %sub3A_489, %select_n3A_464 : vector<16xi1>, vector<16xi32>
    %reduce_max3A_491 = arith.constant true
    %reduce_max3A_492 = vector.broadcast %reduce_max3A_491 : i1 to vector<16xi1>
    %reduce_max3A_493 = arith.constant -2147483648 : i32
    %reduce_max3A_494 = vector.broadcast %reduce_max3A_493 : i32 to vector<16xi32>
    %reduce_max3A_495 = arith.xori %masked_cumsum3A_484, %reduce_max3A_494 : vector<16xi32>
    %reduce_max3A_496 = tpu.scan <max>, %reduce_max3A_495 masked %reduce_max3A_492 : vector<16xi32>, vector<16xi1> -> vector<16xi32>
    %reduce_max3A_497 = arith.xori %reduce_max3A_496, %reduce_max3A_494 : vector<16xi32>
    %reduce_max3A_498 = vector.extract %reduce_max3A_497[15] : i32 from vector<16xi32>
    %add3A_499 = arith.addi %add3A_279, %reduce_max3A_498 : i32
    %eq3A_500 = arith.constant 4 : i32
    %eq3A_501 = vector.broadcast %eq3A_500 : i32 to vector<16xi32>
    %eq3A_502 = arith.cmpi eq, %get3A_393, %eq3A_501 : vector<16xi32>
    %jit3A_503 = arith.constant 1 : i32
    %jit3A_504 = arith.constant 0 : i32
    %broadcast_in_dim3A_505 = vector.broadcast %jit3A_503 : i32 to vector<16xi32>
    %broadcast_in_dim3A_506 = vector.broadcast %jit3A_504 : i32 to vector<16xi32>
    %select_n3A_507 = arith.select %eq3A_502, %broadcast_in_dim3A_505, %broadcast_in_dim3A_506 : vector<16xi1>, vector<16xi32>
    %broadcast_in_dim3A_508 = arith.constant true
    %broadcast_in_dim3A_509 = vector.broadcast %broadcast_in_dim3A_508 : i1 to vector<16xi1>
    %masked_cumsum3A_510 = tpu.scan <sum>, %select_n3A_507 masked %broadcast_in_dim3A_509 : vector<16xi32>, vector<16xi1> -> vector<16xi32>
    %add3A_511 = vector.broadcast %add3A_305 : i32 to vector<16xi32>
    %add3A_512 = arith.addi %add3A_511, %masked_cumsum3A_510 : vector<16xi32>
    %sub3A_513 = arith.constant 1 : i32
    %sub3A_514 = vector.broadcast %sub3A_513 : i32 to vector<16xi32>
    %sub3A_515 = arith.subi %add3A_512, %sub3A_514 : vector<16xi32>
    %select_n3A_516 = arith.select %eq3A_502, %sub3A_515, %select_n3A_490 : vector<16xi1>, vector<16xi32>
    %reduce_max3A_517 = arith.constant true
    %reduce_max3A_518 = vector.broadcast %reduce_max3A_517 : i1 to vector<16xi1>
    %reduce_max3A_519 = arith.constant -2147483648 : i32
    %reduce_max3A_520 = vector.broadcast %reduce_max3A_519 : i32 to vector<16xi32>
    %reduce_max3A_521 = arith.xori %masked_cumsum3A_510, %reduce_max3A_520 : vector<16xi32>
    %reduce_max3A_522 = tpu.scan <max>, %reduce_max3A_521 masked %reduce_max3A_518 : vector<16xi32>, vector<16xi1> -> vector<16xi32>
    %reduce_max3A_523 = arith.xori %reduce_max3A_522, %reduce_max3A_520 : vector<16xi32>
    %reduce_max3A_524 = vector.extract %reduce_max3A_523[15] : i32 from vector<16xi32>
    %add3A_525 = arith.addi %add3A_305, %reduce_max3A_524 : i32
    %eq3A_526 = arith.constant 5 : i32
    %eq3A_527 = vector.broadcast %eq3A_526 : i32 to vector<16xi32>
    %eq3A_528 = arith.cmpi eq, %get3A_393, %eq3A_527 : vector<16xi32>
    %jit3A_529 = arith.constant 1 : i32
    %jit3A_530 = arith.constant 0 : i32
    %broadcast_in_dim3A_531 = vector.broadcast %jit3A_529 : i32 to vector<16xi32>
    %broadcast_in_dim3A_532 = vector.broadcast %jit3A_530 : i32 to vector<16xi32>
    %select_n3A_533 = arith.select %eq3A_528, %broadcast_in_dim3A_531, %broadcast_in_dim3A_532 : vector<16xi1>, vector<16xi32>
    %broadcast_in_dim3A_534 = arith.constant true
    %broadcast_in_dim3A_535 = vector.broadcast %broadcast_in_dim3A_534 : i1 to vector<16xi1>
    %masked_cumsum3A_536 = tpu.scan <sum>, %select_n3A_533 masked %broadcast_in_dim3A_535 : vector<16xi32>, vector<16xi1> -> vector<16xi32>
    %add3A_537 = vector.broadcast %add3A_331 : i32 to vector<16xi32>
    %add3A_538 = arith.addi %add3A_537, %masked_cumsum3A_536 : vector<16xi32>
    %sub3A_539 = arith.constant 1 : i32
    %sub3A_540 = vector.broadcast %sub3A_539 : i32 to vector<16xi32>
    %sub3A_541 = arith.subi %add3A_538, %sub3A_540 : vector<16xi32>
    %select_n3A_542 = arith.select %eq3A_528, %sub3A_541, %select_n3A_516 : vector<16xi1>, vector<16xi32>
    %reduce_max3A_543 = arith.constant true
    %reduce_max3A_544 = vector.broadcast %reduce_max3A_543 : i1 to vector<16xi1>
    %reduce_max3A_545 = arith.constant -2147483648 : i32
    %reduce_max3A_546 = vector.broadcast %reduce_max3A_545 : i32 to vector<16xi32>
    %reduce_max3A_547 = arith.xori %masked_cumsum3A_536, %reduce_max3A_546 : vector<16xi32>
    %reduce_max3A_548 = tpu.scan <max>, %reduce_max3A_547 masked %reduce_max3A_544 : vector<16xi32>, vector<16xi1> -> vector<16xi32>
    %reduce_max3A_549 = arith.xori %reduce_max3A_548, %reduce_max3A_546 : vector<16xi32>
    %reduce_max3A_550 = vector.extract %reduce_max3A_549[15] : i32 from vector<16xi32>
    %add3A_551 = arith.addi %add3A_331, %reduce_max3A_550 : i32
    %eq3A_552 = arith.constant 6 : i32
    %eq3A_553 = vector.broadcast %eq3A_552 : i32 to vector<16xi32>
    %eq3A_554 = arith.cmpi eq, %get3A_393, %eq3A_553 : vector<16xi32>
    %jit3A_555 = arith.constant 1 : i32
    %jit3A_556 = arith.constant 0 : i32
    %broadcast_in_dim3A_557 = vector.broadcast %jit3A_555 : i32 to vector<16xi32>
    %broadcast_in_dim3A_558 = vector.broadcast %jit3A_556 : i32 to vector<16xi32>
    %select_n3A_559 = arith.select %eq3A_554, %broadcast_in_dim3A_557, %broadcast_in_dim3A_558 : vector<16xi1>, vector<16xi32>
    %broadcast_in_dim3A_560 = arith.constant true
    %broadcast_in_dim3A_561 = vector.broadcast %broadcast_in_dim3A_560 : i1 to vector<16xi1>
    %masked_cumsum3A_562 = tpu.scan <sum>, %select_n3A_559 masked %broadcast_in_dim3A_561 : vector<16xi32>, vector<16xi1> -> vector<16xi32>
    %add3A_563 = vector.broadcast %add3A_357 : i32 to vector<16xi32>
    %add3A_564 = arith.addi %add3A_563, %masked_cumsum3A_562 : vector<16xi32>
    %sub3A_565 = arith.constant 1 : i32
    %sub3A_566 = vector.broadcast %sub3A_565 : i32 to vector<16xi32>
    %sub3A_567 = arith.subi %add3A_564, %sub3A_566 : vector<16xi32>
    %select_n3A_568 = arith.select %eq3A_554, %sub3A_567, %select_n3A_542 : vector<16xi1>, vector<16xi32>
    %reduce_max3A_569 = arith.constant true
    %reduce_max3A_570 = vector.broadcast %reduce_max3A_569 : i1 to vector<16xi1>
    %reduce_max3A_571 = arith.constant -2147483648 : i32
    %reduce_max3A_572 = vector.broadcast %reduce_max3A_571 : i32 to vector<16xi32>
    %reduce_max3A_573 = arith.xori %masked_cumsum3A_562, %reduce_max3A_572 : vector<16xi32>
    %reduce_max3A_574 = tpu.scan <max>, %reduce_max3A_573 masked %reduce_max3A_570 : vector<16xi32>, vector<16xi1> -> vector<16xi32>
    %reduce_max3A_575 = arith.xori %reduce_max3A_574, %reduce_max3A_572 : vector<16xi32>
    %reduce_max3A_576 = vector.extract %reduce_max3A_575[15] : i32 from vector<16xi32>
    %add3A_577 = arith.addi %add3A_357, %reduce_max3A_576 : i32
    %eq3A_578 = arith.constant 7 : i32
    %eq3A_579 = vector.broadcast %eq3A_578 : i32 to vector<16xi32>
    %eq3A_580 = arith.cmpi eq, %get3A_393, %eq3A_579 : vector<16xi32>
    %jit3A_581 = arith.constant 1 : i32
    %jit3A_582 = arith.constant 0 : i32
    %broadcast_in_dim3A_583 = vector.broadcast %jit3A_581 : i32 to vector<16xi32>
    %broadcast_in_dim3A_584 = vector.broadcast %jit3A_582 : i32 to vector<16xi32>
    %select_n3A_585 = arith.select %eq3A_580, %broadcast_in_dim3A_583, %broadcast_in_dim3A_584 : vector<16xi1>, vector<16xi32>
    %broadcast_in_dim3A_586 = arith.constant true
    %broadcast_in_dim3A_587 = vector.broadcast %broadcast_in_dim3A_586 : i1 to vector<16xi1>
    %masked_cumsum3A_588 = tpu.scan <sum>, %select_n3A_585 masked %broadcast_in_dim3A_587 : vector<16xi32>, vector<16xi1> -> vector<16xi32>
    %add3A_589 = vector.broadcast %add3A_383 : i32 to vector<16xi32>
    %add3A_590 = arith.addi %add3A_589, %masked_cumsum3A_588 : vector<16xi32>
    %sub3A_591 = arith.constant 1 : i32
    %sub3A_592 = vector.broadcast %sub3A_591 : i32 to vector<16xi32>
    %sub3A_593 = arith.subi %add3A_590, %sub3A_592 : vector<16xi32>
    %select_n3A_594 = arith.select %eq3A_580, %sub3A_593, %select_n3A_568 : vector<16xi1>, vector<16xi32>
    %reduce_max3A_595 = arith.constant true
    %reduce_max3A_596 = vector.broadcast %reduce_max3A_595 : i1 to vector<16xi1>
    %reduce_max3A_597 = arith.constant -2147483648 : i32
    %reduce_max3A_598 = vector.broadcast %reduce_max3A_597 : i32 to vector<16xi32>
    %reduce_max3A_599 = arith.xori %masked_cumsum3A_588, %reduce_max3A_598 : vector<16xi32>
    %reduce_max3A_600 = tpu.scan <max>, %reduce_max3A_599 masked %reduce_max3A_596 : vector<16xi32>, vector<16xi1> -> vector<16xi32>
    %reduce_max3A_601 = arith.xori %reduce_max3A_600, %reduce_max3A_598 : vector<16xi32>
    %reduce_max3A_602 = vector.extract %reduce_max3A_601[15] : i32 from vector<16xi32>
    %add3A_603 = arith.addi %add3A_383, %reduce_max3A_602 : i32
    %swap3A_604 = arith.constant 16 : index
    %swap3A_605 = tpu.vector_load %arg13[%swap3A_604] {strides = array<i32>} : memref<128xi32, #tpu.memory_space<vmem>>, vector<16xi32>,
    tpu.vector_store %arg13[%swap3A_604], %select_n3A_594 {strides = array<i32>} : memref<128xi32, #tpu.memory_space<vmem>>, vector<16xi32>,
    %swap3A_606 = arith.constant 16 : index
    %swap3A_607 = tpu.vector_load %arg14[%swap3A_606] {strides = array<i32>} : memref<32xi32, #tpu.memory_space<vmem>>, vector<16xi32>,
    tpu.vector_store %arg14[%swap3A_606], %select_n3A_594 {strides = array<i32>} : memref<32xi32, #tpu.memory_space<vmem>>, vector<16xi32>,
    %add3A_608 = arith.constant 2 : i32
    %add3A_609 = arith.addi %mul3A_66, %add3A_608 : i32
    %mul3A_610 = arith.constant 16 : i32
    %mul3A_611 = arith.muli %add3A_609, %mul3A_610 : i32
    %get3A_612 = arith.index_cast %mul3A_611 : i32 to index
    %get3A_613 = tpu.vector_load %arg8[%get3A_612] {strides = array<i32>} : memref<4096xi32, #tpu.memory_space<vmem>>, vector<16xi32>,
    %broadcast_in_dim3A_614 = arith.constant 0 : i32
    %broadcast_in_dim3A_615 = vector.broadcast %broadcast_in_dim3A_614 : i32 to vector<16xi32>
    %eq3A_616 = arith.constant 0 : i32
    %eq3A_617 = vector.broadcast %eq3A_616 : i32 to vector<16xi32>
    %eq3A_618 = arith.cmpi eq, %get3A_613, %eq3A_617 : vector<16xi32>
    %jit3A_619 = arith.constant 1 : i32
    %jit3A_620 = arith.constant 0 : i32
    %broadcast_in_dim3A_621 = vector.broadcast %jit3A_619 : i32 to vector<16xi32>
    %broadcast_in_dim3A_622 = vector.broadcast %jit3A_620 : i32 to vector<16xi32>
    %select_n3A_623 = arith.select %eq3A_618, %broadcast_in_dim3A_621, %broadcast_in_dim3A_622 : vector<16xi1>, vector<16xi32>
    %broadcast_in_dim3A_624 = arith.constant true
    %broadcast_in_dim3A_625 = vector.broadcast %broadcast_in_dim3A_624 : i1 to vector<16xi1>
    %masked_cumsum3A_626 = tpu.scan <sum>, %select_n3A_623 masked %broadcast_in_dim3A_625 : vector<16xi32>, vector<16xi1> -> vector<16xi32>
    %add3A_627 = vector.broadcast %add3A_421 : i32 to vector<16xi32>
    %add3A_628 = arith.addi %add3A_627, %masked_cumsum3A_626 : vector<16xi32>
    %sub3A_629 = arith.constant 1 : i32
    %sub3A_630 = vector.broadcast %sub3A_629 : i32 to vector<16xi32>
    %sub3A_631 = arith.subi %add3A_628, %sub3A_630 : vector<16xi32>
    %select_n3A_632 = arith.select %eq3A_618, %sub3A_631, %broadcast_in_dim3A_615 : vector<16xi1>, vector<16xi32>
    %reduce_max3A_633 = arith.constant true
    %reduce_max3A_634 = vector.broadcast %reduce_max3A_633 : i1 to vector<16xi1>
    %reduce_max3A_635 = arith.constant -2147483648 : i32
    %reduce_max3A_636 = vector.broadcast %reduce_max3A_635 : i32 to vector<16xi32>
    %reduce_max3A_637 = arith.xori %masked_cumsum3A_626, %reduce_max3A_636 : vector<16xi32>
    %reduce_max3A_638 = tpu.scan <max>, %reduce_max3A_637 masked %reduce_max3A_634 : vector<16xi32>, vector<16xi1> -> vector<16xi32>
    %reduce_max3A_639 = arith.xori %reduce_max3A_638, %reduce_max3A_636 : vector<16xi32>
    %reduce_max3A_640 = vector.extract %reduce_max3A_639[15] : i32 from vector<16xi32>
    %add3A_641 = arith.addi %add3A_421, %reduce_max3A_640 : i32
    %eq3A_642 = arith.constant 1 : i32
    %eq3A_643 = vector.broadcast %eq3A_642 : i32 to vector<16xi32>
    %eq3A_644 = arith.cmpi eq, %get3A_613, %eq3A_643 : vector<16xi32>
    %jit3A_645 = arith.constant 1 : i32
    %jit3A_646 = arith.constant 0 : i32
    %broadcast_in_dim3A_647 = vector.broadcast %jit3A_645 : i32 to vector<16xi32>
    %broadcast_in_dim3A_648 = vector.broadcast %jit3A_646 : i32 to vector<16xi32>
    %select_n3A_649 = arith.select %eq3A_644, %broadcast_in_dim3A_647, %broadcast_in_dim3A_648 : vector<16xi1>, vector<16xi32>
    %broadcast_in_dim3A_650 = arith.constant true
    %broadcast_in_dim3A_651 = vector.broadcast %broadcast_in_dim3A_650 : i1 to vector<16xi1>
    %masked_cumsum3A_652 = tpu.scan <sum>, %select_n3A_649 masked %broadcast_in_dim3A_651 : vector<16xi32>, vector<16xi1> -> vector<16xi32>
    %add3A_653 = vector.broadcast %add3A_447 : i32 to vector<16xi32>
    %add3A_654 = arith.addi %add3A_653, %masked_cumsum3A_652 : vector<16xi32>
    %sub3A_655 = arith.constant 1 : i32
    %sub3A_656 = vector.broadcast %sub3A_655 : i32 to vector<16xi32>
    %sub3A_657 = arith.subi %add3A_654, %sub3A_656 : vector<16xi32>
    %select_n3A_658 = arith.select %eq3A_644, %sub3A_657, %select_n3A_632 : vector<16xi1>, vector<16xi32>
    %reduce_max3A_659 = arith.constant true
    %reduce_max3A_660 = vector.broadcast %reduce_max3A_659 : i1 to vector<16xi1>
    %reduce_max3A_661 = arith.constant -2147483648 : i32
    %reduce_max3A_662 = vector.broadcast %reduce_max3A_661 : i32 to vector<16xi32>
    %reduce_max3A_663 = arith.xori %masked_cumsum3A_652, %reduce_max3A_662 : vector<16xi32>
    %reduce_max3A_664 = tpu.scan <max>, %reduce_max3A_663 masked %reduce_max3A_660 : vector<16xi32>, vector<16xi1> -> vector<16xi32>
    %reduce_max3A_665 = arith.xori %reduce_max3A_664, %reduce_max3A_662 : vector<16xi32>
    %reduce_max3A_666 = vector.extract %reduce_max3A_665[15] : i32 from vector<16xi32>
    %add3A_667 = arith.addi %add3A_447, %reduce_max3A_666 : i32
    %eq3A_668 = arith.constant 2 : i32
    %eq3A_669 = vector.broadcast %eq3A_668 : i32 to vector<16xi32>
    %eq3A_670 = arith.cmpi eq, %get3A_613, %eq3A_669 : vector<16xi32>
    %jit3A_671 = arith.constant 1 : i32
    %jit3A_672 = arith.constant 0 : i32
    %broadcast_in_dim3A_673 = vector.broadcast %jit3A_671 : i32 to vector<16xi32>
    %broadcast_in_dim3A_674 = vector.broadcast %jit3A_672 : i32 to vector<16xi32>
    %select_n3A_675 = arith.select %eq3A_670, %broadcast_in_dim3A_673, %broadcast_in_dim3A_674 : vector<16xi1>, vector<16xi32>
    %broadcast_in_dim3A_676 = arith.constant true
    %broadcast_in_dim3A_677 = vector.broadcast %broadcast_in_dim3A_676 : i1 to vector<16xi1>
    %masked_cumsum3A_678 = tpu.scan <sum>, %select_n3A_675 masked %broadcast_in_dim3A_677 : vector<16xi32>, vector<16xi1> -> vector<16xi32>
    %add3A_679 = vector.broadcast %add3A_473 : i32 to vector<16xi32>
    %add3A_680 = arith.addi %add3A_679, %masked_cumsum3A_678 : vector<16xi32>
    %sub3A_681 = arith.constant 1 : i32
    %sub3A_682 = vector.broadcast %sub3A_681 : i32 to vector<16xi32>
    %sub3A_683 = arith.subi %add3A_680, %sub3A_682 : vector<16xi32>
    %select_n3A_684 = arith.select %eq3A_670, %sub3A_683, %select_n3A_658 : vector<16xi1>, vector<16xi32>
    %reduce_max3A_685 = arith.constant true
    %reduce_max3A_686 = vector.broadcast %reduce_max3A_685 : i1 to vector<16xi1>
    %reduce_max3A_687 = arith.constant -2147483648 : i32
    %reduce_max3A_688 = vector.broadcast %reduce_max3A_687 : i32 to vector<16xi32>
    %reduce_max3A_689 = arith.xori %masked_cumsum3A_678, %reduce_max3A_688 : vector<16xi32>
    %reduce_max3A_690 = tpu.scan <max>, %reduce_max3A_689 masked %reduce_max3A_686 : vector<16xi32>, vector<16xi1> -> vector<16xi32>
    %reduce_max3A_691 = arith.xori %reduce_max3A_690, %reduce_max3A_688 : vector<16xi32>
    %reduce_max3A_692 = vector.extract %reduce_max3A_691[15] : i32 from vector<16xi32>
    %add3A_693 = arith.addi %add3A_473, %reduce_max3A_692 : i32
    %eq3A_694 = arith.constant 3 : i32
    %eq3A_695 = vector.broadcast %eq3A_694 : i32 to vector<16xi32>
    %eq3A_696 = arith.cmpi eq, %get3A_613, %eq3A_695 : vector<16xi32>
    %jit3A_697 = arith.constant 1 : i32
    %jit3A_698 = arith.constant 0 : i32
    %broadcast_in_dim3A_699 = vector.broadcast %jit3A_697 : i32 to vector<16xi32>
    %broadcast_in_dim3A_700 = vector.broadcast %jit3A_698 : i32 to vector<16xi32>
    %select_n3A_701 = arith.select %eq3A_696, %broadcast_in_dim3A_699, %broadcast_in_dim3A_700 : vector<16xi1>, vector<16xi32>
    %broadcast_in_dim3A_702 = arith.constant true
    %broadcast_in_dim3A_703 = vector.broadcast %broadcast_in_dim3A_702 : i1 to vector<16xi1>
    %masked_cumsum3A_704 = tpu.scan <sum>, %select_n3A_701 masked %broadcast_in_dim3A_703 : vector<16xi32>, vector<16xi1> -> vector<16xi32>
    %add3A_705 = vector.broadcast %add3A_499 : i32 to vector<16xi32>
    %add3A_706 = arith.addi %add3A_705, %masked_cumsum3A_704 : vector<16xi32>
    %sub3A_707 = arith.constant 1 : i32
    %sub3A_708 = vector.broadcast %sub3A_707 : i32 to vector<16xi32>
    %sub3A_709 = arith.subi %add3A_706, %sub3A_708 : vector<16xi32>
    %select_n3A_710 = arith.select %eq3A_696, %sub3A_709, %select_n3A_684 : vector<16xi1>, vector<16xi32>
    %reduce_max3A_711 = arith.constant true
    %reduce_max3A_712 = vector.broadcast %reduce_max3A_711 : i1 to vector<16xi1>
    %reduce_max3A_713 = arith.constant -2147483648 : i32
    %reduce_max3A_714 = vector.broadcast %reduce_max3A_713 : i32 to vector<16xi32>
    %reduce_max3A_715 = arith.xori %masked_cumsum3A_704, %reduce_max3A_714 : vector<16xi32>
    %reduce_max3A_716 = tpu.scan <max>, %reduce_max3A_715 masked %reduce_max3A_712 : vector<16xi32>, vector<16xi1> -> vector<16xi32>
    %reduce_max3A_717 = arith.xori %reduce_max3A_716, %reduce_max3A_714 : vector<16xi32>
    %reduce_max3A_718 = vector.extract %reduce_max3A_717[15] : i32 from vector<16xi32>
    %add3A_719 = arith.addi %add3A_499, %reduce_max3A_718 : i32
    %eq3A_720 = arith.constant 4 : i32
    %eq3A_721 = vector.broadcast %eq3A_720 : i32 to vector<16xi32>
    %eq3A_722 = arith.cmpi eq, %get3A_613, %eq3A_721 : vector<16xi32>
    %jit3A_723 = arith.constant 1 : i32
    %jit3A_724 = arith.constant 0 : i32
    %broadcast_in_dim3A_725 = vector.broadcast %jit3A_723 : i32 to vector<16xi32>
    %broadcast_in_dim3A_726 = vector.broadcast %jit3A_724 : i32 to vector<16xi32>
    %select_n3A_727 = arith.select %eq3A_722, %broadcast_in_dim3A_725, %broadcast_in_dim3A_726 : vector<16xi1>, vector<16xi32>
    %broadcast_in_dim3A_728 = arith.constant true
    %broadcast_in_dim3A_729 = vector.broadcast %broadcast_in_dim3A_728 : i1 to vector<16xi1>
    %masked_cumsum3A_730 = tpu.scan <sum>, %select_n3A_727 masked %broadcast_in_dim3A_729 : vector<16xi32>, vector<16xi1> -> vector<16xi32>
    %add3A_731 = vector.broadcast %add3A_525 : i32 to vector<16xi32>
    %add3A_732 = arith.addi %add3A_731, %masked_cumsum3A_730 : vector<16xi32>
    %sub3A_733 = arith.constant 1 : i32
    %sub3A_734 = vector.broadcast %sub3A_733 : i32 to vector<16xi32>
    %sub3A_735 = arith.subi %add3A_732, %sub3A_734 : vector<16xi32>
    %select_n3A_736 = arith.select %eq3A_722, %sub3A_735, %select_n3A_710 : vector<16xi1>, vector<16xi32>
    %reduce_max3A_737 = arith.constant true
    %reduce_max3A_738 = vector.broadcast %reduce_max3A_737 : i1 to vector<16xi1>
    %reduce_max3A_739 = arith.constant -2147483648 : i32
    %reduce_max3A_740 = vector.broadcast %reduce_max3A_739 : i32 to vector<16xi32>
    %reduce_max3A_741 = arith.xori %masked_cumsum3A_730, %reduce_max3A_740 : vector<16xi32>
    %reduce_max3A_742 = tpu.scan <max>, %reduce_max3A_741 masked %reduce_max3A_738 : vector<16xi32>, vector<16xi1> -> vector<16xi32>
    %reduce_max3A_743 = arith.xori %reduce_max3A_742, %reduce_max3A_740 : vector<16xi32>
    %reduce_max3A_744 = vector.extract %reduce_max3A_743[15] : i32 from vector<16xi32>
    %add3A_745 = arith.addi %add3A_525, %reduce_max3A_744 : i32
    %eq3A_746 = arith.constant 5 : i32
    %eq3A_747 = vector.broadcast %eq3A_746 : i32 to vector<16xi32>
    %eq3A_748 = arith.cmpi eq, %get3A_613, %eq3A_747 : vector<16xi32>
    %jit3A_749 = arith.constant 1 : i32
    %jit3A_750 = arith.constant 0 : i32
    %broadcast_in_dim3A_751 = vector.broadcast %jit3A_749 : i32 to vector<16xi32>
    %broadcast_in_dim3A_752 = vector.broadcast %jit3A_750 : i32 to vector<16xi32>
    %select_n3A_753 = arith.select %eq3A_748, %broadcast_in_dim3A_751, %broadcast_in_dim3A_752 : vector<16xi1>, vector<16xi32>
    %broadcast_in_dim3A_754 = arith.constant true
    %broadcast_in_dim3A_755 = vector.broadcast %broadcast_in_dim3A_754 : i1 to vector<16xi1>
    %masked_cumsum3A_756 = tpu.scan <sum>, %select_n3A_753 masked %broadcast_in_dim3A_755 : vector<16xi32>, vector<16xi1> -> vector<16xi32>
    %add3A_757 = vector.broadcast %add3A_551 : i32 to vector<16xi32>
    %add3A_758 = arith.addi %add3A_757, %masked_cumsum3A_756 : vector<16xi32>
    %sub3A_759 = arith.constant 1 : i32
    %sub3A_760 = vector.broadcast %sub3A_759 : i32 to vector<16xi32>
    %sub3A_761 = arith.subi %add3A_758, %sub3A_760 : vector<16xi32>
    %select_n3A_762 = arith.select %eq3A_748, %sub3A_761, %select_n3A_736 : vector<16xi1>, vector<16xi32>
    %reduce_max3A_763 = arith.constant true
    %reduce_max3A_764 = vector.broadcast %reduce_max3A_763 : i1 to vector<16xi1>
    %reduce_max3A_765 = arith.constant -2147483648 : i32
    %reduce_max3A_766 = vector.broadcast %reduce_max3A_765 : i32 to vector<16xi32>
    %reduce_max3A_767 = arith.xori %masked_cumsum3A_756, %reduce_max3A_766 : vector<16xi32>
    %reduce_max3A_768 = tpu.scan <max>, %reduce_max3A_767 masked %reduce_max3A_764 : vector<16xi32>, vector<16xi1> -> vector<16xi32>
    %reduce_max3A_769 = arith.xori %reduce_max3A_768, %reduce_max3A_766 : vector<16xi32>
    %reduce_max3A_770 = vector.extract %reduce_max3A_769[15] : i32 from vector<16xi32>
    %add3A_771 = arith.addi %add3A_551, %reduce_max3A_770 : i32
    %eq3A_772 = arith.constant 6 : i32
    %eq3A_773 = vector.broadcast %eq3A_772 : i32 to vector<16xi32>
    %eq3A_774 = arith.cmpi eq, %get3A_613, %eq3A_773 : vector<16xi32>
    %jit3A_775 = arith.constant 1 : i32
    %jit3A_776 = arith.constant 0 : i32
    %broadcast_in_dim3A_777 = vector.broadcast %jit3A_775 : i32 to vector<16xi32>
    %broadcast_in_dim3A_778 = vector.broadcast %jit3A_776 : i32 to vector<16xi32>
    %select_n3A_779 = arith.select %eq3A_774, %broadcast_in_dim3A_777, %broadcast_in_dim3A_778 : vector<16xi1>, vector<16xi32>
    %broadcast_in_dim3A_780 = arith.constant true
    %broadcast_in_dim3A_781 = vector.broadcast %broadcast_in_dim3A_780 : i1 to vector<16xi1>
    %masked_cumsum3A_782 = tpu.scan <sum>, %select_n3A_779 masked %broadcast_in_dim3A_781 : vector<16xi32>, vector<16xi1> -> vector<16xi32>
    %add3A_783 = vector.broadcast %add3A_577 : i32 to vector<16xi32>
    %add3A_784 = arith.addi %add3A_783, %masked_cumsum3A_782 : vector<16xi32>
    %sub3A_785 = arith.constant 1 : i32
    %sub3A_786 = vector.broadcast %sub3A_785 : i32 to vector<16xi32>
    %sub3A_787 = arith.subi %add3A_784, %sub3A_786 : vector<16xi32>
    %select_n3A_788 = arith.select %eq3A_774, %sub3A_787, %select_n3A_762 : vector<16xi1>, vector<16xi32>
    %reduce_max3A_789 = arith.constant true
    %reduce_max3A_790 = vector.broadcast %reduce_max3A_789 : i1 to vector<16xi1>
    %reduce_max3A_791 = arith.constant -2147483648 : i32
    %reduce_max3A_792 = vector.broadcast %reduce_max3A_791 : i32 to vector<16xi32>
    %reduce_max3A_793 = arith.xori %masked_cumsum3A_782, %reduce_max3A_792 : vector<16xi32>
    %reduce_max3A_794 = tpu.scan <max>, %reduce_max3A_793 masked %reduce_max3A_790 : vector<16xi32>, vector<16xi1> -> vector<16xi32>
    %reduce_max3A_795 = arith.xori %reduce_max3A_794, %reduce_max3A_792 : vector<16xi32>
    %reduce_max3A_796 = vector.extract %reduce_max3A_795[15] : i32 from vector<16xi32>
    %add3A_797 = arith.addi %add3A_577, %reduce_max3A_796 : i32
    %eq3A_798 = arith.constant 7 : i32
    %eq3A_799 = vector.broadcast %eq3A_798 : i32 to vector<16xi32>
    %eq3A_800 = arith.cmpi eq, %get3A_613, %eq3A_799 : vector<16xi32>
    %jit3A_801 = arith.constant 1 : i32
    %jit3A_802 = arith.constant 0 : i32
    %broadcast_in_dim3A_803 = vector.broadcast %jit3A_801 : i32 to vector<16xi32>
    %broadcast_in_dim3A_804 = vector.broadcast %jit3A_802 : i32 to vector<16xi32>
    %select_n3A_805 = arith.select %eq3A_800, %broadcast_in_dim3A_803, %broadcast_in_dim3A_804 : vector<16xi1>, vector<16xi32>
    %broadcast_in_dim3A_806 = arith.constant true
    %broadcast_in_dim3A_807 = vector.broadcast %broadcast_in_dim3A_806 : i1 to vector<16xi1>
    %masked_cumsum3A_808 = tpu.scan <sum>, %select_n3A_805 masked %broadcast_in_dim3A_807 : vector<16xi32>, vector<16xi1> -> vector<16xi32>
    %add3A_809 = vector.broadcast %add3A_603 : i32 to vector<16xi32>
    %add3A_810 = arith.addi %add3A_809, %masked_cumsum3A_808 : vector<16xi32>
    %sub3A_811 = arith.constant 1 : i32
    %sub3A_812 = vector.broadcast %sub3A_811 : i32 to vector<16xi32>
    %sub3A_813 = arith.subi %add3A_810, %sub3A_812 : vector<16xi32>
    %select_n3A_814 = arith.select %eq3A_800, %sub3A_813, %select_n3A_788 : vector<16xi1>, vector<16xi32>
    %reduce_max3A_815 = arith.constant true
    %reduce_max3A_816 = vector.broadcast %reduce_max3A_815 : i1 to vector<16xi1>
    %reduce_max3A_817 = arith.constant -2147483648 : i32
    %reduce_max3A_818 = vector.broadcast %reduce_max3A_817 : i32 to vector<16xi32>
    %reduce_max3A_819 = arith.xori %masked_cumsum3A_808, %reduce_max3A_818 : vector<16xi32>
    %reduce_max3A_820 = tpu.scan <max>, %reduce_max3A_819 masked %reduce_max3A_816 : vector<16xi32>, vector<16xi1> -> vector<16xi32>
    %reduce_max3A_821 = arith.xori %reduce_max3A_820, %reduce_max3A_818 : vector<16xi32>
    %reduce_max3A_822 = vector.extract %reduce_max3A_821[15] : i32 from vector<16xi32>
    %add3A_823 = arith.addi %add3A_603, %reduce_max3A_822 : i32
    %swap3A_824 = arith.constant 32 : index
    %swap3A_825 = tpu.vector_load %arg13[%swap3A_824] {strides = array<i32>} : memref<128xi32, #tpu.memory_space<vmem>>, vector<16xi32>,
    tpu.vector_store %arg13[%swap3A_824], %select_n3A_814 {strides = array<i32>} : memref<128xi32, #tpu.memory_space<vmem>>, vector<16xi32>,
    %swap3A_826 = arith.constant 0 : index
    %swap3A_827 = tpu.vector_load %arg15[%swap3A_826] {strides = array<i32>} : memref<32xi32, #tpu.memory_space<vmem>>, vector<16xi32>,
    tpu.vector_store %arg15[%swap3A_826], %select_n3A_814 {strides = array<i32>} : memref<32xi32, #tpu.memory_space<vmem>>, vector<16xi32>,
    %add3A_828 = arith.constant 3 : i32
    %add3A_829 = arith.addi %mul3A_66, %add3A_828 : i32
    %mul3A_830 = arith.constant 16 : i32
    %mul3A_831 = arith.muli %add3A_829, %mul3A_830 : i32
    %get3A_832 = arith.index_cast %mul3A_831 : i32 to index
    %get3A_833 = tpu.vector_load %arg8[%get3A_832] {strides = array<i32>} : memref<4096xi32, #tpu.memory_space<vmem>>, vector<16xi32>,
    %broadcast_in_dim3A_834 = arith.constant 0 : i32
    %broadcast_in_dim3A_835 = vector.broadcast %broadcast_in_dim3A_834 : i32 to vector<16xi32>
    %eq3A_836 = arith.constant 0 : i32
    %eq3A_837 = vector.broadcast %eq3A_836 : i32 to vector<16xi32>
    %eq3A_838 = arith.cmpi eq, %get3A_833, %eq3A_837 : vector<16xi32>
    %jit3A_839 = arith.constant 1 : i32
    %jit3A_840 = arith.constant 0 : i32
    %broadcast_in_dim3A_841 = vector.broadcast %jit3A_839 : i32 to vector<16xi32>
    %broadcast_in_dim3A_842 = vector.broadcast %jit3A_840 : i32 to vector<16xi32>
    %select_n3A_843 = arith.select %eq3A_838, %broadcast_in_dim3A_841, %broadcast_in_dim3A_842 : vector<16xi1>, vector<16xi32>
    %broadcast_in_dim3A_844 = arith.constant true
    %broadcast_in_dim3A_845 = vector.broadcast %broadcast_in_dim3A_844 : i1 to vector<16xi1>
    %masked_cumsum3A_846 = tpu.scan <sum>, %select_n3A_843 masked %broadcast_in_dim3A_845 : vector<16xi32>, vector<16xi1> -> vector<16xi32>
    %add3A_847 = vector.broadcast %add3A_641 : i32 to vector<16xi32>
    %add3A_848 = arith.addi %add3A_847, %masked_cumsum3A_846 : vector<16xi32>
    %sub3A_849 = arith.constant 1 : i32
    %sub3A_850 = vector.broadcast %sub3A_849 : i32 to vector<16xi32>
    %sub3A_851 = arith.subi %add3A_848, %sub3A_850 : vector<16xi32>
    %select_n3A_852 = arith.select %eq3A_838, %sub3A_851, %broadcast_in_dim3A_835 : vector<16xi1>, vector<16xi32>
    %reduce_max3A_853 = arith.constant true
    %reduce_max3A_854 = vector.broadcast %reduce_max3A_853 : i1 to vector<16xi1>
    %reduce_max3A_855 = arith.constant -2147483648 : i32
    %reduce_max3A_856 = vector.broadcast %reduce_max3A_855 : i32 to vector<16xi32>
    %reduce_max3A_857 = arith.xori %masked_cumsum3A_846, %reduce_max3A_856 : vector<16xi32>
    %reduce_max3A_858 = tpu.scan <max>, %reduce_max3A_857 masked %reduce_max3A_854 : vector<16xi32>, vector<16xi1> -> vector<16xi32>
    %reduce_max3A_859 = arith.xori %reduce_max3A_858, %reduce_max3A_856 : vector<16xi32>
    %reduce_max3A_860 = vector.extract %reduce_max3A_859[15] : i32 from vector<16xi32>
    %add3A_861 = arith.addi %add3A_641, %reduce_max3A_860 : i32
    %eq3A_862 = arith.constant 1 : i32
    %eq3A_863 = vector.broadcast %eq3A_862 : i32 to vector<16xi32>
    %eq3A_864 = arith.cmpi eq, %get3A_833, %eq3A_863 : vector<16xi32>
    %jit3A_865 = arith.constant 1 : i32
    %jit3A_866 = arith.constant 0 : i32
    %broadcast_in_dim3A_867 = vector.broadcast %jit3A_865 : i32 to vector<16xi32>
    %broadcast_in_dim3A_868 = vector.broadcast %jit3A_866 : i32 to vector<16xi32>
    %select_n3A_869 = arith.select %eq3A_864, %broadcast_in_dim3A_867, %broadcast_in_dim3A_868 : vector<16xi1>, vector<16xi32>
    %broadcast_in_dim3A_870 = arith.constant true
    %broadcast_in_dim3A_871 = vector.broadcast %broadcast_in_dim3A_870 : i1 to vector<16xi1>
    %masked_cumsum3A_872 = tpu.scan <sum>, %select_n3A_869 masked %broadcast_in_dim3A_871 : vector<16xi32>, vector<16xi1> -> vector<16xi32>
    %add3A_873 = vector.broadcast %add3A_667 : i32 to vector<16xi32>
    %add3A_874 = arith.addi %add3A_873, %masked_cumsum3A_872 : vector<16xi32>
    %sub3A_875 = arith.constant 1 : i32
    %sub3A_876 = vector.broadcast %sub3A_875 : i32 to vector<16xi32>
    %sub3A_877 = arith.subi %add3A_874, %sub3A_876 : vector<16xi32>
    %select_n3A_878 = arith.select %eq3A_864, %sub3A_877, %select_n3A_852 : vector<16xi1>, vector<16xi32>
    %reduce_max3A_879 = arith.constant true
    %reduce_max3A_880 = vector.broadcast %reduce_max3A_879 : i1 to vector<16xi1>
    %reduce_max3A_881 = arith.constant -2147483648 : i32
    %reduce_max3A_882 = vector.broadcast %reduce_max3A_881 : i32 to vector<16xi32>
    %reduce_max3A_883 = arith.xori %masked_cumsum3A_872, %reduce_max3A_882 : vector<16xi32>
    %reduce_max3A_884 = tpu.scan <max>, %reduce_max3A_883 masked %reduce_max3A_880 : vector<16xi32>, vector<16xi1> -> vector<16xi32>
    %reduce_max3A_885 = arith.xori %reduce_max3A_884, %reduce_max3A_882 : vector<16xi32>
    %reduce_max3A_886 = vector.extract %reduce_max3A_885[15] : i32 from vector<16xi32>
    %add3A_887 = arith.addi %add3A_667, %reduce_max3A_886 : i32
    %eq3A_888 = arith.constant 2 : i32
    %eq3A_889 = vector.broadcast %eq3A_888 : i32 to vector<16xi32>
    %eq3A_890 = arith.cmpi eq, %get3A_833, %eq3A_889 : vector<16xi32>
    %jit3A_891 = arith.constant 1 : i32
    %jit3A_892 = arith.constant 0 : i32
    %broadcast_in_dim3A_893 = vector.broadcast %jit3A_891 : i32 to vector<16xi32>
    %broadcast_in_dim3A_894 = vector.broadcast %jit3A_892 : i32 to vector<16xi32>
    %select_n3A_895 = arith.select %eq3A_890, %broadcast_in_dim3A_893, %broadcast_in_dim3A_894 : vector<16xi1>, vector<16xi32>
    %broadcast_in_dim3A_896 = arith.constant true
    %broadcast_in_dim3A_897 = vector.broadcast %broadcast_in_dim3A_896 : i1 to vector<16xi1>
    %masked_cumsum3A_898 = tpu.scan <sum>, %select_n3A_895 masked %broadcast_in_dim3A_897 : vector<16xi32>, vector<16xi1> -> vector<16xi32>
    %add3A_899 = vector.broadcast %add3A_693 : i32 to vector<16xi32>
    %add3A_900 = arith.addi %add3A_899, %masked_cumsum3A_898 : vector<16xi32>
    %sub3A_901 = arith.constant 1 : i32
    %sub3A_902 = vector.broadcast %sub3A_901 : i32 to vector<16xi32>
    %sub3A_903 = arith.subi %add3A_900, %sub3A_902 : vector<16xi32>
    %select_n3A_904 = arith.select %eq3A_890, %sub3A_903, %select_n3A_878 : vector<16xi1>, vector<16xi32>
    %reduce_max3A_905 = arith.constant true
    %reduce_max3A_906 = vector.broadcast %reduce_max3A_905 : i1 to vector<16xi1>
    %reduce_max3A_907 = arith.constant -2147483648 : i32
    %reduce_max3A_908 = vector.broadcast %reduce_max3A_907 : i32 to vector<16xi32>
    %reduce_max3A_909 = arith.xori %masked_cumsum3A_898, %reduce_max3A_908 : vector<16xi32>
    %reduce_max3A_910 = tpu.scan <max>, %reduce_max3A_909 masked %reduce_max3A_906 : vector<16xi32>, vector<16xi1> -> vector<16xi32>
    %reduce_max3A_911 = arith.xori %reduce_max3A_910, %reduce_max3A_908 : vector<16xi32>
    %reduce_max3A_912 = vector.extract %reduce_max3A_911[15] : i32 from vector<16xi32>
    %add3A_913 = arith.addi %add3A_693, %reduce_max3A_912 : i32
    %eq3A_914 = arith.constant 3 : i32
    %eq3A_915 = vector.broadcast %eq3A_914 : i32 to vector<16xi32>
    %eq3A_916 = arith.cmpi eq, %get3A_833, %eq3A_915 : vector<16xi32>
    %jit3A_917 = arith.constant 1 : i32
    %jit3A_918 = arith.constant 0 : i32
    %broadcast_in_dim3A_919 = vector.broadcast %jit3A_917 : i32 to vector<16xi32>
    %broadcast_in_dim3A_920 = vector.broadcast %jit3A_918 : i32 to vector<16xi32>
    %select_n3A_921 = arith.select %eq3A_916, %broadcast_in_dim3A_919, %broadcast_in_dim3A_920 : vector<16xi1>, vector<16xi32>
    %broadcast_in_dim3A_922 = arith.constant true
    %broadcast_in_dim3A_923 = vector.broadcast %broadcast_in_dim3A_922 : i1 to vector<16xi1>
    %masked_cumsum3A_924 = tpu.scan <sum>, %select_n3A_921 masked %broadcast_in_dim3A_923 : vector<16xi32>, vector<16xi1> -> vector<16xi32>
    %add3A_925 = vector.broadcast %add3A_719 : i32 to vector<16xi32>
    %add3A_926 = arith.addi %add3A_925, %masked_cumsum3A_924 : vector<16xi32>
    %sub3A_927 = arith.constant 1 : i32
    %sub3A_928 = vector.broadcast %sub3A_927 : i32 to vector<16xi32>
    %sub3A_929 = arith.subi %add3A_926, %sub3A_928 : vector<16xi32>
    %select_n3A_930 = arith.select %eq3A_916, %sub3A_929, %select_n3A_904 : vector<16xi1>, vector<16xi32>
    %reduce_max3A_931 = arith.constant true
    %reduce_max3A_932 = vector.broadcast %reduce_max3A_931 : i1 to vector<16xi1>
    %reduce_max3A_933 = arith.constant -2147483648 : i32
    %reduce_max3A_934 = vector.broadcast %reduce_max3A_933 : i32 to vector<16xi32>
    %reduce_max3A_935 = arith.xori %masked_cumsum3A_924, %reduce_max3A_934 : vector<16xi32>
    %reduce_max3A_936 = tpu.scan <max>, %reduce_max3A_935 masked %reduce_max3A_932 : vector<16xi32>, vector<16xi1> -> vector<16xi32>
    %reduce_max3A_937 = arith.xori %reduce_max3A_936, %reduce_max3A_934 : vector<16xi32>
    %reduce_max3A_938 = vector.extract %reduce_max3A_937[15] : i32 from vector<16xi32>
    %add3A_939 = arith.addi %add3A_719, %reduce_max3A_938 : i32
    %eq3A_940 = arith.constant 4 : i32
    %eq3A_941 = vector.broadcast %eq3A_940 : i32 to vector<16xi32>
    %eq3A_942 = arith.cmpi eq, %get3A_833, %eq3A_941 : vector<16xi32>
    %jit3A_943 = arith.constant 1 : i32
    %jit3A_944 = arith.constant 0 : i32
    %broadcast_in_dim3A_945 = vector.broadcast %jit3A_943 : i32 to vector<16xi32>
    %broadcast_in_dim3A_946 = vector.broadcast %jit3A_944 : i32 to vector<16xi32>
    %select_n3A_947 = arith.select %eq3A_942, %broadcast_in_dim3A_945, %broadcast_in_dim3A_946 : vector<16xi1>, vector<16xi32>
    %broadcast_in_dim3A_948 = arith.constant true
    %broadcast_in_dim3A_949 = vector.broadcast %broadcast_in_dim3A_948 : i1 to vector<16xi1>
    %masked_cumsum3A_950 = tpu.scan <sum>, %select_n3A_947 masked %broadcast_in_dim3A_949 : vector<16xi32>, vector<16xi1> -> vector<16xi32>
    %add3A_951 = vector.broadcast %add3A_745 : i32 to vector<16xi32>
    %add3A_952 = arith.addi %add3A_951, %masked_cumsum3A_950 : vector<16xi32>
    %sub3A_953 = arith.constant 1 : i32
    %sub3A_954 = vector.broadcast %sub3A_953 : i32 to vector<16xi32>
    %sub3A_955 = arith.subi %add3A_952, %sub3A_954 : vector<16xi32>
    %select_n3A_956 = arith.select %eq3A_942, %sub3A_955, %select_n3A_930 : vector<16xi1>, vector<16xi32>
    %reduce_max3A_957 = arith.constant true
    %reduce_max3A_958 = vector.broadcast %reduce_max3A_957 : i1 to vector<16xi1>
    %reduce_max3A_959 = arith.constant -2147483648 : i32
    %reduce_max3A_960 = vector.broadcast %reduce_max3A_959 : i32 to vector<16xi32>
    %reduce_max3A_961 = arith.xori %masked_cumsum3A_950, %reduce_max3A_960 : vector<16xi32>
    %reduce_max3A_962 = tpu.scan <max>, %reduce_max3A_961 masked %reduce_max3A_958 : vector<16xi32>, vector<16xi1> -> vector<16xi32>
    %reduce_max3A_963 = arith.xori %reduce_max3A_962, %reduce_max3A_960 : vector<16xi32>
    %reduce_max3A_964 = vector.extract %reduce_max3A_963[15] : i32 from vector<16xi32>
    %add3A_965 = arith.addi %add3A_745, %reduce_max3A_964 : i32
    %eq3A_966 = arith.constant 5 : i32
    %eq3A_967 = vector.broadcast %eq3A_966 : i32 to vector<16xi32>
    %eq3A_968 = arith.cmpi eq, %get3A_833, %eq3A_967 : vector<16xi32>
    %jit3A_969 = arith.constant 1 : i32
    %jit3A_970 = arith.constant 0 : i32
    %broadcast_in_dim3A_971 = vector.broadcast %jit3A_969 : i32 to vector<16xi32>
    %broadcast_in_dim3A_972 = vector.broadcast %jit3A_970 : i32 to vector<16xi32>
    %select_n3A_973 = arith.select %eq3A_968, %broadcast_in_dim3A_971, %broadcast_in_dim3A_972 : vector<16xi1>, vector<16xi32>
    %broadcast_in_dim3A_974 = arith.constant true
    %broadcast_in_dim3A_975 = vector.broadcast %broadcast_in_dim3A_974 : i1 to vector<16xi1>
    %masked_cumsum3A_976 = tpu.scan <sum>, %select_n3A_973 masked %broadcast_in_dim3A_975 : vector<16xi32>, vector<16xi1> -> vector<16xi32>
    %add3A_977 = vector.broadcast %add3A_771 : i32 to vector<16xi32>
    %add3A_978 = arith.addi %add3A_977, %masked_cumsum3A_976 : vector<16xi32>
    %sub3A_979 = arith.constant 1 : i32
    %sub3A_980 = vector.broadcast %sub3A_979 : i32 to vector<16xi32>
    %sub3A_981 = arith.subi %add3A_978, %sub3A_980 : vector<16xi32>
    %select_n3A_982 = arith.select %eq3A_968, %sub3A_981, %select_n3A_956 : vector<16xi1>, vector<16xi32>
    %reduce_max3A_983 = arith.constant true
    %reduce_max3A_984 = vector.broadcast %reduce_max3A_983 : i1 to vector<16xi1>
    %reduce_max3A_985 = arith.constant -2147483648 : i32
    %reduce_max3A_986 = vector.broadcast %reduce_max3A_985 : i32 to vector<16xi32>
    %reduce_max3A_987 = arith.xori %masked_cumsum3A_976, %reduce_max3A_986 : vector<16xi32>
    %reduce_max3A_988 = tpu.scan <max>, %reduce_max3A_987 masked %reduce_max3A_984 : vector<16xi32>, vector<16xi1> -> vector<16xi32>
    %reduce_max3A_989 = arith.xori %reduce_max3A_988, %reduce_max3A_986 : vector<16xi32>
    %reduce_max3A_990 = vector.extract %reduce_max3A_989[15] : i32 from vector<16xi32>
    %add3A_991 = arith.addi %add3A_771, %reduce_max3A_990 : i32
    %eq3A_992 = arith.constant 6 : i32
    %eq3A_993 = vector.broadcast %eq3A_992 : i32 to vector<16xi32>
    %eq3A_994 = arith.cmpi eq, %get3A_833, %eq3A_993 : vector<16xi32>
    %jit3A_995 = arith.constant 1 : i32
    %jit3A_996 = arith.constant 0 : i32
    %broadcast_in_dim3A_997 = vector.broadcast %jit3A_995 : i32 to vector<16xi32>
    %broadcast_in_dim3A_998 = vector.broadcast %jit3A_996 : i32 to vector<16xi32>
    %select_n3A_999 = arith.select %eq3A_994, %broadcast_in_dim3A_997, %broadcast_in_dim3A_998 : vector<16xi1>, vector<16xi32>
    %broadcast_in_dim3A_1000 = arith.constant true
    %broadcast_in_dim3A_1001 = vector.broadcast %broadcast_in_dim3A_1000 : i1 to vector<16xi1>
    %masked_cumsum3A_1002 = tpu.scan <sum>, %select_n3A_999 masked %broadcast_in_dim3A_1001 : vector<16xi32>, vector<16xi1> -> vector<16xi32>
    %add3A_1003 = vector.broadcast %add3A_797 : i32 to vector<16xi32>
    %add3A_1004 = arith.addi %add3A_1003, %masked_cumsum3A_1002 : vector<16xi32>
    %sub3A_1005 = arith.constant 1 : i32
    %sub3A_1006 = vector.broadcast %sub3A_1005 : i32 to vector<16xi32>
    %sub3A_1007 = arith.subi %add3A_1004, %sub3A_1006 : vector<16xi32>
    %select_n3A_1008 = arith.select %eq3A_994, %sub3A_1007, %select_n3A_982 : vector<16xi1>, vector<16xi32>
    %reduce_max3A_1009 = arith.constant true
    %reduce_max3A_1010 = vector.broadcast %reduce_max3A_1009 : i1 to vector<16xi1>
    %reduce_max3A_1011 = arith.constant -2147483648 : i32
    %reduce_max3A_1012 = vector.broadcast %reduce_max3A_1011 : i32 to vector<16xi32>
    %reduce_max3A_1013 = arith.xori %masked_cumsum3A_1002, %reduce_max3A_1012 : vector<16xi32>
    %reduce_max3A_1014 = tpu.scan <max>, %reduce_max3A_1013 masked %reduce_max3A_1010 : vector<16xi32>, vector<16xi1> -> vector<16xi32>
    %reduce_max3A_1015 = arith.xori %reduce_max3A_1014, %reduce_max3A_1012 : vector<16xi32>
    %reduce_max3A_1016 = vector.extract %reduce_max3A_1015[15] : i32 from vector<16xi32>
    %add3A_1017 = arith.addi %add3A_797, %reduce_max3A_1016 : i32
    %eq3A_1018 = arith.constant 7 : i32
    %eq3A_1019 = vector.broadcast %eq3A_1018 : i32 to vector<16xi32>
    %eq3A_1020 = arith.cmpi eq, %get3A_833, %eq3A_1019 : vector<16xi32>
    %jit3A_1021 = arith.constant 1 : i32
    %jit3A_1022 = arith.constant 0 : i32
    %broadcast_in_dim3A_1023 = vector.broadcast %jit3A_1021 : i32 to vector<16xi32>
    %broadcast_in_dim3A_1024 = vector.broadcast %jit3A_1022 : i32 to vector<16xi32>
    %select_n3A_1025 = arith.select %eq3A_1020, %broadcast_in_dim3A_1023, %broadcast_in_dim3A_1024 : vector<16xi1>, vector<16xi32>
    %broadcast_in_dim3A_1026 = arith.constant true
    %broadcast_in_dim3A_1027 = vector.broadcast %broadcast_in_dim3A_1026 : i1 to vector<16xi1>
    %masked_cumsum3A_1028 = tpu.scan <sum>, %select_n3A_1025 masked %broadcast_in_dim3A_1027 : vector<16xi32>, vector<16xi1> -> vector<16xi32>
    %add3A_1029 = vector.broadcast %add3A_823 : i32 to vector<16xi32>
    %add3A_1030 = arith.addi %add3A_1029, %masked_cumsum3A_1028 : vector<16xi32>
    %sub3A_1031 = arith.constant 1 : i32
    %sub3A_1032 = vector.broadcast %sub3A_1031 : i32 to vector<16xi32>
    %sub3A_1033 = arith.subi %add3A_1030, %sub3A_1032 : vector<16xi32>
    %select_n3A_1034 = arith.select %eq3A_1020, %sub3A_1033, %select_n3A_1008 : vector<16xi1>, vector<16xi32>
    %reduce_max3A_1035 = arith.constant true
    %reduce_max3A_1036 = vector.broadcast %reduce_max3A_1035 : i1 to vector<16xi1>
    %reduce_max3A_1037 = arith.constant -2147483648 : i32
    %reduce_max3A_1038 = vector.broadcast %reduce_max3A_1037 : i32 to vector<16xi32>
    %reduce_max3A_1039 = arith.xori %masked_cumsum3A_1028, %reduce_max3A_1038 : vector<16xi32>
    %reduce_max3A_1040 = tpu.scan <max>, %reduce_max3A_1039 masked %reduce_max3A_1036 : vector<16xi32>, vector<16xi1> -> vector<16xi32>
    %reduce_max3A_1041 = arith.xori %reduce_max3A_1040, %reduce_max3A_1038 : vector<16xi32>
    %reduce_max3A_1042 = vector.extract %reduce_max3A_1041[15] : i32 from vector<16xi32>
    %add3A_1043 = arith.addi %add3A_823, %reduce_max3A_1042 : i32
    %swap3A_1044 = arith.constant 48 : index
    %swap3A_1045 = tpu.vector_load %arg13[%swap3A_1044] {strides = array<i32>} : memref<128xi32, #tpu.memory_space<vmem>>, vector<16xi32>,
    tpu.vector_store %arg13[%swap3A_1044], %select_n3A_1034 {strides = array<i32>} : memref<128xi32, #tpu.memory_space<vmem>>, vector<16xi32>,
    %swap3A_1046 = arith.constant 16 : index
    %swap3A_1047 = tpu.vector_load %arg15[%swap3A_1046] {strides = array<i32>} : memref<32xi32, #tpu.memory_space<vmem>>, vector<16xi32>,
    tpu.vector_store %arg15[%swap3A_1046], %select_n3A_1034 {strides = array<i32>} : memref<32xi32, #tpu.memory_space<vmem>>, vector<16xi32>,
    %add3A_1048 = arith.constant 4 : i32
    %add3A_1049 = arith.addi %mul3A_66, %add3A_1048 : i32
    %mul3A_1050 = arith.constant 16 : i32
    %mul3A_1051 = arith.muli %add3A_1049, %mul3A_1050 : i32
    %get3A_1052 = arith.index_cast %mul3A_1051 : i32 to index
    %get3A_1053 = tpu.vector_load %arg8[%get3A_1052] {strides = array<i32>} : memref<4096xi32, #tpu.memory_space<vmem>>, vector<16xi32>,
    %broadcast_in_dim3A_1054 = arith.constant 0 : i32
    %broadcast_in_dim3A_1055 = vector.broadcast %broadcast_in_dim3A_1054 : i32 to vector<16xi32>
    %eq3A_1056 = arith.constant 0 : i32
    %eq3A_1057 = vector.broadcast %eq3A_1056 : i32 to vector<16xi32>
    %eq3A_1058 = arith.cmpi eq, %get3A_1053, %eq3A_1057 : vector<16xi32>
    %jit3A_1059 = arith.constant 1 : i32
    %jit3A_1060 = arith.constant 0 : i32
    %broadcast_in_dim3A_1061 = vector.broadcast %jit3A_1059 : i32 to vector<16xi32>
    %broadcast_in_dim3A_1062 = vector.broadcast %jit3A_1060 : i32 to vector<16xi32>
    %select_n3A_1063 = arith.select %eq3A_1058, %broadcast_in_dim3A_1061, %broadcast_in_dim3A_1062 : vector<16xi1>, vector<16xi32>
    %broadcast_in_dim3A_1064 = arith.constant true
    %broadcast_in_dim3A_1065 = vector.broadcast %broadcast_in_dim3A_1064 : i1 to vector<16xi1>
    %masked_cumsum3A_1066 = tpu.scan <sum>, %select_n3A_1063 masked %broadcast_in_dim3A_1065 : vector<16xi32>, vector<16xi1> -> vector<16xi32>
    %add3A_1067 = vector.broadcast %add3A_861 : i32 to vector<16xi32>
    %add3A_1068 = arith.addi %add3A_1067, %masked_cumsum3A_1066 : vector<16xi32>
    %sub3A_1069 = arith.constant 1 : i32
    %sub3A_1070 = vector.broadcast %sub3A_1069 : i32 to vector<16xi32>
    %sub3A_1071 = arith.subi %add3A_1068, %sub3A_1070 : vector<16xi32>
    %select_n3A_1072 = arith.select %eq3A_1058, %sub3A_1071, %broadcast_in_dim3A_1055 : vector<16xi1>, vector<16xi32>
    %reduce_max3A_1073 = arith.constant true
    %reduce_max3A_1074 = vector.broadcast %reduce_max3A_1073 : i1 to vector<16xi1>
    %reduce_max3A_1075 = arith.constant -2147483648 : i32
    %reduce_max3A_1076 = vector.broadcast %reduce_max3A_1075 : i32 to vector<16xi32>
    %reduce_max3A_1077 = arith.xori %masked_cumsum3A_1066, %reduce_max3A_1076 : vector<16xi32>
    %reduce_max3A_1078 = tpu.scan <max>, %reduce_max3A_1077 masked %reduce_max3A_1074 : vector<16xi32>, vector<16xi1> -> vector<16xi32>
    %reduce_max3A_1079 = arith.xori %reduce_max3A_1078, %reduce_max3A_1076 : vector<16xi32>
    %reduce_max3A_1080 = vector.extract %reduce_max3A_1079[15] : i32 from vector<16xi32>
    %add3A_1081 = arith.addi %add3A_861, %reduce_max3A_1080 : i32
    %eq3A_1082 = arith.constant 1 : i32
    %eq3A_1083 = vector.broadcast %eq3A_1082 : i32 to vector<16xi32>
    %eq3A_1084 = arith.cmpi eq, %get3A_1053, %eq3A_1083 : vector<16xi32>
    %jit3A_1085 = arith.constant 1 : i32
    %jit3A_1086 = arith.constant 0 : i32
    %broadcast_in_dim3A_1087 = vector.broadcast %jit3A_1085 : i32 to vector<16xi32>
    %broadcast_in_dim3A_1088 = vector.broadcast %jit3A_1086 : i32 to vector<16xi32>
    %select_n3A_1089 = arith.select %eq3A_1084, %broadcast_in_dim3A_1087, %broadcast_in_dim3A_1088 : vector<16xi1>, vector<16xi32>
    %broadcast_in_dim3A_1090 = arith.constant true
    %broadcast_in_dim3A_1091 = vector.broadcast %broadcast_in_dim3A_1090 : i1 to vector<16xi1>
    %masked_cumsum3A_1092 = tpu.scan <sum>, %select_n3A_1089 masked %broadcast_in_dim3A_1091 : vector<16xi32>, vector<16xi1> -> vector<16xi32>
    %add3A_1093 = vector.broadcast %add3A_887 : i32 to vector<16xi32>
    %add3A_1094 = arith.addi %add3A_1093, %masked_cumsum3A_1092 : vector<16xi32>
    %sub3A_1095 = arith.constant 1 : i32
    %sub3A_1096 = vector.broadcast %sub3A_1095 : i32 to vector<16xi32>
    %sub3A_1097 = arith.subi %add3A_1094, %sub3A_1096 : vector<16xi32>
    %select_n3A_1098 = arith.select %eq3A_1084, %sub3A_1097, %select_n3A_1072 : vector<16xi1>, vector<16xi32>
    %reduce_max3A_1099 = arith.constant true
    %reduce_max3A_1100 = vector.broadcast %reduce_max3A_1099 : i1 to vector<16xi1>
    %reduce_max3A_1101 = arith.constant -2147483648 : i32
    %reduce_max3A_1102 = vector.broadcast %reduce_max3A_1101 : i32 to vector<16xi32>
    %reduce_max3A_1103 = arith.xori %masked_cumsum3A_1092, %reduce_max3A_1102 : vector<16xi32>
    %reduce_max3A_1104 = tpu.scan <max>, %reduce_max3A_1103 masked %reduce_max3A_1100 : vector<16xi32>, vector<16xi1> -> vector<16xi32>
    %reduce_max3A_1105 = arith.xori %reduce_max3A_1104, %reduce_max3A_1102 : vector<16xi32>
    %reduce_max3A_1106 = vector.extract %reduce_max3A_1105[15] : i32 from vector<16xi32>
    %add3A_1107 = arith.addi %add3A_887, %reduce_max3A_1106 : i32
    %eq3A_1108 = arith.constant 2 : i32
    %eq3A_1109 = vector.broadcast %eq3A_1108 : i32 to vector<16xi32>
    %eq3A_1110 = arith.cmpi eq, %get3A_1053, %eq3A_1109 : vector<16xi32>
    %jit3A_1111 = arith.constant 1 : i32
    %jit3A_1112 = arith.constant 0 : i32
    %broadcast_in_dim3A_1113 = vector.broadcast %jit3A_1111 : i32 to vector<16xi32>
    %broadcast_in_dim3A_1114 = vector.broadcast %jit3A_1112 : i32 to vector<16xi32>
    %select_n3A_1115 = arith.select %eq3A_1110, %broadcast_in_dim3A_1113, %broadcast_in_dim3A_1114 : vector<16xi1>, vector<16xi32>
    %broadcast_in_dim3A_1116 = arith.constant true
    %broadcast_in_dim3A_1117 = vector.broadcast %broadcast_in_dim3A_1116 : i1 to vector<16xi1>
    %masked_cumsum3A_1118 = tpu.scan <sum>, %select_n3A_1115 masked %broadcast_in_dim3A_1117 : vector<16xi32>, vector<16xi1> -> vector<16xi32>
    %add3A_1119 = vector.broadcast %add3A_913 : i32 to vector<16xi32>
    %add3A_1120 = arith.addi %add3A_1119, %masked_cumsum3A_1118 : vector<16xi32>
    %sub3A_1121 = arith.constant 1 : i32
    %sub3A_1122 = vector.broadcast %sub3A_1121 : i32 to vector<16xi32>
    %sub3A_1123 = arith.subi %add3A_1120, %sub3A_1122 : vector<16xi32>
    %select_n3A_1124 = arith.select %eq3A_1110, %sub3A_1123, %select_n3A_1098 : vector<16xi1>, vector<16xi32>
    %reduce_max3A_1125 = arith.constant true
    %reduce_max3A_1126 = vector.broadcast %reduce_max3A_1125 : i1 to vector<16xi1>
    %reduce_max3A_1127 = arith.constant -2147483648 : i32
    %reduce_max3A_1128 = vector.broadcast %reduce_max3A_1127 : i32 to vector<16xi32>
    %reduce_max3A_1129 = arith.xori %masked_cumsum3A_1118, %reduce_max3A_1128 : vector<16xi32>
    %reduce_max3A_1130 = tpu.scan <max>, %reduce_max3A_1129 masked %reduce_max3A_1126 : vector<16xi32>, vector<16xi1> -> vector<16xi32>
    %reduce_max3A_1131 = arith.xori %reduce_max3A_1130, %reduce_max3A_1128 : vector<16xi32>
    %reduce_max3A_1132 = vector.extract %reduce_max3A_1131[15] : i32 from vector<16xi32>
    %add3A_1133 = arith.addi %add3A_913, %reduce_max3A_1132 : i32
    %eq3A_1134 = arith.constant 3 : i32
    %eq3A_1135 = vector.broadcast %eq3A_1134 : i32 to vector<16xi32>
    %eq3A_1136 = arith.cmpi eq, %get3A_1053, %eq3A_1135 : vector<16xi32>
    %jit3A_1137 = arith.constant 1 : i32
    %jit3A_1138 = arith.constant 0 : i32
    %broadcast_in_dim3A_1139 = vector.broadcast %jit3A_1137 : i32 to vector<16xi32>
    %broadcast_in_dim3A_1140 = vector.broadcast %jit3A_1138 : i32 to vector<16xi32>
    %select_n3A_1141 = arith.select %eq3A_1136, %broadcast_in_dim3A_1139, %broadcast_in_dim3A_1140 : vector<16xi1>, vector<16xi32>
    %broadcast_in_dim3A_1142 = arith.constant true
    %broadcast_in_dim3A_1143 = vector.broadcast %broadcast_in_dim3A_1142 : i1 to vector<16xi1>
    %masked_cumsum3A_1144 = tpu.scan <sum>, %select_n3A_1141 masked %broadcast_in_dim3A_1143 : vector<16xi32>, vector<16xi1> -> vector<16xi32>
    %add3A_1145 = vector.broadcast %add3A_939 : i32 to vector<16xi32>
    %add3A_1146 = arith.addi %add3A_1145, %masked_cumsum3A_1144 : vector<16xi32>
    %sub3A_1147 = arith.constant 1 : i32
    %sub3A_1148 = vector.broadcast %sub3A_1147 : i32 to vector<16xi32>
    %sub3A_1149 = arith.subi %add3A_1146, %sub3A_1148 : vector<16xi32>
    %select_n3A_1150 = arith.select %eq3A_1136, %sub3A_1149, %select_n3A_1124 : vector<16xi1>, vector<16xi32>
    %reduce_max3A_1151 = arith.constant true
    %reduce_max3A_1152 = vector.broadcast %reduce_max3A_1151 : i1 to vector<16xi1>
    %reduce_max3A_1153 = arith.constant -2147483648 : i32
    %reduce_max3A_1154 = vector.broadcast %reduce_max3A_1153 : i32 to vector<16xi32>
    %reduce_max3A_1155 = arith.xori %masked_cumsum3A_1144, %reduce_max3A_1154 : vector<16xi32>
    %reduce_max3A_1156 = tpu.scan <max>, %reduce_max3A_1155 masked %reduce_max3A_1152 : vector<16xi32>, vector<16xi1> -> vector<16xi32>
    %reduce_max3A_1157 = arith.xori %reduce_max3A_1156, %reduce_max3A_1154 : vector<16xi32>
    %reduce_max3A_1158 = vector.extract %reduce_max3A_1157[15] : i32 from vector<16xi32>
    %add3A_1159 = arith.addi %add3A_939, %reduce_max3A_1158 : i32
    %eq3A_1160 = arith.constant 4 : i32
    %eq3A_1161 = vector.broadcast %eq3A_1160 : i32 to vector<16xi32>
    %eq3A_1162 = arith.cmpi eq, %get3A_1053, %eq3A_1161 : vector<16xi32>
    %jit3A_1163 = arith.constant 1 : i32
    %jit3A_1164 = arith.constant 0 : i32
    %broadcast_in_dim3A_1165 = vector.broadcast %jit3A_1163 : i32 to vector<16xi32>
    %broadcast_in_dim3A_1166 = vector.broadcast %jit3A_1164 : i32 to vector<16xi32>
    %select_n3A_1167 = arith.select %eq3A_1162, %broadcast_in_dim3A_1165, %broadcast_in_dim3A_1166 : vector<16xi1>, vector<16xi32>
    %broadcast_in_dim3A_1168 = arith.constant true
    %broadcast_in_dim3A_1169 = vector.broadcast %broadcast_in_dim3A_1168 : i1 to vector<16xi1>
    %masked_cumsum3A_1170 = tpu.scan <sum>, %select_n3A_1167 masked %broadcast_in_dim3A_1169 : vector<16xi32>, vector<16xi1> -> vector<16xi32>
    %add3A_1171 = vector.broadcast %add3A_965 : i32 to vector<16xi32>
    %add3A_1172 = arith.addi %add3A_1171, %masked_cumsum3A_1170 : vector<16xi32>
    %sub3A_1173 = arith.constant 1 : i32
    %sub3A_1174 = vector.broadcast %sub3A_1173 : i32 to vector<16xi32>
    %sub3A_1175 = arith.subi %add3A_1172, %sub3A_1174 : vector<16xi32>
    %select_n3A_1176 = arith.select %eq3A_1162, %sub3A_1175, %select_n3A_1150 : vector<16xi1>, vector<16xi32>
    %reduce_max3A_1177 = arith.constant true
    %reduce_max3A_1178 = vector.broadcast %reduce_max3A_1177 : i1 to vector<16xi1>
    %reduce_max3A_1179 = arith.constant -2147483648 : i32
    %reduce_max3A_1180 = vector.broadcast %reduce_max3A_1179 : i32 to vector<16xi32>
    %reduce_max3A_1181 = arith.xori %masked_cumsum3A_1170, %reduce_max3A_1180 : vector<16xi32>
    %reduce_max3A_1182 = tpu.scan <max>, %reduce_max3A_1181 masked %reduce_max3A_1178 : vector<16xi32>, vector<16xi1> -> vector<16xi32>
    %reduce_max3A_1183 = arith.xori %reduce_max3A_1182, %reduce_max3A_1180 : vector<16xi32>
    %reduce_max3A_1184 = vector.extract %reduce_max3A_1183[15] : i32 from vector<16xi32>
    %add3A_1185 = arith.addi %add3A_965, %reduce_max3A_1184 : i32
    %eq3A_1186 = arith.constant 5 : i32
    %eq3A_1187 = vector.broadcast %eq3A_1186 : i32 to vector<16xi32>
    %eq3A_1188 = arith.cmpi eq, %get3A_1053, %eq3A_1187 : vector<16xi32>
    %jit3A_1189 = arith.constant 1 : i32
    %jit3A_1190 = arith.constant 0 : i32
    %broadcast_in_dim3A_1191 = vector.broadcast %jit3A_1189 : i32 to vector<16xi32>
    %broadcast_in_dim3A_1192 = vector.broadcast %jit3A_1190 : i32 to vector<16xi32>
    %select_n3A_1193 = arith.select %eq3A_1188, %broadcast_in_dim3A_1191, %broadcast_in_dim3A_1192 : vector<16xi1>, vector<16xi32>
    %broadcast_in_dim3A_1194 = arith.constant true
    %broadcast_in_dim3A_1195 = vector.broadcast %broadcast_in_dim3A_1194 : i1 to vector<16xi1>
    %masked_cumsum3A_1196 = tpu.scan <sum>, %select_n3A_1193 masked %broadcast_in_dim3A_1195 : vector<16xi32>, vector<16xi1> -> vector<16xi32>
    %add3A_1197 = vector.broadcast %add3A_991 : i32 to vector<16xi32>
    %add3A_1198 = arith.addi %add3A_1197, %masked_cumsum3A_1196 : vector<16xi32>
    %sub3A_1199 = arith.constant 1 : i32
    %sub3A_1200 = vector.broadcast %sub3A_1199 : i32 to vector<16xi32>
    %sub3A_1201 = arith.subi %add3A_1198, %sub3A_1200 : vector<16xi32>
    %select_n3A_1202 = arith.select %eq3A_1188, %sub3A_1201, %select_n3A_1176 : vector<16xi1>, vector<16xi32>
    %reduce_max3A_1203 = arith.constant true
    %reduce_max3A_1204 = vector.broadcast %reduce_max3A_1203 : i1 to vector<16xi1>
    %reduce_max3A_1205 = arith.constant -2147483648 : i32
    %reduce_max3A_1206 = vector.broadcast %reduce_max3A_1205 : i32 to vector<16xi32>
    %reduce_max3A_1207 = arith.xori %masked_cumsum3A_1196, %reduce_max3A_1206 : vector<16xi32>
    %reduce_max3A_1208 = tpu.scan <max>, %reduce_max3A_1207 masked %reduce_max3A_1204 : vector<16xi32>, vector<16xi1> -> vector<16xi32>
    %reduce_max3A_1209 = arith.xori %reduce_max3A_1208, %reduce_max3A_1206 : vector<16xi32>
    %reduce_max3A_1210 = vector.extract %reduce_max3A_1209[15] : i32 from vector<16xi32>
    %add3A_1211 = arith.addi %add3A_991, %reduce_max3A_1210 : i32
    %eq3A_1212 = arith.constant 6 : i32
    %eq3A_1213 = vector.broadcast %eq3A_1212 : i32 to vector<16xi32>
    %eq3A_1214 = arith.cmpi eq, %get3A_1053, %eq3A_1213 : vector<16xi32>
    %jit3A_1215 = arith.constant 1 : i32
    %jit3A_1216 = arith.constant 0 : i32
    %broadcast_in_dim3A_1217 = vector.broadcast %jit3A_1215 : i32 to vector<16xi32>
    %broadcast_in_dim3A_1218 = vector.broadcast %jit3A_1216 : i32 to vector<16xi32>
    %select_n3A_1219 = arith.select %eq3A_1214, %broadcast_in_dim3A_1217, %broadcast_in_dim3A_1218 : vector<16xi1>, vector<16xi32>
    %broadcast_in_dim3A_1220 = arith.constant true
    %broadcast_in_dim3A_1221 = vector.broadcast %broadcast_in_dim3A_1220 : i1 to vector<16xi1>
    %masked_cumsum3A_1222 = tpu.scan <sum>, %select_n3A_1219 masked %broadcast_in_dim3A_1221 : vector<16xi32>, vector<16xi1> -> vector<16xi32>
    %add3A_1223 = vector.broadcast %add3A_1017 : i32 to vector<16xi32>
    %add3A_1224 = arith.addi %add3A_1223, %masked_cumsum3A_1222 : vector<16xi32>
    %sub3A_1225 = arith.constant 1 : i32
    %sub3A_1226 = vector.broadcast %sub3A_1225 : i32 to vector<16xi32>
    %sub3A_1227 = arith.subi %add3A_1224, %sub3A_1226 : vector<16xi32>
    %select_n3A_1228 = arith.select %eq3A_1214, %sub3A_1227, %select_n3A_1202 : vector<16xi1>, vector<16xi32>
    %reduce_max3A_1229 = arith.constant true
    %reduce_max3A_1230 = vector.broadcast %reduce_max3A_1229 : i1 to vector<16xi1>
    %reduce_max3A_1231 = arith.constant -2147483648 : i32
    %reduce_max3A_1232 = vector.broadcast %reduce_max3A_1231 : i32 to vector<16xi32>
    %reduce_max3A_1233 = arith.xori %masked_cumsum3A_1222, %reduce_max3A_1232 : vector<16xi32>
    %reduce_max3A_1234 = tpu.scan <max>, %reduce_max3A_1233 masked %reduce_max3A_1230 : vector<16xi32>, vector<16xi1> -> vector<16xi32>
    %reduce_max3A_1235 = arith.xori %reduce_max3A_1234, %reduce_max3A_1232 : vector<16xi32>
    %reduce_max3A_1236 = vector.extract %reduce_max3A_1235[15] : i32 from vector<16xi32>
    %add3A_1237 = arith.addi %add3A_1017, %reduce_max3A_1236 : i32
    %eq3A_1238 = arith.constant 7 : i32
    %eq3A_1239 = vector.broadcast %eq3A_1238 : i32 to vector<16xi32>
    %eq3A_1240 = arith.cmpi eq, %get3A_1053, %eq3A_1239 : vector<16xi32>
    %jit3A_1241 = arith.constant 1 : i32
    %jit3A_1242 = arith.constant 0 : i32
    %broadcast_in_dim3A_1243 = vector.broadcast %jit3A_1241 : i32 to vector<16xi32>
    %broadcast_in_dim3A_1244 = vector.broadcast %jit3A_1242 : i32 to vector<16xi32>
    %select_n3A_1245 = arith.select %eq3A_1240, %broadcast_in_dim3A_1243, %broadcast_in_dim3A_1244 : vector<16xi1>, vector<16xi32>
    %broadcast_in_dim3A_1246 = arith.constant true
    %broadcast_in_dim3A_1247 = vector.broadcast %broadcast_in_dim3A_1246 : i1 to vector<16xi1>
    %masked_cumsum3A_1248 = tpu.scan <sum>, %select_n3A_1245 masked %broadcast_in_dim3A_1247 : vector<16xi32>, vector<16xi1> -> vector<16xi32>
    %add3A_1249 = vector.broadcast %add3A_1043 : i32 to vector<16xi32>
    %add3A_1250 = arith.addi %add3A_1249, %masked_cumsum3A_1248 : vector<16xi32>
    %sub3A_1251 = arith.constant 1 : i32
    %sub3A_1252 = vector.broadcast %sub3A_1251 : i32 to vector<16xi32>
    %sub3A_1253 = arith.subi %add3A_1250, %sub3A_1252 : vector<16xi32>
    %select_n3A_1254 = arith.select %eq3A_1240, %sub3A_1253, %select_n3A_1228 : vector<16xi1>, vector<16xi32>
    %reduce_max3A_1255 = arith.constant true
    %reduce_max3A_1256 = vector.broadcast %reduce_max3A_1255 : i1 to vector<16xi1>
    %reduce_max3A_1257 = arith.constant -2147483648 : i32
    %reduce_max3A_1258 = vector.broadcast %reduce_max3A_1257 : i32 to vector<16xi32>
    %reduce_max3A_1259 = arith.xori %masked_cumsum3A_1248, %reduce_max3A_1258 : vector<16xi32>
    %reduce_max3A_1260 = tpu.scan <max>, %reduce_max3A_1259 masked %reduce_max3A_1256 : vector<16xi32>, vector<16xi1> -> vector<16xi32>
    %reduce_max3A_1261 = arith.xori %reduce_max3A_1260, %reduce_max3A_1258 : vector<16xi32>
    %reduce_max3A_1262 = vector.extract %reduce_max3A_1261[15] : i32 from vector<16xi32>
    %add3A_1263 = arith.addi %add3A_1043, %reduce_max3A_1262 : i32
    %swap3A_1264 = arith.constant 64 : index
    %swap3A_1265 = tpu.vector_load %arg13[%swap3A_1264] {strides = array<i32>} : memref<128xi32, #tpu.memory_space<vmem>>, vector<16xi32>,
    tpu.vector_store %arg13[%swap3A_1264], %select_n3A_1254 {strides = array<i32>} : memref<128xi32, #tpu.memory_space<vmem>>, vector<16xi32>,
    %swap3A_1266 = arith.constant 0 : index
    %swap3A_1267 = tpu.vector_load %arg16[%swap3A_1266] {strides = array<i32>} : memref<32xi32, #tpu.memory_space<vmem>>, vector<16xi32>,
    tpu.vector_store %arg16[%swap3A_1266], %select_n3A_1254 {strides = array<i32>} : memref<32xi32, #tpu.memory_space<vmem>>, vector<16xi32>,
    %add3A_1268 = arith.constant 5 : i32
    %add3A_1269 = arith.addi %mul3A_66, %add3A_1268 : i32
    %mul3A_1270 = arith.constant 16 : i32
    %mul3A_1271 = arith.muli %add3A_1269, %mul3A_1270 : i32
    %get3A_1272 = arith.index_cast %mul3A_1271 : i32 to index
    %get3A_1273 = tpu.vector_load %arg8[%get3A_1272] {strides = array<i32>} : memref<4096xi32, #tpu.memory_space<vmem>>, vector<16xi32>,
    %broadcast_in_dim3A_1274 = arith.constant 0 : i32
    %broadcast_in_dim3A_1275 = vector.broadcast %broadcast_in_dim3A_1274 : i32 to vector<16xi32>
    %eq3A_1276 = arith.constant 0 : i32
    %eq3A_1277 = vector.broadcast %eq3A_1276 : i32 to vector<16xi32>
    %eq3A_1278 = arith.cmpi eq, %get3A_1273, %eq3A_1277 : vector<16xi32>
    %jit3A_1279 = arith.constant 1 : i32
    %jit3A_1280 = arith.constant 0 : i32
    %broadcast_in_dim3A_1281 = vector.broadcast %jit3A_1279 : i32 to vector<16xi32>
    %broadcast_in_dim3A_1282 = vector.broadcast %jit3A_1280 : i32 to vector<16xi32>
    %select_n3A_1283 = arith.select %eq3A_1278, %broadcast_in_dim3A_1281, %broadcast_in_dim3A_1282 : vector<16xi1>, vector<16xi32>
    %broadcast_in_dim3A_1284 = arith.constant true
    %broadcast_in_dim3A_1285 = vector.broadcast %broadcast_in_dim3A_1284 : i1 to vector<16xi1>
    %masked_cumsum3A_1286 = tpu.scan <sum>, %select_n3A_1283 masked %broadcast_in_dim3A_1285 : vector<16xi32>, vector<16xi1> -> vector<16xi32>
    %add3A_1287 = vector.broadcast %add3A_1081 : i32 to vector<16xi32>
    %add3A_1288 = arith.addi %add3A_1287, %masked_cumsum3A_1286 : vector<16xi32>
    %sub3A_1289 = arith.constant 1 : i32
    %sub3A_1290 = vector.broadcast %sub3A_1289 : i32 to vector<16xi32>
    %sub3A_1291 = arith.subi %add3A_1288, %sub3A_1290 : vector<16xi32>
    %select_n3A_1292 = arith.select %eq3A_1278, %sub3A_1291, %broadcast_in_dim3A_1275 : vector<16xi1>, vector<16xi32>
    %reduce_max3A_1293 = arith.constant true
    %reduce_max3A_1294 = vector.broadcast %reduce_max3A_1293 : i1 to vector<16xi1>
    %reduce_max3A_1295 = arith.constant -2147483648 : i32
    %reduce_max3A_1296 = vector.broadcast %reduce_max3A_1295 : i32 to vector<16xi32>
    %reduce_max3A_1297 = arith.xori %masked_cumsum3A_1286, %reduce_max3A_1296 : vector<16xi32>
    %reduce_max3A_1298 = tpu.scan <max>, %reduce_max3A_1297 masked %reduce_max3A_1294 : vector<16xi32>, vector<16xi1> -> vector<16xi32>
    %reduce_max3A_1299 = arith.xori %reduce_max3A_1298, %reduce_max3A_1296 : vector<16xi32>
    %reduce_max3A_1300 = vector.extract %reduce_max3A_1299[15] : i32 from vector<16xi32>
    %add3A_1301 = arith.addi %add3A_1081, %reduce_max3A_1300 : i32
    %eq3A_1302 = arith.constant 1 : i32
    %eq3A_1303 = vector.broadcast %eq3A_1302 : i32 to vector<16xi32>
    %eq3A_1304 = arith.cmpi eq, %get3A_1273, %eq3A_1303 : vector<16xi32>
    %jit3A_1305 = arith.constant 1 : i32
    %jit3A_1306 = arith.constant 0 : i32
    %broadcast_in_dim3A_1307 = vector.broadcast %jit3A_1305 : i32 to vector<16xi32>
    %broadcast_in_dim3A_1308 = vector.broadcast %jit3A_1306 : i32 to vector<16xi32>
    %select_n3A_1309 = arith.select %eq3A_1304, %broadcast_in_dim3A_1307, %broadcast_in_dim3A_1308 : vector<16xi1>, vector<16xi32>
    %broadcast_in_dim3A_1310 = arith.constant true
    %broadcast_in_dim3A_1311 = vector.broadcast %broadcast_in_dim3A_1310 : i1 to vector<16xi1>
    %masked_cumsum3A_1312 = tpu.scan <sum>, %select_n3A_1309 masked %broadcast_in_dim3A_1311 : vector<16xi32>, vector<16xi1> -> vector<16xi32>
    %add3A_1313 = vector.broadcast %add3A_1107 : i32 to vector<16xi32>
    %add3A_1314 = arith.addi %add3A_1313, %masked_cumsum3A_1312 : vector<16xi32>
    %sub3A_1315 = arith.constant 1 : i32
    %sub3A_1316 = vector.broadcast %sub3A_1315 : i32 to vector<16xi32>
    %sub3A_1317 = arith.subi %add3A_1314, %sub3A_1316 : vector<16xi32>
    %select_n3A_1318 = arith.select %eq3A_1304, %sub3A_1317, %select_n3A_1292 : vector<16xi1>, vector<16xi32>
    %reduce_max3A_1319 = arith.constant true
    %reduce_max3A_1320 = vector.broadcast %reduce_max3A_1319 : i1 to vector<16xi1>
    %reduce_max3A_1321 = arith.constant -2147483648 : i32
    %reduce_max3A_1322 = vector.broadcast %reduce_max3A_1321 : i32 to vector<16xi32>
    %reduce_max3A_1323 = arith.xori %masked_cumsum3A_1312, %reduce_max3A_1322 : vector<16xi32>
    %reduce_max3A_1324 = tpu.scan <max>, %reduce_max3A_1323 masked %reduce_max3A_1320 : vector<16xi32>, vector<16xi1> -> vector<16xi32>
    %reduce_max3A_1325 = arith.xori %reduce_max3A_1324, %reduce_max3A_1322 : vector<16xi32>
    %reduce_max3A_1326 = vector.extract %reduce_max3A_1325[15] : i32 from vector<16xi32>
    %add3A_1327 = arith.addi %add3A_1107, %reduce_max3A_1326 : i32
    %eq3A_1328 = arith.constant 2 : i32
    %eq3A_1329 = vector.broadcast %eq3A_1328 : i32 to vector<16xi32>
    %eq3A_1330 = arith.cmpi eq, %get3A_1273, %eq3A_1329 : vector<16xi32>
    %jit3A_1331 = arith.constant 1 : i32
    %jit3A_1332 = arith.constant 0 : i32
    %broadcast_in_dim3A_1333 = vector.broadcast %jit3A_1331 : i32 to vector<16xi32>
    %broadcast_in_dim3A_1334 = vector.broadcast %jit3A_1332 : i32 to vector<16xi32>
    %select_n3A_1335 = arith.select %eq3A_1330, %broadcast_in_dim3A_1333, %broadcast_in_dim3A_1334 : vector<16xi1>, vector<16xi32>
    %broadcast_in_dim3A_1336 = arith.constant true
    %broadcast_in_dim3A_1337 = vector.broadcast %broadcast_in_dim3A_1336 : i1 to vector<16xi1>
    %masked_cumsum3A_1338 = tpu.scan <sum>, %select_n3A_1335 masked %broadcast_in_dim3A_1337 : vector<16xi32>, vector<16xi1> -> vector<16xi32>
    %add3A_1339 = vector.broadcast %add3A_1133 : i32 to vector<16xi32>
    %add3A_1340 = arith.addi %add3A_1339, %masked_cumsum3A_1338 : vector<16xi32>
    %sub3A_1341 = arith.constant 1 : i32
    %sub3A_1342 = vector.broadcast %sub3A_1341 : i32 to vector<16xi32>
    %sub3A_1343 = arith.subi %add3A_1340, %sub3A_1342 : vector<16xi32>
    %select_n3A_1344 = arith.select %eq3A_1330, %sub3A_1343, %select_n3A_1318 : vector<16xi1>, vector<16xi32>
    %reduce_max3A_1345 = arith.constant true
    %reduce_max3A_1346 = vector.broadcast %reduce_max3A_1345 : i1 to vector<16xi1>
    %reduce_max3A_1347 = arith.constant -2147483648 : i32
    %reduce_max3A_1348 = vector.broadcast %reduce_max3A_1347 : i32 to vector<16xi32>
    %reduce_max3A_1349 = arith.xori %masked_cumsum3A_1338, %reduce_max3A_1348 : vector<16xi32>
    %reduce_max3A_1350 = tpu.scan <max>, %reduce_max3A_1349 masked %reduce_max3A_1346 : vector<16xi32>, vector<16xi1> -> vector<16xi32>
    %reduce_max3A_1351 = arith.xori %reduce_max3A_1350, %reduce_max3A_1348 : vector<16xi32>
    %reduce_max3A_1352 = vector.extract %reduce_max3A_1351[15] : i32 from vector<16xi32>
    %add3A_1353 = arith.addi %add3A_1133, %reduce_max3A_1352 : i32
    %eq3A_1354 = arith.constant 3 : i32
    %eq3A_1355 = vector.broadcast %eq3A_1354 : i32 to vector<16xi32>
    %eq3A_1356 = arith.cmpi eq, %get3A_1273, %eq3A_1355 : vector<16xi32>
    %jit3A_1357 = arith.constant 1 : i32
    %jit3A_1358 = arith.constant 0 : i32
    %broadcast_in_dim3A_1359 = vector.broadcast %jit3A_1357 : i32 to vector<16xi32>
    %broadcast_in_dim3A_1360 = vector.broadcast %jit3A_1358 : i32 to vector<16xi32>
    %select_n3A_1361 = arith.select %eq3A_1356, %broadcast_in_dim3A_1359, %broadcast_in_dim3A_1360 : vector<16xi1>, vector<16xi32>
    %broadcast_in_dim3A_1362 = arith.constant true
    %broadcast_in_dim3A_1363 = vector.broadcast %broadcast_in_dim3A_1362 : i1 to vector<16xi1>
    %masked_cumsum3A_1364 = tpu.scan <sum>, %select_n3A_1361 masked %broadcast_in_dim3A_1363 : vector<16xi32>, vector<16xi1> -> vector<16xi32>
    %add3A_1365 = vector.broadcast %add3A_1159 : i32 to vector<16xi32>
    %add3A_1366 = arith.addi %add3A_1365, %masked_cumsum3A_1364 : vector<16xi32>
    %sub3A_1367 = arith.constant 1 : i32
    %sub3A_1368 = vector.broadcast %sub3A_1367 : i32 to vector<16xi32>
    %sub3A_1369 = arith.subi %add3A_1366, %sub3A_1368 : vector<16xi32>
    %select_n3A_1370 = arith.select %eq3A_1356, %sub3A_1369, %select_n3A_1344 : vector<16xi1>, vector<16xi32>
    %reduce_max3A_1371 = arith.constant true
    %reduce_max3A_1372 = vector.broadcast %reduce_max3A_1371 : i1 to vector<16xi1>
    %reduce_max3A_1373 = arith.constant -2147483648 : i32
    %reduce_max3A_1374 = vector.broadcast %reduce_max3A_1373 : i32 to vector<16xi32>
    %reduce_max3A_1375 = arith.xori %masked_cumsum3A_1364, %reduce_max3A_1374 : vector<16xi32>
    %reduce_max3A_1376 = tpu.scan <max>, %reduce_max3A_1375 masked %reduce_max3A_1372 : vector<16xi32>, vector<16xi1> -> vector<16xi32>
    %reduce_max3A_1377 = arith.xori %reduce_max3A_1376, %reduce_max3A_1374 : vector<16xi32>
    %reduce_max3A_1378 = vector.extract %reduce_max3A_1377[15] : i32 from vector<16xi32>
    %add3A_1379 = arith.addi %add3A_1159, %reduce_max3A_1378 : i32
    %eq3A_1380 = arith.constant 4 : i32
    %eq3A_1381 = vector.broadcast %eq3A_1380 : i32 to vector<16xi32>
    %eq3A_1382 = arith.cmpi eq, %get3A_1273, %eq3A_1381 : vector<16xi32>
    %jit3A_1383 = arith.constant 1 : i32
    %jit3A_1384 = arith.constant 0 : i32
    %broadcast_in_dim3A_1385 = vector.broadcast %jit3A_1383 : i32 to vector<16xi32>
    %broadcast_in_dim3A_1386 = vector.broadcast %jit3A_1384 : i32 to vector<16xi32>
    %select_n3A_1387 = arith.select %eq3A_1382, %broadcast_in_dim3A_1385, %broadcast_in_dim3A_1386 : vector<16xi1>, vector<16xi32>
    %broadcast_in_dim3A_1388 = arith.constant true
    %broadcast_in_dim3A_1389 = vector.broadcast %broadcast_in_dim3A_1388 : i1 to vector<16xi1>
    %masked_cumsum3A_1390 = tpu.scan <sum>, %select_n3A_1387 masked %broadcast_in_dim3A_1389 : vector<16xi32>, vector<16xi1> -> vector<16xi32>
    %add3A_1391 = vector.broadcast %add3A_1185 : i32 to vector<16xi32>
    %add3A_1392 = arith.addi %add3A_1391, %masked_cumsum3A_1390 : vector<16xi32>
    %sub3A_1393 = arith.constant 1 : i32
    %sub3A_1394 = vector.broadcast %sub3A_1393 : i32 to vector<16xi32>
    %sub3A_1395 = arith.subi %add3A_1392, %sub3A_1394 : vector<16xi32>
    %select_n3A_1396 = arith.select %eq3A_1382, %sub3A_1395, %select_n3A_1370 : vector<16xi1>, vector<16xi32>
    %reduce_max3A_1397 = arith.constant true
    %reduce_max3A_1398 = vector.broadcast %reduce_max3A_1397 : i1 to vector<16xi1>
    %reduce_max3A_1399 = arith.constant -2147483648 : i32
    %reduce_max3A_1400 = vector.broadcast %reduce_max3A_1399 : i32 to vector<16xi32>
    %reduce_max3A_1401 = arith.xori %masked_cumsum3A_1390, %reduce_max3A_1400 : vector<16xi32>
    %reduce_max3A_1402 = tpu.scan <max>, %reduce_max3A_1401 masked %reduce_max3A_1398 : vector<16xi32>, vector<16xi1> -> vector<16xi32>
    %reduce_max3A_1403 = arith.xori %reduce_max3A_1402, %reduce_max3A_1400 : vector<16xi32>
    %reduce_max3A_1404 = vector.extract %reduce_max3A_1403[15] : i32 from vector<16xi32>
    %add3A_1405 = arith.addi %add3A_1185, %reduce_max3A_1404 : i32
    %eq3A_1406 = arith.constant 5 : i32
    %eq3A_1407 = vector.broadcast %eq3A_1406 : i32 to vector<16xi32>
    %eq3A_1408 = arith.cmpi eq, %get3A_1273, %eq3A_1407 : vector<16xi32>
    %jit3A_1409 = arith.constant 1 : i32
    %jit3A_1410 = arith.constant 0 : i32
    %broadcast_in_dim3A_1411 = vector.broadcast %jit3A_1409 : i32 to vector<16xi32>
    %broadcast_in_dim3A_1412 = vector.broadcast %jit3A_1410 : i32 to vector<16xi32>
    %select_n3A_1413 = arith.select %eq3A_1408, %broadcast_in_dim3A_1411, %broadcast_in_dim3A_1412 : vector<16xi1>, vector<16xi32>
    %broadcast_in_dim3A_1414 = arith.constant true
    %broadcast_in_dim3A_1415 = vector.broadcast %broadcast_in_dim3A_1414 : i1 to vector<16xi1>
    %masked_cumsum3A_1416 = tpu.scan <sum>, %select_n3A_1413 masked %broadcast_in_dim3A_1415 : vector<16xi32>, vector<16xi1> -> vector<16xi32>
    %add3A_1417 = vector.broadcast %add3A_1211 : i32 to vector<16xi32>
    %add3A_1418 = arith.addi %add3A_1417, %masked_cumsum3A_1416 : vector<16xi32>
    %sub3A_1419 = arith.constant 1 : i32
    %sub3A_1420 = vector.broadcast %sub3A_1419 : i32 to vector<16xi32>
    %sub3A_1421 = arith.subi %add3A_1418, %sub3A_1420 : vector<16xi32>
    %select_n3A_1422 = arith.select %eq3A_1408, %sub3A_1421, %select_n3A_1396 : vector<16xi1>, vector<16xi32>
    %reduce_max3A_1423 = arith.constant true
    %reduce_max3A_1424 = vector.broadcast %reduce_max3A_1423 : i1 to vector<16xi1>
    %reduce_max3A_1425 = arith.constant -2147483648 : i32
    %reduce_max3A_1426 = vector.broadcast %reduce_max3A_1425 : i32 to vector<16xi32>
    %reduce_max3A_1427 = arith.xori %masked_cumsum3A_1416, %reduce_max3A_1426 : vector<16xi32>
    %reduce_max3A_1428 = tpu.scan <max>, %reduce_max3A_1427 masked %reduce_max3A_1424 : vector<16xi32>, vector<16xi1> -> vector<16xi32>
    %reduce_max3A_1429 = arith.xori %reduce_max3A_1428, %reduce_max3A_1426 : vector<16xi32>
    %reduce_max3A_1430 = vector.extract %reduce_max3A_1429[15] : i32 from vector<16xi32>
    %add3A_1431 = arith.addi %add3A_1211, %reduce_max3A_1430 : i32
    %eq3A_1432 = arith.constant 6 : i32
    %eq3A_1433 = vector.broadcast %eq3A_1432 : i32 to vector<16xi32>
    %eq3A_1434 = arith.cmpi eq, %get3A_1273, %eq3A_1433 : vector<16xi32>
    %jit3A_1435 = arith.constant 1 : i32
    %jit3A_1436 = arith.constant 0 : i32
    %broadcast_in_dim3A_1437 = vector.broadcast %jit3A_1435 : i32 to vector<16xi32>
    %broadcast_in_dim3A_1438 = vector.broadcast %jit3A_1436 : i32 to vector<16xi32>
    %select_n3A_1439 = arith.select %eq3A_1434, %broadcast_in_dim3A_1437, %broadcast_in_dim3A_1438 : vector<16xi1>, vector<16xi32>
    %broadcast_in_dim3A_1440 = arith.constant true
    %broadcast_in_dim3A_1441 = vector.broadcast %broadcast_in_dim3A_1440 : i1 to vector<16xi1>
    %masked_cumsum3A_1442 = tpu.scan <sum>, %select_n3A_1439 masked %broadcast_in_dim3A_1441 : vector<16xi32>, vector<16xi1> -> vector<16xi32>
    %add3A_1443 = vector.broadcast %add3A_1237 : i32 to vector<16xi32>
    %add3A_1444 = arith.addi %add3A_1443, %masked_cumsum3A_1442 : vector<16xi32>
    %sub3A_1445 = arith.constant 1 : i32
    %sub3A_1446 = vector.broadcast %sub3A_1445 : i32 to vector<16xi32>
    %sub3A_1447 = arith.subi %add3A_1444, %sub3A_1446 : vector<16xi32>
    %select_n3A_1448 = arith.select %eq3A_1434, %sub3A_1447, %select_n3A_1422 : vector<16xi1>, vector<16xi32>
    %reduce_max3A_1449 = arith.constant true
    %reduce_max3A_1450 = vector.broadcast %reduce_max3A_1449 : i1 to vector<16xi1>
    %reduce_max3A_1451 = arith.constant -2147483648 : i32
    %reduce_max3A_1452 = vector.broadcast %reduce_max3A_1451 : i32 to vector<16xi32>
    %reduce_max3A_1453 = arith.xori %masked_cumsum3A_1442, %reduce_max3A_1452 : vector<16xi32>
    %reduce_max3A_1454 = tpu.scan <max>, %reduce_max3A_1453 masked %reduce_max3A_1450 : vector<16xi32>, vector<16xi1> -> vector<16xi32>
    %reduce_max3A_1455 = arith.xori %reduce_max3A_1454, %reduce_max3A_1452 : vector<16xi32>
    %reduce_max3A_1456 = vector.extract %reduce_max3A_1455[15] : i32 from vector<16xi32>
    %add3A_1457 = arith.addi %add3A_1237, %reduce_max3A_1456 : i32
    %eq3A_1458 = arith.constant 7 : i32
    %eq3A_1459 = vector.broadcast %eq3A_1458 : i32 to vector<16xi32>
    %eq3A_1460 = arith.cmpi eq, %get3A_1273, %eq3A_1459 : vector<16xi32>
    %jit3A_1461 = arith.constant 1 : i32
    %jit3A_1462 = arith.constant 0 : i32
    %broadcast_in_dim3A_1463 = vector.broadcast %jit3A_1461 : i32 to vector<16xi32>
    %broadcast_in_dim3A_1464 = vector.broadcast %jit3A_1462 : i32 to vector<16xi32>
    %select_n3A_1465 = arith.select %eq3A_1460, %broadcast_in_dim3A_1463, %broadcast_in_dim3A_1464 : vector<16xi1>, vector<16xi32>
    %broadcast_in_dim3A_1466 = arith.constant true
    %broadcast_in_dim3A_1467 = vector.broadcast %broadcast_in_dim3A_1466 : i1 to vector<16xi1>
    %masked_cumsum3A_1468 = tpu.scan <sum>, %select_n3A_1465 masked %broadcast_in_dim3A_1467 : vector<16xi32>, vector<16xi1> -> vector<16xi32>
    %add3A_1469 = vector.broadcast %add3A_1263 : i32 to vector<16xi32>
    %add3A_1470 = arith.addi %add3A_1469, %masked_cumsum3A_1468 : vector<16xi32>
    %sub3A_1471 = arith.constant 1 : i32
    %sub3A_1472 = vector.broadcast %sub3A_1471 : i32 to vector<16xi32>
    %sub3A_1473 = arith.subi %add3A_1470, %sub3A_1472 : vector<16xi32>
    %select_n3A_1474 = arith.select %eq3A_1460, %sub3A_1473, %select_n3A_1448 : vector<16xi1>, vector<16xi32>
    %reduce_max3A_1475 = arith.constant true
    %reduce_max3A_1476 = vector.broadcast %reduce_max3A_1475 : i1 to vector<16xi1>
    %reduce_max3A_1477 = arith.constant -2147483648 : i32
    %reduce_max3A_1478 = vector.broadcast %reduce_max3A_1477 : i32 to vector<16xi32>
    %reduce_max3A_1479 = arith.xori %masked_cumsum3A_1468, %reduce_max3A_1478 : vector<16xi32>
    %reduce_max3A_1480 = tpu.scan <max>, %reduce_max3A_1479 masked %reduce_max3A_1476 : vector<16xi32>, vector<16xi1> -> vector<16xi32>
    %reduce_max3A_1481 = arith.xori %reduce_max3A_1480, %reduce_max3A_1478 : vector<16xi32>
    %reduce_max3A_1482 = vector.extract %reduce_max3A_1481[15] : i32 from vector<16xi32>
    %add3A_1483 = arith.addi %add3A_1263, %reduce_max3A_1482 : i32
    %swap3A_1484 = arith.constant 80 : index
    %swap3A_1485 = tpu.vector_load %arg13[%swap3A_1484] {strides = array<i32>} : memref<128xi32, #tpu.memory_space<vmem>>, vector<16xi32>,
    tpu.vector_store %arg13[%swap3A_1484], %select_n3A_1474 {strides = array<i32>} : memref<128xi32, #tpu.memory_space<vmem>>, vector<16xi32>,
    %swap3A_1486 = arith.constant 16 : index
    %swap3A_1487 = tpu.vector_load %arg16[%swap3A_1486] {strides = array<i32>} : memref<32xi32, #tpu.memory_space<vmem>>, vector<16xi32>,
    tpu.vector_store %arg16[%swap3A_1486], %select_n3A_1474 {strides = array<i32>} : memref<32xi32, #tpu.memory_space<vmem>>, vector<16xi32>,
    %add3A_1488 = arith.constant 6 : i32
    %add3A_1489 = arith.addi %mul3A_66, %add3A_1488 : i32
    %mul3A_1490 = arith.constant 16 : i32
    %mul3A_1491 = arith.muli %add3A_1489, %mul3A_1490 : i32
    %get3A_1492 = arith.index_cast %mul3A_1491 : i32 to index
    %get3A_1493 = tpu.vector_load %arg8[%get3A_1492] {strides = array<i32>} : memref<4096xi32, #tpu.memory_space<vmem>>, vector<16xi32>,
    %broadcast_in_dim3A_1494 = arith.constant 0 : i32
    %broadcast_in_dim3A_1495 = vector.broadcast %broadcast_in_dim3A_1494 : i32 to vector<16xi32>
    %eq3A_1496 = arith.constant 0 : i32
    %eq3A_1497 = vector.broadcast %eq3A_1496 : i32 to vector<16xi32>
    %eq3A_1498 = arith.cmpi eq, %get3A_1493, %eq3A_1497 : vector<16xi32>
    %jit3A_1499 = arith.constant 1 : i32
    %jit3A_1500 = arith.constant 0 : i32
    %broadcast_in_dim3A_1501 = vector.broadcast %jit3A_1499 : i32 to vector<16xi32>
    %broadcast_in_dim3A_1502 = vector.broadcast %jit3A_1500 : i32 to vector<16xi32>
    %select_n3A_1503 = arith.select %eq3A_1498, %broadcast_in_dim3A_1501, %broadcast_in_dim3A_1502 : vector<16xi1>, vector<16xi32>
    %broadcast_in_dim3A_1504 = arith.constant true
    %broadcast_in_dim3A_1505 = vector.broadcast %broadcast_in_dim3A_1504 : i1 to vector<16xi1>
    %masked_cumsum3A_1506 = tpu.scan <sum>, %select_n3A_1503 masked %broadcast_in_dim3A_1505 : vector<16xi32>, vector<16xi1> -> vector<16xi32>
    %add3A_1507 = vector.broadcast %add3A_1301 : i32 to vector<16xi32>
    %add3A_1508 = arith.addi %add3A_1507, %masked_cumsum3A_1506 : vector<16xi32>
    %sub3A_1509 = arith.constant 1 : i32
    %sub3A_1510 = vector.broadcast %sub3A_1509 : i32 to vector<16xi32>
    %sub3A_1511 = arith.subi %add3A_1508, %sub3A_1510 : vector<16xi32>
    %select_n3A_1512 = arith.select %eq3A_1498, %sub3A_1511, %broadcast_in_dim3A_1495 : vector<16xi1>, vector<16xi32>
    %reduce_max3A_1513 = arith.constant true
    %reduce_max3A_1514 = vector.broadcast %reduce_max3A_1513 : i1 to vector<16xi1>
    %reduce_max3A_1515 = arith.constant -2147483648 : i32
    %reduce_max3A_1516 = vector.broadcast %reduce_max3A_1515 : i32 to vector<16xi32>
    %reduce_max3A_1517 = arith.xori %masked_cumsum3A_1506, %reduce_max3A_1516 : vector<16xi32>
    %reduce_max3A_1518 = tpu.scan <max>, %reduce_max3A_1517 masked %reduce_max3A_1514 : vector<16xi32>, vector<16xi1> -> vector<16xi32>
    %reduce_max3A_1519 = arith.xori %reduce_max3A_1518, %reduce_max3A_1516 : vector<16xi32>
    %reduce_max3A_1520 = vector.extract %reduce_max3A_1519[15] : i32 from vector<16xi32>
    %add3A_1521 = arith.addi %add3A_1301, %reduce_max3A_1520 : i32
    %eq3A_1522 = arith.constant 1 : i32
    %eq3A_1523 = vector.broadcast %eq3A_1522 : i32 to vector<16xi32>
    %eq3A_1524 = arith.cmpi eq, %get3A_1493, %eq3A_1523 : vector<16xi32>
    %jit3A_1525 = arith.constant 1 : i32
    %jit3A_1526 = arith.constant 0 : i32
    %broadcast_in_dim3A_1527 = vector.broadcast %jit3A_1525 : i32 to vector<16xi32>
    %broadcast_in_dim3A_1528 = vector.broadcast %jit3A_1526 : i32 to vector<16xi32>
    %select_n3A_1529 = arith.select %eq3A_1524, %broadcast_in_dim3A_1527, %broadcast_in_dim3A_1528 : vector<16xi1>, vector<16xi32>
    %broadcast_in_dim3A_1530 = arith.constant true
    %broadcast_in_dim3A_1531 = vector.broadcast %broadcast_in_dim3A_1530 : i1 to vector<16xi1>
    %masked_cumsum3A_1532 = tpu.scan <sum>, %select_n3A_1529 masked %broadcast_in_dim3A_1531 : vector<16xi32>, vector<16xi1> -> vector<16xi32>
    %add3A_1533 = vector.broadcast %add3A_1327 : i32 to vector<16xi32>
    %add3A_1534 = arith.addi %add3A_1533, %masked_cumsum3A_1532 : vector<16xi32>
    %sub3A_1535 = arith.constant 1 : i32
    %sub3A_1536 = vector.broadcast %sub3A_1535 : i32 to vector<16xi32>
    %sub3A_1537 = arith.subi %add3A_1534, %sub3A_1536 : vector<16xi32>
    %select_n3A_1538 = arith.select %eq3A_1524, %sub3A_1537, %select_n3A_1512 : vector<16xi1>, vector<16xi32>
    %reduce_max3A_1539 = arith.constant true
    %reduce_max3A_1540 = vector.broadcast %reduce_max3A_1539 : i1 to vector<16xi1>
    %reduce_max3A_1541 = arith.constant -2147483648 : i32
    %reduce_max3A_1542 = vector.broadcast %reduce_max3A_1541 : i32 to vector<16xi32>
    %reduce_max3A_1543 = arith.xori %masked_cumsum3A_1532, %reduce_max3A_1542 : vector<16xi32>
    %reduce_max3A_1544 = tpu.scan <max>, %reduce_max3A_1543 masked %reduce_max3A_1540 : vector<16xi32>, vector<16xi1> -> vector<16xi32>
    %reduce_max3A_1545 = arith.xori %reduce_max3A_1544, %reduce_max3A_1542 : vector<16xi32>
    %reduce_max3A_1546 = vector.extract %reduce_max3A_1545[15] : i32 from vector<16xi32>
    %add3A_1547 = arith.addi %add3A_1327, %reduce_max3A_1546 : i32
    %eq3A_1548 = arith.constant 2 : i32
    %eq3A_1549 = vector.broadcast %eq3A_1548 : i32 to vector<16xi32>
    %eq3A_1550 = arith.cmpi eq, %get3A_1493, %eq3A_1549 : vector<16xi32>
    %jit3A_1551 = arith.constant 1 : i32
    %jit3A_1552 = arith.constant 0 : i32
    %broadcast_in_dim3A_1553 = vector.broadcast %jit3A_1551 : i32 to vector<16xi32>
    %broadcast_in_dim3A_1554 = vector.broadcast %jit3A_1552 : i32 to vector<16xi32>
    %select_n3A_1555 = arith.select %eq3A_1550, %broadcast_in_dim3A_1553, %broadcast_in_dim3A_1554 : vector<16xi1>, vector<16xi32>
    %broadcast_in_dim3A_1556 = arith.constant true
    %broadcast_in_dim3A_1557 = vector.broadcast %broadcast_in_dim3A_1556 : i1 to vector<16xi1>
    %masked_cumsum3A_1558 = tpu.scan <sum>, %select_n3A_1555 masked %broadcast_in_dim3A_1557 : vector<16xi32>, vector<16xi1> -> vector<16xi32>
    %add3A_1559 = vector.broadcast %add3A_1353 : i32 to vector<16xi32>
    %add3A_1560 = arith.addi %add3A_1559, %masked_cumsum3A_1558 : vector<16xi32>
    %sub3A_1561 = arith.constant 1 : i32
    %sub3A_1562 = vector.broadcast %sub3A_1561 : i32 to vector<16xi32>
    %sub3A_1563 = arith.subi %add3A_1560, %sub3A_1562 : vector<16xi32>
    %select_n3A_1564 = arith.select %eq3A_1550, %sub3A_1563, %select_n3A_1538 : vector<16xi1>, vector<16xi32>
    %reduce_max3A_1565 = arith.constant true
    %reduce_max3A_1566 = vector.broadcast %reduce_max3A_1565 : i1 to vector<16xi1>
    %reduce_max3A_1567 = arith.constant -2147483648 : i32
    %reduce_max3A_1568 = vector.broadcast %reduce_max3A_1567 : i32 to vector<16xi32>
    %reduce_max3A_1569 = arith.xori %masked_cumsum3A_1558, %reduce_max3A_1568 : vector<16xi32>
    %reduce_max3A_1570 = tpu.scan <max>, %reduce_max3A_1569 masked %reduce_max3A_1566 : vector<16xi32>, vector<16xi1> -> vector<16xi32>
    %reduce_max3A_1571 = arith.xori %reduce_max3A_1570, %reduce_max3A_1568 : vector<16xi32>
    %reduce_max3A_1572 = vector.extract %reduce_max3A_1571[15] : i32 from vector<16xi32>
    %add3A_1573 = arith.addi %add3A_1353, %reduce_max3A_1572 : i32
    %eq3A_1574 = arith.constant 3 : i32
    %eq3A_1575 = vector.broadcast %eq3A_1574 : i32 to vector<16xi32>
    %eq3A_1576 = arith.cmpi eq, %get3A_1493, %eq3A_1575 : vector<16xi32>
    %jit3A_1577 = arith.constant 1 : i32
    %jit3A_1578 = arith.constant 0 : i32
    %broadcast_in_dim3A_1579 = vector.broadcast %jit3A_1577 : i32 to vector<16xi32>
    %broadcast_in_dim3A_1580 = vector.broadcast %jit3A_1578 : i32 to vector<16xi32>
    %select_n3A_1581 = arith.select %eq3A_1576, %broadcast_in_dim3A_1579, %broadcast_in_dim3A_1580 : vector<16xi1>, vector<16xi32>
    %broadcast_in_dim3A_1582 = arith.constant true
    %broadcast_in_dim3A_1583 = vector.broadcast %broadcast_in_dim3A_1582 : i1 to vector<16xi1>
    %masked_cumsum3A_1584 = tpu.scan <sum>, %select_n3A_1581 masked %broadcast_in_dim3A_1583 : vector<16xi32>, vector<16xi1> -> vector<16xi32>
    %add3A_1585 = vector.broadcast %add3A_1379 : i32 to vector<16xi32>
    %add3A_1586 = arith.addi %add3A_1585, %masked_cumsum3A_1584 : vector<16xi32>
    %sub3A_1587 = arith.constant 1 : i32
    %sub3A_1588 = vector.broadcast %sub3A_1587 : i32 to vector<16xi32>
    %sub3A_1589 = arith.subi %add3A_1586, %sub3A_1588 : vector<16xi32>
    %select_n3A_1590 = arith.select %eq3A_1576, %sub3A_1589, %select_n3A_1564 : vector<16xi1>, vector<16xi32>
    %reduce_max3A_1591 = arith.constant true
    %reduce_max3A_1592 = vector.broadcast %reduce_max3A_1591 : i1 to vector<16xi1>
    %reduce_max3A_1593 = arith.constant -2147483648 : i32
    %reduce_max3A_1594 = vector.broadcast %reduce_max3A_1593 : i32 to vector<16xi32>
    %reduce_max3A_1595 = arith.xori %masked_cumsum3A_1584, %reduce_max3A_1594 : vector<16xi32>
    %reduce_max3A_1596 = tpu.scan <max>, %reduce_max3A_1595 masked %reduce_max3A_1592 : vector<16xi32>, vector<16xi1> -> vector<16xi32>
    %reduce_max3A_1597 = arith.xori %reduce_max3A_1596, %reduce_max3A_1594 : vector<16xi32>
    %reduce_max3A_1598 = vector.extract %reduce_max3A_1597[15] : i32 from vector<16xi32>
    %add3A_1599 = arith.addi %add3A_1379, %reduce_max3A_1598 : i32
    %eq3A_1600 = arith.constant 4 : i32
    %eq3A_1601 = vector.broadcast %eq3A_1600 : i32 to vector<16xi32>
    %eq3A_1602 = arith.cmpi eq, %get3A_1493, %eq3A_1601 : vector<16xi32>
    %jit3A_1603 = arith.constant 1 : i32
    %jit3A_1604 = arith.constant 0 : i32
    %broadcast_in_dim3A_1605 = vector.broadcast %jit3A_1603 : i32 to vector<16xi32>
    %broadcast_in_dim3A_1606 = vector.broadcast %jit3A_1604 : i32 to vector<16xi32>
    %select_n3A_1607 = arith.select %eq3A_1602, %broadcast_in_dim3A_1605, %broadcast_in_dim3A_1606 : vector<16xi1>, vector<16xi32>
    %broadcast_in_dim3A_1608 = arith.constant true
    %broadcast_in_dim3A_1609 = vector.broadcast %broadcast_in_dim3A_1608 : i1 to vector<16xi1>
    %masked_cumsum3A_1610 = tpu.scan <sum>, %select_n3A_1607 masked %broadcast_in_dim3A_1609 : vector<16xi32>, vector<16xi1> -> vector<16xi32>
    %add3A_1611 = vector.broadcast %add3A_1405 : i32 to vector<16xi32>
    %add3A_1612 = arith.addi %add3A_1611, %masked_cumsum3A_1610 : vector<16xi32>
    %sub3A_1613 = arith.constant 1 : i32
    %sub3A_1614 = vector.broadcast %sub3A_1613 : i32 to vector<16xi32>
    %sub3A_1615 = arith.subi %add3A_1612, %sub3A_1614 : vector<16xi32>
    %select_n3A_1616 = arith.select %eq3A_1602, %sub3A_1615, %select_n3A_1590 : vector<16xi1>, vector<16xi32>
    %reduce_max3A_1617 = arith.constant true
    %reduce_max3A_1618 = vector.broadcast %reduce_max3A_1617 : i1 to vector<16xi1>
    %reduce_max3A_1619 = arith.constant -2147483648 : i32
    %reduce_max3A_1620 = vector.broadcast %reduce_max3A_1619 : i32 to vector<16xi32>
    %reduce_max3A_1621 = arith.xori %masked_cumsum3A_1610, %reduce_max3A_1620 : vector<16xi32>
    %reduce_max3A_1622 = tpu.scan <max>, %reduce_max3A_1621 masked %reduce_max3A_1618 : vector<16xi32>, vector<16xi1> -> vector<16xi32>
    %reduce_max3A_1623 = arith.xori %reduce_max3A_1622, %reduce_max3A_1620 : vector<16xi32>
    %reduce_max3A_1624 = vector.extract %reduce_max3A_1623[15] : i32 from vector<16xi32>
    %add3A_1625 = arith.addi %add3A_1405, %reduce_max3A_1624 : i32
    %eq3A_1626 = arith.constant 5 : i32
    %eq3A_1627 = vector.broadcast %eq3A_1626 : i32 to vector<16xi32>
    %eq3A_1628 = arith.cmpi eq, %get3A_1493, %eq3A_1627 : vector<16xi32>
    %jit3A_1629 = arith.constant 1 : i32
    %jit3A_1630 = arith.constant 0 : i32
    %broadcast_in_dim3A_1631 = vector.broadcast %jit3A_1629 : i32 to vector<16xi32>
    %broadcast_in_dim3A_1632 = vector.broadcast %jit3A_1630 : i32 to vector<16xi32>
    %select_n3A_1633 = arith.select %eq3A_1628, %broadcast_in_dim3A_1631, %broadcast_in_dim3A_1632 : vector<16xi1>, vector<16xi32>
    %broadcast_in_dim3A_1634 = arith.constant true
    %broadcast_in_dim3A_1635 = vector.broadcast %broadcast_in_dim3A_1634 : i1 to vector<16xi1>
    %masked_cumsum3A_1636 = tpu.scan <sum>, %select_n3A_1633 masked %broadcast_in_dim3A_1635 : vector<16xi32>, vector<16xi1> -> vector<16xi32>
    %add3A_1637 = vector.broadcast %add3A_1431 : i32 to vector<16xi32>
    %add3A_1638 = arith.addi %add3A_1637, %masked_cumsum3A_1636 : vector<16xi32>
    %sub3A_1639 = arith.constant 1 : i32
    %sub3A_1640 = vector.broadcast %sub3A_1639 : i32 to vector<16xi32>
    %sub3A_1641 = arith.subi %add3A_1638, %sub3A_1640 : vector<16xi32>
    %select_n3A_1642 = arith.select %eq3A_1628, %sub3A_1641, %select_n3A_1616 : vector<16xi1>, vector<16xi32>
    %reduce_max3A_1643 = arith.constant true
    %reduce_max3A_1644 = vector.broadcast %reduce_max3A_1643 : i1 to vector<16xi1>
    %reduce_max3A_1645 = arith.constant -2147483648 : i32
    %reduce_max3A_1646 = vector.broadcast %reduce_max3A_1645 : i32 to vector<16xi32>
    %reduce_max3A_1647 = arith.xori %masked_cumsum3A_1636, %reduce_max3A_1646 : vector<16xi32>
    %reduce_max3A_1648 = tpu.scan <max>, %reduce_max3A_1647 masked %reduce_max3A_1644 : vector<16xi32>, vector<16xi1> -> vector<16xi32>
    %reduce_max3A_1649 = arith.xori %reduce_max3A_1648, %reduce_max3A_1646 : vector<16xi32>
    %reduce_max3A_1650 = vector.extract %reduce_max3A_1649[15] : i32 from vector<16xi32>
    %add3A_1651 = arith.addi %add3A_1431, %reduce_max3A_1650 : i32
    %eq3A_1652 = arith.constant 6 : i32
    %eq3A_1653 = vector.broadcast %eq3A_1652 : i32 to vector<16xi32>
    %eq3A_1654 = arith.cmpi eq, %get3A_1493, %eq3A_1653 : vector<16xi32>
    %jit3A_1655 = arith.constant 1 : i32
    %jit3A_1656 = arith.constant 0 : i32
    %broadcast_in_dim3A_1657 = vector.broadcast %jit3A_1655 : i32 to vector<16xi32>
    %broadcast_in_dim3A_1658 = vector.broadcast %jit3A_1656 : i32 to vector<16xi32>
    %select_n3A_1659 = arith.select %eq3A_1654, %broadcast_in_dim3A_1657, %broadcast_in_dim3A_1658 : vector<16xi1>, vector<16xi32>
    %broadcast_in_dim3A_1660 = arith.constant true
    %broadcast_in_dim3A_1661 = vector.broadcast %broadcast_in_dim3A_1660 : i1 to vector<16xi1>
    %masked_cumsum3A_1662 = tpu.scan <sum>, %select_n3A_1659 masked %broadcast_in_dim3A_1661 : vector<16xi32>, vector<16xi1> -> vector<16xi32>
    %add3A_1663 = vector.broadcast %add3A_1457 : i32 to vector<16xi32>
    %add3A_1664 = arith.addi %add3A_1663, %masked_cumsum3A_1662 : vector<16xi32>
    %sub3A_1665 = arith.constant 1 : i32
    %sub3A_1666 = vector.broadcast %sub3A_1665 : i32 to vector<16xi32>
    %sub3A_1667 = arith.subi %add3A_1664, %sub3A_1666 : vector<16xi32>
    %select_n3A_1668 = arith.select %eq3A_1654, %sub3A_1667, %select_n3A_1642 : vector<16xi1>, vector<16xi32>
    %reduce_max3A_1669 = arith.constant true
    %reduce_max3A_1670 = vector.broadcast %reduce_max3A_1669 : i1 to vector<16xi1>
    %reduce_max3A_1671 = arith.constant -2147483648 : i32
    %reduce_max3A_1672 = vector.broadcast %reduce_max3A_1671 : i32 to vector<16xi32>
    %reduce_max3A_1673 = arith.xori %masked_cumsum3A_1662, %reduce_max3A_1672 : vector<16xi32>
    %reduce_max3A_1674 = tpu.scan <max>, %reduce_max3A_1673 masked %reduce_max3A_1670 : vector<16xi32>, vector<16xi1> -> vector<16xi32>
    %reduce_max3A_1675 = arith.xori %reduce_max3A_1674, %reduce_max3A_1672 : vector<16xi32>
    %reduce_max3A_1676 = vector.extract %reduce_max3A_1675[15] : i32 from vector<16xi32>
    %add3A_1677 = arith.addi %add3A_1457, %reduce_max3A_1676 : i32
    %eq3A_1678 = arith.constant 7 : i32
    %eq3A_1679 = vector.broadcast %eq3A_1678 : i32 to vector<16xi32>
    %eq3A_1680 = arith.cmpi eq, %get3A_1493, %eq3A_1679 : vector<16xi32>
    %jit3A_1681 = arith.constant 1 : i32
    %jit3A_1682 = arith.constant 0 : i32
    %broadcast_in_dim3A_1683 = vector.broadcast %jit3A_1681 : i32 to vector<16xi32>
    %broadcast_in_dim3A_1684 = vector.broadcast %jit3A_1682 : i32 to vector<16xi32>
    %select_n3A_1685 = arith.select %eq3A_1680, %broadcast_in_dim3A_1683, %broadcast_in_dim3A_1684 : vector<16xi1>, vector<16xi32>
    %broadcast_in_dim3A_1686 = arith.constant true
    %broadcast_in_dim3A_1687 = vector.broadcast %broadcast_in_dim3A_1686 : i1 to vector<16xi1>
    %masked_cumsum3A_1688 = tpu.scan <sum>, %select_n3A_1685 masked %broadcast_in_dim3A_1687 : vector<16xi32>, vector<16xi1> -> vector<16xi32>
    %add3A_1689 = vector.broadcast %add3A_1483 : i32 to vector<16xi32>
    %add3A_1690 = arith.addi %add3A_1689, %masked_cumsum3A_1688 : vector<16xi32>
    %sub3A_1691 = arith.constant 1 : i32
    %sub3A_1692 = vector.broadcast %sub3A_1691 : i32 to vector<16xi32>
    %sub3A_1693 = arith.subi %add3A_1690, %sub3A_1692 : vector<16xi32>
    %select_n3A_1694 = arith.select %eq3A_1680, %sub3A_1693, %select_n3A_1668 : vector<16xi1>, vector<16xi32>
    %reduce_max3A_1695 = arith.constant true
    %reduce_max3A_1696 = vector.broadcast %reduce_max3A_1695 : i1 to vector<16xi1>
    %reduce_max3A_1697 = arith.constant -2147483648 : i32
    %reduce_max3A_1698 = vector.broadcast %reduce_max3A_1697 : i32 to vector<16xi32>
    %reduce_max3A_1699 = arith.xori %masked_cumsum3A_1688, %reduce_max3A_1698 : vector<16xi32>
    %reduce_max3A_1700 = tpu.scan <max>, %reduce_max3A_1699 masked %reduce_max3A_1696 : vector<16xi32>, vector<16xi1> -> vector<16xi32>
    %reduce_max3A_1701 = arith.xori %reduce_max3A_1700, %reduce_max3A_1698 : vector<16xi32>
    %reduce_max3A_1702 = vector.extract %reduce_max3A_1701[15] : i32 from vector<16xi32>
    %add3A_1703 = arith.addi %add3A_1483, %reduce_max3A_1702 : i32
    %swap3A_1704 = arith.constant 96 : index
    %swap3A_1705 = tpu.vector_load %arg13[%swap3A_1704] {strides = array<i32>} : memref<128xi32, #tpu.memory_space<vmem>>, vector<16xi32>,
    tpu.vector_store %arg13[%swap3A_1704], %select_n3A_1694 {strides = array<i32>} : memref<128xi32, #tpu.memory_space<vmem>>, vector<16xi32>,
    %swap3A_1706 = arith.constant 0 : index
    %swap3A_1707 = tpu.vector_load %arg17[%swap3A_1706] {strides = array<i32>} : memref<32xi32, #tpu.memory_space<vmem>>, vector<16xi32>,
    tpu.vector_store %arg17[%swap3A_1706], %select_n3A_1694 {strides = array<i32>} : memref<32xi32, #tpu.memory_space<vmem>>, vector<16xi32>,
    %add3A_1708 = arith.constant 7 : i32
    %add3A_1709 = arith.addi %mul3A_66, %add3A_1708 : i32
    %mul3A_1710 = arith.constant 16 : i32
    %mul3A_1711 = arith.muli %add3A_1709, %mul3A_1710 : i32
    %get3A_1712 = arith.index_cast %mul3A_1711 : i32 to index
    %get3A_1713 = tpu.vector_load %arg8[%get3A_1712] {strides = array<i32>} : memref<4096xi32, #tpu.memory_space<vmem>>, vector<16xi32>,
    %broadcast_in_dim3A_1714 = arith.constant 0 : i32
    %broadcast_in_dim3A_1715 = vector.broadcast %broadcast_in_dim3A_1714 : i32 to vector<16xi32>
    %eq3A_1716 = arith.constant 0 : i32
    %eq3A_1717 = vector.broadcast %eq3A_1716 : i32 to vector<16xi32>
    %eq3A_1718 = arith.cmpi eq, %get3A_1713, %eq3A_1717 : vector<16xi32>
    %jit3A_1719 = arith.constant 1 : i32
    %jit3A_1720 = arith.constant 0 : i32
    %broadcast_in_dim3A_1721 = vector.broadcast %jit3A_1719 : i32 to vector<16xi32>
    %broadcast_in_dim3A_1722 = vector.broadcast %jit3A_1720 : i32 to vector<16xi32>
    %select_n3A_1723 = arith.select %eq3A_1718, %broadcast_in_dim3A_1721, %broadcast_in_dim3A_1722 : vector<16xi1>, vector<16xi32>
    %broadcast_in_dim3A_1724 = arith.constant true
    %broadcast_in_dim3A_1725 = vector.broadcast %broadcast_in_dim3A_1724 : i1 to vector<16xi1>
    %masked_cumsum3A_1726 = tpu.scan <sum>, %select_n3A_1723 masked %broadcast_in_dim3A_1725 : vector<16xi32>, vector<16xi1> -> vector<16xi32>
    %add3A_1727 = vector.broadcast %add3A_1521 : i32 to vector<16xi32>
    %add3A_1728 = arith.addi %add3A_1727, %masked_cumsum3A_1726 : vector<16xi32>
    %sub3A_1729 = arith.constant 1 : i32
    %sub3A_1730 = vector.broadcast %sub3A_1729 : i32 to vector<16xi32>
    %sub3A_1731 = arith.subi %add3A_1728, %sub3A_1730 : vector<16xi32>
    %select_n3A_1732 = arith.select %eq3A_1718, %sub3A_1731, %broadcast_in_dim3A_1715 : vector<16xi1>, vector<16xi32>
    %reduce_max3A_1733 = arith.constant true
    %reduce_max3A_1734 = vector.broadcast %reduce_max3A_1733 : i1 to vector<16xi1>
    %reduce_max3A_1735 = arith.constant -2147483648 : i32
    %reduce_max3A_1736 = vector.broadcast %reduce_max3A_1735 : i32 to vector<16xi32>
    %reduce_max3A_1737 = arith.xori %masked_cumsum3A_1726, %reduce_max3A_1736 : vector<16xi32>
    %reduce_max3A_1738 = tpu.scan <max>, %reduce_max3A_1737 masked %reduce_max3A_1734 : vector<16xi32>, vector<16xi1> -> vector<16xi32>
    %reduce_max3A_1739 = arith.xori %reduce_max3A_1738, %reduce_max3A_1736 : vector<16xi32>
    %reduce_max3A_1740 = vector.extract %reduce_max3A_1739[15] : i32 from vector<16xi32>
    %add3A_1741 = arith.addi %add3A_1521, %reduce_max3A_1740 : i32
    %eq3A_1742 = arith.constant 1 : i32
    %eq3A_1743 = vector.broadcast %eq3A_1742 : i32 to vector<16xi32>
    %eq3A_1744 = arith.cmpi eq, %get3A_1713, %eq3A_1743 : vector<16xi32>
    %jit3A_1745 = arith.constant 1 : i32
    %jit3A_1746 = arith.constant 0 : i32
    %broadcast_in_dim3A_1747 = vector.broadcast %jit3A_1745 : i32 to vector<16xi32>
    %broadcast_in_dim3A_1748 = vector.broadcast %jit3A_1746 : i32 to vector<16xi32>
    %select_n3A_1749 = arith.select %eq3A_1744, %broadcast_in_dim3A_1747, %broadcast_in_dim3A_1748 : vector<16xi1>, vector<16xi32>
    %broadcast_in_dim3A_1750 = arith.constant true
    %broadcast_in_dim3A_1751 = vector.broadcast %broadcast_in_dim3A_1750 : i1 to vector<16xi1>
    %masked_cumsum3A_1752 = tpu.scan <sum>, %select_n3A_1749 masked %broadcast_in_dim3A_1751 : vector<16xi32>, vector<16xi1> -> vector<16xi32>
    %add3A_1753 = vector.broadcast %add3A_1547 : i32 to vector<16xi32>
    %add3A_1754 = arith.addi %add3A_1753, %masked_cumsum3A_1752 : vector<16xi32>
    %sub3A_1755 = arith.constant 1 : i32
    %sub3A_1756 = vector.broadcast %sub3A_1755 : i32 to vector<16xi32>
    %sub3A_1757 = arith.subi %add3A_1754, %sub3A_1756 : vector<16xi32>
    %select_n3A_1758 = arith.select %eq3A_1744, %sub3A_1757, %select_n3A_1732 : vector<16xi1>, vector<16xi32>
    %reduce_max3A_1759 = arith.constant true
    %reduce_max3A_1760 = vector.broadcast %reduce_max3A_1759 : i1 to vector<16xi1>
    %reduce_max3A_1761 = arith.constant -2147483648 : i32
    %reduce_max3A_1762 = vector.broadcast %reduce_max3A_1761 : i32 to vector<16xi32>
    %reduce_max3A_1763 = arith.xori %masked_cumsum3A_1752, %reduce_max3A_1762 : vector<16xi32>
    %reduce_max3A_1764 = tpu.scan <max>, %reduce_max3A_1763 masked %reduce_max3A_1760 : vector<16xi32>, vector<16xi1> -> vector<16xi32>
    %reduce_max3A_1765 = arith.xori %reduce_max3A_1764, %reduce_max3A_1762 : vector<16xi32>
    %reduce_max3A_1766 = vector.extract %reduce_max3A_1765[15] : i32 from vector<16xi32>
    %add3A_1767 = arith.addi %add3A_1547, %reduce_max3A_1766 : i32
    %eq3A_1768 = arith.constant 2 : i32
    %eq3A_1769 = vector.broadcast %eq3A_1768 : i32 to vector<16xi32>
    %eq3A_1770 = arith.cmpi eq, %get3A_1713, %eq3A_1769 : vector<16xi32>
    %jit3A_1771 = arith.constant 1 : i32
    %jit3A_1772 = arith.constant 0 : i32
    %broadcast_in_dim3A_1773 = vector.broadcast %jit3A_1771 : i32 to vector<16xi32>
    %broadcast_in_dim3A_1774 = vector.broadcast %jit3A_1772 : i32 to vector<16xi32>
    %select_n3A_1775 = arith.select %eq3A_1770, %broadcast_in_dim3A_1773, %broadcast_in_dim3A_1774 : vector<16xi1>, vector<16xi32>
    %broadcast_in_dim3A_1776 = arith.constant true
    %broadcast_in_dim3A_1777 = vector.broadcast %broadcast_in_dim3A_1776 : i1 to vector<16xi1>
    %masked_cumsum3A_1778 = tpu.scan <sum>, %select_n3A_1775 masked %broadcast_in_dim3A_1777 : vector<16xi32>, vector<16xi1> -> vector<16xi32>
    %add3A_1779 = vector.broadcast %add3A_1573 : i32 to vector<16xi32>
    %add3A_1780 = arith.addi %add3A_1779, %masked_cumsum3A_1778 : vector<16xi32>
    %sub3A_1781 = arith.constant 1 : i32
    %sub3A_1782 = vector.broadcast %sub3A_1781 : i32 to vector<16xi32>
    %sub3A_1783 = arith.subi %add3A_1780, %sub3A_1782 : vector<16xi32>
    %select_n3A_1784 = arith.select %eq3A_1770, %sub3A_1783, %select_n3A_1758 : vector<16xi1>, vector<16xi32>
    %reduce_max3A_1785 = arith.constant true
    %reduce_max3A_1786 = vector.broadcast %reduce_max3A_1785 : i1 to vector<16xi1>
    %reduce_max3A_1787 = arith.constant -2147483648 : i32
    %reduce_max3A_1788 = vector.broadcast %reduce_max3A_1787 : i32 to vector<16xi32>
    %reduce_max3A_1789 = arith.xori %masked_cumsum3A_1778, %reduce_max3A_1788 : vector<16xi32>
    %reduce_max3A_1790 = tpu.scan <max>, %reduce_max3A_1789 masked %reduce_max3A_1786 : vector<16xi32>, vector<16xi1> -> vector<16xi32>
    %reduce_max3A_1791 = arith.xori %reduce_max3A_1790, %reduce_max3A_1788 : vector<16xi32>
    %reduce_max3A_1792 = vector.extract %reduce_max3A_1791[15] : i32 from vector<16xi32>
    %add3A_1793 = arith.addi %add3A_1573, %reduce_max3A_1792 : i32
    %eq3A_1794 = arith.constant 3 : i32
    %eq3A_1795 = vector.broadcast %eq3A_1794 : i32 to vector<16xi32>
    %eq3A_1796 = arith.cmpi eq, %get3A_1713, %eq3A_1795 : vector<16xi32>
    %jit3A_1797 = arith.constant 1 : i32
    %jit3A_1798 = arith.constant 0 : i32
    %broadcast_in_dim3A_1799 = vector.broadcast %jit3A_1797 : i32 to vector<16xi32>
    %broadcast_in_dim3A_1800 = vector.broadcast %jit3A_1798 : i32 to vector<16xi32>
    %select_n3A_1801 = arith.select %eq3A_1796, %broadcast_in_dim3A_1799, %broadcast_in_dim3A_1800 : vector<16xi1>, vector<16xi32>
    %broadcast_in_dim3A_1802 = arith.constant true
    %broadcast_in_dim3A_1803 = vector.broadcast %broadcast_in_dim3A_1802 : i1 to vector<16xi1>
    %masked_cumsum3A_1804 = tpu.scan <sum>, %select_n3A_1801 masked %broadcast_in_dim3A_1803 : vector<16xi32>, vector<16xi1> -> vector<16xi32>
    %add3A_1805 = vector.broadcast %add3A_1599 : i32 to vector<16xi32>
    %add3A_1806 = arith.addi %add3A_1805, %masked_cumsum3A_1804 : vector<16xi32>
    %sub3A_1807 = arith.constant 1 : i32
    %sub3A_1808 = vector.broadcast %sub3A_1807 : i32 to vector<16xi32>
    %sub3A_1809 = arith.subi %add3A_1806, %sub3A_1808 : vector<16xi32>
    %select_n3A_1810 = arith.select %eq3A_1796, %sub3A_1809, %select_n3A_1784 : vector<16xi1>, vector<16xi32>
    %reduce_max3A_1811 = arith.constant true
    %reduce_max3A_1812 = vector.broadcast %reduce_max3A_1811 : i1 to vector<16xi1>
    %reduce_max3A_1813 = arith.constant -2147483648 : i32
    %reduce_max3A_1814 = vector.broadcast %reduce_max3A_1813 : i32 to vector<16xi32>
    %reduce_max3A_1815 = arith.xori %masked_cumsum3A_1804, %reduce_max3A_1814 : vector<16xi32>
    %reduce_max3A_1816 = tpu.scan <max>, %reduce_max3A_1815 masked %reduce_max3A_1812 : vector<16xi32>, vector<16xi1> -> vector<16xi32>
    %reduce_max3A_1817 = arith.xori %reduce_max3A_1816, %reduce_max3A_1814 : vector<16xi32>
    %reduce_max3A_1818 = vector.extract %reduce_max3A_1817[15] : i32 from vector<16xi32>
    %add3A_1819 = arith.addi %add3A_1599, %reduce_max3A_1818 : i32
    %eq3A_1820 = arith.constant 4 : i32
    %eq3A_1821 = vector.broadcast %eq3A_1820 : i32 to vector<16xi32>
    %eq3A_1822 = arith.cmpi eq, %get3A_1713, %eq3A_1821 : vector<16xi32>
    %jit3A_1823 = arith.constant 1 : i32
    %jit3A_1824 = arith.constant 0 : i32
    %broadcast_in_dim3A_1825 = vector.broadcast %jit3A_1823 : i32 to vector<16xi32>
    %broadcast_in_dim3A_1826 = vector.broadcast %jit3A_1824 : i32 to vector<16xi32>
    %select_n3A_1827 = arith.select %eq3A_1822, %broadcast_in_dim3A_1825, %broadcast_in_dim3A_1826 : vector<16xi1>, vector<16xi32>
    %broadcast_in_dim3A_1828 = arith.constant true
    %broadcast_in_dim3A_1829 = vector.broadcast %broadcast_in_dim3A_1828 : i1 to vector<16xi1>
    %masked_cumsum3A_1830 = tpu.scan <sum>, %select_n3A_1827 masked %broadcast_in_dim3A_1829 : vector<16xi32>, vector<16xi1> -> vector<16xi32>
    %add3A_1831 = vector.broadcast %add3A_1625 : i32 to vector<16xi32>
    %add3A_1832 = arith.addi %add3A_1831, %masked_cumsum3A_1830 : vector<16xi32>
    %sub3A_1833 = arith.constant 1 : i32
    %sub3A_1834 = vector.broadcast %sub3A_1833 : i32 to vector<16xi32>
    %sub3A_1835 = arith.subi %add3A_1832, %sub3A_1834 : vector<16xi32>
    %select_n3A_1836 = arith.select %eq3A_1822, %sub3A_1835, %select_n3A_1810 : vector<16xi1>, vector<16xi32>
    %reduce_max3A_1837 = arith.constant true
    %reduce_max3A_1838 = vector.broadcast %reduce_max3A_1837 : i1 to vector<16xi1>
    %reduce_max3A_1839 = arith.constant -2147483648 : i32
    %reduce_max3A_1840 = vector.broadcast %reduce_max3A_1839 : i32 to vector<16xi32>
    %reduce_max3A_1841 = arith.xori %masked_cumsum3A_1830, %reduce_max3A_1840 : vector<16xi32>
    %reduce_max3A_1842 = tpu.scan <max>, %reduce_max3A_1841 masked %reduce_max3A_1838 : vector<16xi32>, vector<16xi1> -> vector<16xi32>
    %reduce_max3A_1843 = arith.xori %reduce_max3A_1842, %reduce_max3A_1840 : vector<16xi32>
    %reduce_max3A_1844 = vector.extract %reduce_max3A_1843[15] : i32 from vector<16xi32>
    %add3A_1845 = arith.addi %add3A_1625, %reduce_max3A_1844 : i32
    %eq3A_1846 = arith.constant 5 : i32
    %eq3A_1847 = vector.broadcast %eq3A_1846 : i32 to vector<16xi32>
    %eq3A_1848 = arith.cmpi eq, %get3A_1713, %eq3A_1847 : vector<16xi32>
    %jit3A_1849 = arith.constant 1 : i32
    %jit3A_1850 = arith.constant 0 : i32
    %broadcast_in_dim3A_1851 = vector.broadcast %jit3A_1849 : i32 to vector<16xi32>
    %broadcast_in_dim3A_1852 = vector.broadcast %jit3A_1850 : i32 to vector<16xi32>
    %select_n3A_1853 = arith.select %eq3A_1848, %broadcast_in_dim3A_1851, %broadcast_in_dim3A_1852 : vector<16xi1>, vector<16xi32>
    %broadcast_in_dim3A_1854 = arith.constant true
    %broadcast_in_dim3A_1855 = vector.broadcast %broadcast_in_dim3A_1854 : i1 to vector<16xi1>
    %masked_cumsum3A_1856 = tpu.scan <sum>, %select_n3A_1853 masked %broadcast_in_dim3A_1855 : vector<16xi32>, vector<16xi1> -> vector<16xi32>
    %add3A_1857 = vector.broadcast %add3A_1651 : i32 to vector<16xi32>
    %add3A_1858 = arith.addi %add3A_1857, %masked_cumsum3A_1856 : vector<16xi32>
    %sub3A_1859 = arith.constant 1 : i32
    %sub3A_1860 = vector.broadcast %sub3A_1859 : i32 to vector<16xi32>
    %sub3A_1861 = arith.subi %add3A_1858, %sub3A_1860 : vector<16xi32>
    %select_n3A_1862 = arith.select %eq3A_1848, %sub3A_1861, %select_n3A_1836 : vector<16xi1>, vector<16xi32>
    %reduce_max3A_1863 = arith.constant true
    %reduce_max3A_1864 = vector.broadcast %reduce_max3A_1863 : i1 to vector<16xi1>
    %reduce_max3A_1865 = arith.constant -2147483648 : i32
    %reduce_max3A_1866 = vector.broadcast %reduce_max3A_1865 : i32 to vector<16xi32>
    %reduce_max3A_1867 = arith.xori %masked_cumsum3A_1856, %reduce_max3A_1866 : vector<16xi32>
    %reduce_max3A_1868 = tpu.scan <max>, %reduce_max3A_1867 masked %reduce_max3A_1864 : vector<16xi32>, vector<16xi1> -> vector<16xi32>
    %reduce_max3A_1869 = arith.xori %reduce_max3A_1868, %reduce_max3A_1866 : vector<16xi32>
    %reduce_max3A_1870 = vector.extract %reduce_max3A_1869[15] : i32 from vector<16xi32>
    %add3A_1871 = arith.addi %add3A_1651, %reduce_max3A_1870 : i32
    %eq3A_1872 = arith.constant 6 : i32
    %eq3A_1873 = vector.broadcast %eq3A_1872 : i32 to vector<16xi32>
    %eq3A_1874 = arith.cmpi eq, %get3A_1713, %eq3A_1873 : vector<16xi32>
    %jit3A_1875 = arith.constant 1 : i32
    %jit3A_1876 = arith.constant 0 : i32
    %broadcast_in_dim3A_1877 = vector.broadcast %jit3A_1875 : i32 to vector<16xi32>
    %broadcast_in_dim3A_1878 = vector.broadcast %jit3A_1876 : i32 to vector<16xi32>
    %select_n3A_1879 = arith.select %eq3A_1874, %broadcast_in_dim3A_1877, %broadcast_in_dim3A_1878 : vector<16xi1>, vector<16xi32>
    %broadcast_in_dim3A_1880 = arith.constant true
    %broadcast_in_dim3A_1881 = vector.broadcast %broadcast_in_dim3A_1880 : i1 to vector<16xi1>
    %masked_cumsum3A_1882 = tpu.scan <sum>, %select_n3A_1879 masked %broadcast_in_dim3A_1881 : vector<16xi32>, vector<16xi1> -> vector<16xi32>
    %add3A_1883 = vector.broadcast %add3A_1677 : i32 to vector<16xi32>
    %add3A_1884 = arith.addi %add3A_1883, %masked_cumsum3A_1882 : vector<16xi32>
    %sub3A_1885 = arith.constant 1 : i32
    %sub3A_1886 = vector.broadcast %sub3A_1885 : i32 to vector<16xi32>
    %sub3A_1887 = arith.subi %add3A_1884, %sub3A_1886 : vector<16xi32>
    %select_n3A_1888 = arith.select %eq3A_1874, %sub3A_1887, %select_n3A_1862 : vector<16xi1>, vector<16xi32>
    %reduce_max3A_1889 = arith.constant true
    %reduce_max3A_1890 = vector.broadcast %reduce_max3A_1889 : i1 to vector<16xi1>
    %reduce_max3A_1891 = arith.constant -2147483648 : i32
    %reduce_max3A_1892 = vector.broadcast %reduce_max3A_1891 : i32 to vector<16xi32>
    %reduce_max3A_1893 = arith.xori %masked_cumsum3A_1882, %reduce_max3A_1892 : vector<16xi32>
    %reduce_max3A_1894 = tpu.scan <max>, %reduce_max3A_1893 masked %reduce_max3A_1890 : vector<16xi32>, vector<16xi1> -> vector<16xi32>
    %reduce_max3A_1895 = arith.xori %reduce_max3A_1894, %reduce_max3A_1892 : vector<16xi32>
    %reduce_max3A_1896 = vector.extract %reduce_max3A_1895[15] : i32 from vector<16xi32>
    %add3A_1897 = arith.addi %add3A_1677, %reduce_max3A_1896 : i32
    %eq3A_1898 = arith.constant 7 : i32
    %eq3A_1899 = vector.broadcast %eq3A_1898 : i32 to vector<16xi32>
    %eq3A_1900 = arith.cmpi eq, %get3A_1713, %eq3A_1899 : vector<16xi32>
    %jit3A_1901 = arith.constant 1 : i32
    %jit3A_1902 = arith.constant 0 : i32
    %broadcast_in_dim3A_1903 = vector.broadcast %jit3A_1901 : i32 to vector<16xi32>
    %broadcast_in_dim3A_1904 = vector.broadcast %jit3A_1902 : i32 to vector<16xi32>
    %select_n3A_1905 = arith.select %eq3A_1900, %broadcast_in_dim3A_1903, %broadcast_in_dim3A_1904 : vector<16xi1>, vector<16xi32>
    %broadcast_in_dim3A_1906 = arith.constant true
    %broadcast_in_dim3A_1907 = vector.broadcast %broadcast_in_dim3A_1906 : i1 to vector<16xi1>
    %masked_cumsum3A_1908 = tpu.scan <sum>, %select_n3A_1905 masked %broadcast_in_dim3A_1907 : vector<16xi32>, vector<16xi1> -> vector<16xi32>
    %add3A_1909 = vector.broadcast %add3A_1703 : i32 to vector<16xi32>
    %add3A_1910 = arith.addi %add3A_1909, %masked_cumsum3A_1908 : vector<16xi32>
    %sub3A_1911 = arith.constant 1 : i32
    %sub3A_1912 = vector.broadcast %sub3A_1911 : i32 to vector<16xi32>
    %sub3A_1913 = arith.subi %add3A_1910, %sub3A_1912 : vector<16xi32>
    %select_n3A_1914 = arith.select %eq3A_1900, %sub3A_1913, %select_n3A_1888 : vector<16xi1>, vector<16xi32>
    %reduce_max3A_1915 = arith.constant true
    %reduce_max3A_1916 = vector.broadcast %reduce_max3A_1915 : i1 to vector<16xi1>
    %reduce_max3A_1917 = arith.constant -2147483648 : i32
    %reduce_max3A_1918 = vector.broadcast %reduce_max3A_1917 : i32 to vector<16xi32>
    %reduce_max3A_1919 = arith.xori %masked_cumsum3A_1908, %reduce_max3A_1918 : vector<16xi32>
    %reduce_max3A_1920 = tpu.scan <max>, %reduce_max3A_1919 masked %reduce_max3A_1916 : vector<16xi32>, vector<16xi1> -> vector<16xi32>
    %reduce_max3A_1921 = arith.xori %reduce_max3A_1920, %reduce_max3A_1918 : vector<16xi32>
    %reduce_max3A_1922 = vector.extract %reduce_max3A_1921[15] : i32 from vector<16xi32>
    %add3A_1923 = arith.addi %add3A_1703, %reduce_max3A_1922 : i32
    %swap3A_1924 = arith.constant 112 : index
    %swap3A_1925 = tpu.vector_load %arg13[%swap3A_1924] {strides = array<i32>} : memref<128xi32, #tpu.memory_space<vmem>>, vector<16xi32>,
    tpu.vector_store %arg13[%swap3A_1924], %select_n3A_1914 {strides = array<i32>} : memref<128xi32, #tpu.memory_space<vmem>>, vector<16xi32>,
    %swap3A_1926 = arith.constant 16 : index
    %swap3A_1927 = tpu.vector_load %arg17[%swap3A_1926] {strides = array<i32>} : memref<32xi32, #tpu.memory_space<vmem>>, vector<16xi32>,
    tpu.vector_store %arg17[%swap3A_1926], %select_n3A_1914 {strides = array<i32>} : memref<32xi32, #tpu.memory_space<vmem>>, vector<16xi32>,
    "tpu.region"() ({
      %run_scoped3A_1975 = tpu.sem_alloc : memref<!tpu.dma_semaphore, #tpu.memory_space<semaphore_mem>>
      %dma_start3A_1976 = tpu.memref_slice %arg5[%mul3A_2] : memref<4096xi32, #tpu.memory_space<hbm>> -> memref<128xi32, #tpu.memory_space<hbm>>
      %dma_start3A_1977 = tpu.memref_slice %arg5[%mul3A_2] : memref<4096xi32, #tpu.memory_space<hbm>> -> memref<128xi32, #tpu.memory_space<hbm>>
      tpu.enqueue_dma source(%arg13 : memref<128xi32, #tpu.memory_space<vmem>>) target(%dma_start3A_1977 : memref<128xi32, #tpu.memory_space<hbm>>) target_semaphore(%run_scoped3A_1975 : memref<!tpu.dma_semaphore, #tpu.memory_space<semaphore_mem>>)
      %dma_wait3A_1978 = tpu.memref_slice %arg5[%mul3A_2] : memref<4096xi32, #tpu.memory_space<hbm>> -> memref<128xi32, #tpu.memory_space<hbm>>
      %dma_wait3A_1979 = tpu.memref_slice %arg5[%mul3A_2] : memref<4096xi32, #tpu.memory_space<hbm>> -> memref<128xi32, #tpu.memory_space<hbm>>
      tpu.wait_dma2 semaphore(%run_scoped3A_1975 : memref<!tpu.dma_semaphore, #tpu.memory_space<semaphore_mem>>) src(%arg13 : memref<128xi32, #tpu.memory_space<vmem>>) dst(%dma_wait3A_1979 : memref<128xi32, #tpu.memory_space<hbm>>)
      tpu.yield
    }) : () -> ()
    %dma_wait3A = arith.constant 0 : i32
    %dma_wait3A_1928 = tpu.memref_slice %arg3[%select_n3A, %add3A_34, %dma_wait3A] : memref<2x2048x768xf32, #tpu.memory_space<hbm>> -> memref<1x32x768xf32, #tpu.memory_space<hbm>>
    %dma_wait3A_1929 = tpu.memref_squeeze %dma_wait3A_1928 : memref<1x32x768xf32, #tpu.memory_space<hbm>> -> memref<32x768xf32, #tpu.memory_space<hbm>>
    %dma_wait3A_1930 = arith.constant 0 : i32
    %dma_wait3A_1931 = tpu.memref_slice %arg3[%select_n3A, %add3A_34, %dma_wait3A_1930] : memref<2x2048x768xf32, #tpu.memory_space<hbm>> -> memref<1x32x768xf32, #tpu.memory_space<hbm>>
    %dma_wait3A_1932 = tpu.memref_squeeze %dma_wait3A_1931 : memref<1x32x768xf32, #tpu.memory_space<hbm>> -> memref<32x768xf32, #tpu.memory_space<hbm>>
    tpu.wait_dma2 semaphore(%arg22 : memref<!tpu.dma_semaphore, #tpu.memory_space<semaphore_mem>>) src(%dma_wait3A_1932 : memref<32x768xf32, #tpu.memory_space<hbm>>) dst(%arg9 : memref<32x768xf32, #tpu.memory_space<vmem>>)
    %dma_start3A_1933 = arith.constant 0 : i32
    %dma_start3A_1934 = arith.constant 0 : i32
    %dma_start3A_1935 = tpu.memref_slice %arg4[%dma_start3A_1933, %dma_start3A_1934] : memref<6144x768xf32, #tpu.memory_space<hbm>> -> memref<6144x768xf32, #tpu.memory_space<hbm>>
    tpu.enqueue_indirect_dma source(%arg9 : memref<32x768xf32, #tpu.memory_space<vmem>>) target(%dma_start3A_1935 : memref<6144x768xf32, #tpu.memory_space<hbm>>) offsets(%arg14 : memref<32xi32, #tpu.memory_space<vmem>>) semaphore(%arg23 : memref<!tpu.dma_semaphore, #tpu.memory_space<semaphore_mem>>)
    %dma_wait3A_1936 = arith.constant 0 : i32
    %dma_wait3A_1937 = tpu.memref_slice %arg3[%select_n3A, %add3A_41, %dma_wait3A_1936] : memref<2x2048x768xf32, #tpu.memory_space<hbm>> -> memref<1x32x768xf32, #tpu.memory_space<hbm>>
    %dma_wait3A_1938 = tpu.memref_squeeze %dma_wait3A_1937 : memref<1x32x768xf32, #tpu.memory_space<hbm>> -> memref<32x768xf32, #tpu.memory_space<hbm>>
    %dma_wait3A_1939 = arith.constant 0 : i32
    %dma_wait3A_1940 = tpu.memref_slice %arg3[%select_n3A, %add3A_41, %dma_wait3A_1939] : memref<2x2048x768xf32, #tpu.memory_space<hbm>> -> memref<1x32x768xf32, #tpu.memory_space<hbm>>
    %dma_wait3A_1941 = tpu.memref_squeeze %dma_wait3A_1940 : memref<1x32x768xf32, #tpu.memory_space<hbm>> -> memref<32x768xf32, #tpu.memory_space<hbm>>
    tpu.wait_dma2 semaphore(%arg22 : memref<!tpu.dma_semaphore, #tpu.memory_space<semaphore_mem>>) src(%dma_wait3A_1941 : memref<32x768xf32, #tpu.memory_space<hbm>>) dst(%arg10 : memref<32x768xf32, #tpu.memory_space<vmem>>)
    %dma_start3A_1942 = arith.constant 0 : i32
    %dma_start3A_1943 = arith.constant 0 : i32
    %dma_start3A_1944 = tpu.memref_slice %arg4[%dma_start3A_1942, %dma_start3A_1943] : memref<6144x768xf32, #tpu.memory_space<hbm>> -> memref<6144x768xf32, #tpu.memory_space<hbm>>
    tpu.enqueue_indirect_dma source(%arg10 : memref<32x768xf32, #tpu.memory_space<vmem>>) target(%dma_start3A_1944 : memref<6144x768xf32, #tpu.memory_space<hbm>>) offsets(%arg15 : memref<32xi32, #tpu.memory_space<vmem>>) semaphore(%arg23 : memref<!tpu.dma_semaphore, #tpu.memory_space<semaphore_mem>>)
    %dma_wait3A_1945 = arith.constant 0 : i32
    %dma_wait3A_1946 = tpu.memref_slice %arg3[%select_n3A, %add3A_49, %dma_wait3A_1945] : memref<2x2048x768xf32, #tpu.memory_space<hbm>> -> memref<1x32x768xf32, #tpu.memory_space<hbm>>
    %dma_wait3A_1947 = tpu.memref_squeeze %dma_wait3A_1946 : memref<1x32x768xf32, #tpu.memory_space<hbm>> -> memref<32x768xf32, #tpu.memory_space<hbm>>
    %dma_wait3A_1948 = arith.constant 0 : i32
    %dma_wait3A_1949 = tpu.memref_slice %arg3[%select_n3A, %add3A_49, %dma_wait3A_1948] : memref<2x2048x768xf32, #tpu.memory_space<hbm>> -> memref<1x32x768xf32, #tpu.memory_space<hbm>>
    %dma_wait3A_1950 = tpu.memref_squeeze %dma_wait3A_1949 : memref<1x32x768xf32, #tpu.memory_space<hbm>> -> memref<32x768xf32, #tpu.memory_space<hbm>>
    tpu.wait_dma2 semaphore(%arg22 : memref<!tpu.dma_semaphore, #tpu.memory_space<semaphore_mem>>) src(%dma_wait3A_1950 : memref<32x768xf32, #tpu.memory_space<hbm>>) dst(%arg11 : memref<32x768xf32, #tpu.memory_space<vmem>>)
    %dma_start3A_1951 = arith.constant 0 : i32
    %dma_start3A_1952 = arith.constant 0 : i32
    %dma_start3A_1953 = tpu.memref_slice %arg4[%dma_start3A_1951, %dma_start3A_1952] : memref<6144x768xf32, #tpu.memory_space<hbm>> -> memref<6144x768xf32, #tpu.memory_space<hbm>>
    tpu.enqueue_indirect_dma source(%arg11 : memref<32x768xf32, #tpu.memory_space<vmem>>) target(%dma_start3A_1953 : memref<6144x768xf32, #tpu.memory_space<hbm>>) offsets(%arg16 : memref<32xi32, #tpu.memory_space<vmem>>) semaphore(%arg23 : memref<!tpu.dma_semaphore, #tpu.memory_space<semaphore_mem>>)
    %dma_wait3A_1954 = arith.constant 0 : i32
    %dma_wait3A_1955 = tpu.memref_slice %arg3[%select_n3A, %add3A_57, %dma_wait3A_1954] : memref<2x2048x768xf32, #tpu.memory_space<hbm>> -> memref<1x32x768xf32, #tpu.memory_space<hbm>>
    %dma_wait3A_1956 = tpu.memref_squeeze %dma_wait3A_1955 : memref<1x32x768xf32, #tpu.memory_space<hbm>> -> memref<32x768xf32, #tpu.memory_space<hbm>>
    %dma_wait3A_1957 = arith.constant 0 : i32
    %dma_wait3A_1958 = tpu.memref_slice %arg3[%select_n3A, %add3A_57, %dma_wait3A_1957] : memref<2x2048x768xf32, #tpu.memory_space<hbm>> -> memref<1x32x768xf32, #tpu.memory_space<hbm>>
    %dma_wait3A_1959 = tpu.memref_squeeze %dma_wait3A_1958 : memref<1x32x768xf32, #tpu.memory_space<hbm>> -> memref<32x768xf32, #tpu.memory_space<hbm>>
    tpu.wait_dma2 semaphore(%arg22 : memref<!tpu.dma_semaphore, #tpu.memory_space<semaphore_mem>>) src(%dma_wait3A_1959 : memref<32x768xf32, #tpu.memory_space<hbm>>) dst(%arg12 : memref<32x768xf32, #tpu.memory_space<vmem>>)
    %dma_start3A_1960 = arith.constant 0 : i32
    %dma_start3A_1961 = arith.constant 0 : i32
    %dma_start3A_1962 = tpu.memref_slice %arg4[%dma_start3A_1960, %dma_start3A_1961] : memref<6144x768xf32, #tpu.memory_space<hbm>> -> memref<6144x768xf32, #tpu.memory_space<hbm>>
    tpu.enqueue_indirect_dma source(%arg12 : memref<32x768xf32, #tpu.memory_space<vmem>>) target(%dma_start3A_1962 : memref<6144x768xf32, #tpu.memory_space<hbm>>) offsets(%arg17 : memref<32xi32, #tpu.memory_space<vmem>>) semaphore(%arg23 : memref<!tpu.dma_semaphore, #tpu.memory_space<semaphore_mem>>)
    %dma_wait3A_1963 = arith.constant 0 : i32
    %dma_wait3A_1964 = arith.constant 0 : i32
    %dma_wait3A_1965 = tpu.memref_slice %arg4[%dma_wait3A_1963, %dma_wait3A_1964] : memref<6144x768xf32, #tpu.memory_space<hbm>> -> memref<6144x768xf32, #tpu.memory_space<hbm>>
    tpu.wait_indirect_dma semaphore(%arg23 : memref<!tpu.dma_semaphore, #tpu.memory_space<semaphore_mem>>) src(%arg9 : memref<32x768xf32, #tpu.memory_space<vmem>>) dst(%dma_wait3A_1965 : memref<6144x768xf32, #tpu.memory_space<hbm>>)
    %dma_wait3A_1966 = arith.constant 0 : i32
    %dma_wait3A_1967 = arith.constant 0 : i32
    %dma_wait3A_1968 = tpu.memref_slice %arg4[%dma_wait3A_1966, %dma_wait3A_1967] : memref<6144x768xf32, #tpu.memory_space<hbm>> -> memref<6144x768xf32, #tpu.memory_space<hbm>>
    tpu.wait_indirect_dma semaphore(%arg23 : memref<!tpu.dma_semaphore, #tpu.memory_space<semaphore_mem>>) src(%arg10 : memref<32x768xf32, #tpu.memory_space<vmem>>) dst(%dma_wait3A_1968 : memref<6144x768xf32, #tpu.memory_space<hbm>>)
    %dma_wait3A_1969 = arith.constant 0 : i32
    %dma_wait3A_1970 = arith.constant 0 : i32
    %dma_wait3A_1971 = tpu.memref_slice %arg4[%dma_wait3A_1969, %dma_wait3A_1970] : memref<6144x768xf32, #tpu.memory_space<hbm>> -> memref<6144x768xf32, #tpu.memory_space<hbm>>
    tpu.wait_indirect_dma semaphore(%arg23 : memref<!tpu.dma_semaphore, #tpu.memory_space<semaphore_mem>>) src(%arg11 : memref<32x768xf32, #tpu.memory_space<vmem>>) dst(%dma_wait3A_1971 : memref<6144x768xf32, #tpu.memory_space<hbm>>)
    %dma_wait3A_1972 = arith.constant 0 : i32
    %dma_wait3A_1973 = arith.constant 0 : i32
    %dma_wait3A_1974 = tpu.memref_slice %arg4[%dma_wait3A_1972, %dma_wait3A_1973] : memref<6144x768xf32, #tpu.memory_space<hbm>> -> memref<6144x768xf32, #tpu.memory_space<hbm>>
    tpu.wait_indirect_dma semaphore(%arg23 : memref<!tpu.dma_semaphore, #tpu.memory_space<semaphore_mem>>) src(%arg12 : memref<32x768xf32, #tpu.memory_space<vmem>>) dst(%dma_wait3A_1974 : memref<6144x768xf32, #tpu.memory_space<hbm>>)
    return
  }
}

module attributes {stable_mosaic.version = 14 : i64} {
  func.func @_tc_body(%arg0: i32, %arg1: memref<32xi32, #tpu.memory_space<smem>>, %arg2: memref<16xi32, #tpu.memory_space<smem>>, %arg3: memref<256x768xf32, #tpu.memory_space<vmem>>, %arg4: memref<1x768x1024xf32, #tpu.memory_space<vmem>>, %arg5: memref<8x1024xf32, #tpu.memory_space<vmem>>, %arg6: memref<1x1024x1024xf32, #tpu.memory_space<vmem>>, %arg7: memref<8x1024xf32, #tpu.memory_space<vmem>>, %arg8: memref<256xf32, #tpu.memory_space<vmem>>) attributes {dimension_semantics = [#tpu.dimension_semantics<arbitrary>], iteration_bounds = array<i64: 24>, scalar_prefetch = 2 : i64, scratch_operands = 0 : i64, tpu.core_type = #tpu.core_type<tc>, window_params = [{transform_indices = @transform_0, window_bounds = array<i64: 256, 768>}, {transform_indices = @transform_1, window_bounds = array<i64: 1, 768, 1024>}, {pipeline_mode = #tpu.pipeline_mode<synchronous>, transform_indices = @transform_2, window_bounds = array<i64: 8, 1024>}, {transform_indices = @transform_3, window_bounds = array<i64: 1, 1024, 1024>}, {pipeline_mode = #tpu.pipeline_mode<synchronous>, transform_indices = @transform_4, window_bounds = array<i64: 8, 1024>}, {transform_indices = @transform_5, window_bounds = array<i64: 256>}]} {
    %get3A = arith.constant 0 : index
    %get3A_0 = memref.load %arg2[%get3A] : memref<16xi32, #tpu.memory_space<smem>>
    %lt3A = arith.cmpi slt, %arg0, %get3A_0 : i32
    %convert_element_type3A = arith.extui %lt3A : i1 to i32
    %cond3A = arith.constant 0 : i32
    %cond3A_1 = arith.cmpi ne, %convert_element_type3A, %cond3A : i32
    scf.if %cond3A_1 {
      %get3A_2 = arith.index_cast %arg0 : i32 to index
      %get3A_3 = memref.load %arg1[%get3A_2] : memref<32xi32, #tpu.memory_space<smem>>
      %get3A_4 = arith.constant 0 : index
      %get3A_5 = arith.constant 0 : index
      %get3A_6 = vector.load %arg3[%get3A_4, %get3A_5] : memref<256x768xf32, #tpu.memory_space<vmem>>, vector<256x768xf32>
      %get3A_7 = arith.constant 0 : index
      %get3A_8 = arith.constant 0 : index
      %get3A_9 = arith.constant 0 : index
      %get3A_10 = vector.load %arg4[%get3A_7, %get3A_8, %get3A_9] : memref<1x768x1024xf32, #tpu.memory_space<vmem>>, vector<1x768x1024xf32>
      %get3A_11 = vector.shape_cast %get3A_10 : vector<1x768x1024xf32> to vector<768x1024xf32>
      %dot_general3A = arith.constant dense<0.000000e+00> : vector<256x1024xf32>
      %dot_general3A_12 = tpu.matmul %get3A_6, %get3A_11, %dot_general3A {dimension_numbers = #tpu.dot_dimension_numbers<[1], [0], [0], [1], [0, 0, 1, 1], [], []>, transpose_lhs_hint = false} : vector<256x768xf32>, vector<768x1024xf32>, vector<256x1024xf32> -> vector<256x1024xf32>
      %get3A_13 = arith.index_cast %get3A_3 : i32 to index
      %get3A_14 = arith.constant 0 : index
      %get3A_15 = vector.load %arg5[%get3A_13, %get3A_14] : memref<8x1024xf32, #tpu.memory_space<vmem>>, vector<1x1024xf32>
      %add3A = vector.broadcast %get3A_15 : vector<1x1024xf32> to vector<256x1024xf32>
      %add3A_16 = arith.addf %dot_general3A_12, %add3A : vector<256x1024xf32>
      %integer_pow3A = arith.mulf %add3A_16, %add3A_16 : vector<256x1024xf32>
      %integer_pow3A_17 = arith.mulf %add3A_16, %integer_pow3A : vector<256x1024xf32>
      %mul3A = arith.constant 4.471500e-02 : f32
      %mul3A_18 = vector.broadcast %mul3A : f32 to vector<256x1024xf32>
      %mul3A_19 = arith.mulf %mul3A_18, %integer_pow3A_17 : vector<256x1024xf32>
      %add3A_20 = arith.addf %add3A_16, %mul3A_19 : vector<256x1024xf32>
      %mul3A_21 = arith.constant 0.797884583 : f32
      %mul3A_22 = vector.broadcast %mul3A_21 : f32 to vector<256x1024xf32>
      %mul3A_23 = arith.mulf %mul3A_22, %add3A_20 : vector<256x1024xf32>
      %tanh3A = math.tanh %mul3A_23 : vector<256x1024xf32>
      %add3A_24 = arith.constant 1.000000e+00 : f32
      %add3A_25 = vector.broadcast %add3A_24 : f32 to vector<256x1024xf32>
      %add3A_26 = arith.addf %add3A_25, %tanh3A : vector<256x1024xf32>
      %mul3A_27 = arith.constant 5.000000e-01 : f32
      %mul3A_28 = vector.broadcast %mul3A_27 : f32 to vector<256x1024xf32>
      %mul3A_29 = arith.mulf %mul3A_28, %add3A_26 : vector<256x1024xf32>
      %mul3A_30 = arith.mulf %add3A_16, %mul3A_29 : vector<256x1024xf32>
      %get3A_31 = arith.constant 0 : index
      %get3A_32 = arith.constant 0 : index
      %get3A_33 = arith.constant 0 : index
      %get3A_34 = vector.load %arg6[%get3A_31, %get3A_32, %get3A_33] : memref<1x1024x1024xf32, #tpu.memory_space<vmem>>, vector<1x1024x1024xf32>
      %get3A_35 = vector.shape_cast %get3A_34 : vector<1x1024x1024xf32> to vector<1024x1024xf32>
      %dot_general3A_36 = arith.constant dense<0.000000e+00> : vector<256x1024xf32>
      %dot_general3A_37 = tpu.matmul %mul3A_30, %get3A_35, %dot_general3A_36 {dimension_numbers = #tpu.dot_dimension_numbers<[1], [0], [0], [1], [0, 0, 1, 1], [], []>, transpose_lhs_hint = false} : vector<256x1024xf32>, vector<1024x1024xf32>, vector<256x1024xf32> -> vector<256x1024xf32>
      %get3A_38 = arith.index_cast %get3A_3 : i32 to index
      %get3A_39 = arith.constant 0 : index
      %get3A_40 = vector.load %arg7[%get3A_38, %get3A_39] : memref<8x1024xf32, #tpu.memory_space<vmem>>, vector<1x1024xf32>
      %add3A_41 = vector.broadcast %get3A_40 : vector<1x1024xf32> to vector<256x1024xf32>
      %add3A_42 = arith.addf %dot_general3A_37, %add3A_41 : vector<256x1024xf32>
      %reduce_max3A = arith.constant dense<0xFF800000> : vector<256xf32>
      %reduce_max3A_43 = vector.multi_reduction <maximumf>, %add3A_42, %reduce_max3A [1] : vector<256x1024xf32> to vector<256xf32>
      %broadcast_in_dim3A = vector.shape_cast %reduce_max3A_43 : vector<256xf32> to vector<256x1xf32>
      %sub3A = vector.broadcast %broadcast_in_dim3A : vector<256x1xf32> to vector<256x1024xf32>
      %sub3A_44 = arith.subf %add3A_42, %sub3A : vector<256x1024xf32>
      %exp3A = math.exp %sub3A_44 : vector<256x1024xf32>
      %reduce_sum3A = arith.constant dense<0.000000e+00> : vector<256xf32>
      %reduce_sum3A_45 = vector.multi_reduction <add>, %exp3A, %reduce_sum3A [1] : vector<256x1024xf32> to vector<256xf32>
      %div3A = arith.constant 1.000000e+00 : f32
      %div3A_46 = vector.broadcast %div3A : f32 to vector<256xf32>
      %div3A_47 = arith.divf %div3A_46, %reduce_sum3A_45 : vector<256xf32>
      %swap3A = arith.constant 0 : index
      %swap3A_48 = vector.load %arg8[%swap3A] : memref<256xf32, #tpu.memory_space<vmem>>, vector<256xf32>
      tpu.vector_store %arg8[%swap3A], %div3A_47 {strides = array<i32>} : memref<256xf32, #tpu.memory_space<vmem>>, vector<256xf32>,
    } else {
    }
    return
  }
  func.func @transform_0(%arg0: i32, %arg1: memref<32xi32, #tpu.memory_space<smem>>, %arg2: memref<16xi32, #tpu.memory_space<smem>>) -> (i32, i32) {
    %get3A = arith.constant 0 : index
    %get3A_0 = memref.load %arg2[%get3A] : memref<16xi32, #tpu.memory_space<smem>>
    %sub3A = arith.constant 1 : i32
    %sub3A_1 = arith.subi %get3A_0, %sub3A : i32
    %min3A = arith.minsi %arg0, %sub3A_1 : i32
    %c0_i32 = arith.constant 0 : i32
    %c0_i32_2 = arith.constant 0 : i32
    return %min3A, %c0_i32 : i32, i32
  }
  func.func @transform_1(%arg0: i32, %arg1: memref<32xi32, #tpu.memory_space<smem>>, %arg2: memref<16xi32, #tpu.memory_space<smem>>) -> (i32, i32, i32) {
    %get3A = arith.index_cast %arg0 : i32 to index
    %get3A_0 = memref.load %arg1[%get3A] : memref<32xi32, #tpu.memory_space<smem>>
    %c0_i32 = arith.constant 0 : i32
    %c0_i32_1 = arith.constant 0 : i32
    %c0_i32_2 = arith.constant 0 : i32
    return %get3A_0, %c0_i32, %c0_i32_1 : i32, i32, i32
  }
  func.func @transform_2(%arg0: i32, %arg1: memref<32xi32, #tpu.memory_space<smem>>, %arg2: memref<16xi32, #tpu.memory_space<smem>>) -> (i32, i32) {
    %c0_i32 = arith.constant 0 : i32
    %c0_i32_0 = arith.constant 0 : i32
    %c0_i32_1 = arith.constant 0 : i32
    return %c0_i32, %c0_i32_0 : i32, i32
  }
  func.func @transform_3(%arg0: i32, %arg1: memref<32xi32, #tpu.memory_space<smem>>, %arg2: memref<16xi32, #tpu.memory_space<smem>>) -> (i32, i32, i32) {
    %get3A = arith.index_cast %arg0 : i32 to index
    %get3A_0 = memref.load %arg1[%get3A] : memref<32xi32, #tpu.memory_space<smem>>
    %c0_i32 = arith.constant 0 : i32
    %c0_i32_1 = arith.constant 0 : i32
    %c0_i32_2 = arith.constant 0 : i32
    return %get3A_0, %c0_i32, %c0_i32_1 : i32, i32, i32
  }
  func.func @transform_4(%arg0: i32, %arg1: memref<32xi32, #tpu.memory_space<smem>>, %arg2: memref<16xi32, #tpu.memory_space<smem>>) -> (i32, i32) {
    %c0_i32 = arith.constant 0 : i32
    %c0_i32_0 = arith.constant 0 : i32
    %c0_i32_1 = arith.constant 0 : i32
    return %c0_i32, %c0_i32_0 : i32, i32
  }
  func.func @transform_5(%arg0: i32, %arg1: memref<32xi32, #tpu.memory_space<smem>>, %arg2: memref<16xi32, #tpu.memory_space<smem>>) -> i32 {
    %c0_i32 = arith.constant 0 : i32
    return %arg0 : i32
  }
}

</mosaic_0001>

<sc_bundles>
// kernel: kernel.5.cloned.1.call-start
scs
__scs_entry_jumppad:
0x0: {  	(pc) =	sbr.rel $0x88, $3  }
0x1: {  	(tag) =	ssettag $0x0;
	lr =	simm.s32 $0x1  }
0x2: {  	[smem:$0x3F9B] =	sst lr;
	_ =	strace $0xD0000000  }
0x3: {  	_ = 	snop  }
0x4: {  	_ = 	snop  }
0x5: {  	_ = 	snop  }
0x6: {  	_ = 	snop  }
0x7: {  	_ = 	snop  }
__scs_overlays_trampoline_lowered:
0x8: {  	[smem:$0x3FAA] =	sst s0  }
0x9: {  	[smem:$0x3FAB] =	sst s1  }
0xa: {  	[smem:$0x3FAC] =	sst s2  }
0xb: {  	[smem:$0x3FAD] =	sst s3  }
0xc: {  	[smem:$0x3FAE] =	sst s4  }
0xd: {  	[smem:$0x3FAF] =	sst s5  }
0xe: {  	[smem:$0x3FB0] =	sst s6  }
0xf: {  	[smem:$0x3FB1] =	sst s7  }
0x10: {  	[smem:$0x3FB2] =	sst s8  }
0x11: {  	[smem:$0x3FB3] =	sst s9;
	s0 =	simm.s32 @!p0 $0x0  }
0x12: {  	s1 =	sld [smem:$0x3F99];
	s0 =	simm.s32 @p0 $0x1  }
0x13: {  	[smem:$0x3FB4] =	sst s0;
	s0 =	simm.s32 @!p1 $0x0  }
0x14: {  	s2 =	sld [smem:$0x3F98];
	s0 =	simm.s32 @p1 $0x1  }
0x15: {  	[smem:$0x3FB5] =	sst s0;
	s0 =	simm.s32 @!p2 $0x0  }
0x16: {  	s3 =	sld [smem:$0x3FDB];
	s0 =	simm.s32 @p2 $0x1  }
0x17: {  	s4 =	simm.s32 $0x1BF5;
	[smem:$0x3FB7] =	sst s0  }
0x18: {  	s0 =	sld [smem:$0x3F9A];
	_ =	swait.ge [sflag:s4], $0x0  }
0x19: {  	s7 =	sld [smem:$0x3F9B]  }
0x1a: {  	s8 =	sadd.s32 $0xFFFFE003, lr  }
0x1b: {  	s9 =	sadd.s32 $0xFFFFFEF7, lr;
	s5 =	simm.s32 $0xFFFFFFFF;
	p2 =	slt.u32 s8, $0xFFFFF086  }
0x1c: {  	p1 =	slt.u32 s9, $0xF7A;
	s5 =	simm.s32 @!p2 $0x0  }
0x1d: {  	s5 =	simm.s32 @p1 $0x1;
	p0 =	seq.s32 s7, s2  }
0x1e: {  	s7 =	smul.u32 @!p0 $0xF7A, s2;
	p2 =	seq.s32 @!p0 s5, $0x0  }
0x1f: {  	s9 =	smul.u32 $0xF7A, s1;
	s8 =	simm.s32 @!p0 $0x1BF5;
	p2 =	por !p2, p0  }
0x20: {  	[sflag:s8] =	ssyncset.s32 @!p0 $0xFFFFF086;
	s6 =	sadd.s32 @!p0 s3, s7;
	s7 =	simm.s32 @!p0 $0x108  }
0x21: {  	s3 =	sadd.s32 s3, s9;
	s6 =	sadd.s32 @!p0 $0x88, s6;
	s7 =	simm.s32 @p2 $0x1082  }
0x22: {  	[simem:s7], [sflag:s8] =	dma.local @!p0 [hbm:s6], $0xF7A  }
0x23: {  	s9 =	sor.u32 $0xD0000000, s2;
	s6 =	simm.s32 $0x108;
	_ =	swait.ge @!p0 [sflag:s8], $0x0  }
0x24: {  	s3 =	sadd.s32 $0x88, s3;
	s6 =	simm.s32 @!p1 $0x1082;
	[sflag:s4] =	ssyncset.s32 $0xFFFFF086  }
0x25: {  	[simem:s6], [sflag:s4] =	dma.local [hbm:s3], $0xF7A  }
0x26: {  	[smem:$0x3F9B] =	sst s1;
	(tag) =	ssettag s2;
	_ =	strace s9  }
0x27: {  	s1 =	sld [smem:$0x3FAB]  }
0x28: {  	s2 =	sld [smem:$0x3FAC]  }
0x29: {  	s4 =	sld [smem:$0x3FAE]  }
0x2a: {  	p0 =	seq.s32 s5, $0x0;
	s5 =	sld [smem:$0x3FAF]  }
0x2b: {  	s6 =	sld [smem:$0x3FB0]  }
0x2c: {  	s7 =	sld [smem:$0x3FB1]  }
0x2d: {  	s3 =	simm.s32 $0x108;
	s8 =	sld [smem:$0x3FB2]  }
0x2e: {  	s3 =	simm.s32 @!p0 $0x1082;
	s9 =	sld [smem:$0x3FB3]  }
0x2f: {  	lr =	sadd.s32 s0, s3;
	s0 =	sld [smem:$0x3FAA]  }
0x30: {  	s3 =	sld [smem:$0x3FAD]  }
0x31: {  	[smem:$0x3FB6] =	sst s10  }
0x32: {  	s10 =	sld [smem:$0x3FB4];
	_ =	sdelay $0x3  }
0x33: {  	p0 =	seq.s32 s10, $0x1;
	s10 =	sld [smem:$0x3FB6];
	_ =	sdelay $0x3  }
0x34: {  	[smem:$0x3FB6] =	sst s10  }
0x35: {  	s10 =	sld [smem:$0x3FB5];
	_ =	sdelay $0x3  }
0x36: {  	p1 =	seq.s32 s10, $0x1;
	s10 =	sld [smem:$0x3FB6];
	_ =	sdelay $0x3  }
0x37: {  	[smem:$0x3FB6] =	sst s10  }
0x38: {  	s10 =	sld [smem:$0x3FB7]  }
0x39: {  	_ = 	snop;
	(pc) =	sbr.ind lr, $3  }
0x3a: {  	_ = 	snop  }
0x3b: {  	_ = 	snop  }
0x3c: {  	p2 =	seq.s32 s10, $0x1;
	s10 =	sld [smem:$0x3FB6]  }
0x3d: {  	_ =	shalt  }
0x3e: {  	_ =	shalt  }
0x3f: {  	_ =	shalt  }
0x40: {  	_ =	shalt  }
0x41: {  	_ =	shalt  }
0x42: {  	_ =	shalt  }
0x43: {  	_ =	shalt  }
0x44: {  	_ =	shalt  }
0x45: {  	_ =	shalt  }
0x46: {  	_ =	shalt  }
0x47: {  	_ =	shalt  }
0x48: {  	_ =	shalt  }
0x49: {  	_ =	shalt  }
0x4a: {  	_ =	shalt  }
0x4b: {  	_ =	shalt  }
0x4c: {  	_ =	shalt  }
0x4d: {  	_ =	shalt  }
0x4e: {  	_ =	shalt  }
0x4f: {  	_ =	shalt  }
0x50: {  	_ =	shalt  }
0x51: {  	_ =	shalt  }
0x52: {  	_ =	shalt  }
0x53: {  	_ =	shalt  }
0x54: {  	_ =	shalt  }
0x55: {  	_ =	shalt  }
0x56: {  	_ =	shalt  }
0x57: {  	_ =	shalt  }
0x58: {  	_ =	shalt  }
0x59: {  	_ =	shalt  }
0x5a: {  	_ =	shalt  }
0x5b: {  	_ =	shalt  }
0x5c: {  	_ =	shalt  }
0x5d: {  	_ =	shalt  }
0x5e: {  	_ =	shalt  }
0x5f: {  	_ =	shalt  }
0x60: {  	_ =	shalt  }
0x61: {  	_ =	shalt  }
0x62: {  	_ =	shalt  }
0x63: {  	_ =	shalt  }
0x64: {  	_ =	shalt  }
0x65: {  	_ =	shalt  }
0x66: {  	_ =	shalt  }
0x67: {  	_ =	shalt  }
0x68: {  	_ =	shalt  }
0x69: {  	_ =	shalt  }
0x6a: {  	_ =	shalt  }
0x6b: {  	_ =	shalt  }
0x6c: {  	_ =	shalt  }
0x6d: {  	_ =	shalt  }
0x6e: {  	_ =	shalt  }
0x6f: {  	_ =	shalt  }
0x70: {  	_ =	shalt  }
0x71: {  	_ =	shalt  }
0x72: {  	_ =	shalt  }
0x73: {  	_ =	shalt  }
0x74: {  	_ =	shalt  }
0x75: {  	_ =	shalt  }
0x76: {  	_ =	shalt  }
0x77: {  	_ =	shalt  }
0x78: {  	_ =	shalt  }
0x79: {  	_ =	shalt  }
0x7a: {  	_ =	shalt  }
0x7b: {  	_ =	shalt  }
0x7c: {  	_ =	shalt  }
0x7d: {  	_ =	shalt  }
0x7e: {  	_ =	shalt  }
0x7f: {  	_ =	shalt  }
0x80: {  	_ =	shalt  }
0x81: {  	_ =	shalt  }
0x82: {  	_ =	shalt  }
0x83: {  	_ =	shalt  }
0x84: {  	_ =	shalt  }
0x85: {  	_ =	shalt  }
0x86: {  	_ =	shalt  }
0x87: {  	_ =	shalt  }
.Lfunc_end0:
.L_simem_size_0:
called_computation_lowered:
.L_overlay_start_0:
0x88: {  	s2 =	sld [smem:$0x3FD9]  }
0x89: {  	s3 =	sld [smem:$0x3FFE];
	_ =	sdelay $0x1  }
0x8a: {  	s1 =	srdreg.scid  }
0x8b: {  	s0 =	sand.u32 $0x1, s1  }
0x8c: {  	s17 =	sshll.u32 s0, $0xA;
	s2 =	sadd.s32 s3, s2  }
0x8d: {  	s2 =	sadd.s32 s2, s17  }
0x8e: {  	[smem:$0x3FC2] =	sst s2  }
0x8f: {  	_ = 	snop  }
0x90: {  	s2 =	sld [smem:$0x3FC9]  }
0x91: {  	s18 =	sld [smem:$0x3FC8]  }
0x92: {  	s4 =	sld [smem:$0x3FD0];
	(tm) =	ssettm $0x1  }
0x93: {  	s5 =	sld [smem:$0x3FFB];
	_ =	sdelay $0x3  }
0x94: {  	_ =	strace s5  }
0x95: {  	s5 =	sld [smem:$0x3FFC];
	_ =	sdelay $0x3  }
0x96: {  	_ =	strace s5  }
0x97: {  	s5 =	sld [smem:$0x3FFD];
	_ =	sdelay $0x3  }
0x98: {  	_ =	strace s5  }
0x99: {  	_ =	strace $0x8FFFFFFF  }
0x9a: {  	s19 =	sld [smem:$0x3FDB];
	_ =	sdelay $0x1  }
0x9b: {  	s6 =	simm.s32 $_scs_section_size  }
0x9c: {  	s7 =	simm.s32 $_size__tile_overlayer_lowered;
	s8 =	simm.s32 $_tile_overlayer_lowered  }
0x9d: {  	s22 =	simm.s32 $0x1BFF;
	s21 =	sshll.u32 s8, $0x1;
	s5 =	sadd.s32 s6, s19  }
0x9e: {  	s9 =	simm.s32 $0x0;
	s20 =	sshll.u32 s7, $0x1;
	s7 =	sadd.s32 s21, s5  }
0x9f: {  	[timem:s9], [sflag:s22] =	dma.local [hbm:s7], s20  }
0xa0: {  	_ =	swait.ge [sflag:s22], s20  }
0xa1: {  	s6 =	ssub.s32 $0x0, s20;
	[sflag:s22] =	ssyncset.done $0x0  }
0xa2: {  	[sflag:s22] =	ssyncadd.s32 s6;
	_ =	sdelay $0x1  }
0xa3: {  	s23 =	simm.s32 $0x1B8B  }
0xa4: {  	_ =	swait.ge [sflag:s23], $0x1  }
0xa5: {  	[sflag:s23] =	ssyncset.done $0x0  }
0xa6: {  	s25 =	simm.s32 $0x1B8E;
	s24 =	sld [smem:$0x3FFE];
	[sflag:s23] =	ssyncadd.s32 $0xFFFFFFFF  }
0xa7: {  	s26 =	simm.s32 $execute0_lowered;
	[smem:$0x3FD2] =	sst s25  }
0xa8: {  	s7 =	sshll.u32 s26, $0x1;
	_ =	strace $0x80000046;
	[dreg:$0x1] =	wrdreg $0xFFFFFFFF  }
0xa9: {  	s28 =	simm.s32 $_size_execute0_lowered;
	s5 =	sadd.s32 s5, s7;
	[dreg:$0x0] =	wrdreg $0x0  }
0xaa: {  	s7 =	sshll.u32 s28, $0x1;
	[dreg:$0x2] =	wrdreg s5  }
0xab: {  	[dreg:$0x3] =	wrdreg s7  }
0xac: {  	[dreg:$0x4] =	wrdreg $0xC0  }
0xad: {  	_ =	task [dreg:s9], $0x5FFFF  }
0xae: {  	[dreg:$0x1] =	wrdreg $0xFFFFFFFF  }
0xaf: {  	[dreg:$0x0] =	wrdreg $0x60  }
0xb0: {  	[dreg:$0x2] =	wrdreg s18  }
0xb1: {  	[dreg:$0x3] =	wrdreg s2  }
0xb2: {  	[dreg:$0x4] =	wrdreg s24  }
0xb3: {  	[dreg:$0x5] =	wrdreg s4  }
0xb4: {  	[dreg:$0x6] =	wrdreg $0x9  }
0xb5: {  	_ =	task.clear_ibuf [dreg:s9], $0x7FFFF;
	_ =	strace $0x90000046  }
0xb6: {  	s29 =	simm.s32 $0x9;
	_ =	strace $0x80000048  }
0xb7: {  	_ =	swait.ge [sflag:s29], $0x1  }
0xb8: {  	[sflag:s29] =	ssyncadd.s32 $0xFFFFFFFF  }
0xb9: {  	_ =	strace $0x90000048  }
0xba: {  	_ =	sfence  }
0xbb: {  	s30 =	sld [smem:$0x0];
	_ =	sdelay $0x2  }
0xbc: {  	s31 =	sshll.u32 s1, $0xD;
	s1 =	sshrl.u32 s1, $0x2  }
0xbd: {  	s3 =	sand.u32 $0x4000, s31;
	s1 =	sadd.s32 s1, s30  }
0xbe: {  	s0 =	sor.u32 s3, s0;
	s1 =	sshll.u32 s1, $0x11  }
0xbf: {  	s0 =	sor.u32 s1, s0  }
0xc0: {  	s0 =	sadd.s32 $0x8F2B, s0  }
0xc1: {  	[sflag:s0] =	ssyncadd.remote.s32 $0x1  }
0xc2: {  	_ =	sfence.sel $0xFFFF  }
0xc3: {  	[dreg:$0x0] =	wrdreg $0xFFFFFFFF;
	(pc) =	sbr.abs _section_cstart, $3  }
0xc4: {  	[dreg:$0x1] =	wrdreg $0xFFFFFFFF  }
0xc5: {  	_ =	task.clear_ibuf [dreg:s9], $0x2FFFF;
	_ =	strace $0x9FFFFFFF  }
0xc6: {  	(tm) =	ssettm $0x7FFFFFFF  }
0xc7: {  	_ =	shalt  }
tec
execute0_lowered:
.L_overlay_start_1:
0x0: {  	(tag) =	ssettag $0x1  }
0x1: {  	s11 =	rddreg [dreg:$0x0]  }
0x2: {  	s0 =	rddreg [dreg:$0x1];
	s1 =	srdreg.scid  }
0x3: {  	s4 =	stileid.u32;
	s2 =	rddreg [dreg:$0x2];
	s21 =	simm.s32 $0x13000  }
0x4: {  	s22 =	simm.s32 $0x80;
	s23 =	simm.s32 $0x100;
	s24 =	simm.s32 $0x3  }
0x5: {  	s26 =	simm.s32 $0x1;
	s28 =	simm.s32 $0x2;
	s29 =	simm.s32 $0x0  }
0x6: {  	s1 =	sand.u32 $0x1, s1;
	s3 =	sshll.u32 s4, $0x1;
	s5 =	sshrl.u32 s4, $0x3  }
0x7: {  	s4 =	simm.s32 $0x0;
	s9 =	sadd.s32 $0x91800, s2;
	s11 =	sadd.s32 $0x10, s11  }
0x8: {  	s15 =	sadd.s32 $0x1900, s2;
	s16 =	sadd.s32 $0x1A00, s2;
	s3 =	sor.u32 s1, s3  }
0x9: {  	s8 =	smul.u32 $0x180000, s5;
	[smem:$0x7FF] =	sst s4;
	s5 =	sadd.s32 $0x1800, s2  }
0xa: {  	s1 =	ssub.s32 $0x2, s1;
	s6 =	sshll.u32 s3, $0x4;
	_ =	strace $0x80000047  }
0xb: {  	vm0 =	vmmov $0x1;
	s31 =	sshrl.u32 s1, $0x1;
	[dreg:$0x5] =	wrdreg s9;
	s7 =	sand.u32 $0xF0, s6  }
0xc: {  	vm1 =	vcmask $0x308;
	vm2 =	vcmask $0x70C;
	vm3 =	vcmask $0xB10;
	s12 =	sshll.u32 s3, $0x3;
	s13 =	sshll.u32 s3, $0x7;
	s7 =	smul.u32 $0x1800, s7  }
.Ltmp0:
0xd: {  	vm4 =	vcmask $0xF14;
	vm5 =	vcmask $0x1318;
	vm6 =	vcmask $0x171C;
	p0 =	sne.s32 s3, $0x0;
	s6 =	sadd.s32 s6, s2;
	(pc) =	sbr.rel .LBB2_1-.Ltmp0, $4  }
0xe: {  	v5 =	vlaneseq.u32;
	vm7 =	vcmask $0x1B20;
	v0 =	vimm.s32 $0x0;
	s1 =	ssub.s32 s1, s31;
	s2 =	simm.s32 $0xD000;
	s7 =	sadd.s32 s8, s7  }
0xf: {  	vm8 =	vmmov $0xffff;
	v3 =	vimm.s32 $0x0;
	v1 =	vadd.s32 $0x1, v5;
	s14 =	sadd.s32 $0x91A00, s6;
	s17 =	smax.u32 s1, $0x1;
	s7 =	sshrl.u32 s7, $0x3  }
0x10: {  	v2 =	vadd.s32 $0x11, v5;
	v3 =	vsel vm8, $0xFFFFFFFF, v3;
	v4 =	vshrl.u32 v5, $0x3;
	s1 =	simm.s32 $0x7000;
	s7 =	sadd.s32 s0, s7;
	s0 =	simm.s32 $0x1000  }
0x11: {  	v4 =	vmul.u32 $0x8, v4;
	[tilespmem:$0x1FFF0] =	vst v3;
	v3 =	vand.u32 $0x7, v5;
	v5 =	vor.u32 $0x8, v5;
	s8 =	sadd.s32 $0xC00, s7;
	s9 =	sadd.s32 $0x1800, s7;
	s10 =	sadd.s32 $0x2400, s7  }
.LBB2_5:
0x12: {  	v6 =	vld [tilespmem:s13+$0x0];
	_ =	sdelay $0x4  }
0x13: {  	vm9 =	veq.s32 v6, $0x0  }
0x14: {  	v7 =	vsel vm9, $0x1, v0  }
0x15: {  	(xrf0) =	vadd.scan.msk.s32 $0xffff, v7;
	_ =	sdelay $0x5  }
0x16: {  	v7, _, _ =	vpop (xrf0)  }
0x17: {  	vm10 =	veq.s32 v6, $0x1;
	v8 =	vxor.u32 $0x80000000, v7  }
0x18: {  	v61 =	vsel vm10, $0x1, v0;
	(xrf0) =	vmax.scan.msk.u32 $0xffff, v8  }
0x19: {  	(xrf0) =	vadd.scan.msk.s32 $0xffff, v61;
	_ =	sdelay $0x4  }
0x1a: {  	v9, _, _ =	vpop (xrf0)  }
0x1b: {  	v8, _, _ =	vpop (xrf0)  }
0x1c: {  	vm11 =	veq.s32 v6, $0x2;
	v10 =	vxor.u32 $0x80000000, v8  }
0x1d: {  	v62 =	vsel vm11, $0x1, v0;
	(xrf0) =	vmax.scan.msk.u32 $0xffff, v10  }
0x1e: {  	(xrf0) =	vadd.scan.msk.s32 $0xffff, v62;
	_ =	sdelay $0x4  }
0x1f: {  	v63, _, _ =	vpop (xrf0)  }
0x20: {  	v11, _, _ =	vpop (xrf0)  }
0x21: {  	vm12 =	veq.s32 v6, $0x3;
	v12 =	vxor.u32 $0x80000000, v11  }
0x22: {  	v23 =	vsel vm12, $0x1, v0;
	(xrf0) =	vmax.scan.msk.u32 $0xffff, v12  }
0x23: {  	(xrf0) =	vadd.scan.msk.s32 $0xffff, v23;
	_ =	sdelay $0x4  }
0x24: {  	v24, _, _ =	vpop (xrf0)  }
0x25: {  	v13, _, _ =	vpop (xrf0)  }
0x26: {  	vm13 =	veq.s32 v6, $0x4;
	v14 =	vxor.u32 $0x80000000, v13  }
0x27: {  	v25 =	vsel vm13, $0x1, v0;
	(xrf0) =	vmax.scan.msk.u32 $0xffff, v14  }
0x28: {  	(xrf0) =	vadd.scan.msk.s32 $0xffff, v25;
	_ =	sdelay $0x4  }
0x29: {  	v26, _, _ =	vpop (xrf0)  }
0x2a: {  	v15, _, _ =	vpop (xrf0)  }
0x2b: {  	vm14 =	veq.s32 v6, $0x5;
	v16 =	vxor.u32 $0x80000000, v15  }
0x2c: {  	v27 =	vsel vm14, $0x1, v0;
	(xrf0) =	vmax.scan.msk.u32 $0xffff, v16  }
0x2d: {  	(xrf0) =	vadd.scan.msk.s32 $0xffff, v27;
	_ =	sdelay $0x4  }
0x2e: {  	v28, _, _ =	vpop (xrf0)  }
0x2f: {  	v17, _, _ =	vpop (xrf0)  }
0x30: {  	vm15 =	veq.s32 v6, $0x6;
	v18 =	vxor.u32 $0x80000000, v17  }
0x31: {  	v29 =	vsel vm15, $0x1, v0;
	(xrf0) =	vmax.scan.msk.u32 $0xffff, v18  }
0x32: {  	(xrf0) =	vadd.scan.msk.s32 $0xffff, v29  }
0x33: {  	v30 =	vld [tilespmem:$0x19280];
	_ =	sdelay $0x3  }
0x34: {  	v19, _, _ =	vpop (xrf0)  }
0x35: {  	v20 =	vadd.s32 $0xFFFFFFFF, v30;
	v21, _, _ =	vpop (xrf0)  }
0x36: {  	vm8 =	veq.s32 v6, $0x7;
	v22 =	vbroadcast v20, $0x0;
	v23 =	vxor.u32 $0x80000000, v21  }
0x37: {  	v6 =	vbroadcast v20, $0x1;
	v31 =	vsel vm8, $0x1, v0;
	(xrf0) =	vmax.scan.msk.u32 $0xffff, v23  }
0x38: {  	v32 =	vbroadcast v20, $0x2;
	v7 =	vadd.s32 v7, v22;
	(xrf0) =	vadd.scan.msk.s32 $0xffff, v31  }
0x39: {  	v33 =	vbroadcast v20, $0x3;
	v7 =	vnsel vm9, $0x0, v7;
	v6 =	vadd.s32 v8, v6  }
0x3a: {  	v34 =	vbroadcast v20, $0x4;
	v6 =	vsel vm10, v6, v7;
	v7 =	vadd.s32 v11, v32  }
0x3b: {  	v35 =	vbroadcast v20, $0x5;
	v6 =	vsel vm11, v7, v6;
	v7 =	vadd.s32 v13, v33  }
0x3c: {  	v36 =	vbroadcast v20, $0x6;
	v6 =	vsel vm12, v7, v6;
	v7 =	vadd.s32 v15, v34  }
0x3d: {  	v38 =	vbroadcast v20, $0x7;
	v6 =	vsel vm13, v7, v6;
	v7 =	vadd.s32 v17, v35;
	v37, _, _ =	vpop (xrf0)  }
0x3e: {  	v6 =	vsel vm14, v7, v6;
	v7 =	vadd.s32 v21, v36;
	v39, _, _ =	vpop (xrf0)  }
0x3f: {  	v6 =	vsel vm15, v7, v6;
	v7 =	vadd.s32 v39, v38  }
0x40: {  	v6 =	vsel vm8, v7, v6  }
0x41: {  	[tilespmem:$0x19000] =	vst v6  }
0x42: {  	[tilespmem:$0x19080] =	vst v6  }
0x43: {  	v40 =	vld [tilespmem:s13+$0x10];
	_ =	sdelay $0x4  }
0x44: {  	v6 =	vxor.u32 $0x80000000, v39;
	vm13 =	veq.s32 v40, $0x0  }
0x45: {  	(xrf0) =	vmax.scan.msk.u32 $0xffff, v6;
	v6 =	vsel vm13, $0x1, v0  }
0x46: {  	(xrf0) =	vadd.scan.msk.s32 $0xffff, v6;
	_ =	sdelay $0x4  }
0x47: {  	v41, _, _ =	vpop (xrf0)  }
0x48: {  	v42, _, _ =	vpop (xrf0)  }
0x49: {  	vm9 =	veq.s32 v40, $0x1;
	v6 =	vxor.u32 $0x80000000, v42  }
0x4a: {  	(xrf0) =	vmax.scan.msk.u32 $0xffff, v6;
	v6 =	vsel vm9, $0x1, v0  }
0x4b: {  	(xrf0) =	vadd.scan.msk.s32 $0xffff, v6;
	_ =	sdelay $0x4  }
0x4c: {  	v6, _, _ =	vpop (xrf0)  }
0x4d: {  	v43, _, _ =	vpop (xrf0)  }
0x4e: {  	vm10 =	veq.s32 v40, $0x2;
	v7 =	vxor.u32 $0x80000000, v43  }
0x4f: {  	(xrf0) =	vmax.scan.msk.u32 $0xffff, v7;
	v7 =	vsel vm10, $0x1, v0  }
0x50: {  	(xrf0) =	vadd.scan.msk.s32 $0xffff, v7;
	_ =	sdelay $0x4  }
0x51: {  	v7, _, _ =	vpop (xrf0)  }
0x52: {  	v44, _, _ =	vpop (xrf0)  }
0x53: {  	(v2sf) =	vpush v30, $0x0;
	vm11 =	veq.s32 v40, $0x3;
	v45 =	vxor.u32 $0x80000000, v44  }
0x54: {  	(v2sf) =	vpush v30, $0x1;
	v46 =	vsel vm11, $0x1, v0;
	(xrf0) =	vmax.scan.msk.u32 $0xffff, v45  }
0x55: {  	(v2sf) =	vpush v30, $0x2;
	(xrf0) =	vadd.scan.msk.s32 $0xffff, v46  }
0x56: {  	(v2sf) =	vpush v30, $0x3  }
0x57: {  	(v2sf) =	vpush v30, $0x4  }
0x58: {  	(v2sf) =	vpush v30, $0x5;
	_ =	sdelay $0x1  }
0x59: {  	v8, _, _ =	vpop (xrf0)  }
0x5a: {  	v47, _, _ =	vpop (xrf0)  }
0x5b: {  	vm12 =	veq.s32 v40, $0x4;
	v48 =	vxor.u32 $0x80000000, v47  }
0x5c: {  	(v2sf) =	vpush v30, $0x6;
	v49 =	vsel vm12, $0x1, v0;
	(xrf0) =	vmax.scan.msk.u32 $0xffff, v48  }
0x5d: {  	(v2sf) =	vpush v30, $0x7;
	(xrf0) =	vadd.scan.msk.s32 $0xffff, v49  }
0x5e: {  	(v2sf) =	vpush v9, $0xF  }
0x5f: {  	(v2sf) =	vpush v63, $0xF  }
0x60: {  	(v2sf) =	vpush v24, $0xF  }
0x61: {  	s0 =	spop (v2sf);
	(v2sf) =	vpush v26, $0xF  }
0x62: {  	s1 =	spop (v2sf);
	v12, _, _ =	vpop (xrf0)  }
0x63: {  	s2 =	spop (v2sf);
	(v2sf) =	vpush v28, $0xF;
	v50, _, _ =	vpop (xrf0)  }
0x64: {  	s3 =	spop (v2sf);
	(v2sf) =	vpush v19, $0xF;
	vm14 =	veq.s32 v40, $0x5;
	v51 =	vxor.u32 $0x80000000, v50  }
0x65: {  	s18 =	spop (v2sf);
	(v2sf) =	vpush v37, $0xF;
	v52 =	vsel vm14, $0x1, v0;
	(xrf0) =	vmax.scan.msk.u32 $0xffff, v51  }
0x66: {  	s19 =	spop (v2sf);
	(v2sf) =	vpush v41, $0xF;
	(xrf0) =	vadd.scan.msk.s32 $0xffff, v52;
	_ =	sdelay $0x4  }
0x67: {  	s20 =	spop (v2sf);
	v53, _, _ =	vpop (xrf0)  }
0x68: {  	s31 =	spop (v2sf);
	v10, _, _ =	vpop (xrf0)  }
0x69: {  	s6 =	spop (v2sf);
	vm15 =	veq.s32 v40, $0x6;
	v54 =	vxor.u32 $0x80000000, v10  }
0x6a: {  	s0 =	sadd.s32 s6, s0;
	s30 =	spop (v2sf);
	v55 =	vsel vm15, $0x1, v0;
	(xrf0) =	vmax.scan.msk.u32 $0xffff, v54  }
0x6b: {  	s6 =	sadd.s32 $0x80000000, s0;
	s0 =	sadd.s32 s30, s1;
	s1 =	spop (v2sf);
	(xrf0) =	vadd.scan.msk.s32 $0xffff, v55  }
0x6c: {  	v56 =	vmov s6;
	s25 =	sadd.s32 $0x80000000, s0;
	s0 =	sadd.s32 s1, s2;
	s2 =	spop (v2sf)  }
0x6d: {  	v57 =	vadd.s32 $0xFFFFFFFF, v56;
	s30 =	sadd.s32 $0x80000000, s0;
	s2 =	sadd.s32 s2, s3  }
0x6e: {  	v11 =	vbroadcast v57, $0x0;
	v58 =	vmov s25;
	v59 =	vmov s30;
	s1 =	sadd.s32 $0x80000000, s2;
	s3 =	spop (v2sf)  }
0x6f: {  	v14 =	vadd.s32 $0xFFFFFFFF, v58;
	v16 =	vadd.s32 $0xFFFFFFFF, v59;
	v60 =	vmov s1;
	s0 =	sadd.s32 s3, s18;
	s18 =	spop (v2sf)  }
0x70: {  	v14 =	vbroadcast v14, $0x0;
	v16 =	vbroadcast v16, $0x0;
	v17 =	vadd.s32 $0xFFFFFFFF, v60;
	s2 =	sadd.s32 $0x80000000, s0;
	s18 =	sadd.s32 s18, s19;
	s19 =	spop (v2sf);
	v61, _, _ =	vpop (xrf0)  }
0x71: {  	v17 =	vbroadcast v17, $0x0;
	v23 =	vmov s2;
	s3 =	sadd.s32 s19, s20;
	v11 =	vadd.s32 v42, v11;
	s20 =	spop (v2sf);
	v62, _, _ =	vpop (xrf0)  }
0x72: {  	s0 =	sadd.s32 $0x80000000, s18;
	v11 =	vnsel vm13, $0x0, v11;
	vm13 =	veq.s32 v40, $0x7;
	s18 =	sadd.s32 s20, s31;
	v63 =	vxor.u32 $0x80000000, v62  }
0x73: {  	v24 =	vadd.s32 $0xFFFFFFFF, v23;
	v25 =	vmov s0;
	s3 =	sadd.s32 $0x80000000, s3;
	v15 =	vsel vm13, $0x1, v0;
	s31 =	sadd.s32 $0x80000000, s18;
	(xrf0) =	vmax.scan.msk.u32 $0xffff, v63  }
0x74: {  	v26 =	vmov s3;
	v14 =	vadd.s32 v43, v14;
	v27 =	vmov s31;
	(xrf0) =	vadd.scan.msk.s32 $0xffff, v15  }
0x75: {  	v11 =	vsel vm9, v14, v11;
	v14 =	vbroadcast v24, $0x0;
	v29 =	vadd.s32 $0xFFFFFFFF, v27  }
0x76: {  	v21 =	vadd.s32 v44, v16;
	v16 =	vadd.s32 $0xFFFFFFFF, v26;
	v15 =	vadd.s32 $0xFFFFFFFF, v25  }
0x77: {  	v11 =	vsel vm10, v21, v11;
	v22 =	vadd.s32 v47, v17;
	v15 =	vbroadcast v15, $0x0  }
0x78: {  	v28 =	vbroadcast v16, $0x0;
	v11 =	vsel vm11, v22, v11;
	v9 =	vadd.s32 v50, v14  }
0x79: {  	v31 =	vbroadcast v29, $0x0;
	v9 =	vsel vm12, v9, v11;
	v10 =	vadd.s32 v10, v15;
	v30, _, _ =	vpop (xrf0)  }
0x7a: {  	v32 =	vadd.s32 v62, v28;
	v9 =	vsel vm14, v10, v9;
	v33, _, _ =	vpop (xrf0)  }
0x7b: {  	v9 =	vsel vm15, v32, v9;
	v34 =	vadd.s32 v33, v31  }
0x7c: {  	v9 =	vsel vm13, v34, v9  }
0x7d: {  	[tilespmem:$0x19010] =	vst v9  }
0x7e: {  	[tilespmem:$0x19090] =	vst v9  }
0x7f: {  	v35 =	vld [tilespmem:s13+$0x20];
	_ =	sdelay $0x4  }
0x80: {  	v36 =	vxor.u32 $0x80000000, v33;
	vm14 =	veq.s32 v35, $0x0  }
0x81: {  	(xrf0) =	vmax.scan.msk.u32 $0xffff, v36;
	v37 =	vsel vm14, $0x1, v0  }
0x82: {  	(xrf0) =	vadd.scan.msk.s32 $0xffff, v37;
	_ =	sdelay $0x4  }
0x83: {  	v38, _, _ =	vpop (xrf0)  }
0x84: {  	v39, _, _ =	vpop (xrf0)  }
0x85: {  	vm10 =	veq.s32 v35, $0x1;
	v40 =	vxor.u32 $0x80000000, v39  }
0x86: {  	v41 =	vsel vm10, $0x1, v0;
	(xrf0) =	vmax.scan.msk.u32 $0xffff, v40  }
0x87: {  	(xrf0) =	vadd.scan.msk.s32 $0xffff, v41;
	_ =	sdelay $0x4  }
0x88: {  	v9, _, _ =	vpop (xrf0)  }
0x89: {  	v42, _, _ =	vpop (xrf0)  }
0x8a: {  	vm11 =	veq.s32 v35, $0x2;
	v43 =	vxor.u32 $0x80000000, v42  }
0x8b: {  	v44 =	vsel vm11, $0x1, v0;
	(xrf0) =	vmax.scan.msk.u32 $0xffff, v43  }
0x8c: {  	(xrf0) =	vadd.scan.msk.s32 $0xffff, v44;
	_ =	sdelay $0x4  }
0x8d: {  	v10, _, _ =	vpop (xrf0)  }
0x8e: {  	v45, _, _ =	vpop (xrf0)  }
0x8f: {  	vm12 =	veq.s32 v35, $0x3;
	v46 =	vxor.u32 $0x80000000, v45  }
0x90: {  	v47 =	vsel vm12, $0x1, v0;
	(xrf0) =	vmax.scan.msk.u32 $0xffff, v46  }
0x91: {  	(xrf0) =	vadd.scan.msk.s32 $0xffff, v47;
	_ =	sdelay $0x4  }
0x92: {  	v11, _, _ =	vpop (xrf0)  }
0x93: {  	v48, _, _ =	vpop (xrf0)  }
0x94: {  	vm9 =	veq.s32 v35, $0x4;
	v49 =	vxor.u32 $0x80000000, v48  }
0x95: {  	v50 =	vsel vm9, $0x1, v0;
	(xrf0) =	vmax.scan.msk.u32 $0xffff, v49  }
0x96: {  	(v2sf) =	vpush v6, $0xF;
	(xrf0) =	vadd.scan.msk.s32 $0xffff, v50  }
0x97: {  	(v2sf) =	vpush v7, $0xF  }
0x98: {  	(v2sf) =	vpush v8, $0xF  }
0x99: {  	(v2sf) =	vpush v12, $0xF;
	_ =	sdelay $0x1  }
0x9a: {  	v7, _, _ =	vpop (xrf0)  }
0x9b: {  	(v2sf) =	vpush v53, $0xF;
	v6, _, _ =	vpop (xrf0)  }
0x9c: {  	(v2sf) =	vpush v61, $0xF;
	vm13 =	veq.s32 v35, $0x5;
	v51 =	vxor.u32 $0x80000000, v6  }
0x9d: {  	(v2sf) =	vpush v30, $0xF;
	v52 =	vsel vm13, $0x1, v0;
	(xrf0) =	vmax.scan.msk.u32 $0xffff, v51  }
0x9e: {  	(xrf0) =	vadd.scan.msk.s32 $0xffff, v52  }
0x9f: {  	(v2sf) =	vpush v38, $0xF;
	_ =	sdelay $0x3  }
0xa0: {  	v53, _, _ =	vpop (xrf0)  }
0xa1: {  	s19 =	spop (v2sf);
	v8, _, _ =	vpop (xrf0)  }
0xa2: {  	s20 =	spop (v2sf);
	vm15 =	veq.s32 v35, $0x6;
	v54 =	vxor.u32 $0x80000000, v8  }
0xa3: {  	s6 =	sadd.s32 s19, s6;
	s19 =	spop (v2sf);
	v55 =	vsel vm15, $0x1, v0;
	(xrf0) =	vmax.scan.msk.u32 $0xffff, v54  }
0xa4: {  	s6 =	sadd.s32 $0x80000000, s6;
	s18 =	sadd.s32 s20, s25;
	s20 =	spop (v2sf);
	(xrf0) =	vadd.scan.msk.s32 $0xffff, v55  }
0xa5: {  	v56 =	vmov s6;
	s1 =	sadd.s32 s20, s1  }
0xa6: {  	v57 =	vadd.s32 $0xFFFFFFFF, v56;
	s25 =	sadd.s32 $0x80000000, s18;
	s18 =	sadd.s32 s19, s30;
	s1 =	sadd.s32 $0x80000000, s1  }
0xa7: {  	v12 =	vbroadcast v57, $0x0;
	v58 =	vmov s25;
	s30 =	sadd.s32 $0x80000000, s18;
	v60 =	vmov s1;
	s19 =	spop (v2sf)  }
0xa8: {  	v14 =	vadd.s32 $0xFFFFFFFF, v58;
	v59 =	vmov s30;
	v17 =	vadd.s32 $0xFFFFFFFF, v60;
	s2 =	sadd.s32 s19, s2;
	s20 =	spop (v2sf)  }
0xa9: {  	v14 =	vbroadcast v14, $0x0;
	v17 =	vbroadcast v17, $0x0;
	v15 =	vadd.s32 $0xFFFFFFFF, v59;
	s2 =	sadd.s32 $0x80000000, s2;
	s19 =	spop (v2sf);
	v61, _, _ =	vpop (xrf0)  }
0xaa: {  	v15 =	vbroadcast v15, $0x0;
	v26 =	vmov s2;
	s3 =	sadd.s32 s19, s3;
	v12 =	vadd.s32 v39, v12;
	v62, _, _ =	vpop (xrf0)  }
0xab: {  	s0 =	sadd.s32 s20, s0;
	s3 =	sadd.s32 $0x80000000, s3;
	v12 =	vnsel vm14, $0x0, v12;
	vm14 =	veq.s32 v35, $0x7;
	s20 =	spop (v2sf);
	v63 =	vxor.u32 $0x80000000, v62  }
0xac: {  	v27 =	vadd.s32 $0xFFFFFFFF, v26;
	s0 =	sadd.s32 $0x80000000, s0;
	v29 =	vmov s3;
	v24 =	vsel vm14, $0x1, v0;
	s18 =	sadd.s32 s20, s31;
	(xrf0) =	vmax.scan.msk.u32 $0xffff, v63  }
0xad: {  	v28 =	vmov s0;
	v16 =	vadd.s32 $0xFFFFFFFF, v29;
	s31 =	sadd.s32 $0x80000000, s18;
	v14 =	vadd.s32 v42, v14;
	(xrf0) =	vadd.scan.msk.s32 $0xffff, v24  }
0xae: {  	v31 =	vbroadcast v16, $0x0;
	v30 =	vmov s31;
	v12 =	vsel vm10, v14, v12  }
0xaf: {  	v14 =	vbroadcast v27, $0x0;
	v23 =	vadd.s32 v45, v15;
	v15 =	vadd.s32 $0xFFFFFFFF, v28  }
0xb0: {  	v12 =	vsel vm11, v23, v12;
	v15 =	vbroadcast v15, $0x0;
	v25 =	vadd.s32 v48, v17  }
0xb1: {  	v32 =	vadd.s32 $0xFFFFFFFF, v30;
	v12 =	vsel vm12, v25, v12;
	v6 =	vadd.s32 v6, v14  }
0xb2: {  	v34 =	vbroadcast v32, $0x0;
	v6 =	vsel vm9, v6, v12;
	v8 =	vadd.s32 v8, v15;
	v33, _, _ =	vpop (xrf0)  }
0xb3: {  	v6 =	vsel vm13, v8, v6;
	v35 =	vadd.s32 v62, v31;
	v36, _, _ =	vpop (xrf0)  }
0xb4: {  	v6 =	vsel vm15, v35, v6;
	v37 =	vadd.s32 v36, v34  }
0xb5: {  	v6 =	vsel vm14, v37, v6  }
0xb6: {  	[tilespmem:$0x19020] =	vst v6  }
0xb7: {  	[tilespmem:$0x19100] =	vst v6  }
0xb8: {  	v38 =	vld [tilespmem:s13+$0x30];
	_ =	sdelay $0x4  }
0xb9: {  	v6 =	vxor.u32 $0x80000000, v36;
	vm14 =	veq.s32 v38, $0x0  }
0xba: {  	(xrf0) =	vmax.scan.msk.u32 $0xffff, v6;
	v6 =	vsel vm14, $0x1, v0  }
0xbb: {  	(xrf0) =	vadd.scan.msk.s32 $0xffff, v6;
	_ =	sdelay $0x4  }
0xbc: {  	v39, _, _ =	vpop (xrf0)  }
0xbd: {  	v40, _, _ =	vpop (xrf0)  }
0xbe: {  	vm10 =	veq.s32 v38, $0x1;
	v6 =	vxor.u32 $0x80000000, v40  }
0xbf: {  	(xrf0) =	vmax.scan.msk.u32 $0xffff, v6;
	v6 =	vsel vm10, $0x1, v0  }
0xc0: {  	(xrf0) =	vadd.scan.msk.s32 $0xffff, v6;
	_ =	sdelay $0x4  }
0xc1: {  	v6, _, _ =	vpop (xrf0)  }
0xc2: {  	v41, _, _ =	vpop (xrf0)  }
0xc3: {  	vm11 =	veq.s32 v38, $0x2;
	v42 =	vxor.u32 $0x80000000, v41  }
0xc4: {  	v43 =	vsel vm11, $0x1, v0;
	(xrf0) =	vmax.scan.msk.u32 $0xffff, v42  }
0xc5: {  	(xrf0) =	vadd.scan.msk.s32 $0xffff, v43;
	_ =	sdelay $0x4  }
0xc6: {  	v8, _, _ =	vpop (xrf0)  }
0xc7: {  	v44, _, _ =	vpop (xrf0)  }
0xc8: {  	vm12 =	veq.s32 v38, $0x3;
	v45 =	vxor.u32 $0x80000000, v44  }
0xc9: {  	v46 =	vsel vm12, $0x1, v0;
	(xrf0) =	vmax.scan.msk.u32 $0xffff, v45  }
0xca: {  	(xrf0) =	vadd.scan.msk.s32 $0xffff, v46;
	_ =	sdelay $0x4  }
0xcb: {  	v12, _, _ =	vpop (xrf0)  }
0xcc: {  	v47, _, _ =	vpop (xrf0)  }
0xcd: {  	vm9 =	veq.s32 v38, $0x4;
	v48 =	vxor.u32 $0x80000000, v47  }
0xce: {  	v49 =	vsel vm9, $0x1, v0;
	(xrf0) =	vmax.scan.msk.u32 $0xffff, v48  }
0xcf: {  	(xrf0) =	vadd.scan.msk.s32 $0xffff, v49  }
0xd0: {  	(v2sf) =	vpush v9, $0xF  }
0xd1: {  	(v2sf) =	vpush v10, $0xF  }
0xd2: {  	(v2sf) =	vpush v11, $0xF  }
0xd3: {  	(v2sf) =	vpush v7, $0xF  }
0xd4: {  	v50, _, _ =	vpop (xrf0)  }
0xd5: {  	(v2sf) =	vpush v53, $0xF;
	v7, _, _ =	vpop (xrf0)  }
0xd6: {  	(v2sf) =	vpush v61, $0xF;
	vm13 =	veq.s32 v38, $0x5;
	v51 =	vxor.u32 $0x80000000, v7  }
0xd7: {  	(v2sf) =	vpush v33, $0xF;
	v52 =	vsel vm13, $0x1, v0;
	(xrf0) =	vmax.scan.msk.u32 $0xffff, v51  }
0xd8: {  	(xrf0) =	vadd.scan.msk.s32 $0xffff, v52;
	_ =	sdelay $0x1  }
0xd9: {  	(v2sf) =	vpush v39, $0xF;
	_ =	sdelay $0x2  }
0xda: {  	v53, _, _ =	vpop (xrf0)  }
0xdb: {  	v9, _, _ =	vpop (xrf0)  }
0xdc: {  	s19 =	spop (v2sf);
	vm15 =	veq.s32 v38, $0x6;
	v54 =	vxor.u32 $0x80000000, v9  }
0xdd: {  	s6 =	sadd.s32 s19, s6;
	s20 =	spop (v2sf);
	v55 =	vsel vm15, $0x1, v0;
	(xrf0) =	vmax.scan.msk.u32 $0xffff, v54  }
0xde: {  	s6 =	sadd.s32 $0x80000000, s6;
	s18 =	sadd.s32 s20, s25;
	s19 =	spop (v2sf);
	(xrf0) =	vadd.scan.msk.s32 $0xffff, v55  }
0xdf: {  	v56 =	vmov s6;
	s25 =	sadd.s32 $0x80000000, s18;
	s18 =	sadd.s32 s19, s30;
	s20 =	spop (v2sf)  }
0xe0: {  	v57 =	vadd.s32 $0xFFFFFFFF, v56;
	s30 =	sadd.s32 $0x80000000, s18;
	s1 =	sadd.s32 s20, s1  }
0xe1: {  	v10 =	vbroadcast v57, $0x0;
	v58 =	vmov s25;
	v59 =	vmov s30;
	s1 =	sadd.s32 $0x80000000, s1;
	s20 =	spop (v2sf)  }
0xe2: {  	v14 =	vadd.s32 $0xFFFFFFFF, v58;
	v15 =	vadd.s32 $0xFFFFFFFF, v59;
	v60 =	vmov s1;
	s2 =	sadd.s32 s20, s2;
	s19 =	spop (v2sf)  }
0xe3: {  	v14 =	vbroadcast v14, $0x0;
	v15 =	vbroadcast v15, $0x0;
	v17 =	vadd.s32 $0xFFFFFFFF, v60;
	s2 =	sadd.s32 $0x80000000, s2;
	s20 =	spop (v2sf);
	v61, _, _ =	vpop (xrf0)  }
0xe4: {  	v17 =	vbroadcast v17, $0x0;
	v26 =	vmov s2;
	s0 =	sadd.s32 s19, s0;
	s19 =	sadd.s32 s20, s3;
	v10 =	vadd.s32 v40, v10;
	v62, _, _ =	vpop (xrf0)  }
0xe5: {  	s19 =	sadd.s32 $0x80000000, s19;
	v10 =	vnsel vm14, $0x0, v10;
	vm14 =	veq.s32 v38, $0x7;
	v63 =	vxor.u32 $0x80000000, v62  }
0xe6: {  	v27 =	vadd.s32 $0xFFFFFFFF, v26;
	s18 =	sadd.s32 $0x80000000, s0;
	v29 =	vmov s19;
	v24 =	vsel vm14, $0x1, v0;
	s20 =	spop (v2sf);
	(xrf0) =	vmax.scan.msk.u32 $0xffff, v63  }
0xe7: {  	v28 =	vmov s18;
	v16 =	vadd.s32 $0xFFFFFFFF, v29;
	v14 =	vadd.s32 v41, v14;
	s31 =	sadd.s32 s20, s31;
	(xrf0) =	vadd.scan.msk.s32 $0xffff, v24  }
0xe8: {  	v31 =	vbroadcast v16, $0x0;
	v10 =	vsel vm10, v14, v10;
	s31 =	sadd.s32 $0x80000000, s31;
	v14 =	vbroadcast v27, $0x0  }
0xe9: {  	v30 =	vmov s31;
	v23 =	vadd.s32 v44, v15;
	v15 =	vadd.s32 $0xFFFFFFFF, v28  }
0xea: {  	v10 =	vsel vm11, v23, v10;
	v15 =	vbroadcast v15, $0x0;
	v25 =	vadd.s32 v47, v17  }
0xeb: {  	v32 =	vadd.s32 $0xFFFFFFFF, v30;
	v10 =	vsel vm12, v25, v10;
	v7 =	vadd.s32 v7, v14  }
0xec: {  	v34 =	vbroadcast v32, $0x0;
	v7 =	vsel vm9, v7, v10;
	v9 =	vadd.s32 v9, v15;
	v33, _, _ =	vpop (xrf0)  }
0xed: {  	v7 =	vsel vm13, v9, v7;
	v35 =	vadd.s32 v62, v31;
	v36, _, _ =	vpop (xrf0)  }
0xee: {  	v7 =	vsel vm15, v35, v7;
	v37 =	vadd.s32 v36, v34  }
0xef: {  	v7 =	vsel vm14, v37, v7  }
0xf0: {  	[tilespmem:$0x19030] =	vst v7  }
0xf1: {  	[tilespmem:$0x19110] =	vst v7  }
0xf2: {  	v38 =	vld [tilespmem:s13+$0x40];
	_ =	sdelay $0x4  }
0xf3: {  	v7 =	vxor.u32 $0x80000000, v36;
	vm14 =	veq.s32 v38, $0x0  }
0xf4: {  	(xrf0) =	vmax.scan.msk.u32 $0xffff, v7;
	v7 =	vsel vm14, $0x1, v0  }
0xf5: {  	(xrf0) =	vadd.scan.msk.s32 $0xffff, v7;
	_ =	sdelay $0x4  }
0xf6: {  	v39, _, _ =	vpop (xrf0)  }
0xf7: {  	v40, _, _ =	vpop (xrf0)  }
0xf8: {  	vm10 =	veq.s32 v38, $0x1;
	v7 =	vxor.u32 $0x80000000, v40  }
0xf9: {  	(xrf0) =	vmax.scan.msk.u32 $0xffff, v7;
	v7 =	vsel vm10, $0x1, v0  }
0xfa: {  	(xrf0) =	vadd.scan.msk.s32 $0xffff, v7;
	_ =	sdelay $0x4  }
0xfb: {  	v7, _, _ =	vpop (xrf0)  }
0xfc: {  	v41, _, _ =	vpop (xrf0)  }
0xfd: {  	vm11 =	veq.s32 v38, $0x2;
	v42 =	vxor.u32 $0x80000000, v41  }
0xfe: {  	v43 =	vsel vm11, $0x1, v0;
	(xrf0) =	vmax.scan.msk.u32 $0xffff, v42  }
0xff: {  	(xrf0) =	vadd.scan.msk.s32 $0xffff, v43;
	_ =	sdelay $0x4  }
0x100: {  	v9, _, _ =	vpop (xrf0)  }
0x101: {  	v44, _, _ =	vpop (xrf0)  }
0x102: {  	vm12 =	veq.s32 v38, $0x3;
	v45 =	vxor.u32 $0x80000000, v44  }
0x103: {  	v46 =	vsel vm12, $0x1, v0;
	(xrf0) =	vmax.scan.msk.u32 $0xffff, v45  }
0x104: {  	(xrf0) =	vadd.scan.msk.s32 $0xffff, v46;
	_ =	sdelay $0x4  }
0x105: {  	v10, _, _ =	vpop (xrf0)  }
0x106: {  	v47, _, _ =	vpop (xrf0)  }
0x107: {  	vm9 =	veq.s32 v38, $0x4;
	v48 =	vxor.u32 $0x80000000, v47  }
0x108: {  	v49 =	vsel vm9, $0x1, v0;
	(xrf0) =	vmax.scan.msk.u32 $0xffff, v48  }
0x109: {  	(xrf0) =	vadd.scan.msk.s32 $0xffff, v49  }
0x10a: {  	(v2sf) =	vpush v6, $0xF  }
0x10b: {  	(v2sf) =	vpush v8, $0xF  }
0x10c: {  	(v2sf) =	vpush v12, $0xF  }
0x10d: {  	(v2sf) =	vpush v50, $0xF  }
0x10e: {  	v50, _, _ =	vpop (xrf0)  }
0x10f: {  	(v2sf) =	vpush v53, $0xF;
	v6, _, _ =	vpop (xrf0)  }
0x110: {  	(v2sf) =	vpush v61, $0xF;
	vm13 =	veq.s32 v38, $0x5;
	v51 =	vxor.u32 $0x80000000, v6  }
0x111: {  	(v2sf) =	vpush v33, $0xF;
	v52 =	vsel vm13, $0x1, v0;
	(xrf0) =	vmax.scan.msk.u32 $0xffff, v51  }
0x112: {  	(xrf0) =	vadd.scan.msk.s32 $0xffff, v52;
	_ =	sdelay $0x1  }
0x113: {  	(v2sf) =	vpush v39, $0xF;
	_ =	sdelay $0x2  }
0x114: {  	v53, _, _ =	vpop (xrf0)  }
0x115: {  	v8, _, _ =	vpop (xrf0)  }
0x116: {  	s3 =	spop (v2sf);
	vm15 =	veq.s32 v38, $0x6;
	v54 =	vxor.u32 $0x80000000, v8  }
0x117: {  	s0 =	sadd.s32 s3, s6;
	s20 =	spop (v2sf);
	v55 =	vsel vm15, $0x1, v0;
	(xrf0) =	vmax.scan.msk.u32 $0xffff, v54  }
0x118: {  	s6 =	sadd.s32 $0x80000000, s0;
	s0 =	sadd.s32 s20, s25;
	s3 =	spop (v2sf);
	(xrf0) =	vadd.scan.msk.s32 $0xffff, v55  }
0x119: {  	v56 =	vmov s6;
	s25 =	sadd.s32 $0x80000000, s0;
	s0 =	sadd.s32 s3, s30;
	s20 =	spop (v2sf)  }
0x11a: {  	v57 =	vadd.s32 $0xFFFFFFFF, v56;
	s30 =	sadd.s32 $0x80000000, s0;
	s3 =	sadd.s32 s20, s1  }
0x11b: {  	v11 =	vbroadcast v57, $0x0;
	v58 =	vmov s25;
	v59 =	vmov s30;
	s1 =	sadd.s32 $0x80000000, s3;
	s20 =	spop (v2sf)  }
0x11c: {  	v14 =	vadd.s32 $0xFFFFFFFF, v58;
	v15 =	vadd.s32 $0xFFFFFFFF, v59;
	v60 =	vmov s1;
	s0 =	sadd.s32 s20, s2;
	s3 =	spop (v2sf)  }
0x11d: {  	v14 =	vbroadcast v14, $0x0;
	v15 =	vbroadcast v15, $0x0;
	v17 =	vadd.s32 $0xFFFFFFFF, v60;
	s0 =	sadd.s32 $0x80000000, s0;
	s20 =	spop (v2sf);
	v61, _, _ =	vpop (xrf0)  }
0x11e: {  	v17 =	vbroadcast v17, $0x0;
	v26 =	vmov s0;
	s19 =	sadd.s32 s20, s19;
	v11 =	vadd.s32 v40, v11;
	v62, _, _ =	vpop (xrf0)  }
0x11f: {  	s2 =	sadd.s32 s3, s18;
	s18 =	sadd.s32 $0x80000000, s19;
	v11 =	vnsel vm14, $0x0, v11;
	vm14 =	veq.s32 v38, $0x7;
	v63 =	vxor.u32 $0x80000000, v62  }
0x120: {  	v27 =	vadd.s32 $0xFFFFFFFF, v26;
	s3 =	sadd.s32 $0x80000000, s2;
	v29 =	vmov s18;
	v24 =	vsel vm14, $0x1, v0;
	s20 =	spop (v2sf);
	(xrf0) =	vmax.scan.msk.u32 $0xffff, v63  }
0x121: {  	v28 =	vmov s3;
	v16 =	vadd.s32 $0xFFFFFFFF, v29;
	v14 =	vadd.s32 v41, v14;
	s31 =	sadd.s32 s20, s31;
	(xrf0) =	vadd.scan.msk.s32 $0xffff, v24  }
0x122: {  	v31 =	vbroadcast v16, $0x0;
	v11 =	vsel vm10, v14, v11;
	s31 =	sadd.s32 $0x80000000, s31;
	v14 =	vbroadcast v27, $0x0  }
0x123: {  	v30 =	vmov s31;
	v23 =	vadd.s32 v44, v15;
	v15 =	vadd.s32 $0xFFFFFFFF, v28  }
0x124: {  	v11 =	vsel vm11, v23, v11;
	v15 =	vbroadcast v15, $0x0;
	v25 =	vadd.s32 v47, v17  }
0x125: {  	v32 =	vadd.s32 $0xFFFFFFFF, v30;
	v11 =	vsel vm12, v25, v11;
	v6 =	vadd.s32 v6, v14  }
0x126: {  	v34 =	vbroadcast v32, $0x0;
	v6 =	vsel vm9, v6, v11;
	v8 =	vadd.s32 v8, v15;
	v33, _, _ =	vpop (xrf0)  }
0x127: {  	v6 =	vsel vm13, v8, v6;
	v35 =	vadd.s32 v62, v31;
	v36, _, _ =	vpop (xrf0)  }
0x128: {  	v6 =	vsel vm15, v35, v6;
	v37 =	vadd.s32 v36, v34  }
0x129: {  	v6 =	vsel vm14, v37, v6  }
0x12a: {  	[tilespmem:$0x19040] =	vst v6  }
0x12b: {  	[tilespmem:$0x19180] =	vst v6  }
0x12c: {  	v38 =	vld [tilespmem:s13+$0x50];
	_ =	sdelay $0x4  }
0x12d: {  	v6 =	vxor.u32 $0x80000000, v36;
	vm14 =	veq.s32 v38, $0x0  }
0x12e: {  	(xrf0) =	vmax.scan.msk.u32 $0xffff, v6;
	v6 =	vsel vm14, $0x1, v0  }
0x12f: {  	(xrf0) =	vadd.scan.msk.s32 $0xffff, v6;
	_ =	sdelay $0x4  }
0x130: {  	v39, _, _ =	vpop (xrf0)  }
0x131: {  	v40, _, _ =	vpop (xrf0)  }
0x132: {  	vm13 =	veq.s32 v38, $0x1;
	v6 =	vxor.u32 $0x80000000, v40  }
0x133: {  	(xrf0) =	vmax.scan.msk.u32 $0xffff, v6;
	v6 =	vsel vm13, $0x1, v0  }
0x134: {  	(xrf0) =	vadd.scan.msk.s32 $0xffff, v6;
	_ =	sdelay $0x4  }
0x135: {  	v6, _, _ =	vpop (xrf0)  }
0x136: {  	v41, _, _ =	vpop (xrf0)  }
0x137: {  	vm10 =	veq.s32 v38, $0x2;
	v42 =	vxor.u32 $0x80000000, v41  }
0x138: {  	v43 =	vsel vm10, $0x1, v0;
	(xrf0) =	vmax.scan.msk.u32 $0xffff, v42  }
0x139: {  	(xrf0) =	vadd.scan.msk.s32 $0xffff, v43;
	_ =	sdelay $0x4  }
0x13a: {  	v8, _, _ =	vpop (xrf0)  }
0x13b: {  	v44, _, _ =	vpop (xrf0)  }
0x13c: {  	vm11 =	veq.s32 v38, $0x3;
	v45 =	vxor.u32 $0x80000000, v44  }
0x13d: {  	v46 =	vsel vm11, $0x1, v0;
	(xrf0) =	vmax.scan.msk.u32 $0xffff, v45  }
0x13e: {  	(xrf0) =	vadd.scan.msk.s32 $0xffff, v46;
	_ =	sdelay $0x4  }
0x13f: {  	v11, _, _ =	vpop (xrf0)  }
0x140: {  	v47, _, _ =	vpop (xrf0)  }
0x141: {  	vm9 =	veq.s32 v38, $0x4;
	v48 =	vxor.u32 $0x80000000, v47  }
0x142: {  	v49 =	vsel vm9, $0x1, v0;
	(xrf0) =	vmax.scan.msk.u32 $0xffff, v48  }
0x143: {  	(xrf0) =	vadd.scan.msk.s32 $0xffff, v49  }
0x144: {  	(v2sf) =	vpush v7, $0xF  }
0x145: {  	(v2sf) =	vpush v9, $0xF  }
0x146: {  	(v2sf) =	vpush v10, $0xF  }
0x147: {  	(v2sf) =	vpush v50, $0xF  }
0x148: {  	v7, _, _ =	vpop (xrf0)  }
0x149: {  	(v2sf) =	vpush v53, $0xF;
	v50, _, _ =	vpop (xrf0)  }
0x14a: {  	(v2sf) =	vpush v61, $0xF;
	vm12 =	veq.s32 v38, $0x5;
	v51 =	vxor.u32 $0x80000000, v50  }
0x14b: {  	(v2sf) =	vpush v33, $0xF;
	v52 =	vsel vm12, $0x1, v0;
	(xrf0) =	vmax.scan.msk.u32 $0xffff, v51  }
0x14c: {  	(xrf0) =	vadd.scan.msk.s32 $0xffff, v52;
	_ =	sdelay $0x1  }
0x14d: {  	(v2sf) =	vpush v39, $0xF;
	_ =	sdelay $0x2  }
0x14e: {  	v10, _, _ =	vpop (xrf0)  }
0x14f: {  	v53, _, _ =	vpop (xrf0)  }
0x150: {  	s19 =	spop (v2sf);
	vm15 =	veq.s32 v38, $0x6;
	v54 =	vxor.u32 $0x80000000, v53  }
0x151: {  	s2 =	sadd.s32 s19, s6;
	s20 =	spop (v2sf);
	v55 =	vsel vm15, $0x1, v0;
	(xrf0) =	vmax.scan.msk.u32 $0xffff, v54  }
0x152: {  	s2 =	sadd.s32 $0x80000000, s2;
	s6 =	sadd.s32 s20, s25;
	s25 =	spop (v2sf);
	(xrf0) =	vadd.scan.msk.s32 $0xffff, v55  }
0x153: {  	v56 =	vmov s2;
	s20 =	sadd.s32 $0x80000000, s6;
	s6 =	sadd.s32 s25, s30;
	s30 =	spop (v2sf)  }
0x154: {  	v57 =	vadd.s32 $0xFFFFFFFF, v56;
	s19 =	sadd.s32 $0x80000000, s6;
	s1 =	sadd.s32 s30, s1  }
0x155: {  	v13 =	vbroadcast v57, $0x0;
	v58 =	vmov s20;
	v59 =	vmov s19;
	s1 =	sadd.s32 $0x80000000, s1;
	s25 =	spop (v2sf)  }
0x156: {  	v14 =	vadd.s32 $0xFFFFFFFF, v58;
	v15 =	vadd.s32 $0xFFFFFFFF, v59;
	v60 =	vmov s1;
	s0 =	sadd.s32 s25, s0;
	s30 =	spop (v2sf)  }
0x157: {  	v14 =	vbroadcast v14, $0x0;
	v15 =	vbroadcast v15, $0x0;
	v17 =	vadd.s32 $0xFFFFFFFF, v60;
	s0 =	sadd.s32 $0x80000000, s0;
	s25 =	spop (v2sf);
	v61, _, _ =	vpop (xrf0)  }
0x158: {  	v17 =	vbroadcast v17, $0x0;
	v25 =	vmov s0;
	s6 =	sadd.s32 s25, s18;
	v13 =	vadd.s32 v40, v13;
	v62, _, _ =	vpop (xrf0)  }
0x159: {  	s3 =	sadd.s32 s30, s3;
	s25 =	sadd.s32 $0x80000000, s6;
	v13 =	vnsel vm14, $0x0, v13;
	vm14 =	veq.s32 v38, $0x7;
	v63 =	vxor.u32 $0x80000000, v62  }
0x15a: {  	v26 =	vadd.s32 $0xFFFFFFFF, v25;
	s30 =	sadd.s32 $0x80000000, s3;
	v28 =	vmov s25;
	v23 =	vsel vm14, $0x1, v0;
	s18 =	spop (v2sf);
	(xrf0) =	vmax.scan.msk.u32 $0xffff, v63  }
0x15b: {  	v27 =	vmov s30;
	v16 =	vadd.s32 $0xFFFFFFFF, v28;
	v14 =	vadd.s32 v41, v14;
	s18 =	sadd.s32 s18, s31;
	(xrf0) =	vadd.scan.msk.s32 $0xffff, v23  }
0x15c: {  	v30 =	vbroadcast v16, $0x0;
	v13 =	vsel vm13, v14, v13;
	s6 =	sadd.s32 $0x80000000, s18;
	v14 =	vbroadcast v26, $0x0  }
0x15d: {  	v29 =	vmov s6;
	v20 =	vadd.s32 v44, v15;
	v15 =	vadd.s32 $0xFFFFFFFF, v27  }
0x15e: {  	v13 =	vsel vm10, v20, v13;
	v15 =	vbroadcast v15, $0x0;
	v24 =	vadd.s32 v47, v17  }
0x15f: {  	v31 =	vadd.s32 $0xFFFFFFFF, v29;
	v13 =	vsel vm11, v24, v13;
	v9 =	vadd.s32 v50, v14  }
0x160: {  	v33 =	vbroadcast v31, $0x0;
	v9 =	vsel vm9, v9, v13;
	v12 =	vadd.s32 v53, v15;
	v32, _, _ =	vpop (xrf0)  }
0x161: {  	v9 =	vsel vm12, v12, v9;
	v34 =	vadd.s32 v62, v30;
	v35, _, _ =	vpop (xrf0)  }
0x162: {  	v9 =	vsel vm15, v34, v9;
	v36 =	vadd.s32 v35, v33  }
0x163: {  	v9 =	vsel vm14, v36, v9  }
0x164: {  	[tilespmem:$0x19050] =	vst v9  }
0x165: {  	[tilespmem:$0x19190] =	vst v9  }
0x166: {  	v9 =	vld [tilespmem:s13+$0x60];
	_ =	sdelay $0x4  }
0x167: {  	v37 =	vxor.u32 $0x80000000, v35;
	vm14 =	veq.s32 v9, $0x0  }
0x168: {  	(xrf0) =	vmax.scan.msk.u32 $0xffff, v37;
	v38 =	vsel vm14, $0x1, v0  }
0x169: {  	(xrf0) =	vadd.scan.msk.s32 $0xffff, v38;
	_ =	sdelay $0x4  }
0x16a: {  	v39, _, _ =	vpop (xrf0)  }
0x16b: {  	v40, _, _ =	vpop (xrf0)  }
0x16c: {  	vm15 =	veq.s32 v9, $0x1;
	v41 =	vxor.u32 $0x80000000, v40  }
0x16d: {  	v42 =	vsel vm15, $0x1, v0;
	(xrf0) =	vmax.scan.msk.u32 $0xffff, v41  }
0x16e: {  	(xrf0) =	vadd.scan.msk.s32 $0xffff, v42;
	_ =	sdelay $0x4  }
0x16f: {  	v43, _, _ =	vpop (xrf0)  }
0x170: {  	v44, _, _ =	vpop (xrf0)  }
0x171: {  	vm12 =	veq.s32 v9, $0x2;
	v45 =	vxor.u32 $0x80000000, v44  }
0x172: {  	v46 =	vsel vm12, $0x1, v0;
	(xrf0) =	vmax.scan.msk.u32 $0xffff, v45  }
0x173: {  	(xrf0) =	vadd.scan.msk.s32 $0xffff, v46;
	_ =	sdelay $0x4  }
0x174: {  	v47, _, _ =	vpop (xrf0)  }
0x175: {  	v48, _, _ =	vpop (xrf0)  }
0x176: {  	vm10 =	veq.s32 v9, $0x3;
	v49 =	vxor.u32 $0x80000000, v48  }
0x177: {  	v50 =	vsel vm10, $0x1, v0;
	(xrf0) =	vmax.scan.msk.u32 $0xffff, v49  }
0x178: {  	(xrf0) =	vadd.scan.msk.s32 $0xffff, v50;
	_ =	sdelay $0x4  }
0x179: {  	v51, _, _ =	vpop (xrf0)  }
0x17a: {  	v52, _, _ =	vpop (xrf0)  }
0x17b: {  	(v2sf) =	vpush v6, $0xF;
	vm9 =	veq.s32 v9, $0x4;
	v53 =	vxor.u32 $0x80000000, v52  }
0x17c: {  	(v2sf) =	vpush v8, $0xF;
	v6 =	vsel vm9, $0x1, v0;
	(xrf0) =	vmax.scan.msk.u32 $0xffff, v53  }
0x17d: {  	(v2sf) =	vpush v11, $0xF;
	(xrf0) =	vadd.scan.msk.s32 $0xffff, v6;
	_ =	sdelay $0x1  }
0x17e: {  	(v2sf) =	vpush v7, $0xF;
	_ =	sdelay $0x1  }
0x17f: {  	(v2sf) =	vpush v10, $0xF  }
0x180: {  	(v2sf) =	vpush v61, $0xF;
	v6, _, _ =	vpop (xrf0)  }
0x181: {  	(v2sf) =	vpush v32, $0xF;
	v7, _, _ =	vpop (xrf0)  }
0x182: {  	vm11 =	veq.s32 v9, $0x5;
	v54 =	vxor.u32 $0x80000000, v7  }
0x183: {  	v55 =	vsel vm11, $0x1, v0;
	(xrf0) =	vmax.scan.msk.u32 $0xffff, v54  }
0x184: {  	(xrf0) =	vadd.scan.msk.s32 $0xffff, v55;
	_ =	sdelay $0x2  }
0x185: {  	(v2sf) =	vpush v39, $0xF  }
0x186: {  	s31 =	spop (v2sf)  }
0x187: {  	s18 =	spop (v2sf);
	v56, _, _ =	vpop (xrf0)  }
0x188: {  	s3 =	sadd.s32 s18, s20;
	s20 =	spop (v2sf);
	v57, _, _ =	vpop (xrf0)  }
0x189: {  	s2 =	sadd.s32 s31, s2;
	s18 =	sadd.s32 s20, s19;
	vm13 =	veq.s32 v9, $0x6;
	v58 =	vxor.u32 $0x80000000, v57  }
0x18a: {  	s2 =	sadd.s32 $0x80000000, s2;
	s18 =	sadd.s32 $0x80000000, s18;
	s31 =	spop (v2sf);
	v60 =	vsel vm13, $0x1, v0;
	(xrf0) =	vmax.scan.msk.u32 $0xffff, v58  }
0x18b: {  	v59 =	vmov s2;
	s3 =	sadd.s32 $0x80000000, s3;
	v18 =	vmov s18;
	s1 =	sadd.s32 s31, s1;
	(xrf0) =	vadd.scan.msk.s32 $0xffff, v60  }
0x18c: {  	v13 =	vadd.s32 $0xFFFFFFFF, v18;
	v12 =	vadd.s32 $0xFFFFFFFF, v59;
	s1 =	sadd.s32 $0x80000000, s1;
	v61 =	vmov s3;
	s20 =	spop (v2sf)  }
0x18d: {  	v62 =	vbroadcast v12, $0x0;
	v63 =	vadd.s32 $0xFFFFFFFF, v61;
	v23 =	vmov s1;
	s0 =	sadd.s32 s20, s0;
	s31 =	spop (v2sf)  }
0x18e: {  	v13 =	vbroadcast v13, $0x0;
	v12 =	vbroadcast v63, $0x0;
	v14 =	vadd.s32 $0xFFFFFFFF, v23;
	s19 =	sadd.s32 $0x80000000, s0;
	s0 =	sadd.s32 s31, s30;
	s20 =	spop (v2sf)  }
0x18f: {  	v26 =	vbroadcast v14, $0x0;
	v27 =	vmov s19;
	s30 =	sadd.s32 $0x80000000, s0;
	s0 =	sadd.s32 s20, s25;
	v11 =	vadd.s32 v40, v62  }
0x190: {  	v29 =	vadd.s32 $0xFFFFFFFF, v27;
	s20 =	sadd.s32 $0x80000000, s0;
	v11 =	vnsel vm14, $0x0, v11;
	vm14 =	veq.s32 v9, $0x7;
	v22, _, _ =	vpop (xrf0)  }
0x191: {  	v30 =	vmov s30;
	v31 =	vmov s20;
	v28 =	vsel vm14, $0x1, v0;
	v24, _, _ =	vpop (xrf0)  }
0x192: {  	(v2sf) =	vpush v43, $0xF;
	v12 =	vadd.s32 v44, v12;
	v25 =	vxor.u32 $0x80000000, v24  }
0x193: {  	v11 =	vsel vm15, v12, v11;
	(v2sf) =	vpush v47, $0xF;
	v13 =	vadd.s32 v48, v13;
	(xrf0) =	vmax.scan.msk.u32 $0xffff, v25  }
0x194: {  	s31 =	spop (v2sf);
	v11 =	vsel vm12, v13, v11;
	v13 =	vbroadcast v29, $0x0;
	v9 =	vadd.s32 v52, v26;
	(xrf0) =	vadd.scan.msk.s32 $0xffff, v28  }
0x195: {  	v32 =	vadd.s32 $0xFFFFFFFF, v31;
	s6 =	sadd.s32 s31, s6;
	(v2sf) =	vpush v51, $0xF;
	v9 =	vsel vm10, v9, v11  }
0x196: {  	s0 =	sadd.s32 $0x80000000, s6;
	(v2sf) =	vpush v6, $0xF;
	v6 =	vadd.s32 $0xFFFFFFFF, v30;
	v7 =	vadd.s32 v7, v13  }
0x197: {  	v33 =	vmov s0;
	v6 =	vbroadcast v6, $0x0;
	v7 =	vsel vm9, v7, v9  }
0x198: {  	v11 =	vadd.s32 $0xFFFFFFFF, v33;
	v9 =	vbroadcast v32, $0x0  }
0x199: {  	v35 =	vbroadcast v11, $0x0;
	v6 =	vadd.s32 v57, v6;
	v34, _, _ =	vpop (xrf0)  }
0x19a: {  	v6 =	vsel vm11, v6, v7;
	v9 =	vadd.s32 v24, v9;
	v7, _, _ =	vpop (xrf0)  }
0x19b: {  	v6 =	vsel vm13, v9, v6;
	v36 =	vxor.u32 $0x80000000, v7;
	v7 =	vadd.s32 v7, v35  }
0x19c: {  	v6 =	vsel vm14, v7, v6  }
0x19d: {  	(xrf0) =	vmax.scan.msk.u32 $0xffff, v36;
	[tilespmem:$0x19060] =	vst v6  }
0x19e: {  	(v2sf) =	vpush v56, $0xF;
	[tilespmem:$0x19200] =	vst v6  }
0x19f: {  	(v2sf) =	vpush v22, $0xF;
	v6 =	vld [tilespmem:s13+$0x70];
	_ =	sdelay $0x1  }
0x1a0: {  	(v2sf) =	vpush v34, $0xF;
	_ =	sdelay $0x1  }
0x1a1: {  	v7, _, _ =	vpop (xrf0)  }
0x1a2: {  	s25 =	spop (v2sf);
	(v2sf) =	vpush v7, $0xF;
	vm12 =	veq.s32 v6, $0x0  }
0x1a3: {  	s31 =	spop (v2sf);
	v7 =	vsel vm12, $0x1, v0  }
0x1a4: {  	s3 =	sadd.s32 s31, s3;
	(xrf0) =	vadd.scan.msk.s32 $0xffff, v7  }
0x1a5: {  	s2 =	sadd.s32 s25, s2;
	s3 =	sadd.s32 $0x80000000, s3;
	s31 =	spop (v2sf)  }
0x1a6: {  	s2 =	sadd.s32 $0x80000000, s2;
	v37 =	vmov s3;
	s25 =	spop (v2sf)  }
0x1a7: {  	v8 =	vadd.s32 $0xFFFFFFFF, v37;
	s1 =	sadd.s32 s25, s1;
	vm10 =	veq.s32 v6, $0x1;
	v7 =	vmov s2  }
0x1a8: {  	s6 =	sadd.s32 s31, s18;
	s1 =	sadd.s32 $0x80000000, s1;
	vm9 =	veq.s32 v6, $0x2;
	v39 =	vsel vm10, $0x1, v0;
	v7 =	vadd.s32 $0xFFFFFFFF, v7  }
0x1a9: {  	s6 =	sadd.s32 $0x80000000, s6;
	v40 =	vmov s1;
	v41 =	vsel vm9, $0x1, v0;
	(xrf0) =	vadd.scan.msk.s32 $0xffff, v39;
	v7 =	vbroadcast v7, $0x0  }
0x1aa: {  	v8 =	vbroadcast v8, $0x0;
	v38 =	vmov s6;
	v11 =	vadd.s32 $0xFFFFFFFF, v40;
	(xrf0) =	vadd.scan.msk.s32 $0xffff, v41;
	v43, _, _ =	vpop (xrf0)  }
0x1ab: {  	v9 =	vadd.s32 $0xFFFFFFFF, v38;
	s31 =	spop (v2sf);
	vm11 =	veq.s32 v6, $0x3;
	v7 =	vadd.s32 v43, v7  }
0x1ac: {  	s25 =	spop (v2sf);
	v45 =	vsel vm11, $0x1, v0;
	v7 =	vnsel vm12, $0x0, v7;
	vm12 =	veq.s32 v6, $0x4  }
0x1ad: {  	v52 =	vbroadcast v11, $0x0;
	s3 =	sadd.s32 s25, s30;
	vm13 =	veq.s32 v6, $0x5;
	s2 =	sadd.s32 s31, s19;
	(xrf0) =	vadd.scan.msk.s32 $0xffff, v45;
	v46 =	vsel vm12, $0x1, v0  }
0x1ae: {  	v9 =	vbroadcast v9, $0x0;
	vm14 =	veq.s32 v6, $0x6;
	v47 =	vsel vm13, $0x1, v0;
	s31 =	sadd.s32 $0x80000000, s3;
	s30 =	sadd.s32 $0x80000000, s2;
	s2 =	spop (v2sf);
	(xrf0) =	vadd.scan.msk.s32 $0xffff, v46  }
0x1af: {  	vm15 =	veq.s32 v6, $0x7;
	v44 =	vmov s31;
	s1 =	sadd.s32 s2, s20;
	v49, _, _ =	vpop (xrf0);
	v6 =	vsel vm14, $0x1, v0;
	(xrf0) =	vadd.scan.msk.s32 $0xffff, v47  }
0x1b0: {  	v42 =	vmov s30;
	v10 =	vadd.s32 $0xFFFFFFFF, v44;
	s1 =	sadd.s32 $0x80000000, s1;
	v50, _, _ =	vpop (xrf0);
	(xrf0) =	vadd.scan.msk.s32 $0xffff, v6;
	v6 =	vsel vm15, $0x1, v0  }
0x1b1: {  	v54 =	vadd.s32 $0xFFFFFFFF, v42;
	v48 =	vmov s1;
	v8 =	vadd.s32 v49, v8;
	s3 =	spop (v2sf);
	(xrf0) =	vadd.scan.msk.s32 $0xffff, v6  }
0x1b2: {  	v56 =	vbroadcast v10, $0x0;
	v57 =	vadd.s32 $0xFFFFFFFF, v48;
	v7 =	vsel vm10, v8, v7;
	s0 =	sadd.s32 s3, s0  }
0x1b3: {  	v51 =	vadd.s32 v50, v9;
	v53, _, _ =	vpop (xrf0);
	v8 =	vbroadcast v54, $0x0;
	v10 =	vbroadcast v57, $0x0;
	s0 =	sadd.s32 $0x80000000, s0  }
0x1b4: {  	v7 =	vsel vm9, v51, v7;
	v9 =	vadd.s32 v53, v52;
	v6 =	vmov s0;
	v55, _, _ =	vpop (xrf0)  }
0x1b5: {  	v7 =	vsel vm11, v9, v7;
	v58, _, _ =	vpop (xrf0);
	v8 =	vadd.s32 v55, v8;
	v6 =	vadd.s32 $0xFFFFFFFF, v6  }
0x1b6: {  	v59, _, _ =	vpop (xrf0);
	v7 =	vsel vm12, v8, v7;
	v60 =	vadd.s32 v58, v56;
	v6 =	vbroadcast v6, $0x0  }
0x1b7: {  	v7 =	vsel vm13, v60, v7;
	v61 =	vadd.s32 v59, v10;
	v62, _, _ =	vpop (xrf0)  }
0x1b8: {  	v7 =	vsel vm14, v61, v7;
	v6 =	vadd.s32 v62, v6  }
0x1b9: {  	v6 =	vsel vm15, v6, v7  }
0x1ba: {  	[tilespmem:$0x19070] =	vst v6  }
0x1bb: {  	s6 =	simm.s32 $0x19000;
	[tilespmem:$0x19210] =	vst v6  }
0x1bc: {  	[hbm4b:s14+s4] =	stream.linear.scatter [tilespmem:s6], [sflag:$0x3], $0x80, $0x38;
	[tilespmem:$0x19480] =	vst v63  }
0x1bd: {  	_ =	swait.ge [sflag:s24], $0x80  }
0x1be: {  	[sflag:s24] =	ssyncset.done $0x0  }
0x1bf: {  	[sflag:s24] =	ssyncadd.s32 $0xFFFFFF80  }
0x1c0: {  	_ =	swait.ge [sflag:s26], $0x6000  }
0x1c1: {  	[sflag:s26] =	ssyncset.done $0x0  }
0x1c2: {  	[sflag:s26] =	ssyncadd.s32 $0xFFFFA000  }
0x1c3: {  	v6 =	vld [tilespmem:$0x19080];
	_ =	sdelay $0x4  }
0x1c4: {  	v7 =	vshrl.u32 v6, $0x3  }
0x1c5: {  	v7 =	vmul.u32 $0x30, v7  }
0x1c6: {  	v6 =	vand.u32 $0x7, v6  }
0x1c7: {  	v6 =	vor.u32 v6, v7  }
0x1c8: {  	v7 =	vperm.xlane v6, v3  }
0x1c9: {  	v63 =	vld [tilespmem:$0x1FFF0]  }
0x1ca: {  	v7 =	vadd.s32 v4, v7;
	_ =	sdelay $0x3  }
0x1cb: {  	s0 =	simm.s32 $0x1000;
	vm8 =	vnez.u8 v63;
	v6 =	vperm.xlane v6, v5  }
0x1cc: {  	[hbm4b:s5+s4] =	stream.indirect_vreg.scatter [tilespmem:s0], [sflag:$0x2], $0x80, v7, vm8, $0xb8;
	[tilespmem:$0x19480] =	vst v63  }
0x1cd: {  	s18 =	simm.s32 $0x1800;
	v6 =	vadd.s32 v4, v6  }
0x1ce: {  	[hbm4b:s15+s4] =	stream.indirect_vreg.scatter [tilespmem:s18], [sflag:$0x2], $0x80, v7, vm8, $0xb8;
	[tilespmem:$0x19480] =	vst v63  }
0x1cf: {  	s19 =	simm.s32 $0x2000  }
0x1d0: {  	[hbm4b:s16+s4] =	stream.indirect_vreg.scatter [tilespmem:s19], [sflag:$0x2], $0x80, v7, vm8, $0xb8;
	[tilespmem:$0x19480] =	vst v63  }
0x1d1: {  	s20 =	simm.s32 $0x2800  }
0x1d2: {  	[hbm4b:s5+s4] =	stream.indirect_vreg.scatter [tilespmem:s20], [sflag:$0x2], $0x80, v6, vm8, $0xb8;
	[tilespmem:$0x19480] =	vst v63  }
0x1d3: {  	s25 =	simm.s32 $0x3000  }
0x1d4: {  	[hbm4b:s15+s4] =	stream.indirect_vreg.scatter [tilespmem:s25], [sflag:$0x2], $0x80, v6, vm8, $0xb8;
	[tilespmem:$0x19480] =	vst v63  }
0x1d5: {  	s30 =	simm.s32 $0x3800  }
0x1d6: {  	[hbm4b:s16+s4] =	stream.indirect_vreg.scatter [tilespmem:s30], [sflag:$0x2], $0x80, v6, vm8, $0xb8;
	[tilespmem:$0x19480] =	vst v63  }
0x1d7: {  	v6 =	vld [tilespmem:$0x19090];
	_ =	sdelay $0x4  }
0x1d8: {  	v7 =	vshrl.u32 v6, $0x3  }
0x1d9: {  	v7 =	vmul.u32 $0x30, v7  }
0x1da: {  	v6 =	vand.u32 $0x7, v6  }
0x1db: {  	v6 =	vor.u32 v6, v7  }
0x1dc: {  	v7 =	vperm.xlane v6, v3;
	_ =	sdelay $0x1  }
0x1dd: {  	v7 =	vadd.s32 v4, v7;
	_ =	sdelay $0x3  }
0x1de: {  	s31 =	simm.s32 $0x4000;
	v6 =	vperm.xlane v6, v5  }
0x1df: {  	[hbm4b:s5+s4] =	stream.indirect_vreg.scatter [tilespmem:s31], [sflag:$0x2], $0x80, v7, vm8, $0xb8;
	[tilespmem:$0x19480] =	vst v63  }
0x1e0: {  	s2 =	simm.s32 $0x4800;
	v6 =	vadd.s32 v4, v6  }
0x1e1: {  	[hbm4b:s15+s4] =	stream.indirect_vreg.scatter [tilespmem:s2], [sflag:$0x2], $0x80, v7, vm8, $0xb8;
	[tilespmem:$0x19480] =	vst v63  }
0x1e2: {  	s3 =	simm.s32 $0x5000  }
0x1e3: {  	[hbm4b:s16+s4] =	stream.indirect_vreg.scatter [tilespmem:s3], [sflag:$0x2], $0x80, v7, vm8, $0xb8;
	[tilespmem:$0x19480] =	vst v63  }
0x1e4: {  	s6 =	simm.s32 $0x5800  }
0x1e5: {  	[hbm4b:s5+s4] =	stream.indirect_vreg.scatter [tilespmem:s6], [sflag:$0x2], $0x80, v6, vm8, $0xb8;
	[tilespmem:$0x19480] =	vst v63  }
0x1e6: {  	s18 =	simm.s32 $0x6000  }
0x1e7: {  	[hbm4b:s15+s4] =	stream.indirect_vreg.scatter [tilespmem:s18], [sflag:$0x2], $0x80, v6, vm8, $0xb8;
	[tilespmem:$0x19480] =	vst v63  }
0x1e8: {  	s19 =	simm.s32 $0x6800  }
0x1e9: {  	[hbm4b:s16+s4] =	stream.indirect_vreg.scatter [tilespmem:s19], [sflag:$0x2], $0x80, v6, vm8, $0xb8;
	[tilespmem:$0x19480] =	vst v63  }
0x1ea: {  	_ =	swait.ge [sflag:s26], $0x6000  }
0x1eb: {  	[sflag:s26] =	ssyncset.done $0x0  }
0x1ec: {  	[sflag:s26] =	ssyncadd.s32 $0xFFFFA000  }
0x1ed: {  	v6 =	vld [tilespmem:$0x19100];
	_ =	sdelay $0x4  }
0x1ee: {  	v7 =	vshrl.u32 v6, $0x3  }
0x1ef: {  	v7 =	vmul.u32 $0x30, v7  }
0x1f0: {  	v6 =	vand.u32 $0x7, v6  }
0x1f1: {  	v6 =	vor.u32 v6, v7  }
0x1f2: {  	v7 =	vperm.xlane v6, v3;
	_ =	sdelay $0x1  }
0x1f3: {  	v7 =	vadd.s32 v4, v7;
	_ =	sdelay $0x3  }
0x1f4: {  	s1 =	simm.s32 $0x7000;
	v6 =	vperm.xlane v6, v5  }
0x1f5: {  	[hbm4b:s5+s4] =	stream.indirect_vreg.scatter [tilespmem:s1], [sflag:$0x2], $0x80, v7, vm8, $0xb8;
	[tilespmem:$0x19480] =	vst v63  }
0x1f6: {  	s20 =	simm.s32 $0x7800;
	v6 =	vadd.s32 v4, v6  }
0x1f7: {  	[hbm4b:s15+s4] =	stream.indirect_vreg.scatter [tilespmem:s20], [sflag:$0x2], $0x80, v7, vm8, $0xb8;
	[tilespmem:$0x19480] =	vst v63  }
0x1f8: {  	s25 =	simm.s32 $0x8000  }
0x1f9: {  	[hbm4b:s16+s4] =	stream.indirect_vreg.scatter [tilespmem:s25], [sflag:$0x2], $0x80, v7, vm8, $0xb8;
	[tilespmem:$0x19480] =	vst v63  }
0x1fa: {  	s30 =	simm.s32 $0x8800  }
0x1fb: {  	[hbm4b:s5+s4] =	stream.indirect_vreg.scatter [tilespmem:s30], [sflag:$0x2], $0x80, v6, vm8, $0xb8;
	[tilespmem:$0x19480] =	vst v63  }
0x1fc: {  	s31 =	simm.s32 $0x9000  }
0x1fd: {  	[hbm4b:s15+s4] =	stream.indirect_vreg.scatter [tilespmem:s31], [sflag:$0x2], $0x80, v6, vm8, $0xb8;
	[tilespmem:$0x19480] =	vst v63  }
0x1fe: {  	s3 =	simm.s32 $0x9800  }
0x1ff: {  	[hbm4b:s16+s4] =	stream.indirect_vreg.scatter [tilespmem:s3], [sflag:$0x2], $0x80, v6, vm8, $0xb8;
	[tilespmem:$0x19480] =	vst v63  }
0x200: {  	v6 =	vld [tilespmem:$0x19110];
	_ =	sdelay $0x4  }
0x201: {  	v7 =	vshrl.u32 v6, $0x3  }
0x202: {  	v7 =	vmul.u32 $0x30, v7  }
0x203: {  	v6 =	vand.u32 $0x7, v6  }
0x204: {  	v6 =	vor.u32 v6, v7  }
0x205: {  	v7 =	vperm.xlane v6, v3;
	_ =	sdelay $0x1  }
0x206: {  	v7 =	vadd.s32 v4, v7;
	_ =	sdelay $0x3  }
0x207: {  	s6 =	simm.s32 $0xA000;
	v6 =	vperm.xlane v6, v5  }
0x208: {  	[hbm4b:s5+s4] =	stream.indirect_vreg.scatter [tilespmem:s6], [sflag:$0x2], $0x80, v7, vm8, $0xb8;
	[tilespmem:$0x19480] =	vst v63  }
0x209: {  	s18 =	simm.s32 $0xA800;
	v6 =	vadd.s32 v4, v6  }
0x20a: {  	[hbm4b:s15+s4] =	stream.indirect_vreg.scatter [tilespmem:s18], [sflag:$0x2], $0x80, v7, vm8, $0xb8;
	[tilespmem:$0x19480] =	vst v63  }
0x20b: {  	s19 =	simm.s32 $0xB000  }
0x20c: {  	[hbm4b:s16+s4] =	stream.indirect_vreg.scatter [tilespmem:s19], [sflag:$0x2], $0x80, v7, vm8, $0xb8;
	[tilespmem:$0x19480] =	vst v63  }
0x20d: {  	s20 =	simm.s32 $0xB800  }
0x20e: {  	[hbm4b:s5+s4] =	stream.indirect_vreg.scatter [tilespmem:s20], [sflag:$0x2], $0x80, v6, vm8, $0xb8;
	[tilespmem:$0x19480] =	vst v63  }
0x20f: {  	s25 =	simm.s32 $0xC000  }
0x210: {  	[hbm4b:s15+s4] =	stream.indirect_vreg.scatter [tilespmem:s25], [sflag:$0x2], $0x80, v6, vm8, $0xb8;
	[tilespmem:$0x19480] =	vst v63  }
0x211: {  	s30 =	simm.s32 $0xC800  }
0x212: {  	[hbm4b:s16+s4] =	stream.indirect_vreg.scatter [tilespmem:s30], [sflag:$0x2], $0x80, v6, vm8, $0xb8;
	[tilespmem:$0x19480] =	vst v63  }
0x213: {  	_ =	swait.ge [sflag:s26], $0x6000  }
0x214: {  	[sflag:s26] =	ssyncset.done $0x0  }
0x215: {  	[sflag:s26] =	ssyncadd.s32 $0xFFFFA000  }
0x216: {  	v6 =	vld [tilespmem:$0x19180];
	_ =	sdelay $0x4  }
0x217: {  	v7 =	vshrl.u32 v6, $0x3  }
0x218: {  	v7 =	vmul.u32 $0x30, v7  }
0x219: {  	v6 =	vand.u32 $0x7, v6  }
0x21a: {  	v6 =	vor.u32 v6, v7  }
0x21b: {  	v7 =	vperm.xlane v6, v3;
	_ =	sdelay $0x1  }
0x21c: {  	v7 =	vadd.s32 v4, v7;
	_ =	sdelay $0x3  }
0x21d: {  	s2 =	simm.s32 $0xD000;
	v6 =	vperm.xlane v6, v5  }
0x21e: {  	[hbm4b:s5+s4] =	stream.indirect_vreg.scatter [tilespmem:s2], [sflag:$0x2], $0x80, v7, vm8, $0xb8;
	[tilespmem:$0x19480] =	vst v63  }
0x21f: {  	s31 =	simm.s32 $0xD800;
	v6 =	vadd.s32 v4, v6  }
0x220: {  	[hbm4b:s15+s4] =	stream.indirect_vreg.scatter [tilespmem:s31], [sflag:$0x2], $0x80, v7, vm8, $0xb8;
	[tilespmem:$0x19480] =	vst v63  }
0x221: {  	s6 =	simm.s32 $0xE000  }
0x222: {  	[hbm4b:s16+s4] =	stream.indirect_vreg.scatter [tilespmem:s6], [sflag:$0x2], $0x80, v7, vm8, $0xb8;
	[tilespmem:$0x19480] =	vst v63  }
0x223: {  	s18 =	simm.s32 $0xE800  }
0x224: {  	[hbm4b:s5+s4] =	stream.indirect_vreg.scatter [tilespmem:s18], [sflag:$0x2], $0x80, v6, vm8, $0xb8;
	[tilespmem:$0x19480] =	vst v63  }
0x225: {  	s19 =	simm.s32 $0xF000  }
0x226: {  	[hbm4b:s15+s4] =	stream.indirect_vreg.scatter [tilespmem:s19], [sflag:$0x2], $0x80, v6, vm8, $0xb8;
	[tilespmem:$0x19480] =	vst v63  }
0x227: {  	s20 =	simm.s32 $0xF800  }
0x228: {  	[hbm4b:s16+s4] =	stream.indirect_vreg.scatter [tilespmem:s20], [sflag:$0x2], $0x80, v6, vm8, $0xb8;
	[tilespmem:$0x19480] =	vst v63  }
0x229: {  	v6 =	vld [tilespmem:$0x19190];
	_ =	sdelay $0x4  }
0x22a: {  	v7 =	vshrl.u32 v6, $0x3  }
0x22b: {  	v7 =	vmul.u32 $0x30, v7  }
0x22c: {  	v6 =	vand.u32 $0x7, v6  }
0x22d: {  	v6 =	vor.u32 v6, v7  }
0x22e: {  	v7 =	vperm.xlane v6, v3;
	_ =	sdelay $0x1  }
0x22f: {  	v7 =	vadd.s32 v4, v7;
	_ =	sdelay $0x3  }
0x230: {  	s25 =	simm.s32 $0x10000;
	v6 =	vperm.xlane v6, v5  }
0x231: {  	[hbm4b:s5+s4] =	stream.indirect_vreg.scatter [tilespmem:s25], [sflag:$0x2], $0x80, v7, vm8, $0xb8;
	[tilespmem:$0x19480] =	vst v63  }
0x232: {  	s30 =	simm.s32 $0x10800;
	v6 =	vadd.s32 v4, v6  }
0x233: {  	[hbm4b:s15+s4] =	stream.indirect_vreg.scatter [tilespmem:s30], [sflag:$0x2], $0x80, v7, vm8, $0xb8;
	[tilespmem:$0x19480] =	vst v63  }
0x234: {  	s31 =	simm.s32 $0x11000  }
0x235: {  	[hbm4b:s16+s4] =	stream.indirect_vreg.scatter [tilespmem:s31], [sflag:$0x2], $0x80, v7, vm8, $0xb8;
	[tilespmem:$0x19480] =	vst v63  }
0x236: {  	s6 =	simm.s32 $0x11800  }
0x237: {  	[hbm4b:s5+s4] =	stream.indirect_vreg.scatter [tilespmem:s6], [sflag:$0x2], $0x80, v6, vm8, $0xb8;
	[tilespmem:$0x19480] =	vst v63  }
0x238: {  	s18 =	simm.s32 $0x12000  }
0x239: {  	[hbm4b:s15+s4] =	stream.indirect_vreg.scatter [tilespmem:s18], [sflag:$0x2], $0x80, v6, vm8, $0xb8;
	[tilespmem:$0x19480] =	vst v63  }
0x23a: {  	s19 =	simm.s32 $0x12800  }
0x23b: {  	[hbm4b:s16+s4] =	stream.indirect_vreg.scatter [tilespmem:s19], [sflag:$0x2], $0x80, v6, vm8, $0xb8;
	[tilespmem:$0x19480] =	vst v63  }
0x23c: {  	_ =	swait.ge [sflag:s26], $0x6000  }
0x23d: {  	[sflag:s26] =	ssyncset.done $0x0  }
0x23e: {  	[sflag:s26] =	ssyncadd.s32 $0xFFFFA000  }
0x23f: {  	v6 =	vld [tilespmem:$0x19200];
	_ =	sdelay $0x4  }
0x240: {  	v7 =	vshrl.u32 v6, $0x3  }
0x241: {  	v7 =	vmul.u32 $0x30, v7  }
0x242: {  	v6 =	vand.u32 $0x7, v6  }
0x243: {  	v6 =	vor.u32 v6, v7  }
0x244: {  	v7 =	vperm.xlane v6, v3;
	_ =	sdelay $0x1  }
0x245: {  	v7 =	vadd.s32 v4, v7;
	_ =	sdelay $0x3  }
0x246: {  	v6 =	vperm.xlane v6, v5  }
0x247: {  	[hbm4b:s5+s4] =	stream.indirect_vreg.scatter [tilespmem:s21], [sflag:$0x2], $0x80, v7, vm8, $0xb8;
	[tilespmem:$0x19480] =	vst v63  }
0x248: {  	s20 =	simm.s32 $0x13800;
	v6 =	vadd.s32 v4, v6  }
0x249: {  	[hbm4b:s15+s4] =	stream.indirect_vreg.scatter [tilespmem:s20], [sflag:$0x2], $0x80, v7, vm8, $0xb8;
	[tilespmem:$0x19480] =	vst v63  }
0x24a: {  	s25 =	simm.s32 $0x14000  }
0x24b: {  	[hbm4b:s16+s4] =	stream.indirect_vreg.scatter [tilespmem:s25], [sflag:$0x2], $0x80, v7, vm8, $0xb8;
	[tilespmem:$0x19480] =	vst v63  }
0x24c: {  	s30 =	simm.s32 $0x14800  }
0x24d: {  	[hbm4b:s5+s4] =	stream.indirect_vreg.scatter [tilespmem:s30], [sflag:$0x2], $0x80, v6, vm8, $0xb8;
	[tilespmem:$0x19480] =	vst v63  }
0x24e: {  	s31 =	simm.s32 $0x15000  }
0x24f: {  	[hbm4b:s15+s4] =	stream.indirect_vreg.scatter [tilespmem:s31], [sflag:$0x2], $0x80, v6, vm8, $0xb8;
	[tilespmem:$0x19480] =	vst v63  }
0x250: {  	s6 =	simm.s32 $0x15800  }
0x251: {  	[hbm4b:s16+s4] =	stream.indirect_vreg.scatter [tilespmem:s6], [sflag:$0x2], $0x80, v6, vm8, $0xb8;
	[tilespmem:$0x19480] =	vst v63  }
0x252: {  	v6 =	vld [tilespmem:$0x19210];
	_ =	sdelay $0x4  }
0x253: {  	v7 =	vshrl.u32 v6, $0x3  }
0x254: {  	v7 =	vmul.u32 $0x30, v7  }
0x255: {  	v6 =	vand.u32 $0x7, v6  }
0x256: {  	v6 =	vor.u32 v6, v7  }
0x257: {  	v7 =	vperm.xlane v6, v3;
	_ =	sdelay $0x1  }
0x258: {  	v7 =	vadd.s32 v4, v7;
	_ =	sdelay $0x3  }
0x259: {  	s18 =	simm.s32 $0x16000;
	v6 =	vperm.xlane v6, v5  }
0x25a: {  	[hbm4b:s5+s4] =	stream.indirect_vreg.scatter [tilespmem:s18], [sflag:$0x2], $0x80, v7, vm8, $0xb8;
	[tilespmem:$0x19480] =	vst v63  }
0x25b: {  	s19 =	simm.s32 $0x16800;
	v6 =	vadd.s32 v4, v6  }
0x25c: {  	[hbm4b:s15+s4] =	stream.indirect_vreg.scatter [tilespmem:s19], [sflag:$0x2], $0x80, v7, vm8, $0xb8;
	[tilespmem:$0x19480] =	vst v63  }
0x25d: {  	s20 =	simm.s32 $0x17000  }
0x25e: {  	[hbm4b:s16+s4] =	stream.indirect_vreg.scatter [tilespmem:s20], [sflag:$0x2], $0x80, v7, vm8, $0xb8;
	[tilespmem:$0x19480] =	vst v63  }
0x25f: {  	s25 =	simm.s32 $0x17800  }
0x260: {  	[hbm4b:s5+s4] =	stream.indirect_vreg.scatter [tilespmem:s25], [sflag:$0x2], $0x80, v6, vm8, $0xb8;
	[tilespmem:$0x19480] =	vst v63  }
0x261: {  	s30 =	simm.s32 $0x18000  }
0x262: {  	[hbm4b:s15+s4] =	stream.indirect_vreg.scatter [tilespmem:s30], [sflag:$0x2], $0x80, v6, vm8, $0xb8;
	[tilespmem:$0x19480] =	vst v63  }
0x263: {  	s31 =	simm.s32 $0x18800  }
0x264: {  	[hbm4b:s16+s4] =	stream.indirect_vreg.scatter [tilespmem:s31], [sflag:$0x2], $0x80, v6, vm8, $0xb8;
	[tilespmem:$0x19480] =	vst v63  }
0x265: {  	_ =	swait.ge [sflag:s28], $0x6000  }
0x266: {  	[sflag:s28] =	ssyncset.done $0x0  }
0x267: {  	[sflag:s28] =	ssyncadd.s32 $0xFFFFA000  }
0x268: {  	_ =	swait.ge [sflag:s28], $0x6000  }
0x269: {  	[sflag:s28] =	ssyncset.done $0x0  }
0x26a: {  	s29 =	sadd.s32 $0x1, s29;
	[sflag:s28] =	ssyncadd.s32 $0xFFFFA000  }
0x26b: {  	p1 =	sne.s32 s29, s17;
	_ =	swait.ge [sflag:s28], $0x6000  }
.Ltmp1:
0x26c: {  	[sflag:s28] =	ssyncset.done $0x0;
	(pc) =	sbr.rel @!p1 .LBB2_6-.Ltmp1, $4  }
0x26d: {  	[sflag:s28] =	ssyncadd.s32 $0xFFFFA000  }
0x26e: {  	_ =	swait.ge [sflag:s28], $0x6000  }
0x26f: {  	[sflag:s28] =	ssyncset.done $0x0  }
0x270: {  	[sflag:s28] =	ssyncadd.s32 $0xFFFFA000  }
.LBB2_1:
0x271: {  	[tilespmem:s0], [sflag:$0x1] =	stream.linear.gather [hbm4b:s7+s4], $0x6000, $0x38;
	[tilespmem:$0x19480] =	vst v63  }
0x272: {  	_ = 	snop  }
0x273: {  	[tilespmem:s1], [sflag:$0x1] =	stream.linear.gather [hbm4b:s8+s4], $0x6000, $0x38;
	[tilespmem:$0x19480] =	vst v63  }
0x274: {  	_ = 	snop  }
0x275: {  	[tilespmem:s2], [sflag:$0x1] =	stream.linear.gather [hbm4b:s9+s4], $0x6000, $0x38;
	[tilespmem:$0x19480] =	vst v63  }
0x276: {  	_ = 	snop  }
0x277: {  	[tilespmem:s21], [sflag:$0x1] =	stream.linear.gather [hbm4b:s10+s4], $0x6000, $0x38;
	[tilespmem:$0x19480] =	vst v63  }
0x278: {  	s25 =	rddreg [dreg:$0x0]  }
0x279: {  	[tilespmem:s4], [sflag:$0x3] =	stream.strided.gather [hbm4b:s25+s22], $0x800, s23, s22, $0x38;
	[tilespmem:$0x19480] =	vst v63  }
0x27a: {  	_ =	swait.ge [sflag:s24], $0x800  }
0x27b: {  	[sflag:s24] =	ssyncset.done $0x0  }
0x27c: {  	s30 =	simm.s32 $0x800;
	[sflag:s24] =	ssyncadd.s32 $0xFFFFF800  }
0x27d: {  	[tilespmem:s30], [sflag:$0x3] =	stream.strided.gather [hbm4b:s11+s22], $0x800, s23, s22, $0x38;
	[tilespmem:$0x19480] =	vst v63  }
0x27e: {  	_ =	swait.ge [sflag:s24], $0x800  }
0x27f: {  	[sflag:s24] =	ssyncset.done $0x0  }
0x280: {  	[sflag:s24] =	ssyncadd.s32 $0xFFFFF800  }
0x281: {  	s31 =	simm.s32 $0x10;
	v6 =	vld [tilespmem:s4+$0x0]  }
0x282: {  	v14 =	vld [tilespmem:s31+$0x0];
	_ =	sdelay $0x1  }
0x283: {  	s0 =	simm.s32 $0x20  }
0x284: {  	v18 =	vld [tilespmem:s0+$0x0]  }
0x285: {  	vm9 =	veq.s32 v6, $0x0;
	vm10 =	veq.s32 v6, $0x6;
	vm11 =	veq.s32 v6, $0x4  }
0x286: {  	vm12 =	veq.s32 v14, $0x5;
	vm13 =	veq.s32 v14, $0x4;
	v7 =	vmpcnt.ones.xlane vm9  }
0x287: {  	vm9 =	veq.s32 v6, $0x1;
	v12 =	vmpcnt.ones.xlane vm11;
	vm11 =	veq.s32 v14, $0x7  }
0x288: {  	v16 =	vmpcnt.ones.xlane vm12;
	v8 =	vmpcnt.ones.xlane vm9;
	vm9 =	veq.s32 v6, $0x2  }
0x289: {  	v19 =	vmpcnt.ones.xlane vm11;
	vm11 =	veq.s32 v18, $0x5;
	v7 =	vnsel vm0, $0x0, v7  }
0x28a: {  	v9 =	vmpcnt.ones.xlane vm9;
	vm9 =	veq.s32 v6, $0x3;
	v12 =	vsel vm4, $0x0, v12  }
0x28b: {  	v16 =	vsel vm5, $0x0, v16;
	v10 =	vadd.s32 v0, v7;
	v8 =	vsel vm1, $0x0, v8  }
0x28c: {  	v11 =	vmpcnt.ones.xlane vm9;
	vm9 =	veq.s32 v6, $0x5;
	v10 =	vadd.s32 v8, v10  }
0x28d: {  	v9 =	vsel vm2, $0x0, v9;
	v13 =	vmpcnt.ones.xlane vm9;
	vm9 =	veq.s32 v6, $0x7  }
0x28e: {  	v6 =	vmpcnt.ones.xlane vm10;
	v10 =	vadd.s32 v9, v10;
	v11 =	vsel vm3, $0x0, v11  }
0x28f: {  	v7 =	vadd.s32 v7, v8;
	vm10 =	veq.s32 v14, $0x6;
	v10 =	vadd.s32 v11, v10  }
0x290: {  	v15 =	vmpcnt.ones.xlane vm9;
	v13 =	vsel vm5, $0x0, v13;
	v10 =	vadd.s32 v12, v10  }
0x291: {  	vm9 =	veq.s32 v14, $0x0;
	v8 =	vadd.s32 v13, v10;
	v10 =	vsel vm6, $0x0, v6  }
0x292: {  	v17 =	vmpcnt.ones.xlane vm10;
	v6 =	vadd.s32 v9, v7;
	v7 =	vadd.s32 v10, v8  }
0x293: {  	v8 =	vsel vm7, $0x0, v15;
	v6 =	vadd.s32 v11, v6;
	v15 =	vmpcnt.ones.xlane vm13  }
0x294: {  	v9 =	vadd.s32 v12, v6;
	v6 =	vmpcnt.ones.xlane vm9;
	vm9 =	veq.s32 v14, $0x1  }
0x295: {  	vm10 =	veq.s32 v18, $0x6;
	v7 =	vadd.s32 v8, v7;
	v11 =	vmpcnt.ones.xlane vm9  }
0x296: {  	vm9 =	veq.s32 v14, $0x2;
	v15 =	vsel vm4, $0x0, v15;
	v9 =	vadd.s32 v13, v9  }
0x297: {  	v6 =	vnsel vm0, $0x0, v6;
	v12 =	vmpcnt.ones.xlane vm9;
	vm9 =	veq.s32 v14, $0x3  }
0x298: {  	v9 =	vadd.s32 v10, v9;
	v7 =	vadd.s32 v7, v6;
	v11 =	vsel vm1, $0x0, v11  }
0x299: {  	v14 =	vmpcnt.ones.xlane vm9;
	v8 =	vadd.s32 v8, v9;
	vm9 =	veq.s32 v18, $0x0  }
0x29a: {  	v7 =	vadd.s32 v11, v7;
	v12 =	vsel vm2, $0x0, v12;
	v11 =	vadd.s32 v6, v11  }
0x29b: {  	p1 =	sgt.u32 s12, $0x0;
	s1 =	simm.s32 $0x1;
	v7 =	vadd.s32 v12, v7;
	v14 =	vsel vm3, $0x0, v14;
	v11 =	vadd.s32 v12, v11  }
0x29c: {  	s1 =	simm.s32 @!p1 $0x0;
	v6 =	vsel vm6, $0x0, v17;
	v7 =	vadd.s32 v14, v7;
	v11 =	vadd.s32 v14, v11  }
0x29d: {  	v8 =	vmul.u32 s1, v8;
	v7 =	vadd.s32 v15, v7;
	v11 =	vadd.s32 v15, v11  }
0x29e: {  	v17 =	vmpcnt.ones.xlane vm10;
	v7 =	vadd.s32 v16, v7;
	v9 =	vadd.s32 v16, v11  }
0x29f: {  	v11 =	vmpcnt.ones.xlane vm9;
	vm9 =	veq.s32 v18, $0x1;
	v16 =	vmpcnt.ones.xlane vm11  }
0x2a0: {  	v13 =	vadd.s32 v6, v7;
	v7 =	vsel vm7, $0x0, v19;
	v12 =	vmpcnt.ones.xlane vm9  }
0x2a1: {  	vm9 =	veq.s32 v18, $0x2;
	v10 =	vadd.s32 v7, v13;
	v11 =	vnsel vm0, $0x0, v11  }
0x2a2: {  	v13 =	vmpcnt.ones.xlane vm9;
	vm9 =	veq.s32 v18, $0x3;
	v10 =	vadd.s32 v10, v11  }
0x2a3: {  	v12 =	vsel vm1, $0x0, v12;
	v14 =	vmpcnt.ones.xlane vm9;
	vm9 =	veq.s32 v18, $0x4  }
0x2a4: {  	v10 =	vadd.s32 v12, v10;
	v13 =	vsel vm2, $0x0, v13;
	v15 =	vmpcnt.ones.xlane vm9  }
0x2a5: {  	s6 =	simm.s32 $0x2;
	vm9 =	veq.s32 v18, $0x7;
	v10 =	vadd.s32 v13, v10;
	v14 =	vsel vm3, $0x0, v14  }
0x2a6: {  	s2 =	simm.s32 $0x4;
	s25 =	simm.s32 $0x3;
	s1 =	simm.s32 $0x1;
	v18 =	vadd.s32 v14, v10;
	v15 =	vsel vm4, $0x0, v15;
	v10 =	vimm.s32 $0x0  }
.LBB2_2:
0x2a7: {  	p1 =	sne.s32 s2, $0xFF;
	v18 =	vadd.s32 v15, v18;
	v16 =	vsel vm5, $0x0, v16;
	v19 =	vmpcnt.ones.xlane vm9;
	s0 =	sadd.s32 $0x10, s0  }
0x2a8: {  	v11 =	vadd.s32 v11, v12;
	v20 =	vld [tilespmem:s0+$0x0];
	v18 =	vadd.s32 v16, v18;
	v17 =	vsel vm6, $0x0, v17  }
0x2a9: {  	p2 =	slt.u32 s1, s12;
	v11 =	vadd.s32 v13, v11;
	v12 =	vadd.s32 v17, v18;
	v18 =	vsel vm7, $0x0, v19  }
0x2aa: {  	v9 =	vadd.s32 v6, v9;
	s1 =	smov.u32 s6;
	s6 =	smov.u32 s25;
	s3 =	simm.s32 $0x1;
	v11 =	vadd.s32 v14, v11;
	v6 =	vmovc v17;
	v12 =	vadd.s32 v18, v12  }
0x2ab: {  	v10 =	vadd.s32 v10, v8;
	s25 =	smov.u32 s2;
	s3 =	simm.s32 @!p2 $0x0;
	v13 =	vadd.s32 v7, v9;
	v11 =	vadd.s32 v15, v11;
	v7 =	vmovc v18  }
0x2ac: {  	v8 =	vmul.u32 s3, v13;
	v9 =	vadd.s32 v16, v11  }
0x2ad: {  	vm10 =	veq.s32 v20, $0x0;
	vm11 =	veq.s32 v20, $0x6;
	vm9 =	veq.s32 v20, $0x7  }
0x2ae: {  	vm12 =	veq.s32 v20, $0x5;
	v11 =	vmpcnt.ones.xlane vm10;
	vm10 =	veq.s32 v20, $0x1  }
0x2af: {  	vm13 =	veq.s32 v20, $0x4;
	v13 =	vmpcnt.ones.xlane vm10;
	vm10 =	veq.s32 v20, $0x2  }
.Ltmp2:
0x2b0: {  	v11 =	vnsel vm0, $0x0, v11;
	v14 =	vmpcnt.ones.xlane vm10;
	vm10 =	veq.s32 v20, $0x3;
	(pc) =	sbr.rel @p1 .LBB2_2-.Ltmp2, $4  }
0x2b1: {  	v15 =	vadd.s32 v12, v11;
	v12 =	vsel vm1, $0x0, v13;
	v16 =	vmpcnt.ones.xlane vm10  }
0x2b2: {  	v17 =	vmpcnt.ones.xlane vm13;
	v15 =	vadd.s32 v12, v15;
	v13 =	vsel vm2, $0x0, v14  }
0x2b3: {  	v15 =	vadd.s32 v13, v15;
	v14 =	vsel vm3, $0x0, v16;
	v16 =	vmpcnt.ones.xlane vm12  }
0x2b4: {  	s2 =	sadd.s32 $0x1, s2;
	v18 =	vadd.s32 v14, v15;
	v15 =	vsel vm4, $0x0, v17;
	v17 =	vmpcnt.ones.xlane vm11  }
0x2b5: {  	s0 =	sadd.s32 $0x10, s0  }
0x2b6: {  	v19 =	vld [tilespmem:s0+$0x0]  }
0x2b7: {  	v18 =	vadd.s32 v15, v18;
	v16 =	vsel vm5, $0x0, v16;
	v20 =	vmpcnt.ones.xlane vm9  }
0x2b8: {  	v18 =	vadd.s32 v16, v18;
	v17 =	vsel vm6, $0x0, v17  }
0x2b9: {  	v18 =	vadd.s32 v17, v18;
	v20 =	vsel vm7, $0x0, v20  }
0x2ba: {  	v18 =	vadd.s32 v20, v18  }
0x2bb: {  	vm14 =	veq.s32 v19, $0x0;
	vm10 =	veq.s32 v19, $0x6;
	vm11 =	veq.s32 v19, $0x7  }
0x2bc: {  	vm9 =	veq.s32 v19, $0x1;
	vm12 =	veq.s32 v19, $0x5;
	v21 =	vmpcnt.ones.xlane vm14  }
0x2bd: {  	vm13 =	veq.s32 v19, $0x4;
	v22 =	vmpcnt.ones.xlane vm9;
	vm9 =	veq.s32 v19, $0x2  }
0x2be: {  	vm15 =	veq.s32 v19, $0x3;
	v23 =	vmpcnt.ones.xlane vm9;
	v21 =	vnsel vm0, $0x0, v21  }
0x2bf: {  	v56 =	vmpcnt.ones.xlane vm15;
	v55 =	vsel vm1, $0x0, v22;
	v18 =	vadd.s32 v18, v21  }
0x2c0: {  	v24 =	vmpcnt.ones.xlane vm13;
	v23 =	vsel vm2, $0x0, v23;
	v18 =	vadd.s32 v55, v18  }
0x2c1: {  	v25 =	vmpcnt.ones.xlane vm12;
	v22 =	vsel vm3, $0x0, v56;
	v18 =	vadd.s32 v23, v18  }
0x2c2: {  	v26 =	vmpcnt.ones.xlane vm10;
	v24 =	vsel vm4, $0x0, v24;
	v18 =	vadd.s32 v22, v18  }
0x2c3: {  	v27 =	vmpcnt.ones.xlane vm11;
	v25 =	vsel vm5, $0x0, v25;
	v18 =	vadd.s32 v24, v18  }
0x2c4: {  	v26 =	vsel vm6, $0x0, v26;
	v18 =	vadd.s32 v25, v18  }
0x2c5: {  	v27 =	vsel vm7, $0x0, v27;
	v18 =	vadd.s32 v26, v18  }
0x2c6: {  	v18 =	vadd.s32 v27, v18  }
0x2c7: {  	v11 =	vadd.s32 v11, v12;
	v18 =	vadd.s32 $0xFF, v18  }
0x2c8: {  	v6 =	vadd.s32 v6, v9;
	v28 =	vshra.s32 v18, $0x1F;
	v29 =	vand.u32 $0xFF, v18  }
0x2c9: {  	vm13 =	vlt.s32 v18, $0x1;
	vm12 =	vne.s32 v29, $0x0;
	v28 =	vshrl.u32 v28, $0x18  }
0x2ca: {  	v11 =	vadd.s32 v13, v11;
	v18 =	vadd.s32 v28, v18;
	vm9 =	vmand vm13, vm12  }
0x2cb: {  	v11 =	vadd.s32 v14, v11;
	v57 =	vshrl.u32 v18, $0x8;
	v58 =	vsel vm9, $0xFFFFFFFF, v0  }
0x2cc: {  	v11 =	vadd.s32 v15, v11;
	v59 =	vadd.s32 v21, v55;
	v12 =	vadd.s32 v58, v57  }
0x2cd: {  	p1 =	slt.u32 s1, s12;
	s0 =	simm.s32 $0x1;
	v60 =	vadd.s32 v16, v11;
	v13 =	vadd.s32 v23, v59;
	v12 =	vshll.u32 v12, $0x8  }
0x2ce: {  	s1 =	simm.s32 $0x1;
	v6 =	vadd.s32 v7, v6;
	s0 =	simm.s32 @!p1 $0x0;
	p1 =	slt.u32 s6, s12;
	v7 =	vadd.s32 v17, v60;
	v13 =	vadd.s32 v22, v13;
	(xrf0) =	vadd.scan.msk.s32 $0xffff, v12  }
0x2cf: {  	s1 =	simm.s32 @!p1 $0x0;
	v7 =	vadd.s32 v20, v7;
	v61 =	vadd.s32 v24, v13  }
0x2d0: {  	v7 =	vmul.u32 s1, v7;
	v62 =	vadd.s32 v25, v61  }
0x2d1: {  	v6 =	vmul.u32 s0, v6;
	p1 =	slt.u32 s25, s12;
	s0 =	simm.s32 $0x1;
	v9 =	vadd.s32 v26, v62  }
0x2d2: {  	v8 =	vadd.s32 v10, v8;
	s0 =	simm.s32 @!p1 $0x0;
	v9 =	vadd.s32 v27, v9  }
0x2d3: {  	v6 =	vadd.s32 v8, v6;
	v8 =	vmul.u32 s0, v9  }
0x2d4: {  	v6 =	vadd.s32 v6, v7;
	v7, _, _ =	vpop (xrf0)  }
0x2d5: {  	v6 =	vadd.s32 v6, v8;
	v8 =	vshra.s32 v7, $0x1F;
	v63 =	vand.u32 $0xFF, v7  }
.Ltmp3:
0x2d6: {  	vm14 =	vlt.s32 v7, $0x1;
	v8 =	vshrl.u32 v8, $0x18;
	vm15 =	vne.s32 v63, $0x0;
	(pc) =	sbr.rel @p0 .LBB2_5-.Ltmp3, $4  }
0x2d7: {  	v6 =	vsub.s32 v6, v12;
	v8 =	vadd.s32 v8, v7;
	vm9 =	vmand vm14, vm15  }
0x2d8: {  	v6 =	vadd.s32 v7, v6;
	v7 =	vshra.s32 v8, $0x8;
	v8 =	vsel vm9, $0xFFFFFFFF, v0  }
0x2d9: {  	[tilespmem:$0x19280] =	vst v6;
	v6 =	vadd.s32 v8, v7  }
0x2da: {  	[tilespmem:$0x19300] =	vst v6  }
0x2db: {  	v7 =	vbroadcast v6, $0x0;
	v8 =	vbroadcast v6, $0x1  }
0x2dc: {  	v9 =	vbroadcast v6, $0x2;
	v12 =	vbroadcast v6, $0x3  }
0x2dd: {  	v54 =	vbroadcast v6, $0x4;
	v14 =	vbroadcast v6, $0x5  }
0x2de: {  	v16 =	vbroadcast v6, $0x6;
	v6 =	vbroadcast v6, $0x7;
	vm9 =	vlt.s32 v7, v1  }
0x2df: {  	vm10 =	vlt.s32 v8, v1;
	vm14 =	vlt.s32 v9, v1;
	vm15 =	vlt.s32 v12, v1  }
0x2e0: {  	vm12 =	vlt.s32 v54, v1;
	vm13 =	vlt.s32 v14, v1;
	v10 =	vsel vm9, $0x1, v0  }
0x2e1: {  	v11 =	vsel vm10, $0x1, v0;
	v13 =	vsel vm14, $0x1, v0;
	v15 =	vsel vm15, $0x1, v0  }
0x2e2: {  	v17 =	vsel vm12, $0x1, v0;
	v55 =	vsel vm13, $0x1, v0;
	vm14 =	vlt.s32 v16, v1  }
0x2e3: {  	vm15 =	vlt.s32 v6, v1;
	vm12 =	vlt.s32 v7, v2;
	vm13 =	vlt.s32 v8, v2  }
0x2e4: {  	v10 =	vadd.s32 v11, v10;
	v56 =	vsel vm14, $0x1, v0;
	v57 =	vsel vm15, $0x1, v0  }
0x2e5: {  	v58 =	vsel vm12, $0x1, v0;
	v8 =	vsel vm13, $0x1, v0;
	vm14 =	vlt.s32 v9, v2  }
0x2e6: {  	vm15 =	vlt.s32 v12, v2;
	vm12 =	vlt.s32 v54, v2;
	vm13 =	vlt.s32 v14, v2  }
0x2e7: {  	v10 =	vadd.s32 v13, v10;
	v8 =	vadd.s32 v8, v58;
	v9 =	vsel vm14, $0x1, v0  }
0x2e8: {  	v59 =	vsel vm15, $0x1, v0;
	v60 =	vsel vm12, $0x1, v0;
	v61 =	vsel vm13, $0x1, v0  }
0x2e9: {  	vm14 =	vlt.s32 v16, v2;
	v10 =	vadd.s32 v15, v10;
	v8 =	vadd.s32 v9, v8  }
0x2ea: {  	vm15 =	vlt.s32 v6, v2;
	v10 =	vadd.s32 v17, v10;
	v8 =	vadd.s32 v59, v8  }
0x2eb: {  	v6 =	vnsel vm0, $0x0, v6;
	v7 =	vadd.s32 v55, v10;
	v8 =	vadd.s32 v60, v8  }
0x2ec: {  	v62 =	vsel vm14, $0x1, v0;
	v7 =	vadd.s32 v56, v7;
	v8 =	vadd.s32 v61, v8  }
0x2ed: {  	v63 =	vsel vm15, $0x1, v0;
	v7 =	vadd.s32 v57, v7;
	v8 =	vadd.s32 v62, v8  }
0x2ee: {  	[tilespmem:$0x19400] =	vst v6;
	v7 =	vmin.u32 v7, $0x7;
	v8 =	vadd.s32 v63, v8  }
0x2ef: {  	[tilespmem:$0x19380] =	vst v7;
	v7 =	vmin.u32 v8, $0x7  }
0x2f0: {  	s0 =	rddreg [dreg:$0x3];
	s1 =	simm.s32 $0x19380;
	[tilespmem:$0x19390] =	vst v7  }
0x2f1: {  	[hbm4b:s0+s4] =	stream.linear.scatter [tilespmem:s1], [sflag:$0x3], $0x80, $0x38;
	[tilespmem:$0x19480] =	vst v63  }
0x2f2: {  	_ =	swait.ge [sflag:s24], $0x80  }
0x2f3: {  	s31 =	simm.s32 $0x19400;
	[sflag:s24] =	ssyncset.done $0x0  }
.Ltmp4:
0x2f4: {  	s30 =	rddreg [dreg:$0x5];
	[sflag:s24] =	ssyncadd.s32 $0xFFFFFF80;
	(pc) =	sbr.rel .LBB2_5-.Ltmp4, $4  }
0x2f5: {  	[hbm4b:s30+s4] =	stream.linear.scatter [tilespmem:s31], [sflag:$0x3], $0x80, $0x38;
	[tilespmem:$0x19480] =	vst v63  }
0x2f6: {  	_ =	swait.ge [sflag:s24], $0x80  }
0x2f7: {  	[sflag:s24] =	ssyncset.done $0x0  }
0x2f8: {  	[sflag:s24] =	ssyncadd.s32 $0xFFFFFF80  }
.LBB2_6:
0x2f9: {  	_ =	sfence.sel $0x180000  }
0x2fa: {  	[bflag:$0x0] =	sbarrier.arrive $0xFFFF  }
0x2fb: {  	_ =	strace $0x90000047  }
0x2fc: {  	s0 =	stileid.u32;
	[bflag:$0x2] =	sbarrier.arrive $0xFFFF  }
0x2fd: {  	p0 =	sne.s32 s0, $0x0;
	s0 =	rddreg [dreg:$0x4]  }
0x2fe: {  	s0 =	sadd.s32 @!p0 $0x100000, s0  }
0x2ff: {  	[sflag:s0] =	ssyncadd.tile.s32 @!p0 $0x1;
	_ =	shalt  }
.Lfunc_end2:
_tile_overlayer_lowered:
.L_overlay_start_2:
0x300: {  	(tag) =	ssettag $0x2  }
0x301: {  	s0 =	rddreg [dreg:$0x0];
	s2 =	stileid.u32  }
0x302: {  	s1 =	rddreg [dreg:$0x1];
	p0 =	sne.s32 s2, $0x0  }
0x303: {  	s3 =	rddreg [dreg:$0x2];
	[bflag:$0x3] =	sbarrier.arrive $0xFFFF;
	s2 =	simm.s32 @!p0 $0x1C03  }
0x304: {  	[timem:s3], [sflag:s2] =	dma.local @!p0 [hbm:s0], s1  }
0x305: {  	s0 =	simm.s32 @!p0 $0x3  }
0x306: {  	_ =	swait.ge @!p0 [sflag:s0], s1  }
0x307: {  	s1 =	ssub.s32 @!p0 $0x0, s1;
	[sflag:s0] =	ssyncset.done @!p0 $0x0  }
0x308: {  	[sflag:s0] =	ssyncadd.s32 @!p0 s1  }
0x309: {  	[bflag:$0x3] =	sbarrier.arrive $0xFFFF  }
0x30a: {  	_ =	shalt  }

// kernel: kernel.8.cloned.1.call-start
scs
__scs_entry_jumppad:
0x0: {  	(pc) =	sbr.rel $0x88, $3  }
0x1: {  	(tag) =	ssettag $0x0;
	lr =	simm.s32 $0x1  }
0x2: {  	[smem:$0x3F9B] =	sst lr;
	_ =	strace $0xD0000000  }
0x3: {  	_ = 	snop  }
0x4: {  	_ = 	snop  }
0x5: {  	_ = 	snop  }
0x6: {  	_ = 	snop  }
0x7: {  	_ = 	snop  }
__scs_overlays_trampoline_lowered:
0x8: {  	[smem:$0x3FAA] =	sst s0  }
0x9: {  	[smem:$0x3FAB] =	sst s1  }
0xa: {  	[smem:$0x3FAC] =	sst s2  }
0xb: {  	[smem:$0x3FAD] =	sst s3  }
0xc: {  	[smem:$0x3FAE] =	sst s4  }
0xd: {  	[smem:$0x3FAF] =	sst s5  }
0xe: {  	[smem:$0x3FB0] =	sst s6  }
0xf: {  	[smem:$0x3FB1] =	sst s7  }
0x10: {  	[smem:$0x3FB2] =	sst s8  }
0x11: {  	[smem:$0x3FB3] =	sst s9;
	s0 =	simm.s32 @!p0 $0x0  }
0x12: {  	s1 =	sld [smem:$0x3F99];
	s0 =	simm.s32 @p0 $0x1  }
0x13: {  	[smem:$0x3FB4] =	sst s0;
	s0 =	simm.s32 @!p1 $0x0  }
0x14: {  	s2 =	sld [smem:$0x3F98];
	s0 =	simm.s32 @p1 $0x1  }
0x15: {  	[smem:$0x3FB5] =	sst s0;
	s0 =	simm.s32 @!p2 $0x0  }
0x16: {  	s3 =	sld [smem:$0x3FDB];
	s0 =	simm.s32 @p2 $0x1  }
0x17: {  	s4 =	simm.s32 $0x1BF5;
	[smem:$0x3FB7] =	sst s0  }
0x18: {  	s0 =	sld [smem:$0x3F9A];
	_ =	swait.ge [sflag:s4], $0x0  }
0x19: {  	s7 =	sld [smem:$0x3F9B]  }
0x1a: {  	s8 =	sadd.s32 $0xFFFFE003, lr  }
0x1b: {  	s9 =	sadd.s32 $0xFFFFFEF7, lr;
	s5 =	simm.s32 $0xFFFFFFFF;
	p2 =	slt.u32 s8, $0xFFFFF086  }
0x1c: {  	p1 =	slt.u32 s9, $0xF7A;
	s5 =	simm.s32 @!p2 $0x0  }
0x1d: {  	s5 =	simm.s32 @p1 $0x1;
	p0 =	seq.s32 s7, s2  }
0x1e: {  	s7 =	smul.u32 @!p0 $0xF7A, s2;
	p2 =	seq.s32 @!p0 s5, $0x0  }
0x1f: {  	s9 =	smul.u32 $0xF7A, s1;
	s8 =	simm.s32 @!p0 $0x1BF5;
	p2 =	por !p2, p0  }
0x20: {  	[sflag:s8] =	ssyncset.s32 @!p0 $0xFFFFF086;
	s6 =	sadd.s32 @!p0 s3, s7;
	s7 =	simm.s32 @!p0 $0x108  }
0x21: {  	s3 =	sadd.s32 s3, s9;
	s6 =	sadd.s32 @!p0 $0x88, s6;
	s7 =	simm.s32 @p2 $0x1082  }
0x22: {  	[simem:s7], [sflag:s8] =	dma.local @!p0 [hbm:s6], $0xF7A  }
0x23: {  	s9 =	sor.u32 $0xD0000000, s2;
	s6 =	simm.s32 $0x108;
	_ =	swait.ge @!p0 [sflag:s8], $0x0  }
0x24: {  	s3 =	sadd.s32 $0x88, s3;
	s6 =	simm.s32 @!p1 $0x1082;
	[sflag:s4] =	ssyncset.s32 $0xFFFFF086  }
0x25: {  	[simem:s6], [sflag:s4] =	dma.local [hbm:s3], $0xF7A  }
0x26: {  	[smem:$0x3F9B] =	sst s1;
	(tag) =	ssettag s2;
	_ =	strace s9  }
0x27: {  	s1 =	sld [smem:$0x3FAB]  }
0x28: {  	s2 =	sld [smem:$0x3FAC]  }
0x29: {  	s4 =	sld [smem:$0x3FAE]  }
0x2a: {  	p0 =	seq.s32 s5, $0x0;
	s5 =	sld [smem:$0x3FAF]  }
0x2b: {  	s6 =	sld [smem:$0x3FB0]  }
0x2c: {  	s7 =	sld [smem:$0x3FB1]  }
0x2d: {  	s3 =	simm.s32 $0x108;
	s8 =	sld [smem:$0x3FB2]  }
0x2e: {  	s3 =	simm.s32 @!p0 $0x1082;
	s9 =	sld [smem:$0x3FB3]  }
0x2f: {  	lr =	sadd.s32 s0, s3;
	s0 =	sld [smem:$0x3FAA]  }
0x30: {  	s3 =	sld [smem:$0x3FAD]  }
0x31: {  	[smem:$0x3FB6] =	sst s10  }
0x32: {  	s10 =	sld [smem:$0x3FB4];
	_ =	sdelay $0x3  }
0x33: {  	p0 =	seq.s32 s10, $0x1;
	s10 =	sld [smem:$0x3FB6];
	_ =	sdelay $0x3  }
0x34: {  	[smem:$0x3FB6] =	sst s10  }
0x35: {  	s10 =	sld [smem:$0x3FB5];
	_ =	sdelay $0x3  }
0x36: {  	p1 =	seq.s32 s10, $0x1;
	s10 =	sld [smem:$0x3FB6];
	_ =	sdelay $0x3  }
0x37: {  	[smem:$0x3FB6] =	sst s10  }
0x38: {  	s10 =	sld [smem:$0x3FB7]  }
0x39: {  	_ = 	snop;
	(pc) =	sbr.ind lr, $3  }
0x3a: {  	_ = 	snop  }
0x3b: {  	_ = 	snop  }
0x3c: {  	p2 =	seq.s32 s10, $0x1;
	s10 =	sld [smem:$0x3FB6]  }
0x3d: {  	_ =	shalt  }
0x3e: {  	_ =	shalt  }
0x3f: {  	_ =	shalt  }
0x40: {  	_ =	shalt  }
0x41: {  	_ =	shalt  }
0x42: {  	_ =	shalt  }
0x43: {  	_ =	shalt  }
0x44: {  	_ =	shalt  }
0x45: {  	_ =	shalt  }
0x46: {  	_ =	shalt  }
0x47: {  	_ =	shalt  }
0x48: {  	_ =	shalt  }
0x49: {  	_ =	shalt  }
0x4a: {  	_ =	shalt  }
0x4b: {  	_ =	shalt  }
0x4c: {  	_ =	shalt  }
0x4d: {  	_ =	shalt  }
0x4e: {  	_ =	shalt  }
0x4f: {  	_ =	shalt  }
0x50: {  	_ =	shalt  }
0x51: {  	_ =	shalt  }
0x52: {  	_ =	shalt  }
0x53: {  	_ =	shalt  }
0x54: {  	_ =	shalt  }
0x55: {  	_ =	shalt  }
0x56: {  	_ =	shalt  }
0x57: {  	_ =	shalt  }
0x58: {  	_ =	shalt  }
0x59: {  	_ =	shalt  }
0x5a: {  	_ =	shalt  }
0x5b: {  	_ =	shalt  }
0x5c: {  	_ =	shalt  }
0x5d: {  	_ =	shalt  }
0x5e: {  	_ =	shalt  }
0x5f: {  	_ =	shalt  }
0x60: {  	_ =	shalt  }
0x61: {  	_ =	shalt  }
0x62: {  	_ =	shalt  }
0x63: {  	_ =	shalt  }
0x64: {  	_ =	shalt  }
0x65: {  	_ =	shalt  }
0x66: {  	_ =	shalt  }
0x67: {  	_ =	shalt  }
0x68: {  	_ =	shalt  }
0x69: {  	_ =	shalt  }
0x6a: {  	_ =	shalt  }
0x6b: {  	_ =	shalt  }
0x6c: {  	_ =	shalt  }
0x6d: {  	_ =	shalt  }
0x6e: {  	_ =	shalt  }
0x6f: {  	_ =	shalt  }
0x70: {  	_ =	shalt  }
0x71: {  	_ =	shalt  }
0x72: {  	_ =	shalt  }
0x73: {  	_ =	shalt  }
0x74: {  	_ =	shalt  }
0x75: {  	_ =	shalt  }
0x76: {  	_ =	shalt  }
0x77: {  	_ =	shalt  }
0x78: {  	_ =	shalt  }
0x79: {  	_ =	shalt  }
0x7a: {  	_ =	shalt  }
0x7b: {  	_ =	shalt  }
0x7c: {  	_ =	shalt  }
0x7d: {  	_ =	shalt  }
0x7e: {  	_ =	shalt  }
0x7f: {  	_ =	shalt  }
0x80: {  	_ =	shalt  }
0x81: {  	_ =	shalt  }
0x82: {  	_ =	shalt  }
0x83: {  	_ =	shalt  }
0x84: {  	_ =	shalt  }
0x85: {  	_ =	shalt  }
0x86: {  	_ =	shalt  }
0x87: {  	_ =	shalt  }
.Lfunc_end0:
.L_simem_size_0:
called_computation.1_lowered:
.L_overlay_start_0:
0x88: {  	s2 =	sld [smem:$0x3FD9]  }
0x89: {  	s3 =	sld [smem:$0x3FFE];
	_ =	sdelay $0x1  }
0x8a: {  	s1 =	srdreg.scid  }
0x8b: {  	s0 =	sand.u32 $0x1, s1  }
0x8c: {  	s17 =	sshll.u32 s0, $0xA;
	s2 =	sadd.s32 s3, s2  }
0x8d: {  	s2 =	sadd.s32 s2, s17  }
0x8e: {  	[smem:$0x3FC2] =	sst s2  }
0x8f: {  	_ = 	snop  }
0x90: {  	s2 =	sld [smem:$0x3FD0];
	(tm) =	ssettm $0x1  }
0x91: {  	s18 =	sld [smem:$0x3FFB];
	_ =	sdelay $0x3  }
0x92: {  	_ =	strace s18  }
0x93: {  	s3 =	sld [smem:$0x3FFC];
	_ =	sdelay $0x3  }
0x94: {  	_ =	strace s3  }
0x95: {  	s3 =	sld [smem:$0x3FFD];
	_ =	sdelay $0x3  }
0x96: {  	_ =	strace s3  }
0x97: {  	_ =	strace $0x8FFFFFFF  }
0x98: {  	s19 =	sld [smem:$0x3FDB];
	_ =	sdelay $0x1  }
0x99: {  	s4 =	simm.s32 $_scs_section_size  }
0x9a: {  	s5 =	simm.s32 $_size__tile_overlayer_lowered;
	s6 =	simm.s32 $_tile_overlayer_lowered  }
0x9b: {  	s22 =	simm.s32 $0x1BFF;
	s21 =	sshll.u32 s6, $0x1;
	s3 =	sadd.s32 s4, s19  }
0x9c: {  	s7 =	simm.s32 $0x0;
	s20 =	sshll.u32 s5, $0x1;
	s5 =	sadd.s32 s21, s3  }
0x9d: {  	[timem:s7], [sflag:s22] =	dma.local [hbm:s5], s20  }
0x9e: {  	_ =	swait.ge [sflag:s22], s20  }
0x9f: {  	s4 =	ssub.s32 $0x0, s20;
	[sflag:s22] =	ssyncset.done $0x0  }
0xa0: {  	[sflag:s22] =	ssyncadd.s32 s4;
	_ =	sdelay $0x1  }
0xa1: {  	s23 =	simm.s32 $0x1B8B  }
0xa2: {  	_ =	swait.ge [sflag:s23], $0x1  }
0xa3: {  	[sflag:s23] =	ssyncset.done $0x0  }
0xa4: {  	s25 =	simm.s32 $0x1B8E;
	s24 =	sld [smem:$0x3FFE];
	[sflag:s23] =	ssyncadd.s32 $0xFFFFFFFF  }
0xa5: {  	s26 =	simm.s32 $execute0_lowered;
	[smem:$0x3FD2] =	sst s25  }
0xa6: {  	s5 =	sshll.u32 s26, $0x1;
	_ =	strace $0x80000049;
	[dreg:$0x1] =	wrdreg $0xFFFFFFFF  }
0xa7: {  	s28 =	simm.s32 $_size_execute0_lowered;
	s3 =	sadd.s32 s3, s5;
	[dreg:$0x0] =	wrdreg $0x0  }
0xa8: {  	s5 =	sshll.u32 s28, $0x1;
	[dreg:$0x2] =	wrdreg s3  }
0xa9: {  	[dreg:$0x3] =	wrdreg s5  }
0xaa: {  	[dreg:$0x4] =	wrdreg $0xC0  }
0xab: {  	_ =	task [dreg:s7], $0x5FFFF  }
0xac: {  	[dreg:$0x1] =	wrdreg $0xFFFFFFFF  }
0xad: {  	[dreg:$0x0] =	wrdreg $0x60  }
0xae: {  	[dreg:$0x2] =	wrdreg s24  }
0xaf: {  	[dreg:$0x3] =	wrdreg s2  }
0xb0: {  	[dreg:$0x4] =	wrdreg $0x9  }
0xb1: {  	_ =	task.clear_ibuf [dreg:s7], $0x5FFFF;
	_ =	strace $0x90000049  }
0xb2: {  	s29 =	simm.s32 $0x9;
	_ =	strace $0x8000004B  }
0xb3: {  	_ =	swait.ge [sflag:s29], $0x1  }
0xb4: {  	[sflag:s29] =	ssyncadd.s32 $0xFFFFFFFF  }
0xb5: {  	_ =	strace $0x9000004B  }
0xb6: {  	_ =	sfence  }
0xb7: {  	s30 =	sld [smem:$0x0];
	_ =	sdelay $0x2  }
0xb8: {  	s31 =	sshll.u32 s1, $0xD;
	s1 =	sshrl.u32 s1, $0x2  }
0xb9: {  	s3 =	sand.u32 $0x4000, s31;
	s1 =	sadd.s32 s1, s30  }
0xba: {  	s0 =	sor.u32 s3, s0;
	s1 =	sshll.u32 s1, $0x11  }
0xbb: {  	s0 =	sor.u32 s1, s0  }
0xbc: {  	s0 =	sadd.s32 $0x8F2B, s0  }
0xbd: {  	[sflag:s0] =	ssyncadd.remote.s32 $0x1  }
0xbe: {  	_ =	sfence.sel $0xFFFF  }
0xbf: {  	[dreg:$0x0] =	wrdreg $0xFFFFFFFF;
	(pc) =	sbr.abs _section_cstart, $3  }
0xc0: {  	[dreg:$0x1] =	wrdreg $0xFFFFFFFF  }
0xc1: {  	_ =	task.clear_ibuf [dreg:s7], $0x2FFFF;
	_ =	strace $0x9FFFFFFF  }
0xc2: {  	(tm) =	ssettm $0x7FFFFFFF  }
0xc3: {  	_ =	shalt  }
tec
execute0_lowered:
.L_overlay_start_1:
0x0: {  	(tag) =	ssettag $0x1  }
0x1: {  	s1 =	srdreg.scid  }
0x2: {  	s0 =	stileid.u32;
	s7 =	sand.u32 $0x1, s1  }
0x3: {  	s6 =	rddreg [dreg:$0x0];
	s3 =	sshll.u32 s0, $0x8;
	s4 =	sshll.u32 s7, $0x7  }
0x4: {  	s8 =	rddreg [dreg:$0x1];
	s9 =	sor.u32 s4, s3  }
0x5: {  	s2 =	simm.s32 $0x0;
	s1 =	rddreg [dreg:$0x2];
	s3 =	sshrl.u32 s9, $0x3  }
0x6: {  	s5 =	simm.s32 $0x1800;
	[smem:$0x7FF] =	sst s2;
	s3 =	sadd.s32 s3, s6  }
0x7: {  	_ =	strace $0x8000004A;
	s4 =	simm.s32 $0x1;
	s3 =	sadd.s32 $0x91A00, s3  }
0x8: {  	[tilespmem:s5], [sflag:$0x1] =	stream.linear.gather [hbm4b:s3+s2], $0x80, $0x38;
	[tilespmem:$0x1900] =	vst v63  }
0x9: {  	_ =	swait.ge [sflag:s4], $0x80  }
0xa: {  	[sflag:s4] =	ssyncset.done $0x0  }
0xb: {  	s6 =	sadd.s32 $0x1800, s6;
	[sflag:s4] =	ssyncadd.s32 $0xFFFFFF80  }
0xc: {  	[tilespmem:s2], [sflag:$0x1] =	stream.linear.gather [hbm4b:s6+s2], $0x1800, $0x38;
	[tilespmem:$0x1900] =	vst v63  }
0xd: {  	_ =	swait.ge [sflag:s4], $0x1800  }
0xe: {  	[sflag:s4] =	ssyncset.done $0x0  }
0xf: {  	[sflag:s4] =	ssyncadd.s32 $0xFFFFE800  }
0x10: {  	v0 =	vld [tilespmem:$0x1800];
	_ =	sdelay $0x5  }
0x11: {  	v1 =	vld [tilespmem:$0x1810];
	_ =	sdelay $0x1  }
0x12: {  	v0 =	vld.idx.msk [tilespmem:v0+s2+$0x0], $0xffff;
	_ =	sdelay $0x3  }
0x13: {  	v2 =	vld [tilespmem:$0x1820]  }
0x14: {  	[tilespmem:$0x1880] =	vst v0  }
0x15: {  	v0 =	vld.idx.msk [tilespmem:v1+s2+$0x0], $0xffff;
	_ =	sdelay $0x3  }
0x16: {  	v59 =	vld [tilespmem:$0x1830]  }
0x17: {  	[tilespmem:$0x1890] =	vst v0  }
0x18: {  	v0 =	vld.idx.msk [tilespmem:v2+s2+$0x0], $0xffff;
	_ =	sdelay $0x3  }
0x19: {  	v60 =	vld [tilespmem:$0x1840]  }
0x1a: {  	[tilespmem:$0x18A0] =	vst v0  }
0x1b: {  	v0 =	vld.idx.msk [tilespmem:v59+s2+$0x0], $0xffff;
	_ =	sdelay $0x3  }
0x1c: {  	v61 =	vld [tilespmem:$0x1850]  }
0x1d: {  	[tilespmem:$0x18B0] =	vst v0  }
0x1e: {  	v0 =	vld.idx.msk [tilespmem:v60+s2+$0x0], $0xffff;
	_ =	sdelay $0x3  }
0x1f: {  	v62 =	vld [tilespmem:$0x1860]  }
0x20: {  	[tilespmem:$0x18C0] =	vst v0  }
0x21: {  	v0 =	vld.idx.msk [tilespmem:v61+s2+$0x0], $0xffff;
	_ =	sdelay $0x3  }
0x22: {  	v63 =	vld [tilespmem:$0x1870]  }
0x23: {  	[tilespmem:$0x18D0] =	vst v0  }
0x24: {  	v0 =	vld.idx.msk [tilespmem:v62+s2+$0x0], $0xffff;
	_ =	sdelay $0x4  }
0x25: {  	s7 =	ssub.s32 $0x2, s7;
	[tilespmem:$0x18E0] =	vst v0  }
0x26: {  	s10 =	sshll.u32 s0, $0x4;
	s29 =	sshrl.u32 s7, $0x1;
	s9 =	sshll.u32 s9, $0x1;
	v0 =	vld.idx.msk [tilespmem:v63+s2+$0x0], $0xffff  }
0x27: {  	s9 =	sor.u32 s10, s9;
	s10 =	ssub.s32 s7, s29  }
0x28: {  	s31 =	smax.u32 s10, $0x1  }
0x29: {  	s9 =	sand.u32 $0xF80, s9;
	p0 =	sne.s32 s31, $0x1  }
.Ltmp0:
0x2a: {  	s30 =	sshrl.u32 s9, $0x3;
	(pc) =	sbr.rel @!p0 .LBB2_2-.Ltmp0, $4  }
0x2b: {  	s7 =	sadd.s32 s8, s30;
	s8 =	simm.s32 $0x1880;
	[tilespmem:$0x18F0] =	vst v0  }
0x2c: {  	[hbm4b:s7+s2] =	stream.linear.scatter [tilespmem:s8], [sflag:$0x1], $0x80, $0x38;
	[tilespmem:$0x1900] =	vst v63  }
0x2d: {  	_ =	swait.ge [sflag:s4], $0x80  }
0x2e: {  	s9 =	sadd.s32 $0xFFFFFFFF, s31;
	[sflag:s4] =	ssyncset.done $0x0  }
.LBB2_1:
0x2f: {  	p0 =	sne.s32 s9, $0x1;
	s9 =	sadd.s32 $0xFFFFFFFF, s9;
	[sflag:s4] =	ssyncadd.s32 $0xFFFFFF80  }
0x30: {  	[tilespmem:s5], [sflag:$0x1] =	stream.linear.gather [hbm4b:s3+s2], $0x80, $0x38;
	[tilespmem:$0x1900] =	vst v63  }
0x31: {  	_ =	swait.ge [sflag:s4], $0x80  }
0x32: {  	[sflag:s4] =	ssyncset.done $0x0  }
0x33: {  	[sflag:s4] =	ssyncadd.s32 $0xFFFFFF80  }
0x34: {  	[tilespmem:s2], [sflag:$0x1] =	stream.linear.gather [hbm4b:s6+s2], $0x1800, $0x38;
	[tilespmem:$0x1900] =	vst v63  }
0x35: {  	_ =	swait.ge [sflag:s4], $0x1800  }
0x36: {  	[sflag:s4] =	ssyncset.done $0x0  }
0x37: {  	[sflag:s4] =	ssyncadd.s32 $0xFFFFE800  }
0x38: {  	v0 =	vld [tilespmem:$0x1800];
	_ =	sdelay $0x6  }
0x39: {  	v1 =	vld [tilespmem:$0x1810]  }
0x3a: {  	v0 =	vld.idx.msk [tilespmem:v0+s2+$0x0], $0xffff;
	_ =	sdelay $0x5  }
0x3b: {  	[tilespmem:$0x1880] =	vst v0;
	v0 =	vld [tilespmem:$0x1820]  }
0x3c: {  	v1 =	vld.idx.msk [tilespmem:v1+s2+$0x0], $0xffff;
	_ =	sdelay $0x5  }
0x3d: {  	[tilespmem:$0x1890] =	vst v1;
	v1 =	vld [tilespmem:$0x1830]  }
0x3e: {  	v0 =	vld.idx.msk [tilespmem:v0+s2+$0x0], $0xffff;
	_ =	sdelay $0x5  }
0x3f: {  	[tilespmem:$0x18A0] =	vst v0;
	v0 =	vld [tilespmem:$0x1840]  }
0x40: {  	v1 =	vld.idx.msk [tilespmem:v1+s2+$0x0], $0xffff;
	_ =	sdelay $0x5  }
0x41: {  	[tilespmem:$0x18B0] =	vst v1;
	v1 =	vld [tilespmem:$0x1850]  }
0x42: {  	v0 =	vld.idx.msk [tilespmem:v0+s2+$0x0], $0xffff;
	_ =	sdelay $0x5  }
0x43: {  	[tilespmem:$0x18C0] =	vst v0;
	v0 =	vld [tilespmem:$0x1860]  }
0x44: {  	v1 =	vld.idx.msk [tilespmem:v1+s2+$0x0], $0xffff;
	_ =	sdelay $0x5  }
0x45: {  	[tilespmem:$0x18D0] =	vst v1;
	v1 =	vld [tilespmem:$0x1870]  }
0x46: {  	v0 =	vld.idx.msk [tilespmem:v0+s2+$0x0], $0xffff;
	_ =	sdelay $0x5  }
0x47: {  	[tilespmem:$0x18E0] =	vst v0  }
0x48: {  	v0 =	vld.idx.msk [tilespmem:v1+s2+$0x0], $0xffff;
	_ =	sdelay $0x4  }
.Ltmp1:
0x49: {  	(pc) =	sbr.rel @p0 .LBB2_1-.Ltmp1, $4  }
0x4a: {  	[tilespmem:$0x18F0] =	vst v0  }
0x4b: {  	[hbm4b:s7+s2] =	stream.linear.scatter [tilespmem:s8], [sflag:$0x1], $0x80, $0x38;
	[tilespmem:$0x1900] =	vst v63  }
0x4c: {  	_ =	swait.ge [sflag:s4], $0x80  }
0x4d: {  	[sflag:s4] =	ssyncset.done $0x0  }
.LBB2_2:
0x4e: {  	[sflag:s4] =	ssyncadd.s32 $0xFFFFFF80  }
0x4f: {  	_ =	sfence.sel $0x180000  }
0x50: {  	[bflag:$0x0] =	sbarrier.arrive $0xFFFF  }
0x51: {  	p0 =	sne.s32 s0, $0x0;
	_ =	strace $0x9000004A  }
0x52: {  	s0 =	sadd.s32 @!p0 $0x100000, s1;
	[bflag:$0x2] =	sbarrier.arrive $0xFFFF  }
0x53: {  	[sflag:s0] =	ssyncadd.tile.s32 @!p0 $0x1;
	_ =	shalt  }
.Lfunc_end2:
_tile_overlayer_lowered:
.L_overlay_start_2:
0x54: {  	(tag) =	ssettag $0x2  }
0x55: {  	s0 =	rddreg [dreg:$0x0];
	s2 =	stileid.u32  }
0x56: {  	s1 =	rddreg [dreg:$0x1];
	p0 =	sne.s32 s2, $0x0  }
0x57: {  	s3 =	rddreg [dreg:$0x2];
	[bflag:$0x3] =	sbarrier.arrive $0xFFFF;
	s2 =	simm.s32 @!p0 $0x1C01  }
0x58: {  	[timem:s3], [sflag:s2] =	dma.local @!p0 [hbm:s0], s1  }
0x59: {  	s0 =	simm.s32 @!p0 $0x1  }
0x5a: {  	_ =	swait.ge @!p0 [sflag:s0], s1  }
0x5b: {  	s1 =	ssub.s32 @!p0 $0x0, s1;
	[sflag:s0] =	ssyncset.done @!p0 $0x0  }
0x5c: {  	[sflag:s0] =	ssyncadd.s32 @!p0 s1  }
0x5d: {  	[bflag:$0x3] =	sbarrier.arrive $0xFFFF  }
0x5e: {  	_ =	shalt  }

</sc_bundles>
